<compile_context>
chip_gen: v7x
topology: tpu7x:2x2x1
jax: 0.10.2.dev20260603
libtpu: 0.0.44.dev20260713+nightly
codegen_flags: <defaults>
</compile_context>

<pallas_src>
import jax
import jax.numpy as jnp
from jax import lax
from jax.experimental import pallas as pl
from jax.experimental.pallas import tpu as pltpu
from jax.experimental.pallas import tpu_sc as plsc

N = 10000
E = 320000
D = 128
H = 8
DH = D // H

NC = 2
NS = 16
NW = NC * NS
C = 48
NG = C // 16
NCHUNK = 210
NDBL = NCHUNK // 2
EPT = NCHUNK * C
EPAD = NW * EPT + C
NP = N + 16
AW = 10032
NZW = AW // C
AD = 1280
BN = 1000


_DNUMS = lax.GatherDimensionNumbers(
    offset_dims=(), collapsed_slice_dims=(0,), start_index_map=(0,))


def _splat_idx(vec, idx):
    return lax.gather(vec, idx, _DNUMS, (1,),
                      mode=lax.GatherScatterMode.PROMISE_IN_BOUNDS)


def _unpack8(ref, e, base):
    ws = [ref[e, pl.ds(base + j * 16, 16)] for j in range(4)]
    los = [plsc.bitcast(lax.shift_left(w, 16), jnp.float32) for w in ws]
    his = [plsc.bitcast(w & jnp.int32(-65536), jnp.float32) for w in ws]
    return los + his


def _ln(x, g, b):
    m = jnp.mean(x, axis=-1, keepdims=True)
    v = jnp.mean((x - m) * (x - m), axis=-1, keepdims=True)
    return (x - m) / jnp.sqrt(v + 1e-5) * g + b



def _pack_bf16(x):
    lo = x[:, :64].astype(jnp.bfloat16).astype(jnp.float32)
    hi = x[:, 64:].astype(jnp.bfloat16).astype(jnp.float32)
    lob = lax.bitcast_convert_type(lo, jnp.int32)
    hib = lax.bitcast_convert_type(hi, jnp.int32)
    return lax.shift_right_logical(lob, 16) | (hib & jnp.int32(-65536))


def _proj_body(xs_ref, xt_ref, wq, bq, wk, bk, wv, bv, g1, b1n,
               q_out, kv_out):
    xs = _ln(xs_ref[...], g1[...], b1n[...])
    mask = (jnp.sum(xs, axis=-1, keepdims=True) != 0).astype(jnp.float32)
    q_out[...] = jnp.dot(xt_ref[...], wq[...],
                         preferred_element_type=jnp.float32) + bq[...]
    k = (jnp.dot(xs, wk[...],
                 preferred_element_type=jnp.float32) + bk[...]) * 0.25
    v = (jnp.dot(xs, wv[...],
                 preferred_element_type=jnp.float32) + bv[...]) * mask
    kv_out[:, : D // 2] = _pack_bf16(k)
    kv_out[:, D // 2:] = _pack_bf16(v)


def _stage1(x_src, x_tgt, Wq, bq, Wk, bk, Wv, bv, g1, b1n):
    mat = pl.BlockSpec((D, D), lambda i: (0, 0))
    vec = pl.BlockSpec((D,), lambda i: (0,))
    blk = pl.BlockSpec((BN, D), lambda i: (i, 0))
    return pl.pallas_call(
        _proj_body,
        grid=(N // BN,),
        in_specs=[blk, blk, mat, vec, mat, vec, mat, vec, vec, vec],
        out_specs=[blk, blk],
        out_shape=[jax.ShapeDtypeStruct((N, D), jnp.float32),
                   jax.ShapeDtypeStruct((N, D), jnp.int32)],
    )(x_src, x_tgt, Wq, bq, Wk, bk, Wv, bv, g1, b1n)



def _edge_body(q_hbm, kv_hbm, src_hbm, dst_hbm, outwv_hbm, outd_hbm,
               sidx0, sidx1, didx0, didx1, didx2, qb, kvb0, kvb1,
               wvb0, wvb1, wbuf, msgd, accwv, accd,
               sem_q, sem_k, sem_i1, sem_i2, sem_s0, sem_s1):
    cid = lax.axis_index("c")
    sid = lax.axis_index("s")
    zero16 = jnp.zeros((16,), jnp.float32)
    lane = lax.iota(jnp.int32, 16)
    lane15 = lane == 15
    mask8 = (lane < H).astype(jnp.float32)
    hvecs = [jnp.full((16,), h, jnp.int32) for h in range(H)]
    hsplat = [jnp.full((16, 1), h, jnp.int32) for h in range(H)]

    sidx = (sidx0, sidx1)
    didx = (didx0, didx1)
    kvb = (kvb0, kvb1)
    wvb = (wvb0, wvb1)
    sem_s = (sem_s0, sem_s1)

    def _zrow(i, _):
        for j in range(D // 16):
            wvb0[i, pl.ds(j * 16, 16)] = zero16
        wbuf[i, pl.ds(0, 16)] = zero16
        return 0
    lax.fori_loop(0, C, _zrow, 0)

    def _zrow2(i, _):
        for j in range(D // 16):
            msgd[i, pl.ds(j * 16, 16)] = zero16
        return 0
    lax.fori_loop(0, 16, _zrow2, 0)

    for t in range(14):
        m = sid * 14 + t

        @pl.when(m < NZW)
        def _():
            pltpu.sync_copy(wvb0, accwv.at[pl.ds(m * C, C)])

    pltpu.sync_copy(wvb0, accd.at[pl.ds(sid * 80, C)])
    pltpu.sync_copy(wvb0.at[pl.ds(0, 32)], accd.at[pl.ds(sid * 80 + C, 32)])
    plsc.subcore_barrier()

    wid = sid * NC + cid
    base = wid * EPT

    pltpu.sync_copy(src_hbm.at[pl.ds(base, C)], sidx0)
    pltpu.sync_copy(dst_hbm.at[pl.ds(base, C)], didx0)
    pltpu.async_copy(q_hbm.at[didx0], qb, sem_q)
    pltpu.async_copy(kv_hbm.at[sidx0], kvb0, sem_k)

    def _half_chunk(j, p):
        sx, dx = sidx[p], didx[p]
        kvp, wvp = kvb[p], wvb[p]
        sxn, dxn = sidx[1 - p], didx[1 - p]

        pltpu.make_async_copy(q_hbm.at[dx], qb, sem_q).wait()
        pltpu.make_async_copy(kv_hbm.at[sx], kvp, sem_k).wait()

        def _alpha(i, _):
            e0 = 2 * i
            e1 = 2 * i + 1
            ei0 = lane * 0 + e0
            ei1 = lane * 0 + e1
            qs0 = [qb[e0, pl.ds(h * 16, 16)] for h in range(H)]
            ks0 = _unpack8(kvp, e0, 0)
            css0 = [plsc.cumsum(qs0[h] * ks0[h]) for h in range(H)]
            qs1 = [qb[e1, pl.ds(h * 16, 16)] for h in range(H)]
            ks1 = _unpack8(kvp, e1, 0)
            for h in range(H):
                plsc.store_scatter(wbuf, [ei0, hvecs[h]], css0[h],
                                   mask=lane15)
            css1 = [plsc.cumsum(qs1[h] * ks1[h]) for h in range(H)]
            wv0 = jnp.exp(wbuf[e0, pl.ds(0, 16)])
            wbuf[e0, pl.ds(0, 16)] = wv0
            for h in range(H):
                plsc.store_scatter(wbuf, [ei1, hvecs[h]], css1[h],
                                   mask=lane15)
            wv1 = jnp.exp(wbuf[e1, pl.ds(0, 16)])
            wbuf[e1, pl.ds(0, 16)] = wv1
            return 0
        lax.fori_loop(0, C // 2, _alpha, 0)

        nbase = base + (2 * j + p + 1) * C
        pltpu.async_copy(src_hbm.at[pl.ds(nbase, C)], sxn, sem_i1)
        pltpu.async_copy(dst_hbm.at[pl.ds(nbase, C)], dxn, sem_i2)
        pltpu.make_async_copy(src_hbm.at[pl.ds(nbase, C)], sxn, sem_i1).wait()
        pltpu.make_async_copy(dst_hbm.at[pl.ds(nbase, C)], dxn, sem_i2).wait()
        pltpu.async_copy(q_hbm.at[dxn], qb, sem_q)
        pltpu.async_copy(kv_hbm.at[sxn], kvb[1 - p], sem_k)

        @pl.when(j > 0)
        def _():
            pltpu.make_async_copy(wvp, accwv.at[dx], sem_s[p]).wait()

        def _msg(i, _):
            for e in (2 * i, 2 * i + 1):
                wv = wbuf[e, pl.ds(0, 16)]
                whs = [_splat_idx(wv, hsplat[h]) for h in range(H)]
                vvs = _unpack8(kvp, e, D // 2)
                for h in range(H):
                    wvp[e, pl.ds(h * 16, 16)] = vvs[h] * whs[h]
            return 0
        lax.fori_loop(0, C // 2, _msg, 0)

        pltpu.async_copy(wvp, accwv.at[dx], sem_s[p])

        for u in range(NG):
            dvec = dx[pl.ds(u * 16, 16)]
            didx2[pl.ds(0, 16)] = lax.shift_right_logical(dvec, 3)
            cbv = lax.shift_left(dvec & 7, 4)
            cbs = [cbv[l] for l in range(16)]
            wms = [wbuf[u * 16 + l, pl.ds(0, 16)] * mask8 for l in range(16)]
            for l in range(16):
                msgd[l, pl.ds(cbs[l], 16)] = wms[l]
            pltpu.sync_copy(msgd, accd.at[didx2], add=True)
            for l in range(16):
                msgd[l, pl.ds(cbs[l], 16)] = zero16

    def _dbl(j, _):
        _half_chunk(j, 0)
        _half_chunk(j, 1)
        return 0
    lax.fori_loop(0, NDBL, _dbl, 0)

    pltpu.make_async_copy(wvb0, accwv.at[didx0], sem_s0).wait()
    pltpu.make_async_copy(wvb1, accwv.at[didx1], sem_s1).wait()
    pltpu.make_async_copy(q_hbm.at[didx0], qb, sem_q).wait()
    pltpu.make_async_copy(kv_hbm.at[sidx0], kvb0, sem_k).wait()
    plsc.subcore_barrier()

    for t in range(14):
        m = sid * 14 + t

        @pl.when(m < NZW)
        def _():
            pltpu.sync_copy(accwv.at[pl.ds(m * C, C)], wvb0)
            pltpu.sync_copy(wvb0, outwv_hbm.at[cid, pl.ds(m * C, C)])

    pltpu.sync_copy(accd.at[pl.ds(sid * 80, C)], wvb1)
    pltpu.sync_copy(wvb1, outd_hbm.at[cid, pl.ds(sid * 80, C)])
    pltpu.sync_copy(accd.at[pl.ds(sid * 80 + C, 32)], wvb1.at[pl.ds(0, 32)])
    pltpu.sync_copy(wvb1.at[pl.ds(0, 32)],
                    outd_hbm.at[cid, pl.ds(sid * 80 + C, 32)])


def _stage2(q_tab, kv_tab, src, dst):
    mesh = plsc.VectorSubcoreMesh(core_axis_name="c", subcore_axis_name="s")
    kern = pl.kernel(
        _edge_body,
        out_type=[jax.ShapeDtypeStruct((NC, AW, D), jnp.float32),
                  jax.ShapeDtypeStruct((NC, AD, D), jnp.float32)],
        mesh=mesh,
        compiler_params=pltpu.CompilerParams(needs_layout_passes=False),
        scratch_types=[
            pltpu.VMEM((C,), jnp.int32),
            pltpu.VMEM((C,), jnp.int32),
            pltpu.VMEM((C,), jnp.int32),
            pltpu.VMEM((C,), jnp.int32),
            pltpu.VMEM((16,), jnp.int32),
            pltpu.VMEM((C, D), jnp.float32),
            pltpu.VMEM((C, D), jnp.int32),
            pltpu.VMEM((C, D), jnp.int32),
            pltpu.VMEM((C, D), jnp.float32),
            pltpu.VMEM((C, D), jnp.float32),
            pltpu.VMEM((C, 16), jnp.float32),
            pltpu.VMEM((16, D), jnp.float32),
            pltpu.VMEM_SHARED((AW, D), jnp.float32),
            pltpu.VMEM_SHARED((AD, D), jnp.float32),
            pltpu.SemaphoreType.DMA,
            pltpu.SemaphoreType.DMA,
            pltpu.SemaphoreType.DMA,
            pltpu.SemaphoreType.DMA,
            pltpu.SemaphoreType.DMA,
            pltpu.SemaphoreType.DMA,
        ],
    )
    return kern(q_tab, kv_tab, src, dst)



def _post_body(d0, d1, wv0, wv1, xt_ref, rrep, wih, bih, whh, bhh, wo, bo,
               g3, b3n, w1, bm1, w2, bm2, out_ref):
    denom = d0[:, :H] + d1[:, :H]
    inv = 1.0 / (denom + 1e-16)
    inv_full = jnp.dot(inv, rrep[...], preferred_element_type=jnp.float32)
    agg = (wv0[...] + wv1[...]) * inv_full
    xt = xt_ref[...]
    z = (jnp.dot(agg, wih[...], preferred_element_type=jnp.float32) + bih[...]
         + jnp.dot(xt, whh[...], preferred_element_type=jnp.float32) + bhh[...])
    gate = 1.0 / (1.0 + jnp.exp(-z))
    upd = agg * gate
    mha = jnp.dot(upd, wo[...], preferred_element_type=jnp.float32) + bo[...]
    x_t = xt + mha
    h = _ln(x_t, g3[...], b3n[...])
    ff1 = jnp.maximum(
        jnp.dot(h, w1[...], preferred_element_type=jnp.float32) + bm1[...], 0.0)
    ff = jnp.dot(ff1, w2[...], preferred_element_type=jnp.float32) + bm2[...]
    out_ref[...] = x_t + ff


def _stage3(den0, den1, wv0, wv1, x_tgt, Wih, bih, Whh, bhh, Wo, bo, g3, b3n,
            W1, bm1, W2, bm2):
    rrep = (jnp.arange(H)[:, None] == (jnp.arange(D)[None, :] // DH)
            ).astype(jnp.float32)
    blk = pl.BlockSpec((BN, D), lambda i: (i, 0))
    blk8 = pl.BlockSpec((BN, 16), lambda i: (i, 0))
    mat = pl.BlockSpec((D, D), lambda i: (0, 0))
    vec = pl.BlockSpec((D,), lambda i: (0,))
    return pl.pallas_call(
        _post_body,
        grid=(N // BN,),
        in_specs=[blk8, blk8, blk, blk, blk,
                  pl.BlockSpec((H, D), lambda i: (0, 0)),
                  mat, vec, mat, vec, mat, vec, vec, vec,
                  pl.BlockSpec((D, 4 * D), lambda i: (0, 0)),
                  pl.BlockSpec((4 * D,), lambda i: (0,)),
                  pl.BlockSpec((4 * D, D), lambda i: (0, 0)),
                  vec],
        out_specs=blk,
        out_shape=jax.ShapeDtypeStruct((N, D), jnp.float32),
    )(den0, den1, wv0, wv1, x_tgt, rrep,
      Wih, bih, Whh, bhh, Wo, bo, g3, b3n, W1, bm1, W2, bm2)


def kernel(x_src, x_tgt, edge_index, Wq, bq, Wk, bk, Wv, bv, Wih, bih,
           Whh, bhh, Wo, bo, g1, b1n, g3, b3n, W1, bm1, W2, bm2):
    q_tab, kv_tab = _stage1(x_src, x_tgt, Wq, bq, Wk, bk, Wv, bv, g1, b1n)
    q_tab = jnp.concatenate([q_tab, jnp.zeros((NP - N, D), jnp.float32)])
    kv_tab = jnp.concatenate([kv_tab, jnp.zeros((NP - N, D), jnp.int32)])
    ipad = jnp.full((EPAD - E,), N, jnp.int32)
    src = jnp.concatenate([edge_index[0], ipad])
    dst = jnp.concatenate([edge_index[1], ipad])
    wv_parts, d_parts = _stage2(q_tab, kv_tab, src, dst)
    den = d_parts.reshape(NC, AD * 8, 16)
    return _stage3(den[0], den[1], wv_parts[0], wv_parts[1], x_tgt,
                   Wih, bih, Whh, bhh, Wo, bo, g3, b3n, W1, bm1, W2, bm2)

# --- scband reference (transcript-rebuilt; emitter-appended) ---
"""Pipeline reference for scband-interaction-net-49400713838809 (READ-ONLY COPY).

The authoritative reference and input builder live on the scoring server;
editing this copy changes nothing except your own understanding.
"""

import jax, jax.numpy as jnp
import numpy as np

N = 10000
E = 320000
D = 128
H = 8
DH = D // H


def _layer_norm(x, g, b):
    m = jnp.mean(x, axis=-1, keepdims=True)
    v = jnp.var(x, axis=-1, keepdims=True)
    return (x - m) / jnp.sqrt(v + 1e-5) * g + b


def setup_inputs(seed: int = 0) -> dict:
    key = jax.random.key(seed)
    ks = jax.random.split(key, 16)
    s = 0.02
    inp = {
        "x_src": jax.random.normal(ks[0], (N, D), dtype=jnp.float32),
        "x_tgt": jax.random.normal(ks[1], (N, D), dtype=jnp.float32),
        "edge_index": jax.random.randint(ks[2], (2, E), 0, N, dtype=jnp.int32),
        "Wq": s * jax.random.normal(ks[3], (D, D), dtype=jnp.float32),
        "bq": jnp.zeros((D,), dtype=jnp.float32),
        "Wk": s * jax.random.normal(ks[4], (D, D), dtype=jnp.float32),
        "bk": jnp.zeros((D,), dtype=jnp.float32),
        "Wv": s * jax.random.normal(ks[5], (D, D), dtype=jnp.float32),
        "bv": jnp.zeros((D,), dtype=jnp.float32),
        "Wih": s * jax.random.normal(ks[6], (D, D), dtype=jnp.float32),
        "bih": jnp.zeros((D,), dtype=jnp.float32),
        "Whh": s * jax.random.normal(ks[7], (D, D), dtype=jnp.float32),
        "bhh": jnp.zeros((D,), dtype=jnp.float32),
        "Wo": s * jax.random.normal(ks[8], (D, D), dtype=jnp.float32),
        "bo": jnp.zeros((D,), dtype=jnp.float32),
        "g1": jnp.ones((D,), dtype=jnp.float32),
        "b1n": jnp.zeros((D,), dtype=jnp.float32),
        "g3": jnp.ones((D,), dtype=jnp.float32),
        "b3n": jnp.zeros((D,), dtype=jnp.float32),
        "W1": s * jax.random.normal(ks[9], (D, 4 * D), dtype=jnp.float32),
        "bm1": jnp.zeros((4 * D,), dtype=jnp.float32),
        "W2": s * jax.random.normal(ks[10], (4 * D, D), dtype=jnp.float32),
        "bm2": jnp.zeros((D,), dtype=jnp.float32),
    }
    return inp


def reference(x_src, x_tgt, edge_index, Wq, bq, Wk, bk, Wv, bv, Wih, bih, Whh, bhh, Wo, bo, g1, b1n, g3, b3n, W1, bm1, W2, bm2):
    src = edge_index[0]
    dst = edge_index[1]
    # norm1 applied to source nodes before propagation
    xs = _layer_norm(x_src, g1, b1n)
    # node-level projections (mathematically identical to per-edge lifted linears in PyG)
    q_n = (x_tgt @ Wq + bq).reshape(-1, H, DH)
    k_n = (xs @ Wk + bk).reshape(-1, H, DH)
    v_n = (xs @ Wv + bv).reshape(-1, H, DH)
    # gather per edge
    q = q_n[dst]
    k = k_n[src]
    v = v_n[src]
    alpha = jnp.sum(q * k, axis=-1) / jnp.sqrt(float(DH))  # [E, H]
    # segment softmax over destination nodes
    amax = jax.ops.segment_max(alpha, dst, num_segments=N)
    amax = jnp.where(jnp.isfinite(amax), amax, 0.0)
    ex = jnp.exp(alpha - amax[dst])
    denom = jax.ops.segment_sum(ex, dst, num_segments=N)
    attn = ex / (denom[dst] + 1e-16)
    # zero-feature source mask: x_j.sum(-1).bool()
    mask = (jnp.sum(xs[src], axis=-1) != 0).astype(x_src.dtype)
    msg = v * attn[:, :, None] * mask[:, None, None]
    agg = jax.ops.segment_sum(msg, dst, num_segments=N).reshape(N, D)
    # gated update
    gate = jax.nn.sigmoid(agg @ Wih + bih + x_tgt @ Whh + bhh)
    upd = agg * gate
    # output projection (dropout is identity in eval)
    mha = upd @ Wo + bo
    x_t = x_tgt + mha
    # feed-forward block with pre-norm (norm3)
    h = _layer_norm(x_t, g3, b3n)
    ff = jax.nn.relu(h @ W1 + bm1) @ W2 + bm2
    return x_t + ff

if __name__ == "__main__":
    import jax
    _d = setup_inputs()
    print(jax.jit(kernel)(*tuple(_d.values())))

</pallas_src>

<mosaic_0001>
#map = affine_map<(d0, d1) -> (0, 0)>
#map1 = affine_map<(d0, d1) -> (0)>
#map2 = affine_map<(d0, d1) -> (0, 0, 0)>
module attributes {stable_mosaic.version = 14 : i64} {
  func.func @_edge_body(%arg0: i32, %arg1: i32, %arg2: memref<10016x128xf32, #tpu.memory_space<hbm>>, %arg3: memref<10016x128xi32, #tpu.memory_space<hbm>>, %arg4: memref<322608xi32, #tpu.memory_space<hbm>>, %arg5: memref<322608xi32, #tpu.memory_space<hbm>>, %arg6: memref<2x10032x128xf32, #tpu.memory_space<hbm>>, %arg7: memref<2x1280x128xf32, #tpu.memory_space<hbm>>, %arg8: memref<48xi32, #tpu.memory_space<vmem>>, %arg9: memref<48xi32, #tpu.memory_space<vmem>>, %arg10: memref<48xi32, #tpu.memory_space<vmem>>, %arg11: memref<48xi32, #tpu.memory_space<vmem>>, %arg12: memref<16xi32, #tpu.memory_space<vmem>>, %arg13: memref<48x128xf32, #tpu.memory_space<vmem>>, %arg14: memref<48x128xi32, #tpu.memory_space<vmem>>, %arg15: memref<48x128xi32, #tpu.memory_space<vmem>>, %arg16: memref<48x128xf32, #tpu.memory_space<vmem>>, %arg17: memref<48x128xf32, #tpu.memory_space<vmem>>, %arg18: memref<48x16xf32, #tpu.memory_space<vmem>>, %arg19: memref<16x128xf32, #tpu.memory_space<vmem>>, %arg20: memref<10032x128xf32, #tpu.memory_space<vmem_shared>>, %arg21: memref<1280x128xf32, #tpu.memory_space<vmem_shared>>, %arg22: memref<!tpu.dma_semaphore, #tpu.memory_space<semaphore_mem>>, %arg23: memref<!tpu.dma_semaphore, #tpu.memory_space<semaphore_mem>>, %arg24: memref<!tpu.dma_semaphore, #tpu.memory_space<semaphore_mem>>, %arg25: memref<!tpu.dma_semaphore, #tpu.memory_space<semaphore_mem>>, %arg26: memref<!tpu.dma_semaphore, #tpu.memory_space<semaphore_mem>>, %arg27: memref<!tpu.dma_semaphore, #tpu.memory_space<semaphore_mem>>) attributes {dimension_semantics = [#tpu.dimension_semantics<core_parallel>, #tpu.dimension_semantics<subcore_parallel>], iteration_bounds = array<i64: 2, 16>, scalar_prefetch = 0 : i64, scratch_operands = 20 : i64, tpu.core_type = #tpu.core_type<sc_vector_subcore>, window_params = [{transform_indices = #map}, {transform_indices = #map}, {transform_indices = #map1}, {transform_indices = #map1}, {transform_indices = #map2}, {transform_indices = #map2}]} {
    %broadcast_in_dim3A = arith.constant 0.000000e+00 : f32
    %broadcast_in_dim3A_0 = vector.broadcast %broadcast_in_dim3A : f32 to vector<16xf32>
    %iota3A = tpu.iota {dimensions = array<i32: 0>} : vector<16xi32>
    %eq3A = arith.constant 15 : i32
    %eq3A_1 = vector.broadcast %eq3A : i32 to vector<16xi32>
    %eq3A_2 = arith.cmpi eq, %iota3A, %eq3A_1 : vector<16xi32>
    %lt3A = arith.constant 8 : i32
    %lt3A_3 = vector.broadcast %lt3A : i32 to vector<16xi32>
    %lt3A_4 = arith.cmpi slt, %iota3A, %lt3A_3 : vector<16xi32>
    %convert_element_type3A = arith.extui %lt3A_4 : vector<16xi1> to vector<16xi32>
    %convert_element_type3A_5 = arith.sitofp %convert_element_type3A : vector<16xi32> to vector<16xf32>
    %broadcast_in_dim3A_6 = arith.constant 0 : i32
    %broadcast_in_dim3A_7 = vector.broadcast %broadcast_in_dim3A_6 : i32 to vector<16xi32>
    %broadcast_in_dim3A_8 = arith.constant 1 : i32
    %broadcast_in_dim3A_9 = vector.broadcast %broadcast_in_dim3A_8 : i32 to vector<16xi32>
    %broadcast_in_dim3A_10 = arith.constant 2 : i32
    %broadcast_in_dim3A_11 = vector.broadcast %broadcast_in_dim3A_10 : i32 to vector<16xi32>
    %broadcast_in_dim3A_12 = arith.constant 3 : i32
    %broadcast_in_dim3A_13 = vector.broadcast %broadcast_in_dim3A_12 : i32 to vector<16xi32>
    %broadcast_in_dim3A_14 = arith.constant 4 : i32
    %broadcast_in_dim3A_15 = vector.broadcast %broadcast_in_dim3A_14 : i32 to vector<16xi32>
    %broadcast_in_dim3A_16 = arith.constant 5 : i32
    %broadcast_in_dim3A_17 = vector.broadcast %broadcast_in_dim3A_16 : i32 to vector<16xi32>
    %broadcast_in_dim3A_18 = arith.constant 6 : i32
    %broadcast_in_dim3A_19 = vector.broadcast %broadcast_in_dim3A_18 : i32 to vector<16xi32>
    %broadcast_in_dim3A_20 = arith.constant 7 : i32
    %broadcast_in_dim3A_21 = vector.broadcast %broadcast_in_dim3A_20 : i32 to vector<16xi32>
    %broadcast_in_dim3A_22 = arith.constant 0 : i32
    %broadcast_in_dim3A_23 = vector.broadcast %broadcast_in_dim3A_22 : i32 to vector<16x1xi32>
    %broadcast_in_dim3A_24 = arith.constant 1 : i32
    %broadcast_in_dim3A_25 = vector.broadcast %broadcast_in_dim3A_24 : i32 to vector<16x1xi32>
    %broadcast_in_dim3A_26 = arith.constant 2 : i32
    %broadcast_in_dim3A_27 = vector.broadcast %broadcast_in_dim3A_26 : i32 to vector<16x1xi32>
    %broadcast_in_dim3A_28 = arith.constant 3 : i32
    %broadcast_in_dim3A_29 = vector.broadcast %broadcast_in_dim3A_28 : i32 to vector<16x1xi32>
    %broadcast_in_dim3A_30 = arith.constant 4 : i32
    %broadcast_in_dim3A_31 = vector.broadcast %broadcast_in_dim3A_30 : i32 to vector<16x1xi32>
    %broadcast_in_dim3A_32 = arith.constant 5 : i32
    %broadcast_in_dim3A_33 = vector.broadcast %broadcast_in_dim3A_32 : i32 to vector<16x1xi32>
    %broadcast_in_dim3A_34 = arith.constant 6 : i32
    %broadcast_in_dim3A_35 = vector.broadcast %broadcast_in_dim3A_34 : i32 to vector<16x1xi32>
    %broadcast_in_dim3A_36 = arith.constant 7 : i32
    %broadcast_in_dim3A_37 = vector.broadcast %broadcast_in_dim3A_36 : i32 to vector<16x1xi32>
    %scan3A = arith.constant 0 : i32
    %scan3A_38 = arith.constant 0 : i32
    %scan3A_39 = arith.constant 48 : i32
    %scan3A_40 = arith.addi %scan3A_38, %scan3A_39 : i32
    %scan3A_41 = arith.constant 1 : i32
    %scan3A_42 = scf.for %scan3A_347 = %scan3A_38 to %scan3A_40 step %scan3A_41 iter_args(%scan3A_348 = %scan3A) -> (i32)  : i32 {
      %swap3A = arith.index_cast %scan3A_347 : i32 to index
      %swap3A_349 = arith.constant 0 : index
      %swap3A_350 = tpu.vector_load %arg16[%swap3A, %swap3A_349] {strides = array<i32>} : memref<48x128xf32, #tpu.memory_space<vmem>>, vector<16xf32>,
      tpu.vector_store %arg16[%swap3A, %swap3A_349], %broadcast_in_dim3A_0 {strides = array<i32>} : memref<48x128xf32, #tpu.memory_space<vmem>>, vector<16xf32>,
      %swap3A_351 = arith.index_cast %scan3A_347 : i32 to index
      %swap3A_352 = arith.constant 16 : index
      %swap3A_353 = tpu.vector_load %arg16[%swap3A_351, %swap3A_352] {strides = array<i32>} : memref<48x128xf32, #tpu.memory_space<vmem>>, vector<16xf32>,
      tpu.vector_store %arg16[%swap3A_351, %swap3A_352], %broadcast_in_dim3A_0 {strides = array<i32>} : memref<48x128xf32, #tpu.memory_space<vmem>>, vector<16xf32>,
      %swap3A_354 = arith.index_cast %scan3A_347 : i32 to index
      %swap3A_355 = arith.constant 32 : index
      %swap3A_356 = tpu.vector_load %arg16[%swap3A_354, %swap3A_355] {strides = array<i32>} : memref<48x128xf32, #tpu.memory_space<vmem>>, vector<16xf32>,
      tpu.vector_store %arg16[%swap3A_354, %swap3A_355], %broadcast_in_dim3A_0 {strides = array<i32>} : memref<48x128xf32, #tpu.memory_space<vmem>>, vector<16xf32>,
      %swap3A_357 = arith.index_cast %scan3A_347 : i32 to index
      %swap3A_358 = arith.constant 48 : index
      %swap3A_359 = tpu.vector_load %arg16[%swap3A_357, %swap3A_358] {strides = array<i32>} : memref<48x128xf32, #tpu.memory_space<vmem>>, vector<16xf32>,
      tpu.vector_store %arg16[%swap3A_357, %swap3A_358], %broadcast_in_dim3A_0 {strides = array<i32>} : memref<48x128xf32, #tpu.memory_space<vmem>>, vector<16xf32>,
      %swap3A_360 = arith.index_cast %scan3A_347 : i32 to index
      %swap3A_361 = arith.constant 64 : index
      %swap3A_362 = tpu.vector_load %arg16[%swap3A_360, %swap3A_361] {strides = array<i32>} : memref<48x128xf32, #tpu.memory_space<vmem>>, vector<16xf32>,
      tpu.vector_store %arg16[%swap3A_360, %swap3A_361], %broadcast_in_dim3A_0 {strides = array<i32>} : memref<48x128xf32, #tpu.memory_space<vmem>>, vector<16xf32>,
      %swap3A_363 = arith.index_cast %scan3A_347 : i32 to index
      %swap3A_364 = arith.constant 80 : index
      %swap3A_365 = tpu.vector_load %arg16[%swap3A_363, %swap3A_364] {strides = array<i32>} : memref<48x128xf32, #tpu.memory_space<vmem>>, vector<16xf32>,
      tpu.vector_store %arg16[%swap3A_363, %swap3A_364], %broadcast_in_dim3A_0 {strides = array<i32>} : memref<48x128xf32, #tpu.memory_space<vmem>>, vector<16xf32>,
      %swap3A_366 = arith.index_cast %scan3A_347 : i32 to index
      %swap3A_367 = arith.constant 96 : index
      %swap3A_368 = tpu.vector_load %arg16[%swap3A_366, %swap3A_367] {strides = array<i32>} : memref<48x128xf32, #tpu.memory_space<vmem>>, vector<16xf32>,
      tpu.vector_store %arg16[%swap3A_366, %swap3A_367], %broadcast_in_dim3A_0 {strides = array<i32>} : memref<48x128xf32, #tpu.memory_space<vmem>>, vector<16xf32>,
      %swap3A_369 = arith.index_cast %scan3A_347 : i32 to index
      %swap3A_370 = arith.constant 112 : index
      %swap3A_371 = tpu.vector_load %arg16[%swap3A_369, %swap3A_370] {strides = array<i32>} : memref<48x128xf32, #tpu.memory_space<vmem>>, vector<16xf32>,
      tpu.vector_store %arg16[%swap3A_369, %swap3A_370], %broadcast_in_dim3A_0 {strides = array<i32>} : memref<48x128xf32, #tpu.memory_space<vmem>>, vector<16xf32>,
      %swap3A_372 = arith.index_cast %scan3A_347 : i32 to index
      %swap3A_373 = arith.constant 0 : index
      %swap3A_374 = tpu.vector_load %arg18[%swap3A_372, %swap3A_373] {strides = array<i32>} : memref<48x16xf32, #tpu.memory_space<vmem>>, vector<16xf32>,
      tpu.vector_store %arg18[%swap3A_372, %swap3A_373], %broadcast_in_dim3A_0 {strides = array<i32>} : memref<48x16xf32, #tpu.memory_space<vmem>>, vector<16xf32>,
      %scan3A_375 = arith.constant 0 : i32
      scf.yield %scan3A_375 : i32
    }
    %scan3A_43 = arith.constant 48 : i32
    %scan3A_44 = arith.constant 0 : i32
    %scan3A_45 = arith.constant 0 : i32
    %scan3A_46 = arith.constant 16 : i32
    %scan3A_47 = arith.addi %scan3A_45, %scan3A_46 : i32
    %scan3A_48 = arith.constant 1 : i32
    %scan3A_49 = scf.for %scan3A_347 = %scan3A_45 to %scan3A_47 step %scan3A_48 iter_args(%scan3A_348 = %scan3A_44) -> (i32)  : i32 {
      %swap3A = arith.index_cast %scan3A_347 : i32 to index
      %swap3A_349 = arith.constant 0 : index
      %swap3A_350 = tpu.vector_load %arg19[%swap3A, %swap3A_349] {strides = array<i32>} : memref<16x128xf32, #tpu.memory_space<vmem>>, vector<16xf32>,
      tpu.vector_store %arg19[%swap3A, %swap3A_349], %broadcast_in_dim3A_0 {strides = array<i32>} : memref<16x128xf32, #tpu.memory_space<vmem>>, vector<16xf32>,
      %swap3A_351 = arith.index_cast %scan3A_347 : i32 to index
      %swap3A_352 = arith.constant 16 : index
      %swap3A_353 = tpu.vector_load %arg19[%swap3A_351, %swap3A_352] {strides = array<i32>} : memref<16x128xf32, #tpu.memory_space<vmem>>, vector<16xf32>,
      tpu.vector_store %arg19[%swap3A_351, %swap3A_352], %broadcast_in_dim3A_0 {strides = array<i32>} : memref<16x128xf32, #tpu.memory_space<vmem>>, vector<16xf32>,
      %swap3A_354 = arith.index_cast %scan3A_347 : i32 to index
      %swap3A_355 = arith.constant 32 : index
      %swap3A_356 = tpu.vector_load %arg19[%swap3A_354, %swap3A_355] {strides = array<i32>} : memref<16x128xf32, #tpu.memory_space<vmem>>, vector<16xf32>,
      tpu.vector_store %arg19[%swap3A_354, %swap3A_355], %broadcast_in_dim3A_0 {strides = array<i32>} : memref<16x128xf32, #tpu.memory_space<vmem>>, vector<16xf32>,
      %swap3A_357 = arith.index_cast %scan3A_347 : i32 to index
      %swap3A_358 = arith.constant 48 : index
      %swap3A_359 = tpu.vector_load %arg19[%swap3A_357, %swap3A_358] {strides = array<i32>} : memref<16x128xf32, #tpu.memory_space<vmem>>, vector<16xf32>,
      tpu.vector_store %arg19[%swap3A_357, %swap3A_358], %broadcast_in_dim3A_0 {strides = array<i32>} : memref<16x128xf32, #tpu.memory_space<vmem>>, vector<16xf32>,
      %swap3A_360 = arith.index_cast %scan3A_347 : i32 to index
      %swap3A_361 = arith.constant 64 : index
      %swap3A_362 = tpu.vector_load %arg19[%swap3A_360, %swap3A_361] {strides = array<i32>} : memref<16x128xf32, #tpu.memory_space<vmem>>, vector<16xf32>,
      tpu.vector_store %arg19[%swap3A_360, %swap3A_361], %broadcast_in_dim3A_0 {strides = array<i32>} : memref<16x128xf32, #tpu.memory_space<vmem>>, vector<16xf32>,
      %swap3A_363 = arith.index_cast %scan3A_347 : i32 to index
      %swap3A_364 = arith.constant 80 : index
      %swap3A_365 = tpu.vector_load %arg19[%swap3A_363, %swap3A_364] {strides = array<i32>} : memref<16x128xf32, #tpu.memory_space<vmem>>, vector<16xf32>,
      tpu.vector_store %arg19[%swap3A_363, %swap3A_364], %broadcast_in_dim3A_0 {strides = array<i32>} : memref<16x128xf32, #tpu.memory_space<vmem>>, vector<16xf32>,
      %swap3A_366 = arith.index_cast %scan3A_347 : i32 to index
      %swap3A_367 = arith.constant 96 : index
      %swap3A_368 = tpu.vector_load %arg19[%swap3A_366, %swap3A_367] {strides = array<i32>} : memref<16x128xf32, #tpu.memory_space<vmem>>, vector<16xf32>,
      tpu.vector_store %arg19[%swap3A_366, %swap3A_367], %broadcast_in_dim3A_0 {strides = array<i32>} : memref<16x128xf32, #tpu.memory_space<vmem>>, vector<16xf32>,
      %swap3A_369 = arith.index_cast %scan3A_347 : i32 to index
      %swap3A_370 = arith.constant 112 : index
      %swap3A_371 = tpu.vector_load %arg19[%swap3A_369, %swap3A_370] {strides = array<i32>} : memref<16x128xf32, #tpu.memory_space<vmem>>, vector<16xf32>,
      tpu.vector_store %arg19[%swap3A_369, %swap3A_370], %broadcast_in_dim3A_0 {strides = array<i32>} : memref<16x128xf32, #tpu.memory_space<vmem>>, vector<16xf32>,
      %scan3A_372 = arith.constant 0 : i32
      scf.yield %scan3A_372 : i32
    }
    %scan3A_50 = arith.constant 16 : i32
    %mul3A = arith.constant 14 : i32
    %mul3A_51 = arith.muli %arg1, %mul3A : i32
    %add3A = arith.constant 0 : i32
    %add3A_52 = arith.addi %mul3A_51, %add3A : i32
    %lt3A_53 = arith.constant 209 : i32
    %lt3A_54 = arith.cmpi slt, %add3A_52, %lt3A_53 : i32
    %convert_element_type3A_55 = arith.extui %lt3A_54 : i1 to i32
    %cond3A = arith.constant 0 : i32
    %cond3A_56 = arith.cmpi ne, %convert_element_type3A_55, %cond3A : i32
    scf.if %cond3A_56 {
      %mul3A_347 = arith.constant 48 : i32
      %mul3A_348 = arith.muli %add3A_52, %mul3A_347 : i32
      "tpu.region"() ({
        %run_scoped3A = tpu.sem_alloc : memref<!tpu.dma_semaphore, #tpu.memory_space<semaphore_mem>>
        %dma_start3A_349 = arith.constant 0 : i32
        %dma_start3A_350 = tpu.memref_slice %arg20[%mul3A_348, %dma_start3A_349] : memref<10032x128xf32, #tpu.memory_space<vmem_shared>> -> memref<48x128xf32, #tpu.memory_space<vmem_shared>>
        %dma_start3A_351 = arith.constant 0 : i32
        %dma_start3A_352 = tpu.memref_slice %arg20[%mul3A_348, %dma_start3A_351] : memref<10032x128xf32, #tpu.memory_space<vmem_shared>> -> memref<48x128xf32, #tpu.memory_space<vmem_shared>>
        tpu.enqueue_dma source(%arg16 : memref<48x128xf32, #tpu.memory_space<vmem>>) target(%dma_start3A_352 : memref<48x128xf32, #tpu.memory_space<vmem_shared>>) target_semaphore(%run_scoped3A : memref<!tpu.dma_semaphore, #tpu.memory_space<semaphore_mem>>)
        %dma_wait3A_353 = arith.constant 0 : i32
        %dma_wait3A_354 = tpu.memref_slice %arg20[%mul3A_348, %dma_wait3A_353] : memref<10032x128xf32, #tpu.memory_space<vmem_shared>> -> memref<48x128xf32, #tpu.memory_space<vmem_shared>>
        %dma_wait3A_355 = arith.constant 0 : i32
        %dma_wait3A_356 = tpu.memref_slice %arg20[%mul3A_348, %dma_wait3A_355] : memref<10032x128xf32, #tpu.memory_space<vmem_shared>> -> memref<48x128xf32, #tpu.memory_space<vmem_shared>>
        tpu.wait_dma2 semaphore(%run_scoped3A : memref<!tpu.dma_semaphore, #tpu.memory_space<semaphore_mem>>) src(%arg16 : memref<48x128xf32, #tpu.memory_space<vmem>>) dst(%dma_wait3A_356 : memref<48x128xf32, #tpu.memory_space<vmem_shared>>)
        tpu.yield
      }) : () -> ()
    } else {
    }
    %mul3A_57 = arith.constant 14 : i32
    %mul3A_58 = arith.muli %arg1, %mul3A_57 : i32
    %add3A_59 = arith.constant 1 : i32
    %add3A_60 = arith.addi %mul3A_58, %add3A_59 : i32
    %lt3A_61 = arith.constant 209 : i32
    %lt3A_62 = arith.cmpi slt, %add3A_60, %lt3A_61 : i32
    %convert_element_type3A_63 = arith.extui %lt3A_62 : i1 to i32
    %cond3A_64 = arith.constant 0 : i32
    %cond3A_65 = arith.cmpi ne, %convert_element_type3A_63, %cond3A_64 : i32
    scf.if %cond3A_65 {
      %mul3A_347 = arith.constant 48 : i32
      %mul3A_348 = arith.muli %add3A_60, %mul3A_347 : i32
      "tpu.region"() ({
        %run_scoped3A = tpu.sem_alloc : memref<!tpu.dma_semaphore, #tpu.memory_space<semaphore_mem>>
        %dma_start3A_349 = arith.constant 0 : i32
        %dma_start3A_350 = tpu.memref_slice %arg20[%mul3A_348, %dma_start3A_349] : memref<10032x128xf32, #tpu.memory_space<vmem_shared>> -> memref<48x128xf32, #tpu.memory_space<vmem_shared>>
        %dma_start3A_351 = arith.constant 0 : i32
        %dma_start3A_352 = tpu.memref_slice %arg20[%mul3A_348, %dma_start3A_351] : memref<10032x128xf32, #tpu.memory_space<vmem_shared>> -> memref<48x128xf32, #tpu.memory_space<vmem_shared>>
        tpu.enqueue_dma source(%arg16 : memref<48x128xf32, #tpu.memory_space<vmem>>) target(%dma_start3A_352 : memref<48x128xf32, #tpu.memory_space<vmem_shared>>) target_semaphore(%run_scoped3A : memref<!tpu.dma_semaphore, #tpu.memory_space<semaphore_mem>>)
        %dma_wait3A_353 = arith.constant 0 : i32
        %dma_wait3A_354 = tpu.memref_slice %arg20[%mul3A_348, %dma_wait3A_353] : memref<10032x128xf32, #tpu.memory_space<vmem_shared>> -> memref<48x128xf32, #tpu.memory_space<vmem_shared>>
        %dma_wait3A_355 = arith.constant 0 : i32
        %dma_wait3A_356 = tpu.memref_slice %arg20[%mul3A_348, %dma_wait3A_355] : memref<10032x128xf32, #tpu.memory_space<vmem_shared>> -> memref<48x128xf32, #tpu.memory_space<vmem_shared>>
        tpu.wait_dma2 semaphore(%run_scoped3A : memref<!tpu.dma_semaphore, #tpu.memory_space<semaphore_mem>>) src(%arg16 : memref<48x128xf32, #tpu.memory_space<vmem>>) dst(%dma_wait3A_356 : memref<48x128xf32, #tpu.memory_space<vmem_shared>>)
        tpu.yield
      }) : () -> ()
    } else {
    }
    %mul3A_66 = arith.constant 14 : i32
    %mul3A_67 = arith.muli %arg1, %mul3A_66 : i32
    %add3A_68 = arith.constant 2 : i32
    %add3A_69 = arith.addi %mul3A_67, %add3A_68 : i32
    %lt3A_70 = arith.constant 209 : i32
    %lt3A_71 = arith.cmpi slt, %add3A_69, %lt3A_70 : i32
    %convert_element_type3A_72 = arith.extui %lt3A_71 : i1 to i32
    %cond3A_73 = arith.constant 0 : i32
    %cond3A_74 = arith.cmpi ne, %convert_element_type3A_72, %cond3A_73 : i32
    scf.if %cond3A_74 {
      %mul3A_347 = arith.constant 48 : i32
      %mul3A_348 = arith.muli %add3A_69, %mul3A_347 : i32
      "tpu.region"() ({
        %run_scoped3A = tpu.sem_alloc : memref<!tpu.dma_semaphore, #tpu.memory_space<semaphore_mem>>
        %dma_start3A_349 = arith.constant 0 : i32
        %dma_start3A_350 = tpu.memref_slice %arg20[%mul3A_348, %dma_start3A_349] : memref<10032x128xf32, #tpu.memory_space<vmem_shared>> -> memref<48x128xf32, #tpu.memory_space<vmem_shared>>
        %dma_start3A_351 = arith.constant 0 : i32
        %dma_start3A_352 = tpu.memref_slice %arg20[%mul3A_348, %dma_start3A_351] : memref<10032x128xf32, #tpu.memory_space<vmem_shared>> -> memref<48x128xf32, #tpu.memory_space<vmem_shared>>
        tpu.enqueue_dma source(%arg16 : memref<48x128xf32, #tpu.memory_space<vmem>>) target(%dma_start3A_352 : memref<48x128xf32, #tpu.memory_space<vmem_shared>>) target_semaphore(%run_scoped3A : memref<!tpu.dma_semaphore, #tpu.memory_space<semaphore_mem>>)
        %dma_wait3A_353 = arith.constant 0 : i32
        %dma_wait3A_354 = tpu.memref_slice %arg20[%mul3A_348, %dma_wait3A_353] : memref<10032x128xf32, #tpu.memory_space<vmem_shared>> -> memref<48x128xf32, #tpu.memory_space<vmem_shared>>
        %dma_wait3A_355 = arith.constant 0 : i32
        %dma_wait3A_356 = tpu.memref_slice %arg20[%mul3A_348, %dma_wait3A_355] : memref<10032x128xf32, #tpu.memory_space<vmem_shared>> -> memref<48x128xf32, #tpu.memory_space<vmem_shared>>
        tpu.wait_dma2 semaphore(%run_scoped3A : memref<!tpu.dma_semaphore, #tpu.memory_space<semaphore_mem>>) src(%arg16 : memref<48x128xf32, #tpu.memory_space<vmem>>) dst(%dma_wait3A_356 : memref<48x128xf32, #tpu.memory_space<vmem_shared>>)
        tpu.yield
      }) : () -> ()
    } else {
    }
    %mul3A_75 = arith.constant 14 : i32
    %mul3A_76 = arith.muli %arg1, %mul3A_75 : i32
    %add3A_77 = arith.constant 3 : i32
    %add3A_78 = arith.addi %mul3A_76, %add3A_77 : i32
    %lt3A_79 = arith.constant 209 : i32
    %lt3A_80 = arith.cmpi slt, %add3A_78, %lt3A_79 : i32
    %convert_element_type3A_81 = arith.extui %lt3A_80 : i1 to i32
    %cond3A_82 = arith.constant 0 : i32
    %cond3A_83 = arith.cmpi ne, %convert_element_type3A_81, %cond3A_82 : i32
    scf.if %cond3A_83 {
      %mul3A_347 = arith.constant 48 : i32
      %mul3A_348 = arith.muli %add3A_78, %mul3A_347 : i32
      "tpu.region"() ({
        %run_scoped3A = tpu.sem_alloc : memref<!tpu.dma_semaphore, #tpu.memory_space<semaphore_mem>>
        %dma_start3A_349 = arith.constant 0 : i32
        %dma_start3A_350 = tpu.memref_slice %arg20[%mul3A_348, %dma_start3A_349] : memref<10032x128xf32, #tpu.memory_space<vmem_shared>> -> memref<48x128xf32, #tpu.memory_space<vmem_shared>>
        %dma_start3A_351 = arith.constant 0 : i32
        %dma_start3A_352 = tpu.memref_slice %arg20[%mul3A_348, %dma_start3A_351] : memref<10032x128xf32, #tpu.memory_space<vmem_shared>> -> memref<48x128xf32, #tpu.memory_space<vmem_shared>>
        tpu.enqueue_dma source(%arg16 : memref<48x128xf32, #tpu.memory_space<vmem>>) target(%dma_start3A_352 : memref<48x128xf32, #tpu.memory_space<vmem_shared>>) target_semaphore(%run_scoped3A : memref<!tpu.dma_semaphore, #tpu.memory_space<semaphore_mem>>)
        %dma_wait3A_353 = arith.constant 0 : i32
        %dma_wait3A_354 = tpu.memref_slice %arg20[%mul3A_348, %dma_wait3A_353] : memref<10032x128xf32, #tpu.memory_space<vmem_shared>> -> memref<48x128xf32, #tpu.memory_space<vmem_shared>>
        %dma_wait3A_355 = arith.constant 0 : i32
        %dma_wait3A_356 = tpu.memref_slice %arg20[%mul3A_348, %dma_wait3A_355] : memref<10032x128xf32, #tpu.memory_space<vmem_shared>> -> memref<48x128xf32, #tpu.memory_space<vmem_shared>>
        tpu.wait_dma2 semaphore(%run_scoped3A : memref<!tpu.dma_semaphore, #tpu.memory_space<semaphore_mem>>) src(%arg16 : memref<48x128xf32, #tpu.memory_space<vmem>>) dst(%dma_wait3A_356 : memref<48x128xf32, #tpu.memory_space<vmem_shared>>)
        tpu.yield
      }) : () -> ()
    } else {
    }
    %mul3A_84 = arith.constant 14 : i32
    %mul3A_85 = arith.muli %arg1, %mul3A_84 : i32
    %add3A_86 = arith.constant 4 : i32
    %add3A_87 = arith.addi %mul3A_85, %add3A_86 : i32
    %lt3A_88 = arith.constant 209 : i32
    %lt3A_89 = arith.cmpi slt, %add3A_87, %lt3A_88 : i32
    %convert_element_type3A_90 = arith.extui %lt3A_89 : i1 to i32
    %cond3A_91 = arith.constant 0 : i32
    %cond3A_92 = arith.cmpi ne, %convert_element_type3A_90, %cond3A_91 : i32
    scf.if %cond3A_92 {
      %mul3A_347 = arith.constant 48 : i32
      %mul3A_348 = arith.muli %add3A_87, %mul3A_347 : i32
      "tpu.region"() ({
        %run_scoped3A = tpu.sem_alloc : memref<!tpu.dma_semaphore, #tpu.memory_space<semaphore_mem>>
        %dma_start3A_349 = arith.constant 0 : i32
        %dma_start3A_350 = tpu.memref_slice %arg20[%mul3A_348, %dma_start3A_349] : memref<10032x128xf32, #tpu.memory_space<vmem_shared>> -> memref<48x128xf32, #tpu.memory_space<vmem_shared>>
        %dma_start3A_351 = arith.constant 0 : i32
        %dma_start3A_352 = tpu.memref_slice %arg20[%mul3A_348, %dma_start3A_351] : memref<10032x128xf32, #tpu.memory_space<vmem_shared>> -> memref<48x128xf32, #tpu.memory_space<vmem_shared>>
        tpu.enqueue_dma source(%arg16 : memref<48x128xf32, #tpu.memory_space<vmem>>) target(%dma_start3A_352 : memref<48x128xf32, #tpu.memory_space<vmem_shared>>) target_semaphore(%run_scoped3A : memref<!tpu.dma_semaphore, #tpu.memory_space<semaphore_mem>>)
        %dma_wait3A_353 = arith.constant 0 : i32
        %dma_wait3A_354 = tpu.memref_slice %arg20[%mul3A_348, %dma_wait3A_353] : memref<10032x128xf32, #tpu.memory_space<vmem_shared>> -> memref<48x128xf32, #tpu.memory_space<vmem_shared>>
        %dma_wait3A_355 = arith.constant 0 : i32
        %dma_wait3A_356 = tpu.memref_slice %arg20[%mul3A_348, %dma_wait3A_355] : memref<10032x128xf32, #tpu.memory_space<vmem_shared>> -> memref<48x128xf32, #tpu.memory_space<vmem_shared>>
        tpu.wait_dma2 semaphore(%run_scoped3A : memref<!tpu.dma_semaphore, #tpu.memory_space<semaphore_mem>>) src(%arg16 : memref<48x128xf32, #tpu.memory_space<vmem>>) dst(%dma_wait3A_356 : memref<48x128xf32, #tpu.memory_space<vmem_shared>>)
        tpu.yield
      }) : () -> ()
    } else {
    }
    %mul3A_93 = arith.constant 14 : i32
    %mul3A_94 = arith.muli %arg1, %mul3A_93 : i32
    %add3A_95 = arith.constant 5 : i32
    %add3A_96 = arith.addi %mul3A_94, %add3A_95 : i32
    %lt3A_97 = arith.constant 209 : i32
    %lt3A_98 = arith.cmpi slt, %add3A_96, %lt3A_97 : i32
    %convert_element_type3A_99 = arith.extui %lt3A_98 : i1 to i32
    %cond3A_100 = arith.constant 0 : i32
    %cond3A_101 = arith.cmpi ne, %convert_element_type3A_99, %cond3A_100 : i32
    scf.if %cond3A_101 {
      %mul3A_347 = arith.constant 48 : i32
      %mul3A_348 = arith.muli %add3A_96, %mul3A_347 : i32
      "tpu.region"() ({
        %run_scoped3A = tpu.sem_alloc : memref<!tpu.dma_semaphore, #tpu.memory_space<semaphore_mem>>
        %dma_start3A_349 = arith.constant 0 : i32
        %dma_start3A_350 = tpu.memref_slice %arg20[%mul3A_348, %dma_start3A_349] : memref<10032x128xf32, #tpu.memory_space<vmem_shared>> -> memref<48x128xf32, #tpu.memory_space<vmem_shared>>
        %dma_start3A_351 = arith.constant 0 : i32
        %dma_start3A_352 = tpu.memref_slice %arg20[%mul3A_348, %dma_start3A_351] : memref<10032x128xf32, #tpu.memory_space<vmem_shared>> -> memref<48x128xf32, #tpu.memory_space<vmem_shared>>
        tpu.enqueue_dma source(%arg16 : memref<48x128xf32, #tpu.memory_space<vmem>>) target(%dma_start3A_352 : memref<48x128xf32, #tpu.memory_space<vmem_shared>>) target_semaphore(%run_scoped3A : memref<!tpu.dma_semaphore, #tpu.memory_space<semaphore_mem>>)
        %dma_wait3A_353 = arith.constant 0 : i32
        %dma_wait3A_354 = tpu.memref_slice %arg20[%mul3A_348, %dma_wait3A_353] : memref<10032x128xf32, #tpu.memory_space<vmem_shared>> -> memref<48x128xf32, #tpu.memory_space<vmem_shared>>
        %dma_wait3A_355 = arith.constant 0 : i32
        %dma_wait3A_356 = tpu.memref_slice %arg20[%mul3A_348, %dma_wait3A_355] : memref<10032x128xf32, #tpu.memory_space<vmem_shared>> -> memref<48x128xf32, #tpu.memory_space<vmem_shared>>
        tpu.wait_dma2 semaphore(%run_scoped3A : memref<!tpu.dma_semaphore, #tpu.memory_space<semaphore_mem>>) src(%arg16 : memref<48x128xf32, #tpu.memory_space<vmem>>) dst(%dma_wait3A_356 : memref<48x128xf32, #tpu.memory_space<vmem_shared>>)
        tpu.yield
      }) : () -> ()
    } else {
    }
    %mul3A_102 = arith.constant 14 : i32
    %mul3A_103 = arith.muli %arg1, %mul3A_102 : i32
    %add3A_104 = arith.constant 6 : i32
    %add3A_105 = arith.addi %mul3A_103, %add3A_104 : i32
    %lt3A_106 = arith.constant 209 : i32
    %lt3A_107 = arith.cmpi slt, %add3A_105, %lt3A_106 : i32
    %convert_element_type3A_108 = arith.extui %lt3A_107 : i1 to i32
    %cond3A_109 = arith.constant 0 : i32
    %cond3A_110 = arith.cmpi ne, %convert_element_type3A_108, %cond3A_109 : i32
    scf.if %cond3A_110 {
      %mul3A_347 = arith.constant 48 : i32
      %mul3A_348 = arith.muli %add3A_105, %mul3A_347 : i32
      "tpu.region"() ({
        %run_scoped3A = tpu.sem_alloc : memref<!tpu.dma_semaphore, #tpu.memory_space<semaphore_mem>>
        %dma_start3A_349 = arith.constant 0 : i32
        %dma_start3A_350 = tpu.memref_slice %arg20[%mul3A_348, %dma_start3A_349] : memref<10032x128xf32, #tpu.memory_space<vmem_shared>> -> memref<48x128xf32, #tpu.memory_space<vmem_shared>>
        %dma_start3A_351 = arith.constant 0 : i32
        %dma_start3A_352 = tpu.memref_slice %arg20[%mul3A_348, %dma_start3A_351] : memref<10032x128xf32, #tpu.memory_space<vmem_shared>> -> memref<48x128xf32, #tpu.memory_space<vmem_shared>>
        tpu.enqueue_dma source(%arg16 : memref<48x128xf32, #tpu.memory_space<vmem>>) target(%dma_start3A_352 : memref<48x128xf32, #tpu.memory_space<vmem_shared>>) target_semaphore(%run_scoped3A : memref<!tpu.dma_semaphore, #tpu.memory_space<semaphore_mem>>)
        %dma_wait3A_353 = arith.constant 0 : i32
        %dma_wait3A_354 = tpu.memref_slice %arg20[%mul3A_348, %dma_wait3A_353] : memref<10032x128xf32, #tpu.memory_space<vmem_shared>> -> memref<48x128xf32, #tpu.memory_space<vmem_shared>>
        %dma_wait3A_355 = arith.constant 0 : i32
        %dma_wait3A_356 = tpu.memref_slice %arg20[%mul3A_348, %dma_wait3A_355] : memref<10032x128xf32, #tpu.memory_space<vmem_shared>> -> memref<48x128xf32, #tpu.memory_space<vmem_shared>>
        tpu.wait_dma2 semaphore(%run_scoped3A : memref<!tpu.dma_semaphore, #tpu.memory_space<semaphore_mem>>) src(%arg16 : memref<48x128xf32, #tpu.memory_space<vmem>>) dst(%dma_wait3A_356 : memref<48x128xf32, #tpu.memory_space<vmem_shared>>)
        tpu.yield
      }) : () -> ()
    } else {
    }
    %mul3A_111 = arith.constant 14 : i32
    %mul3A_112 = arith.muli %arg1, %mul3A_111 : i32
    %add3A_113 = arith.constant 7 : i32
    %add3A_114 = arith.addi %mul3A_112, %add3A_113 : i32
    %lt3A_115 = arith.constant 209 : i32
    %lt3A_116 = arith.cmpi slt, %add3A_114, %lt3A_115 : i32
    %convert_element_type3A_117 = arith.extui %lt3A_116 : i1 to i32
    %cond3A_118 = arith.constant 0 : i32
    %cond3A_119 = arith.cmpi ne, %convert_element_type3A_117, %cond3A_118 : i32
    scf.if %cond3A_119 {
      %mul3A_347 = arith.constant 48 : i32
      %mul3A_348 = arith.muli %add3A_114, %mul3A_347 : i32
      "tpu.region"() ({
        %run_scoped3A = tpu.sem_alloc : memref<!tpu.dma_semaphore, #tpu.memory_space<semaphore_mem>>
        %dma_start3A_349 = arith.constant 0 : i32
        %dma_start3A_350 = tpu.memref_slice %arg20[%mul3A_348, %dma_start3A_349] : memref<10032x128xf32, #tpu.memory_space<vmem_shared>> -> memref<48x128xf32, #tpu.memory_space<vmem_shared>>
        %dma_start3A_351 = arith.constant 0 : i32
        %dma_start3A_352 = tpu.memref_slice %arg20[%mul3A_348, %dma_start3A_351] : memref<10032x128xf32, #tpu.memory_space<vmem_shared>> -> memref<48x128xf32, #tpu.memory_space<vmem_shared>>
        tpu.enqueue_dma source(%arg16 : memref<48x128xf32, #tpu.memory_space<vmem>>) target(%dma_start3A_352 : memref<48x128xf32, #tpu.memory_space<vmem_shared>>) target_semaphore(%run_scoped3A : memref<!tpu.dma_semaphore, #tpu.memory_space<semaphore_mem>>)
        %dma_wait3A_353 = arith.constant 0 : i32
        %dma_wait3A_354 = tpu.memref_slice %arg20[%mul3A_348, %dma_wait3A_353] : memref<10032x128xf32, #tpu.memory_space<vmem_shared>> -> memref<48x128xf32, #tpu.memory_space<vmem_shared>>
        %dma_wait3A_355 = arith.constant 0 : i32
        %dma_wait3A_356 = tpu.memref_slice %arg20[%mul3A_348, %dma_wait3A_355] : memref<10032x128xf32, #tpu.memory_space<vmem_shared>> -> memref<48x128xf32, #tpu.memory_space<vmem_shared>>
        tpu.wait_dma2 semaphore(%run_scoped3A : memref<!tpu.dma_semaphore, #tpu.memory_space<semaphore_mem>>) src(%arg16 : memref<48x128xf32, #tpu.memory_space<vmem>>) dst(%dma_wait3A_356 : memref<48x128xf32, #tpu.memory_space<vmem_shared>>)
        tpu.yield
      }) : () -> ()
    } else {
    }
    %mul3A_120 = arith.constant 14 : i32
    %mul3A_121 = arith.muli %arg1, %mul3A_120 : i32
    %add3A_122 = arith.constant 8 : i32
    %add3A_123 = arith.addi %mul3A_121, %add3A_122 : i32
    %lt3A_124 = arith.constant 209 : i32
    %lt3A_125 = arith.cmpi slt, %add3A_123, %lt3A_124 : i32
    %convert_element_type3A_126 = arith.extui %lt3A_125 : i1 to i32
    %cond3A_127 = arith.constant 0 : i32
    %cond3A_128 = arith.cmpi ne, %convert_element_type3A_126, %cond3A_127 : i32
    scf.if %cond3A_128 {
      %mul3A_347 = arith.constant 48 : i32
      %mul3A_348 = arith.muli %add3A_123, %mul3A_347 : i32
      "tpu.region"() ({
        %run_scoped3A = tpu.sem_alloc : memref<!tpu.dma_semaphore, #tpu.memory_space<semaphore_mem>>
        %dma_start3A_349 = arith.constant 0 : i32
        %dma_start3A_350 = tpu.memref_slice %arg20[%mul3A_348, %dma_start3A_349] : memref<10032x128xf32, #tpu.memory_space<vmem_shared>> -> memref<48x128xf32, #tpu.memory_space<vmem_shared>>
        %dma_start3A_351 = arith.constant 0 : i32
        %dma_start3A_352 = tpu.memref_slice %arg20[%mul3A_348, %dma_start3A_351] : memref<10032x128xf32, #tpu.memory_space<vmem_shared>> -> memref<48x128xf32, #tpu.memory_space<vmem_shared>>
        tpu.enqueue_dma source(%arg16 : memref<48x128xf32, #tpu.memory_space<vmem>>) target(%dma_start3A_352 : memref<48x128xf32, #tpu.memory_space<vmem_shared>>) target_semaphore(%run_scoped3A : memref<!tpu.dma_semaphore, #tpu.memory_space<semaphore_mem>>)
        %dma_wait3A_353 = arith.constant 0 : i32
        %dma_wait3A_354 = tpu.memref_slice %arg20[%mul3A_348, %dma_wait3A_353] : memref<10032x128xf32, #tpu.memory_space<vmem_shared>> -> memref<48x128xf32, #tpu.memory_space<vmem_shared>>
        %dma_wait3A_355 = arith.constant 0 : i32
        %dma_wait3A_356 = tpu.memref_slice %arg20[%mul3A_348, %dma_wait3A_355] : memref<10032x128xf32, #tpu.memory_space<vmem_shared>> -> memref<48x128xf32, #tpu.memory_space<vmem_shared>>
        tpu.wait_dma2 semaphore(%run_scoped3A : memref<!tpu.dma_semaphore, #tpu.memory_space<semaphore_mem>>) src(%arg16 : memref<48x128xf32, #tpu.memory_space<vmem>>) dst(%dma_wait3A_356 : memref<48x128xf32, #tpu.memory_space<vmem_shared>>)
        tpu.yield
      }) : () -> ()
    } else {
    }
    %mul3A_129 = arith.constant 14 : i32
    %mul3A_130 = arith.muli %arg1, %mul3A_129 : i32
    %add3A_131 = arith.constant 9 : i32
    %add3A_132 = arith.addi %mul3A_130, %add3A_131 : i32
    %lt3A_133 = arith.constant 209 : i32
    %lt3A_134 = arith.cmpi slt, %add3A_132, %lt3A_133 : i32
    %convert_element_type3A_135 = arith.extui %lt3A_134 : i1 to i32
    %cond3A_136 = arith.constant 0 : i32
    %cond3A_137 = arith.cmpi ne, %convert_element_type3A_135, %cond3A_136 : i32
    scf.if %cond3A_137 {
      %mul3A_347 = arith.constant 48 : i32
      %mul3A_348 = arith.muli %add3A_132, %mul3A_347 : i32
      "tpu.region"() ({
        %run_scoped3A = tpu.sem_alloc : memref<!tpu.dma_semaphore, #tpu.memory_space<semaphore_mem>>
        %dma_start3A_349 = arith.constant 0 : i32
        %dma_start3A_350 = tpu.memref_slice %arg20[%mul3A_348, %dma_start3A_349] : memref<10032x128xf32, #tpu.memory_space<vmem_shared>> -> memref<48x128xf32, #tpu.memory_space<vmem_shared>>
        %dma_start3A_351 = arith.constant 0 : i32
        %dma_start3A_352 = tpu.memref_slice %arg20[%mul3A_348, %dma_start3A_351] : memref<10032x128xf32, #tpu.memory_space<vmem_shared>> -> memref<48x128xf32, #tpu.memory_space<vmem_shared>>
        tpu.enqueue_dma source(%arg16 : memref<48x128xf32, #tpu.memory_space<vmem>>) target(%dma_start3A_352 : memref<48x128xf32, #tpu.memory_space<vmem_shared>>) target_semaphore(%run_scoped3A : memref<!tpu.dma_semaphore, #tpu.memory_space<semaphore_mem>>)
        %dma_wait3A_353 = arith.constant 0 : i32
        %dma_wait3A_354 = tpu.memref_slice %arg20[%mul3A_348, %dma_wait3A_353] : memref<10032x128xf32, #tpu.memory_space<vmem_shared>> -> memref<48x128xf32, #tpu.memory_space<vmem_shared>>
        %dma_wait3A_355 = arith.constant 0 : i32
        %dma_wait3A_356 = tpu.memref_slice %arg20[%mul3A_348, %dma_wait3A_355] : memref<10032x128xf32, #tpu.memory_space<vmem_shared>> -> memref<48x128xf32, #tpu.memory_space<vmem_shared>>
        tpu.wait_dma2 semaphore(%run_scoped3A : memref<!tpu.dma_semaphore, #tpu.memory_space<semaphore_mem>>) src(%arg16 : memref<48x128xf32, #tpu.memory_space<vmem>>) dst(%dma_wait3A_356 : memref<48x128xf32, #tpu.memory_space<vmem_shared>>)
        tpu.yield
      }) : () -> ()
    } else {
    }
    %mul3A_138 = arith.constant 14 : i32
    %mul3A_139 = arith.muli %arg1, %mul3A_138 : i32
    %add3A_140 = arith.constant 10 : i32
    %add3A_141 = arith.addi %mul3A_139, %add3A_140 : i32
    %lt3A_142 = arith.constant 209 : i32
    %lt3A_143 = arith.cmpi slt, %add3A_141, %lt3A_142 : i32
    %convert_element_type3A_144 = arith.extui %lt3A_143 : i1 to i32
    %cond3A_145 = arith.constant 0 : i32
    %cond3A_146 = arith.cmpi ne, %convert_element_type3A_144, %cond3A_145 : i32
    scf.if %cond3A_146 {
      %mul3A_347 = arith.constant 48 : i32
      %mul3A_348 = arith.muli %add3A_141, %mul3A_347 : i32
      "tpu.region"() ({
        %run_scoped3A = tpu.sem_alloc : memref<!tpu.dma_semaphore, #tpu.memory_space<semaphore_mem>>
        %dma_start3A_349 = arith.constant 0 : i32
        %dma_start3A_350 = tpu.memref_slice %arg20[%mul3A_348, %dma_start3A_349] : memref<10032x128xf32, #tpu.memory_space<vmem_shared>> -> memref<48x128xf32, #tpu.memory_space<vmem_shared>>
        %dma_start3A_351 = arith.constant 0 : i32
        %dma_start3A_352 = tpu.memref_slice %arg20[%mul3A_348, %dma_start3A_351] : memref<10032x128xf32, #tpu.memory_space<vmem_shared>> -> memref<48x128xf32, #tpu.memory_space<vmem_shared>>
        tpu.enqueue_dma source(%arg16 : memref<48x128xf32, #tpu.memory_space<vmem>>) target(%dma_start3A_352 : memref<48x128xf32, #tpu.memory_space<vmem_shared>>) target_semaphore(%run_scoped3A : memref<!tpu.dma_semaphore, #tpu.memory_space<semaphore_mem>>)
        %dma_wait3A_353 = arith.constant 0 : i32
        %dma_wait3A_354 = tpu.memref_slice %arg20[%mul3A_348, %dma_wait3A_353] : memref<10032x128xf32, #tpu.memory_space<vmem_shared>> -> memref<48x128xf32, #tpu.memory_space<vmem_shared>>
        %dma_wait3A_355 = arith.constant 0 : i32
        %dma_wait3A_356 = tpu.memref_slice %arg20[%mul3A_348, %dma_wait3A_355] : memref<10032x128xf32, #tpu.memory_space<vmem_shared>> -> memref<48x128xf32, #tpu.memory_space<vmem_shared>>
        tpu.wait_dma2 semaphore(%run_scoped3A : memref<!tpu.dma_semaphore, #tpu.memory_space<semaphore_mem>>) src(%arg16 : memref<48x128xf32, #tpu.memory_space<vmem>>) dst(%dma_wait3A_356 : memref<48x128xf32, #tpu.memory_space<vmem_shared>>)
        tpu.yield
      }) : () -> ()
    } else {
    }
    %mul3A_147 = arith.constant 14 : i32
    %mul3A_148 = arith.muli %arg1, %mul3A_147 : i32
    %add3A_149 = arith.constant 11 : i32
    %add3A_150 = arith.addi %mul3A_148, %add3A_149 : i32
    %lt3A_151 = arith.constant 209 : i32
    %lt3A_152 = arith.cmpi slt, %add3A_150, %lt3A_151 : i32
    %convert_element_type3A_153 = arith.extui %lt3A_152 : i1 to i32
    %cond3A_154 = arith.constant 0 : i32
    %cond3A_155 = arith.cmpi ne, %convert_element_type3A_153, %cond3A_154 : i32
    scf.if %cond3A_155 {
      %mul3A_347 = arith.constant 48 : i32
      %mul3A_348 = arith.muli %add3A_150, %mul3A_347 : i32
      "tpu.region"() ({
        %run_scoped3A = tpu.sem_alloc : memref<!tpu.dma_semaphore, #tpu.memory_space<semaphore_mem>>
        %dma_start3A_349 = arith.constant 0 : i32
        %dma_start3A_350 = tpu.memref_slice %arg20[%mul3A_348, %dma_start3A_349] : memref<10032x128xf32, #tpu.memory_space<vmem_shared>> -> memref<48x128xf32, #tpu.memory_space<vmem_shared>>
        %dma_start3A_351 = arith.constant 0 : i32
        %dma_start3A_352 = tpu.memref_slice %arg20[%mul3A_348, %dma_start3A_351] : memref<10032x128xf32, #tpu.memory_space<vmem_shared>> -> memref<48x128xf32, #tpu.memory_space<vmem_shared>>
        tpu.enqueue_dma source(%arg16 : memref<48x128xf32, #tpu.memory_space<vmem>>) target(%dma_start3A_352 : memref<48x128xf32, #tpu.memory_space<vmem_shared>>) target_semaphore(%run_scoped3A : memref<!tpu.dma_semaphore, #tpu.memory_space<semaphore_mem>>)
        %dma_wait3A_353 = arith.constant 0 : i32
        %dma_wait3A_354 = tpu.memref_slice %arg20[%mul3A_348, %dma_wait3A_353] : memref<10032x128xf32, #tpu.memory_space<vmem_shared>> -> memref<48x128xf32, #tpu.memory_space<vmem_shared>>
        %dma_wait3A_355 = arith.constant 0 : i32
        %dma_wait3A_356 = tpu.memref_slice %arg20[%mul3A_348, %dma_wait3A_355] : memref<10032x128xf32, #tpu.memory_space<vmem_shared>> -> memref<48x128xf32, #tpu.memory_space<vmem_shared>>
        tpu.wait_dma2 semaphore(%run_scoped3A : memref<!tpu.dma_semaphore, #tpu.memory_space<semaphore_mem>>) src(%arg16 : memref<48x128xf32, #tpu.memory_space<vmem>>) dst(%dma_wait3A_356 : memref<48x128xf32, #tpu.memory_space<vmem_shared>>)
        tpu.yield
      }) : () -> ()
    } else {
    }
    %mul3A_156 = arith.constant 14 : i32
    %mul3A_157 = arith.muli %arg1, %mul3A_156 : i32
    %add3A_158 = arith.constant 12 : i32
    %add3A_159 = arith.addi %mul3A_157, %add3A_158 : i32
    %lt3A_160 = arith.constant 209 : i32
    %lt3A_161 = arith.cmpi slt, %add3A_159, %lt3A_160 : i32
    %convert_element_type3A_162 = arith.extui %lt3A_161 : i1 to i32
    %cond3A_163 = arith.constant 0 : i32
    %cond3A_164 = arith.cmpi ne, %convert_element_type3A_162, %cond3A_163 : i32
    scf.if %cond3A_164 {
      %mul3A_347 = arith.constant 48 : i32
      %mul3A_348 = arith.muli %add3A_159, %mul3A_347 : i32
      "tpu.region"() ({
        %run_scoped3A = tpu.sem_alloc : memref<!tpu.dma_semaphore, #tpu.memory_space<semaphore_mem>>
        %dma_start3A_349 = arith.constant 0 : i32
        %dma_start3A_350 = tpu.memref_slice %arg20[%mul3A_348, %dma_start3A_349] : memref<10032x128xf32, #tpu.memory_space<vmem_shared>> -> memref<48x128xf32, #tpu.memory_space<vmem_shared>>
        %dma_start3A_351 = arith.constant 0 : i32
        %dma_start3A_352 = tpu.memref_slice %arg20[%mul3A_348, %dma_start3A_351] : memref<10032x128xf32, #tpu.memory_space<vmem_shared>> -> memref<48x128xf32, #tpu.memory_space<vmem_shared>>
        tpu.enqueue_dma source(%arg16 : memref<48x128xf32, #tpu.memory_space<vmem>>) target(%dma_start3A_352 : memref<48x128xf32, #tpu.memory_space<vmem_shared>>) target_semaphore(%run_scoped3A : memref<!tpu.dma_semaphore, #tpu.memory_space<semaphore_mem>>)
        %dma_wait3A_353 = arith.constant 0 : i32
        %dma_wait3A_354 = tpu.memref_slice %arg20[%mul3A_348, %dma_wait3A_353] : memref<10032x128xf32, #tpu.memory_space<vmem_shared>> -> memref<48x128xf32, #tpu.memory_space<vmem_shared>>
        %dma_wait3A_355 = arith.constant 0 : i32
        %dma_wait3A_356 = tpu.memref_slice %arg20[%mul3A_348, %dma_wait3A_355] : memref<10032x128xf32, #tpu.memory_space<vmem_shared>> -> memref<48x128xf32, #tpu.memory_space<vmem_shared>>
        tpu.wait_dma2 semaphore(%run_scoped3A : memref<!tpu.dma_semaphore, #tpu.memory_space<semaphore_mem>>) src(%arg16 : memref<48x128xf32, #tpu.memory_space<vmem>>) dst(%dma_wait3A_356 : memref<48x128xf32, #tpu.memory_space<vmem_shared>>)
        tpu.yield
      }) : () -> ()
    } else {
    }
    %mul3A_165 = arith.constant 14 : i32
    %mul3A_166 = arith.muli %arg1, %mul3A_165 : i32
    %add3A_167 = arith.constant 13 : i32
    %add3A_168 = arith.addi %mul3A_166, %add3A_167 : i32
    %lt3A_169 = arith.constant 209 : i32
    %lt3A_170 = arith.cmpi slt, %add3A_168, %lt3A_169 : i32
    %convert_element_type3A_171 = arith.extui %lt3A_170 : i1 to i32
    %cond3A_172 = arith.constant 0 : i32
    %cond3A_173 = arith.cmpi ne, %convert_element_type3A_171, %cond3A_172 : i32
    scf.if %cond3A_173 {
      %mul3A_347 = arith.constant 48 : i32
      %mul3A_348 = arith.muli %add3A_168, %mul3A_347 : i32
      "tpu.region"() ({
        %run_scoped3A = tpu.sem_alloc : memref<!tpu.dma_semaphore, #tpu.memory_space<semaphore_mem>>
        %dma_start3A_349 = arith.constant 0 : i32
        %dma_start3A_350 = tpu.memref_slice %arg20[%mul3A_348, %dma_start3A_349] : memref<10032x128xf32, #tpu.memory_space<vmem_shared>> -> memref<48x128xf32, #tpu.memory_space<vmem_shared>>
        %dma_start3A_351 = arith.constant 0 : i32
        %dma_start3A_352 = tpu.memref_slice %arg20[%mul3A_348, %dma_start3A_351] : memref<10032x128xf32, #tpu.memory_space<vmem_shared>> -> memref<48x128xf32, #tpu.memory_space<vmem_shared>>
        tpu.enqueue_dma source(%arg16 : memref<48x128xf32, #tpu.memory_space<vmem>>) target(%dma_start3A_352 : memref<48x128xf32, #tpu.memory_space<vmem_shared>>) target_semaphore(%run_scoped3A : memref<!tpu.dma_semaphore, #tpu.memory_space<semaphore_mem>>)
        %dma_wait3A_353 = arith.constant 0 : i32
        %dma_wait3A_354 = tpu.memref_slice %arg20[%mul3A_348, %dma_wait3A_353] : memref<10032x128xf32, #tpu.memory_space<vmem_shared>> -> memref<48x128xf32, #tpu.memory_space<vmem_shared>>
        %dma_wait3A_355 = arith.constant 0 : i32
        %dma_wait3A_356 = tpu.memref_slice %arg20[%mul3A_348, %dma_wait3A_355] : memref<10032x128xf32, #tpu.memory_space<vmem_shared>> -> memref<48x128xf32, #tpu.memory_space<vmem_shared>>
        tpu.wait_dma2 semaphore(%run_scoped3A : memref<!tpu.dma_semaphore, #tpu.memory_space<semaphore_mem>>) src(%arg16 : memref<48x128xf32, #tpu.memory_space<vmem>>) dst(%dma_wait3A_356 : memref<48x128xf32, #tpu.memory_space<vmem_shared>>)
        tpu.yield
      }) : () -> ()
    } else {
    }
    %mul3A_174 = arith.constant 80 : i32
    %mul3A_175 = arith.muli %arg1, %mul3A_174 : i32
    "tpu.region"() ({
      %run_scoped3A = tpu.sem_alloc : memref<!tpu.dma_semaphore, #tpu.memory_space<semaphore_mem>>
      %dma_start3A_347 = arith.constant 0 : i32
      %dma_start3A_348 = tpu.memref_slice %arg21[%mul3A_175, %dma_start3A_347] : memref<1280x128xf32, #tpu.memory_space<vmem_shared>> -> memref<48x128xf32, #tpu.memory_space<vmem_shared>>
      %dma_start3A_349 = arith.constant 0 : i32
      %dma_start3A_350 = tpu.memref_slice %arg21[%mul3A_175, %dma_start3A_349] : memref<1280x128xf32, #tpu.memory_space<vmem_shared>> -> memref<48x128xf32, #tpu.memory_space<vmem_shared>>
      tpu.enqueue_dma source(%arg16 : memref<48x128xf32, #tpu.memory_space<vmem>>) target(%dma_start3A_350 : memref<48x128xf32, #tpu.memory_space<vmem_shared>>) target_semaphore(%run_scoped3A : memref<!tpu.dma_semaphore, #tpu.memory_space<semaphore_mem>>)
      %dma_wait3A_351 = arith.constant 0 : i32
      %dma_wait3A_352 = tpu.memref_slice %arg21[%mul3A_175, %dma_wait3A_351] : memref<1280x128xf32, #tpu.memory_space<vmem_shared>> -> memref<48x128xf32, #tpu.memory_space<vmem_shared>>
      %dma_wait3A_353 = arith.constant 0 : i32
      %dma_wait3A_354 = tpu.memref_slice %arg21[%mul3A_175, %dma_wait3A_353] : memref<1280x128xf32, #tpu.memory_space<vmem_shared>> -> memref<48x128xf32, #tpu.memory_space<vmem_shared>>
      tpu.wait_dma2 semaphore(%run_scoped3A : memref<!tpu.dma_semaphore, #tpu.memory_space<semaphore_mem>>) src(%arg16 : memref<48x128xf32, #tpu.memory_space<vmem>>) dst(%dma_wait3A_354 : memref<48x128xf32, #tpu.memory_space<vmem_shared>>)
      tpu.yield
    }) : () -> ()
    %mul3A_176 = arith.constant 80 : i32
    %mul3A_177 = arith.muli %arg1, %mul3A_176 : i32
    %add3A_178 = arith.constant 48 : i32
    %add3A_179 = arith.addi %mul3A_177, %add3A_178 : i32
    "tpu.region"() ({
      %run_scoped3A = tpu.sem_alloc : memref<!tpu.dma_semaphore, #tpu.memory_space<semaphore_mem>>
      %dma_start3A_347 = arith.constant 0 : i32
      %dma_start3A_348 = arith.constant 0 : i32
      %dma_start3A_349 = tpu.memref_slice %arg16[%dma_start3A_347, %dma_start3A_348] : memref<48x128xf32, #tpu.memory_space<vmem>> -> memref<32x128xf32, #tpu.memory_space<vmem>>
      %dma_start3A_350 = arith.constant 0 : i32
      %dma_start3A_351 = tpu.memref_slice %arg21[%add3A_179, %dma_start3A_350] : memref<1280x128xf32, #tpu.memory_space<vmem_shared>> -> memref<32x128xf32, #tpu.memory_space<vmem_shared>>
      %dma_start3A_352 = arith.constant 0 : i32
      %dma_start3A_353 = tpu.memref_slice %arg21[%add3A_179, %dma_start3A_352] : memref<1280x128xf32, #tpu.memory_space<vmem_shared>> -> memref<32x128xf32, #tpu.memory_space<vmem_shared>>
      %dma_start3A_354 = arith.constant 0 : i32
      %dma_start3A_355 = arith.constant 0 : i32
      %dma_start3A_356 = tpu.memref_slice %arg16[%dma_start3A_354, %dma_start3A_355] : memref<48x128xf32, #tpu.memory_space<vmem>> -> memref<32x128xf32, #tpu.memory_space<vmem>>
      tpu.enqueue_dma source(%dma_start3A_356 : memref<32x128xf32, #tpu.memory_space<vmem>>) target(%dma_start3A_353 : memref<32x128xf32, #tpu.memory_space<vmem_shared>>) target_semaphore(%run_scoped3A : memref<!tpu.dma_semaphore, #tpu.memory_space<semaphore_mem>>)
      %dma_wait3A_357 = arith.constant 0 : i32
      %dma_wait3A_358 = arith.constant 0 : i32
      %dma_wait3A_359 = tpu.memref_slice %arg16[%dma_wait3A_357, %dma_wait3A_358] : memref<48x128xf32, #tpu.memory_space<vmem>> -> memref<32x128xf32, #tpu.memory_space<vmem>>
      %dma_wait3A_360 = arith.constant 0 : i32
      %dma_wait3A_361 = tpu.memref_slice %arg21[%add3A_179, %dma_wait3A_360] : memref<1280x128xf32, #tpu.memory_space<vmem_shared>> -> memref<32x128xf32, #tpu.memory_space<vmem_shared>>
      %dma_wait3A_362 = arith.constant 0 : i32
      %dma_wait3A_363 = tpu.memref_slice %arg21[%add3A_179, %dma_wait3A_362] : memref<1280x128xf32, #tpu.memory_space<vmem_shared>> -> memref<32x128xf32, #tpu.memory_space<vmem_shared>>
      %dma_wait3A_364 = arith.constant 0 : i32
      %dma_wait3A_365 = arith.constant 0 : i32
      %dma_wait3A_366 = tpu.memref_slice %arg16[%dma_wait3A_364, %dma_wait3A_365] : memref<48x128xf32, #tpu.memory_space<vmem>> -> memref<32x128xf32, #tpu.memory_space<vmem>>
      tpu.wait_dma2 semaphore(%run_scoped3A : memref<!tpu.dma_semaphore, #tpu.memory_space<semaphore_mem>>) src(%dma_wait3A_366 : memref<32x128xf32, #tpu.memory_space<vmem>>) dst(%dma_wait3A_363 : memref<32x128xf32, #tpu.memory_space<vmem_shared>>)
      tpu.yield
    }) : () -> ()
    %barrier3A = arith.constant 0 : index
    tpu.barrier barrier_id(%barrier3A)
    %mul3A_180 = arith.constant 2 : i32
    %mul3A_181 = arith.muli %arg1, %mul3A_180 : i32
    %add3A_182 = arith.addi %mul3A_181, %arg0 : i32
    %mul3A_183 = arith.constant 10080 : i32
    %mul3A_184 = arith.muli %add3A_182, %mul3A_183 : i32
    "tpu.region"() ({
      %run_scoped3A = tpu.sem_alloc : memref<!tpu.dma_semaphore, #tpu.memory_space<semaphore_mem>>
      %dma_start3A_347 = tpu.memref_slice %arg4[%mul3A_184] : memref<322608xi32, #tpu.memory_space<hbm>> -> memref<48xi32, #tpu.memory_space<hbm>>
      %dma_start3A_348 = tpu.memref_slice %arg4[%mul3A_184] : memref<322608xi32, #tpu.memory_space<hbm>> -> memref<48xi32, #tpu.memory_space<hbm>>
      tpu.enqueue_dma source(%dma_start3A_348 : memref<48xi32, #tpu.memory_space<hbm>>) target(%arg8 : memref<48xi32, #tpu.memory_space<vmem>>) target_semaphore(%run_scoped3A : memref<!tpu.dma_semaphore, #tpu.memory_space<semaphore_mem>>)
      %dma_wait3A_349 = tpu.memref_slice %arg4[%mul3A_184] : memref<322608xi32, #tpu.memory_space<hbm>> -> memref<48xi32, #tpu.memory_space<hbm>>
      %dma_wait3A_350 = tpu.memref_slice %arg4[%mul3A_184] : memref<322608xi32, #tpu.memory_space<hbm>> -> memref<48xi32, #tpu.memory_space<hbm>>
      tpu.wait_dma2 semaphore(%run_scoped3A : memref<!tpu.dma_semaphore, #tpu.memory_space<semaphore_mem>>) src(%dma_wait3A_350 : memref<48xi32, #tpu.memory_space<hbm>>) dst(%arg8 : memref<48xi32, #tpu.memory_space<vmem>>)
      tpu.yield
    }) : () -> ()
    "tpu.region"() ({
      %run_scoped3A = tpu.sem_alloc : memref<!tpu.dma_semaphore, #tpu.memory_space<semaphore_mem>>
      %dma_start3A_347 = tpu.memref_slice %arg5[%mul3A_184] : memref<322608xi32, #tpu.memory_space<hbm>> -> memref<48xi32, #tpu.memory_space<hbm>>
      %dma_start3A_348 = tpu.memref_slice %arg5[%mul3A_184] : memref<322608xi32, #tpu.memory_space<hbm>> -> memref<48xi32, #tpu.memory_space<hbm>>
      tpu.enqueue_dma source(%dma_start3A_348 : memref<48xi32, #tpu.memory_space<hbm>>) target(%arg10 : memref<48xi32, #tpu.memory_space<vmem>>) target_semaphore(%run_scoped3A : memref<!tpu.dma_semaphore, #tpu.memory_space<semaphore_mem>>)
      %dma_wait3A_349 = tpu.memref_slice %arg5[%mul3A_184] : memref<322608xi32, #tpu.memory_space<hbm>> -> memref<48xi32, #tpu.memory_space<hbm>>
      %dma_wait3A_350 = tpu.memref_slice %arg5[%mul3A_184] : memref<322608xi32, #tpu.memory_space<hbm>> -> memref<48xi32, #tpu.memory_space<hbm>>
      tpu.wait_dma2 semaphore(%run_scoped3A : memref<!tpu.dma_semaphore, #tpu.memory_space<semaphore_mem>>) src(%dma_wait3A_350 : memref<48xi32, #tpu.memory_space<hbm>>) dst(%arg10 : memref<48xi32, #tpu.memory_space<vmem>>)
      tpu.yield
    }) : () -> ()
    %dma_start3A = arith.constant 0 : i32
    %dma_start3A_185 = arith.constant 0 : i32
    %dma_start3A_186 = tpu.memref_slice %arg2[%dma_start3A, %dma_start3A_185] : memref<10016x128xf32, #tpu.memory_space<hbm>> -> memref<10016x128xf32, #tpu.memory_space<hbm>>
    tpu.enqueue_indirect_dma source(%dma_start3A_186 : memref<10016x128xf32, #tpu.memory_space<hbm>>) target(%arg13 : memref<48x128xf32, #tpu.memory_space<vmem>>) offsets(%arg10 : memref<48xi32, #tpu.memory_space<vmem>>) semaphore(%arg22 : memref<!tpu.dma_semaphore, #tpu.memory_space<semaphore_mem>>)
    %dma_start3A_187 = arith.constant 0 : i32
    %dma_start3A_188 = arith.constant 0 : i32
    %dma_start3A_189 = tpu.memref_slice %arg3[%dma_start3A_187, %dma_start3A_188] : memref<10016x128xi32, #tpu.memory_space<hbm>> -> memref<10016x128xi32, #tpu.memory_space<hbm>>
    tpu.enqueue_indirect_dma source(%dma_start3A_189 : memref<10016x128xi32, #tpu.memory_space<hbm>>) target(%arg14 : memref<48x128xi32, #tpu.memory_space<vmem>>) offsets(%arg8 : memref<48xi32, #tpu.memory_space<vmem>>) semaphore(%arg23 : memref<!tpu.dma_semaphore, #tpu.memory_space<semaphore_mem>>)
    %scan3A_190 = arith.constant 0 : i32
    %scan3A_191 = arith.constant 0 : i32
    %scan3A_192 = arith.constant 105 : i32
    %scan3A_193 = arith.addi %scan3A_191, %scan3A_192 : i32
    %scan3A_194 = arith.constant 1 : i32
    %scan3A_195 = scf.for %scan3A_347 = %scan3A_191 to %scan3A_193 step %scan3A_194 iter_args(%scan3A_348 = %scan3A_190) -> (i32)  : i32 {
      %dma_wait3A_349 = arith.constant 0 : i32
      %dma_wait3A_350 = arith.constant 0 : i32
      %dma_wait3A_351 = tpu.memref_slice %arg2[%dma_wait3A_349, %dma_wait3A_350] : memref<10016x128xf32, #tpu.memory_space<hbm>> -> memref<10016x128xf32, #tpu.memory_space<hbm>>
      tpu.wait_indirect_dma semaphore(%arg22 : memref<!tpu.dma_semaphore, #tpu.memory_space<semaphore_mem>>) src(%dma_wait3A_351 : memref<10016x128xf32, #tpu.memory_space<hbm>>) dst(%arg13 : memref<48x128xf32, #tpu.memory_space<vmem>>)
      %dma_wait3A_352 = arith.constant 0 : i32
      %dma_wait3A_353 = arith.constant 0 : i32
      %dma_wait3A_354 = tpu.memref_slice %arg3[%dma_wait3A_352, %dma_wait3A_353] : memref<10016x128xi32, #tpu.memory_space<hbm>> -> memref<10016x128xi32, #tpu.memory_space<hbm>>
      tpu.wait_indirect_dma semaphore(%arg23 : memref<!tpu.dma_semaphore, #tpu.memory_space<semaphore_mem>>) src(%dma_wait3A_354 : memref<10016x128xi32, #tpu.memory_space<hbm>>) dst(%arg14 : memref<48x128xi32, #tpu.memory_space<vmem>>)
      %scan3A_355 = arith.constant 0 : i32
      %scan3A_356 = arith.constant 0 : i32
      %scan3A_357 = arith.constant 24 : i32
      %scan3A_358 = arith.addi %scan3A_356, %scan3A_357 : i32
      %scan3A_359 = arith.constant 1 : i32
      %scan3A_360 = scf.for %scan3A_1962 = %scan3A_356 to %scan3A_358 step %scan3A_359 iter_args(%scan3A_1963 = %scan3A_355) -> (i32)  : i32 {
        %mul3A_1964 = arith.constant 2 : i32
        %mul3A_1965 = arith.muli %mul3A_1964, %scan3A_1962 : i32
        %mul3A_1966 = arith.constant 2 : i32
        %mul3A_1967 = arith.muli %mul3A_1966, %scan3A_1962 : i32
        %add3A_1968 = arith.constant 1 : i32
        %add3A_1969 = arith.addi %mul3A_1967, %add3A_1968 : i32
        %mul3A_1970 = arith.constant 0 : i32
        %mul3A_1971 = vector.broadcast %mul3A_1970 : i32 to vector<16xi32>
        %mul3A_1972 = arith.muli %iota3A, %mul3A_1971 : vector<16xi32>
        %add3A_1973 = vector.broadcast %mul3A_1965 : i32 to vector<16xi32>
        %add3A_1974 = arith.addi %mul3A_1972, %add3A_1973 : vector<16xi32>
        %mul3A_1975 = arith.constant 0 : i32
        %mul3A_1976 = vector.broadcast %mul3A_1975 : i32 to vector<16xi32>
        %mul3A_1977 = arith.muli %iota3A, %mul3A_1976 : vector<16xi32>
        %add3A_1978 = vector.broadcast %add3A_1969 : i32 to vector<16xi32>
        %add3A_1979 = arith.addi %mul3A_1977, %add3A_1978 : vector<16xi32>
        %get3A_1980 = arith.index_cast %mul3A_1965 : i32 to index
        %get3A_1981 = arith.constant 0 : index
        %get3A_1982 = tpu.vector_load %arg13[%get3A_1980, %get3A_1981] {strides = array<i32>} : memref<48x128xf32, #tpu.memory_space<vmem>>, vector<16xf32>,
        %get3A_1983 = arith.index_cast %mul3A_1965 : i32 to index
        %get3A_1984 = arith.constant 16 : index
        %get3A_1985 = tpu.vector_load %arg13[%get3A_1983, %get3A_1984] {strides = array<i32>} : memref<48x128xf32, #tpu.memory_space<vmem>>, vector<16xf32>,
        %get3A_1986 = arith.index_cast %mul3A_1965 : i32 to index
        %get3A_1987 = arith.constant 32 : index
        %get3A_1988 = tpu.vector_load %arg13[%get3A_1986, %get3A_1987] {strides = array<i32>} : memref<48x128xf32, #tpu.memory_space<vmem>>, vector<16xf32>,
        %get3A_1989 = arith.index_cast %mul3A_1965 : i32 to index
        %get3A_1990 = arith.constant 48 : index
        %get3A_1991 = tpu.vector_load %arg13[%get3A_1989, %get3A_1990] {strides = array<i32>} : memref<48x128xf32, #tpu.memory_space<vmem>>, vector<16xf32>,
        %get3A_1992 = arith.index_cast %mul3A_1965 : i32 to index
        %get3A_1993 = arith.constant 64 : index
        %get3A_1994 = tpu.vector_load %arg13[%get3A_1992, %get3A_1993] {strides = array<i32>} : memref<48x128xf32, #tpu.memory_space<vmem>>, vector<16xf32>,
        %get3A_1995 = arith.index_cast %mul3A_1965 : i32 to index
        %get3A_1996 = arith.constant 80 : index
        %get3A_1997 = tpu.vector_load %arg13[%get3A_1995, %get3A_1996] {strides = array<i32>} : memref<48x128xf32, #tpu.memory_space<vmem>>, vector<16xf32>,
        %get3A_1998 = arith.index_cast %mul3A_1965 : i32 to index
        %get3A_1999 = arith.constant 96 : index
        %get3A_2000 = tpu.vector_load %arg13[%get3A_1998, %get3A_1999] {strides = array<i32>} : memref<48x128xf32, #tpu.memory_space<vmem>>, vector<16xf32>,
        %get3A_2001 = arith.index_cast %mul3A_1965 : i32 to index
        %get3A_2002 = arith.constant 112 : index
        %get3A_2003 = tpu.vector_load %arg13[%get3A_2001, %get3A_2002] {strides = array<i32>} : memref<48x128xf32, #tpu.memory_space<vmem>>, vector<16xf32>,
        %get3A_2004 = arith.index_cast %mul3A_1965 : i32 to index
        %get3A_2005 = arith.constant 0 : index
        %get3A_2006 = tpu.vector_load %arg14[%get3A_2004, %get3A_2005] {strides = array<i32>} : memref<48x128xi32, #tpu.memory_space<vmem>>, vector<16xi32>,
        %get3A_2007 = arith.index_cast %mul3A_1965 : i32 to index
        %get3A_2008 = arith.constant 16 : index
        %get3A_2009 = tpu.vector_load %arg14[%get3A_2007, %get3A_2008] {strides = array<i32>} : memref<48x128xi32, #tpu.memory_space<vmem>>, vector<16xi32>,
        %get3A_2010 = arith.index_cast %mul3A_1965 : i32 to index
        %get3A_2011 = arith.constant 32 : index
        %get3A_2012 = tpu.vector_load %arg14[%get3A_2010, %get3A_2011] {strides = array<i32>} : memref<48x128xi32, #tpu.memory_space<vmem>>, vector<16xi32>,
        %get3A_2013 = arith.index_cast %mul3A_1965 : i32 to index
        %get3A_2014 = arith.constant 48 : index
        %get3A_2015 = tpu.vector_load %arg14[%get3A_2013, %get3A_2014] {strides = array<i32>} : memref<48x128xi32, #tpu.memory_space<vmem>>, vector<16xi32>,
        %shift_left3A_2016 = arith.constant 16 : i32
        %shift_left3A_2017 = vector.broadcast %shift_left3A_2016 : i32 to vector<16xi32>
        %shift_left3A_2018 = arith.shli %get3A_2006, %shift_left3A_2017 : vector<16xi32>
        %bitcast3A = vector.bitcast %shift_left3A_2018 : vector<16xi32> to vector<16xf32>
        %shift_left3A_2019 = arith.constant 16 : i32
        %shift_left3A_2020 = vector.broadcast %shift_left3A_2019 : i32 to vector<16xi32>
        %shift_left3A_2021 = arith.shli %get3A_2009, %shift_left3A_2020 : vector<16xi32>
        %bitcast3A_2022 = vector.bitcast %shift_left3A_2021 : vector<16xi32> to vector<16xf32>
        %shift_left3A_2023 = arith.constant 16 : i32
        %shift_left3A_2024 = vector.broadcast %shift_left3A_2023 : i32 to vector<16xi32>
        %shift_left3A_2025 = arith.shli %get3A_2012, %shift_left3A_2024 : vector<16xi32>
        %bitcast3A_2026 = vector.bitcast %shift_left3A_2025 : vector<16xi32> to vector<16xf32>
        %shift_left3A_2027 = arith.constant 16 : i32
        %shift_left3A_2028 = vector.broadcast %shift_left3A_2027 : i32 to vector<16xi32>
        %shift_left3A_2029 = arith.shli %get3A_2015, %shift_left3A_2028 : vector<16xi32>
        %bitcast3A_2030 = vector.bitcast %shift_left3A_2029 : vector<16xi32> to vector<16xf32>
        %and3A_2031 = arith.constant -65536 : i32
        %and3A_2032 = vector.broadcast %and3A_2031 : i32 to vector<16xi32>
        %and3A_2033 = arith.andi %get3A_2006, %and3A_2032 : vector<16xi32>
        %bitcast3A_2034 = vector.bitcast %and3A_2033 : vector<16xi32> to vector<16xf32>
        %and3A_2035 = arith.constant -65536 : i32
        %and3A_2036 = vector.broadcast %and3A_2035 : i32 to vector<16xi32>
        %and3A_2037 = arith.andi %get3A_2009, %and3A_2036 : vector<16xi32>
        %bitcast3A_2038 = vector.bitcast %and3A_2037 : vector<16xi32> to vector<16xf32>
        %and3A_2039 = arith.constant -65536 : i32
        %and3A_2040 = vector.broadcast %and3A_2039 : i32 to vector<16xi32>
        %and3A_2041 = arith.andi %get3A_2012, %and3A_2040 : vector<16xi32>
        %bitcast3A_2042 = vector.bitcast %and3A_2041 : vector<16xi32> to vector<16xf32>
        %and3A_2043 = arith.constant -65536 : i32
        %and3A_2044 = vector.broadcast %and3A_2043 : i32 to vector<16xi32>
        %and3A_2045 = arith.andi %get3A_2015, %and3A_2044 : vector<16xi32>
        %bitcast3A_2046 = vector.bitcast %and3A_2045 : vector<16xi32> to vector<16xf32>
        %mul3A_2047 = arith.mulf %get3A_1982, %bitcast3A : vector<16xf32>
        %broadcast_in_dim3A_2048 = arith.constant true
        %broadcast_in_dim3A_2049 = vector.broadcast %broadcast_in_dim3A_2048 : i1 to vector<16xi1>
        %masked_cumsum3A = tpu.scan <sum>, %mul3A_2047 masked %broadcast_in_dim3A_2049 : vector<16xf32>, vector<16xi1> -> vector<16xf32>
        %mul3A_2050 = arith.mulf %get3A_1985, %bitcast3A_2022 : vector<16xf32>
        %broadcast_in_dim3A_2051 = arith.constant true
        %broadcast_in_dim3A_2052 = vector.broadcast %broadcast_in_dim3A_2051 : i1 to vector<16xi1>
        %masked_cumsum3A_2053 = tpu.scan <sum>, %mul3A_2050 masked %broadcast_in_dim3A_2052 : vector<16xf32>, vector<16xi1> -> vector<16xf32>
        %mul3A_2054 = arith.mulf %get3A_1988, %bitcast3A_2026 : vector<16xf32>
        %broadcast_in_dim3A_2055 = arith.constant true
        %broadcast_in_dim3A_2056 = vector.broadcast %broadcast_in_dim3A_2055 : i1 to vector<16xi1>
        %masked_cumsum3A_2057 = tpu.scan <sum>, %mul3A_2054 masked %broadcast_in_dim3A_2056 : vector<16xf32>, vector<16xi1> -> vector<16xf32>
        %mul3A_2058 = arith.mulf %get3A_1991, %bitcast3A_2030 : vector<16xf32>
        %broadcast_in_dim3A_2059 = arith.constant true
        %broadcast_in_dim3A_2060 = vector.broadcast %broadcast_in_dim3A_2059 : i1 to vector<16xi1>
        %masked_cumsum3A_2061 = tpu.scan <sum>, %mul3A_2058 masked %broadcast_in_dim3A_2060 : vector<16xf32>, vector<16xi1> -> vector<16xf32>
        %mul3A_2062 = arith.mulf %get3A_1994, %bitcast3A_2034 : vector<16xf32>
        %broadcast_in_dim3A_2063 = arith.constant true
        %broadcast_in_dim3A_2064 = vector.broadcast %broadcast_in_dim3A_2063 : i1 to vector<16xi1>
        %masked_cumsum3A_2065 = tpu.scan <sum>, %mul3A_2062 masked %broadcast_in_dim3A_2064 : vector<16xf32>, vector<16xi1> -> vector<16xf32>
        %mul3A_2066 = arith.mulf %get3A_1997, %bitcast3A_2038 : vector<16xf32>
        %broadcast_in_dim3A_2067 = arith.constant true
        %broadcast_in_dim3A_2068 = vector.broadcast %broadcast_in_dim3A_2067 : i1 to vector<16xi1>
        %masked_cumsum3A_2069 = tpu.scan <sum>, %mul3A_2066 masked %broadcast_in_dim3A_2068 : vector<16xf32>, vector<16xi1> -> vector<16xf32>
        %mul3A_2070 = arith.mulf %get3A_2000, %bitcast3A_2042 : vector<16xf32>
        %broadcast_in_dim3A_2071 = arith.constant true
        %broadcast_in_dim3A_2072 = vector.broadcast %broadcast_in_dim3A_2071 : i1 to vector<16xi1>
        %masked_cumsum3A_2073 = tpu.scan <sum>, %mul3A_2070 masked %broadcast_in_dim3A_2072 : vector<16xf32>, vector<16xi1> -> vector<16xf32>
        %mul3A_2074 = arith.mulf %get3A_2003, %bitcast3A_2046 : vector<16xf32>
        %broadcast_in_dim3A_2075 = arith.constant true
        %broadcast_in_dim3A_2076 = vector.broadcast %broadcast_in_dim3A_2075 : i1 to vector<16xi1>
        %masked_cumsum3A_2077 = tpu.scan <sum>, %mul3A_2074 masked %broadcast_in_dim3A_2076 : vector<16xf32>, vector<16xi1> -> vector<16xf32>
        %get3A_2078 = arith.index_cast %add3A_1969 : i32 to index
        %get3A_2079 = arith.constant 0 : index
        %get3A_2080 = tpu.vector_load %arg13[%get3A_2078, %get3A_2079] {strides = array<i32>} : memref<48x128xf32, #tpu.memory_space<vmem>>, vector<16xf32>,
        %get3A_2081 = arith.index_cast %add3A_1969 : i32 to index
        %get3A_2082 = arith.constant 16 : index
        %get3A_2083 = tpu.vector_load %arg13[%get3A_2081, %get3A_2082] {strides = array<i32>} : memref<48x128xf32, #tpu.memory_space<vmem>>, vector<16xf32>,
        %get3A_2084 = arith.index_cast %add3A_1969 : i32 to index
        %get3A_2085 = arith.constant 32 : index
        %get3A_2086 = tpu.vector_load %arg13[%get3A_2084, %get3A_2085] {strides = array<i32>} : memref<48x128xf32, #tpu.memory_space<vmem>>, vector<16xf32>,
        %get3A_2087 = arith.index_cast %add3A_1969 : i32 to index
        %get3A_2088 = arith.constant 48 : index
        %get3A_2089 = tpu.vector_load %arg13[%get3A_2087, %get3A_2088] {strides = array<i32>} : memref<48x128xf32, #tpu.memory_space<vmem>>, vector<16xf32>,
        %get3A_2090 = arith.index_cast %add3A_1969 : i32 to index
        %get3A_2091 = arith.constant 64 : index
        %get3A_2092 = tpu.vector_load %arg13[%get3A_2090, %get3A_2091] {strides = array<i32>} : memref<48x128xf32, #tpu.memory_space<vmem>>, vector<16xf32>,
        %get3A_2093 = arith.index_cast %add3A_1969 : i32 to index
        %get3A_2094 = arith.constant 80 : index
        %get3A_2095 = tpu.vector_load %arg13[%get3A_2093, %get3A_2094] {strides = array<i32>} : memref<48x128xf32, #tpu.memory_space<vmem>>, vector<16xf32>,
        %get3A_2096 = arith.index_cast %add3A_1969 : i32 to index
        %get3A_2097 = arith.constant 96 : index
        %get3A_2098 = tpu.vector_load %arg13[%get3A_2096, %get3A_2097] {strides = array<i32>} : memref<48x128xf32, #tpu.memory_space<vmem>>, vector<16xf32>,
        %get3A_2099 = arith.index_cast %add3A_1969 : i32 to index
        %get3A_2100 = arith.constant 112 : index
        %get3A_2101 = tpu.vector_load %arg13[%get3A_2099, %get3A_2100] {strides = array<i32>} : memref<48x128xf32, #tpu.memory_space<vmem>>, vector<16xf32>,
        %get3A_2102 = arith.index_cast %add3A_1969 : i32 to index
        %get3A_2103 = arith.constant 0 : index
        %get3A_2104 = tpu.vector_load %arg14[%get3A_2102, %get3A_2103] {strides = array<i32>} : memref<48x128xi32, #tpu.memory_space<vmem>>, vector<16xi32>,
        %get3A_2105 = arith.index_cast %add3A_1969 : i32 to index
        %get3A_2106 = arith.constant 16 : index
        %get3A_2107 = tpu.vector_load %arg14[%get3A_2105, %get3A_2106] {strides = array<i32>} : memref<48x128xi32, #tpu.memory_space<vmem>>, vector<16xi32>,
        %get3A_2108 = arith.index_cast %add3A_1969 : i32 to index
        %get3A_2109 = arith.constant 32 : index
        %get3A_2110 = tpu.vector_load %arg14[%get3A_2108, %get3A_2109] {strides = array<i32>} : memref<48x128xi32, #tpu.memory_space<vmem>>, vector<16xi32>,
        %get3A_2111 = arith.index_cast %add3A_1969 : i32 to index
        %get3A_2112 = arith.constant 48 : index
        %get3A_2113 = tpu.vector_load %arg14[%get3A_2111, %get3A_2112] {strides = array<i32>} : memref<48x128xi32, #tpu.memory_space<vmem>>, vector<16xi32>,
        %shift_left3A_2114 = arith.constant 16 : i32
        %shift_left3A_2115 = vector.broadcast %shift_left3A_2114 : i32 to vector<16xi32>
        %shift_left3A_2116 = arith.shli %get3A_2104, %shift_left3A_2115 : vector<16xi32>
        %bitcast3A_2117 = vector.bitcast %shift_left3A_2116 : vector<16xi32> to vector<16xf32>
        %shift_left3A_2118 = arith.constant 16 : i32
        %shift_left3A_2119 = vector.broadcast %shift_left3A_2118 : i32 to vector<16xi32>
        %shift_left3A_2120 = arith.shli %get3A_2107, %shift_left3A_2119 : vector<16xi32>
        %bitcast3A_2121 = vector.bitcast %shift_left3A_2120 : vector<16xi32> to vector<16xf32>
        %shift_left3A_2122 = arith.constant 16 : i32
        %shift_left3A_2123 = vector.broadcast %shift_left3A_2122 : i32 to vector<16xi32>
        %shift_left3A_2124 = arith.shli %get3A_2110, %shift_left3A_2123 : vector<16xi32>
        %bitcast3A_2125 = vector.bitcast %shift_left3A_2124 : vector<16xi32> to vector<16xf32>
        %shift_left3A_2126 = arith.constant 16 : i32
        %shift_left3A_2127 = vector.broadcast %shift_left3A_2126 : i32 to vector<16xi32>
        %shift_left3A_2128 = arith.shli %get3A_2113, %shift_left3A_2127 : vector<16xi32>
        %bitcast3A_2129 = vector.bitcast %shift_left3A_2128 : vector<16xi32> to vector<16xf32>
        %and3A_2130 = arith.constant -65536 : i32
        %and3A_2131 = vector.broadcast %and3A_2130 : i32 to vector<16xi32>
        %and3A_2132 = arith.andi %get3A_2104, %and3A_2131 : vector<16xi32>
        %bitcast3A_2133 = vector.bitcast %and3A_2132 : vector<16xi32> to vector<16xf32>
        %and3A_2134 = arith.constant -65536 : i32
        %and3A_2135 = vector.broadcast %and3A_2134 : i32 to vector<16xi32>
        %and3A_2136 = arith.andi %get3A_2107, %and3A_2135 : vector<16xi32>
        %bitcast3A_2137 = vector.bitcast %and3A_2136 : vector<16xi32> to vector<16xf32>
        %and3A_2138 = arith.constant -65536 : i32
        %and3A_2139 = vector.broadcast %and3A_2138 : i32 to vector<16xi32>
        %and3A_2140 = arith.andi %get3A_2110, %and3A_2139 : vector<16xi32>
        %bitcast3A_2141 = vector.bitcast %and3A_2140 : vector<16xi32> to vector<16xf32>
        %and3A_2142 = arith.constant -65536 : i32
        %and3A_2143 = vector.broadcast %and3A_2142 : i32 to vector<16xi32>
        %and3A_2144 = arith.andi %get3A_2113, %and3A_2143 : vector<16xi32>
        %bitcast3A_2145 = vector.bitcast %and3A_2144 : vector<16xi32> to vector<16xf32>
        tpu.vector_store_idx %arg18[%add3A_1974, %broadcast_in_dim3A_7], %masked_cumsum3A masked %eq3A_2 : memref<48x16xf32, #tpu.memory_space<vmem>>[vector<16xi32>, vector<16xi32>], vector<16xf32>, vector<16xi1>
        tpu.vector_store_idx %arg18[%add3A_1974, %broadcast_in_dim3A_9], %masked_cumsum3A_2053 masked %eq3A_2 : memref<48x16xf32, #tpu.memory_space<vmem>>[vector<16xi32>, vector<16xi32>], vector<16xf32>, vector<16xi1>
        tpu.vector_store_idx %arg18[%add3A_1974, %broadcast_in_dim3A_11], %masked_cumsum3A_2057 masked %eq3A_2 : memref<48x16xf32, #tpu.memory_space<vmem>>[vector<16xi32>, vector<16xi32>], vector<16xf32>, vector<16xi1>
        tpu.vector_store_idx %arg18[%add3A_1974, %broadcast_in_dim3A_13], %masked_cumsum3A_2061 masked %eq3A_2 : memref<48x16xf32, #tpu.memory_space<vmem>>[vector<16xi32>, vector<16xi32>], vector<16xf32>, vector<16xi1>
        tpu.vector_store_idx %arg18[%add3A_1974, %broadcast_in_dim3A_15], %masked_cumsum3A_2065 masked %eq3A_2 : memref<48x16xf32, #tpu.memory_space<vmem>>[vector<16xi32>, vector<16xi32>], vector<16xf32>, vector<16xi1>
        tpu.vector_store_idx %arg18[%add3A_1974, %broadcast_in_dim3A_17], %masked_cumsum3A_2069 masked %eq3A_2 : memref<48x16xf32, #tpu.memory_space<vmem>>[vector<16xi32>, vector<16xi32>], vector<16xf32>, vector<16xi1>
        tpu.vector_store_idx %arg18[%add3A_1974, %broadcast_in_dim3A_19], %masked_cumsum3A_2073 masked %eq3A_2 : memref<48x16xf32, #tpu.memory_space<vmem>>[vector<16xi32>, vector<16xi32>], vector<16xf32>, vector<16xi1>
        tpu.vector_store_idx %arg18[%add3A_1974, %broadcast_in_dim3A_21], %masked_cumsum3A_2077 masked %eq3A_2 : memref<48x16xf32, #tpu.memory_space<vmem>>[vector<16xi32>, vector<16xi32>], vector<16xf32>, vector<16xi1>
        %mul3A_2146 = arith.mulf %get3A_2080, %bitcast3A_2117 : vector<16xf32>
        %broadcast_in_dim3A_2147 = arith.constant true
        %broadcast_in_dim3A_2148 = vector.broadcast %broadcast_in_dim3A_2147 : i1 to vector<16xi1>
        %masked_cumsum3A_2149 = tpu.scan <sum>, %mul3A_2146 masked %broadcast_in_dim3A_2148 : vector<16xf32>, vector<16xi1> -> vector<16xf32>
        %mul3A_2150 = arith.mulf %get3A_2083, %bitcast3A_2121 : vector<16xf32>
        %broadcast_in_dim3A_2151 = arith.constant true
        %broadcast_in_dim3A_2152 = vector.broadcast %broadcast_in_dim3A_2151 : i1 to vector<16xi1>
        %masked_cumsum3A_2153 = tpu.scan <sum>, %mul3A_2150 masked %broadcast_in_dim3A_2152 : vector<16xf32>, vector<16xi1> -> vector<16xf32>
        %mul3A_2154 = arith.mulf %get3A_2086, %bitcast3A_2125 : vector<16xf32>
        %broadcast_in_dim3A_2155 = arith.constant true
        %broadcast_in_dim3A_2156 = vector.broadcast %broadcast_in_dim3A_2155 : i1 to vector<16xi1>
        %masked_cumsum3A_2157 = tpu.scan <sum>, %mul3A_2154 masked %broadcast_in_dim3A_2156 : vector<16xf32>, vector<16xi1> -> vector<16xf32>
        %mul3A_2158 = arith.mulf %get3A_2089, %bitcast3A_2129 : vector<16xf32>
        %broadcast_in_dim3A_2159 = arith.constant true
        %broadcast_in_dim3A_2160 = vector.broadcast %broadcast_in_dim3A_2159 : i1 to vector<16xi1>
        %masked_cumsum3A_2161 = tpu.scan <sum>, %mul3A_2158 masked %broadcast_in_dim3A_2160 : vector<16xf32>, vector<16xi1> -> vector<16xf32>
        %mul3A_2162 = arith.mulf %get3A_2092, %bitcast3A_2133 : vector<16xf32>
        %broadcast_in_dim3A_2163 = arith.constant true
        %broadcast_in_dim3A_2164 = vector.broadcast %broadcast_in_dim3A_2163 : i1 to vector<16xi1>
        %masked_cumsum3A_2165 = tpu.scan <sum>, %mul3A_2162 masked %broadcast_in_dim3A_2164 : vector<16xf32>, vector<16xi1> -> vector<16xf32>
        %mul3A_2166 = arith.mulf %get3A_2095, %bitcast3A_2137 : vector<16xf32>
        %broadcast_in_dim3A_2167 = arith.constant true
        %broadcast_in_dim3A_2168 = vector.broadcast %broadcast_in_dim3A_2167 : i1 to vector<16xi1>
        %masked_cumsum3A_2169 = tpu.scan <sum>, %mul3A_2166 masked %broadcast_in_dim3A_2168 : vector<16xf32>, vector<16xi1> -> vector<16xf32>
        %mul3A_2170 = arith.mulf %get3A_2098, %bitcast3A_2141 : vector<16xf32>
        %broadcast_in_dim3A_2171 = arith.constant true
        %broadcast_in_dim3A_2172 = vector.broadcast %broadcast_in_dim3A_2171 : i1 to vector<16xi1>
        %masked_cumsum3A_2173 = tpu.scan <sum>, %mul3A_2170 masked %broadcast_in_dim3A_2172 : vector<16xf32>, vector<16xi1> -> vector<16xf32>
        %mul3A_2174 = arith.mulf %get3A_2101, %bitcast3A_2145 : vector<16xf32>
        %broadcast_in_dim3A_2175 = arith.constant true
        %broadcast_in_dim3A_2176 = vector.broadcast %broadcast_in_dim3A_2175 : i1 to vector<16xi1>
        %masked_cumsum3A_2177 = tpu.scan <sum>, %mul3A_2174 masked %broadcast_in_dim3A_2176 : vector<16xf32>, vector<16xi1> -> vector<16xf32>
        %get3A_2178 = arith.index_cast %mul3A_1965 : i32 to index
        %get3A_2179 = arith.constant 0 : index
        %get3A_2180 = tpu.vector_load %arg18[%get3A_2178, %get3A_2179] {strides = array<i32>} : memref<48x16xf32, #tpu.memory_space<vmem>>, vector<16xf32>,
        %exp3A = math.exp %get3A_2180 : vector<16xf32>
        %swap3A_2181 = arith.index_cast %mul3A_1965 : i32 to index
        %swap3A_2182 = arith.constant 0 : index
        %swap3A_2183 = tpu.vector_load %arg18[%swap3A_2181, %swap3A_2182] {strides = array<i32>} : memref<48x16xf32, #tpu.memory_space<vmem>>, vector<16xf32>,
        tpu.vector_store %arg18[%swap3A_2181, %swap3A_2182], %exp3A {strides = array<i32>} : memref<48x16xf32, #tpu.memory_space<vmem>>, vector<16xf32>,
        tpu.vector_store_idx %arg18[%add3A_1979, %broadcast_in_dim3A_7], %masked_cumsum3A_2149 masked %eq3A_2 : memref<48x16xf32, #tpu.memory_space<vmem>>[vector<16xi32>, vector<16xi32>], vector<16xf32>, vector<16xi1>
        tpu.vector_store_idx %arg18[%add3A_1979, %broadcast_in_dim3A_9], %masked_cumsum3A_2153 masked %eq3A_2 : memref<48x16xf32, #tpu.memory_space<vmem>>[vector<16xi32>, vector<16xi32>], vector<16xf32>, vector<16xi1>
        tpu.vector_store_idx %arg18[%add3A_1979, %broadcast_in_dim3A_11], %masked_cumsum3A_2157 masked %eq3A_2 : memref<48x16xf32, #tpu.memory_space<vmem>>[vector<16xi32>, vector<16xi32>], vector<16xf32>, vector<16xi1>
        tpu.vector_store_idx %arg18[%add3A_1979, %broadcast_in_dim3A_13], %masked_cumsum3A_2161 masked %eq3A_2 : memref<48x16xf32, #tpu.memory_space<vmem>>[vector<16xi32>, vector<16xi32>], vector<16xf32>, vector<16xi1>
        tpu.vector_store_idx %arg18[%add3A_1979, %broadcast_in_dim3A_15], %masked_cumsum3A_2165 masked %eq3A_2 : memref<48x16xf32, #tpu.memory_space<vmem>>[vector<16xi32>, vector<16xi32>], vector<16xf32>, vector<16xi1>
        tpu.vector_store_idx %arg18[%add3A_1979, %broadcast_in_dim3A_17], %masked_cumsum3A_2169 masked %eq3A_2 : memref<48x16xf32, #tpu.memory_space<vmem>>[vector<16xi32>, vector<16xi32>], vector<16xf32>, vector<16xi1>
        tpu.vector_store_idx %arg18[%add3A_1979, %broadcast_in_dim3A_19], %masked_cumsum3A_2173 masked %eq3A_2 : memref<48x16xf32, #tpu.memory_space<vmem>>[vector<16xi32>, vector<16xi32>], vector<16xf32>, vector<16xi1>
        tpu.vector_store_idx %arg18[%add3A_1979, %broadcast_in_dim3A_21], %masked_cumsum3A_2177 masked %eq3A_2 : memref<48x16xf32, #tpu.memory_space<vmem>>[vector<16xi32>, vector<16xi32>], vector<16xf32>, vector<16xi1>
        %get3A_2184 = arith.index_cast %add3A_1969 : i32 to index
        %get3A_2185 = arith.constant 0 : index
        %get3A_2186 = tpu.vector_load %arg18[%get3A_2184, %get3A_2185] {strides = array<i32>} : memref<48x16xf32, #tpu.memory_space<vmem>>, vector<16xf32>,
        %exp3A_2187 = math.exp %get3A_2186 : vector<16xf32>
        %swap3A_2188 = arith.index_cast %add3A_1969 : i32 to index
        %swap3A_2189 = arith.constant 0 : index
        %swap3A_2190 = tpu.vector_load %arg18[%swap3A_2188, %swap3A_2189] {strides = array<i32>} : memref<48x16xf32, #tpu.memory_space<vmem>>, vector<16xf32>,
        tpu.vector_store %arg18[%swap3A_2188, %swap3A_2189], %exp3A_2187 {strides = array<i32>} : memref<48x16xf32, #tpu.memory_space<vmem>>, vector<16xf32>,
        %scan3A_2191 = arith.constant 0 : i32
        scf.yield %scan3A_2191 : i32
      }
      %scan3A_361 = arith.constant 24 : i32
      %mul3A_362 = arith.constant 2 : i32
      %mul3A_363 = arith.muli %mul3A_362, %scan3A_347 : i32
      %add3A_364 = arith.constant 0 : i32
      %add3A_365 = arith.addi %mul3A_363, %add3A_364 : i32
      %add3A_366 = arith.constant 1 : i32
      %add3A_367 = arith.addi %add3A_365, %add3A_366 : i32
      %mul3A_368 = arith.constant 48 : i32
      %mul3A_369 = arith.muli %add3A_367, %mul3A_368 : i32
      %add3A_370 = arith.addi %mul3A_184, %mul3A_369 : i32
      %dma_start3A_371 = tpu.memref_slice %arg4[%add3A_370] : memref<322608xi32, #tpu.memory_space<hbm>> -> memref<48xi32, #tpu.memory_space<hbm>>
      %dma_start3A_372 = tpu.memref_slice %arg4[%add3A_370] : memref<322608xi32, #tpu.memory_space<hbm>> -> memref<48xi32, #tpu.memory_space<hbm>>
      tpu.enqueue_dma source(%dma_start3A_372 : memref<48xi32, #tpu.memory_space<hbm>>) target(%arg9 : memref<48xi32, #tpu.memory_space<vmem>>) target_semaphore(%arg24 : memref<!tpu.dma_semaphore, #tpu.memory_space<semaphore_mem>>)
      %dma_start3A_373 = tpu.memref_slice %arg5[%add3A_370] : memref<322608xi32, #tpu.memory_space<hbm>> -> memref<48xi32, #tpu.memory_space<hbm>>
      %dma_start3A_374 = tpu.memref_slice %arg5[%add3A_370] : memref<322608xi32, #tpu.memory_space<hbm>> -> memref<48xi32, #tpu.memory_space<hbm>>
      tpu.enqueue_dma source(%dma_start3A_374 : memref<48xi32, #tpu.memory_space<hbm>>) target(%arg11 : memref<48xi32, #tpu.memory_space<vmem>>) target_semaphore(%arg25 : memref<!tpu.dma_semaphore, #tpu.memory_space<semaphore_mem>>)
      %dma_wait3A_375 = tpu.memref_slice %arg4[%add3A_370] : memref<322608xi32, #tpu.memory_space<hbm>> -> memref<48xi32, #tpu.memory_space<hbm>>
      %dma_wait3A_376 = tpu.memref_slice %arg4[%add3A_370] : memref<322608xi32, #tpu.memory_space<hbm>> -> memref<48xi32, #tpu.memory_space<hbm>>
      tpu.wait_dma2 semaphore(%arg24 : memref<!tpu.dma_semaphore, #tpu.memory_space<semaphore_mem>>) src(%dma_wait3A_376 : memref<48xi32, #tpu.memory_space<hbm>>) dst(%arg9 : memref<48xi32, #tpu.memory_space<vmem>>)
      %dma_wait3A_377 = tpu.memref_slice %arg5[%add3A_370] : memref<322608xi32, #tpu.memory_space<hbm>> -> memref<48xi32, #tpu.memory_space<hbm>>
      %dma_wait3A_378 = tpu.memref_slice %arg5[%add3A_370] : memref<322608xi32, #tpu.memory_space<hbm>> -> memref<48xi32, #tpu.memory_space<hbm>>
      tpu.wait_dma2 semaphore(%arg25 : memref<!tpu.dma_semaphore, #tpu.memory_space<semaphore_mem>>) src(%dma_wait3A_378 : memref<48xi32, #tpu.memory_space<hbm>>) dst(%arg11 : memref<48xi32, #tpu.memory_space<vmem>>)
      %dma_start3A_379 = arith.constant 0 : i32
      %dma_start3A_380 = arith.constant 0 : i32
      %dma_start3A_381 = tpu.memref_slice %arg2[%dma_start3A_379, %dma_start3A_380] : memref<10016x128xf32, #tpu.memory_space<hbm>> -> memref<10016x128xf32, #tpu.memory_space<hbm>>
      tpu.enqueue_indirect_dma source(%dma_start3A_381 : memref<10016x128xf32, #tpu.memory_space<hbm>>) target(%arg13 : memref<48x128xf32, #tpu.memory_space<vmem>>) offsets(%arg11 : memref<48xi32, #tpu.memory_space<vmem>>) semaphore(%arg22 : memref<!tpu.dma_semaphore, #tpu.memory_space<semaphore_mem>>)
      %dma_start3A_382 = arith.constant 0 : i32
      %dma_start3A_383 = arith.constant 0 : i32
      %dma_start3A_384 = tpu.memref_slice %arg3[%dma_start3A_382, %dma_start3A_383] : memref<10016x128xi32, #tpu.memory_space<hbm>> -> memref<10016x128xi32, #tpu.memory_space<hbm>>
      tpu.enqueue_indirect_dma source(%dma_start3A_384 : memref<10016x128xi32, #tpu.memory_space<hbm>>) target(%arg15 : memref<48x128xi32, #tpu.memory_space<vmem>>) offsets(%arg9 : memref<48xi32, #tpu.memory_space<vmem>>) semaphore(%arg23 : memref<!tpu.dma_semaphore, #tpu.memory_space<semaphore_mem>>)
      %gt3A = arith.constant 0 : i32
      %gt3A_385 = arith.cmpi sgt, %scan3A_347, %gt3A : i32
      %convert_element_type3A_386 = arith.extui %gt3A_385 : i1 to i32
      %cond3A_387 = arith.constant 0 : i32
      %cond3A_388 = arith.cmpi ne, %convert_element_type3A_386, %cond3A_387 : i32
      scf.if %cond3A_388 {
        %dma_wait3A_1962 = arith.constant 0 : i32
        %dma_wait3A_1963 = arith.constant 0 : i32
        %dma_wait3A_1964 = tpu.memref_slice %arg20[%dma_wait3A_1962, %dma_wait3A_1963] : memref<10032x128xf32, #tpu.memory_space<vmem_shared>> -> memref<10032x128xf32, #tpu.memory_space<vmem_shared>>
        tpu.wait_indirect_dma semaphore(%arg26 : memref<!tpu.dma_semaphore, #tpu.memory_space<semaphore_mem>>) src(%arg16 : memref<48x128xf32, #tpu.memory_space<vmem>>) dst(%dma_wait3A_1964 : memref<10032x128xf32, #tpu.memory_space<vmem_shared>>)
      } else {
      }
      %scan3A_389 = arith.constant 0 : i32
      %scan3A_390 = arith.constant 0 : i32
      %scan3A_391 = arith.constant 24 : i32
      %scan3A_392 = arith.addi %scan3A_390, %scan3A_391 : i32
      %scan3A_393 = arith.constant 1 : i32
      %scan3A_394 = scf.for %scan3A_1962 = %scan3A_390 to %scan3A_392 step %scan3A_393 iter_args(%scan3A_1963 = %scan3A_389) -> (i32)  : i32 {
        %mul3A_1964 = arith.constant 2 : i32
        %mul3A_1965 = arith.muli %mul3A_1964, %scan3A_1962 : i32
        %mul3A_1966 = arith.constant 2 : i32
        %mul3A_1967 = arith.muli %mul3A_1966, %scan3A_1962 : i32
        %add3A_1968 = arith.constant 1 : i32
        %add3A_1969 = arith.addi %mul3A_1967, %add3A_1968 : i32
        %get3A_1970 = arith.index_cast %mul3A_1965 : i32 to index
        %get3A_1971 = arith.constant 0 : index
        %get3A_1972 = tpu.vector_load %arg18[%get3A_1970, %get3A_1971] {strides = array<i32>} : memref<48x16xf32, #tpu.memory_space<vmem>>, vector<16xf32>,
        %gather3A = vector.shape_cast %broadcast_in_dim3A_23 : vector<16x1xi32> to vector<16xi32>
        %gather3A_1973 = tpu.dynamic_gather %get3A_1972[%gather3A] in [0] : vector<16xf32>, vector<16xi32> -> vector<16xf32>
        %gather3A_1974 = vector.shape_cast %broadcast_in_dim3A_25 : vector<16x1xi32> to vector<16xi32>
        %gather3A_1975 = tpu.dynamic_gather %get3A_1972[%gather3A_1974] in [0] : vector<16xf32>, vector<16xi32> -> vector<16xf32>
        %gather3A_1976 = vector.shape_cast %broadcast_in_dim3A_27 : vector<16x1xi32> to vector<16xi32>
        %gather3A_1977 = tpu.dynamic_gather %get3A_1972[%gather3A_1976] in [0] : vector<16xf32>, vector<16xi32> -> vector<16xf32>
        %gather3A_1978 = vector.shape_cast %broadcast_in_dim3A_29 : vector<16x1xi32> to vector<16xi32>
        %gather3A_1979 = tpu.dynamic_gather %get3A_1972[%gather3A_1978] in [0] : vector<16xf32>, vector<16xi32> -> vector<16xf32>
        %gather3A_1980 = vector.shape_cast %broadcast_in_dim3A_31 : vector<16x1xi32> to vector<16xi32>
        %gather3A_1981 = tpu.dynamic_gather %get3A_1972[%gather3A_1980] in [0] : vector<16xf32>, vector<16xi32> -> vector<16xf32>
        %gather3A_1982 = vector.shape_cast %broadcast_in_dim3A_33 : vector<16x1xi32> to vector<16xi32>
        %gather3A_1983 = tpu.dynamic_gather %get3A_1972[%gather3A_1982] in [0] : vector<16xf32>, vector<16xi32> -> vector<16xf32>
        %gather3A_1984 = vector.shape_cast %broadcast_in_dim3A_35 : vector<16x1xi32> to vector<16xi32>
        %gather3A_1985 = tpu.dynamic_gather %get3A_1972[%gather3A_1984] in [0] : vector<16xf32>, vector<16xi32> -> vector<16xf32>
        %gather3A_1986 = vector.shape_cast %broadcast_in_dim3A_37 : vector<16x1xi32> to vector<16xi32>
        %gather3A_1987 = tpu.dynamic_gather %get3A_1972[%gather3A_1986] in [0] : vector<16xf32>, vector<16xi32> -> vector<16xf32>
        %get3A_1988 = arith.index_cast %mul3A_1965 : i32 to index
        %get3A_1989 = arith.constant 64 : index
        %get3A_1990 = tpu.vector_load %arg14[%get3A_1988, %get3A_1989] {strides = array<i32>} : memref<48x128xi32, #tpu.memory_space<vmem>>, vector<16xi32>,
        %get3A_1991 = arith.index_cast %mul3A_1965 : i32 to index
        %get3A_1992 = arith.constant 80 : index
        %get3A_1993 = tpu.vector_load %arg14[%get3A_1991, %get3A_1992] {strides = array<i32>} : memref<48x128xi32, #tpu.memory_space<vmem>>, vector<16xi32>,
        %get3A_1994 = arith.index_cast %mul3A_1965 : i32 to index
        %get3A_1995 = arith.constant 96 : index
        %get3A_1996 = tpu.vector_load %arg14[%get3A_1994, %get3A_1995] {strides = array<i32>} : memref<48x128xi32, #tpu.memory_space<vmem>>, vector<16xi32>,
        %get3A_1997 = arith.index_cast %mul3A_1965 : i32 to index
        %get3A_1998 = arith.constant 112 : index
        %get3A_1999 = tpu.vector_load %arg14[%get3A_1997, %get3A_1998] {strides = array<i32>} : memref<48x128xi32, #tpu.memory_space<vmem>>, vector<16xi32>,
        %shift_left3A_2000 = arith.constant 16 : i32
        %shift_left3A_2001 = vector.broadcast %shift_left3A_2000 : i32 to vector<16xi32>
        %shift_left3A_2002 = arith.shli %get3A_1990, %shift_left3A_2001 : vector<16xi32>
        %bitcast3A = vector.bitcast %shift_left3A_2002 : vector<16xi32> to vector<16xf32>
        %shift_left3A_2003 = arith.constant 16 : i32
        %shift_left3A_2004 = vector.broadcast %shift_left3A_2003 : i32 to vector<16xi32>
        %shift_left3A_2005 = arith.shli %get3A_1993, %shift_left3A_2004 : vector<16xi32>
        %bitcast3A_2006 = vector.bitcast %shift_left3A_2005 : vector<16xi32> to vector<16xf32>
        %shift_left3A_2007 = arith.constant 16 : i32
        %shift_left3A_2008 = vector.broadcast %shift_left3A_2007 : i32 to vector<16xi32>
        %shift_left3A_2009 = arith.shli %get3A_1996, %shift_left3A_2008 : vector<16xi32>
        %bitcast3A_2010 = vector.bitcast %shift_left3A_2009 : vector<16xi32> to vector<16xf32>
        %shift_left3A_2011 = arith.constant 16 : i32
        %shift_left3A_2012 = vector.broadcast %shift_left3A_2011 : i32 to vector<16xi32>
        %shift_left3A_2013 = arith.shli %get3A_1999, %shift_left3A_2012 : vector<16xi32>
        %bitcast3A_2014 = vector.bitcast %shift_left3A_2013 : vector<16xi32> to vector<16xf32>
        %and3A_2015 = arith.constant -65536 : i32
        %and3A_2016 = vector.broadcast %and3A_2015 : i32 to vector<16xi32>
        %and3A_2017 = arith.andi %get3A_1990, %and3A_2016 : vector<16xi32>
        %bitcast3A_2018 = vector.bitcast %and3A_2017 : vector<16xi32> to vector<16xf32>
        %and3A_2019 = arith.constant -65536 : i32
        %and3A_2020 = vector.broadcast %and3A_2019 : i32 to vector<16xi32>
        %and3A_2021 = arith.andi %get3A_1993, %and3A_2020 : vector<16xi32>
        %bitcast3A_2022 = vector.bitcast %and3A_2021 : vector<16xi32> to vector<16xf32>
        %and3A_2023 = arith.constant -65536 : i32
        %and3A_2024 = vector.broadcast %and3A_2023 : i32 to vector<16xi32>
        %and3A_2025 = arith.andi %get3A_1996, %and3A_2024 : vector<16xi32>
        %bitcast3A_2026 = vector.bitcast %and3A_2025 : vector<16xi32> to vector<16xf32>
        %and3A_2027 = arith.constant -65536 : i32
        %and3A_2028 = vector.broadcast %and3A_2027 : i32 to vector<16xi32>
        %and3A_2029 = arith.andi %get3A_1999, %and3A_2028 : vector<16xi32>
        %bitcast3A_2030 = vector.bitcast %and3A_2029 : vector<16xi32> to vector<16xf32>
        %mul3A_2031 = arith.mulf %bitcast3A, %gather3A_1973 : vector<16xf32>
        %swap3A_2032 = arith.index_cast %mul3A_1965 : i32 to index
        %swap3A_2033 = arith.constant 0 : index
        %swap3A_2034 = tpu.vector_load %arg16[%swap3A_2032, %swap3A_2033] {strides = array<i32>} : memref<48x128xf32, #tpu.memory_space<vmem>>, vector<16xf32>,
        tpu.vector_store %arg16[%swap3A_2032, %swap3A_2033], %mul3A_2031 {strides = array<i32>} : memref<48x128xf32, #tpu.memory_space<vmem>>, vector<16xf32>,
        %mul3A_2035 = arith.mulf %bitcast3A_2006, %gather3A_1975 : vector<16xf32>
        %swap3A_2036 = arith.index_cast %mul3A_1965 : i32 to index
        %swap3A_2037 = arith.constant 16 : index
        %swap3A_2038 = tpu.vector_load %arg16[%swap3A_2036, %swap3A_2037] {strides = array<i32>} : memref<48x128xf32, #tpu.memory_space<vmem>>, vector<16xf32>,
        tpu.vector_store %arg16[%swap3A_2036, %swap3A_2037], %mul3A_2035 {strides = array<i32>} : memref<48x128xf32, #tpu.memory_space<vmem>>, vector<16xf32>,
        %mul3A_2039 = arith.mulf %bitcast3A_2010, %gather3A_1977 : vector<16xf32>
        %swap3A_2040 = arith.index_cast %mul3A_1965 : i32 to index
        %swap3A_2041 = arith.constant 32 : index
        %swap3A_2042 = tpu.vector_load %arg16[%swap3A_2040, %swap3A_2041] {strides = array<i32>} : memref<48x128xf32, #tpu.memory_space<vmem>>, vector<16xf32>,
        tpu.vector_store %arg16[%swap3A_2040, %swap3A_2041], %mul3A_2039 {strides = array<i32>} : memref<48x128xf32, #tpu.memory_space<vmem>>, vector<16xf32>,
        %mul3A_2043 = arith.mulf %bitcast3A_2014, %gather3A_1979 : vector<16xf32>
        %swap3A_2044 = arith.index_cast %mul3A_1965 : i32 to index
        %swap3A_2045 = arith.constant 48 : index
        %swap3A_2046 = tpu.vector_load %arg16[%swap3A_2044, %swap3A_2045] {strides = array<i32>} : memref<48x128xf32, #tpu.memory_space<vmem>>, vector<16xf32>,
        tpu.vector_store %arg16[%swap3A_2044, %swap3A_2045], %mul3A_2043 {strides = array<i32>} : memref<48x128xf32, #tpu.memory_space<vmem>>, vector<16xf32>,
        %mul3A_2047 = arith.mulf %bitcast3A_2018, %gather3A_1981 : vector<16xf32>
        %swap3A_2048 = arith.index_cast %mul3A_1965 : i32 to index
        %swap3A_2049 = arith.constant 64 : index
        %swap3A_2050 = tpu.vector_load %arg16[%swap3A_2048, %swap3A_2049] {strides = array<i32>} : memref<48x128xf32, #tpu.memory_space<vmem>>, vector<16xf32>,
        tpu.vector_store %arg16[%swap3A_2048, %swap3A_2049], %mul3A_2047 {strides = array<i32>} : memref<48x128xf32, #tpu.memory_space<vmem>>, vector<16xf32>,
        %mul3A_2051 = arith.mulf %bitcast3A_2022, %gather3A_1983 : vector<16xf32>
        %swap3A_2052 = arith.index_cast %mul3A_1965 : i32 to index
        %swap3A_2053 = arith.constant 80 : index
        %swap3A_2054 = tpu.vector_load %arg16[%swap3A_2052, %swap3A_2053] {strides = array<i32>} : memref<48x128xf32, #tpu.memory_space<vmem>>, vector<16xf32>,
        tpu.vector_store %arg16[%swap3A_2052, %swap3A_2053], %mul3A_2051 {strides = array<i32>} : memref<48x128xf32, #tpu.memory_space<vmem>>, vector<16xf32>,
        %mul3A_2055 = arith.mulf %bitcast3A_2026, %gather3A_1985 : vector<16xf32>
        %swap3A_2056 = arith.index_cast %mul3A_1965 : i32 to index
        %swap3A_2057 = arith.constant 96 : index
        %swap3A_2058 = tpu.vector_load %arg16[%swap3A_2056, %swap3A_2057] {strides = array<i32>} : memref<48x128xf32, #tpu.memory_space<vmem>>, vector<16xf32>,
        tpu.vector_store %arg16[%swap3A_2056, %swap3A_2057], %mul3A_2055 {strides = array<i32>} : memref<48x128xf32, #tpu.memory_space<vmem>>, vector<16xf32>,
        %mul3A_2059 = arith.mulf %bitcast3A_2030, %gather3A_1987 : vector<16xf32>
        %swap3A_2060 = arith.index_cast %mul3A_1965 : i32 to index
        %swap3A_2061 = arith.constant 112 : index
        %swap3A_2062 = tpu.vector_load %arg16[%swap3A_2060, %swap3A_2061] {strides = array<i32>} : memref<48x128xf32, #tpu.memory_space<vmem>>, vector<16xf32>,
        tpu.vector_store %arg16[%swap3A_2060, %swap3A_2061], %mul3A_2059 {strides = array<i32>} : memref<48x128xf32, #tpu.memory_space<vmem>>, vector<16xf32>,
        %get3A_2063 = arith.index_cast %add3A_1969 : i32 to index
        %get3A_2064 = arith.constant 0 : index
        %get3A_2065 = tpu.vector_load %arg18[%get3A_2063, %get3A_2064] {strides = array<i32>} : memref<48x16xf32, #tpu.memory_space<vmem>>, vector<16xf32>,
        %gather3A_2066 = vector.shape_cast %broadcast_in_dim3A_23 : vector<16x1xi32> to vector<16xi32>
        %gather3A_2067 = tpu.dynamic_gather %get3A_2065[%gather3A_2066] in [0] : vector<16xf32>, vector<16xi32> -> vector<16xf32>
        %gather3A_2068 = vector.shape_cast %broadcast_in_dim3A_25 : vector<16x1xi32> to vector<16xi32>
        %gather3A_2069 = tpu.dynamic_gather %get3A_2065[%gather3A_2068] in [0] : vector<16xf32>, vector<16xi32> -> vector<16xf32>
        %gather3A_2070 = vector.shape_cast %broadcast_in_dim3A_27 : vector<16x1xi32> to vector<16xi32>
        %gather3A_2071 = tpu.dynamic_gather %get3A_2065[%gather3A_2070] in [0] : vector<16xf32>, vector<16xi32> -> vector<16xf32>
        %gather3A_2072 = vector.shape_cast %broadcast_in_dim3A_29 : vector<16x1xi32> to vector<16xi32>
        %gather3A_2073 = tpu.dynamic_gather %get3A_2065[%gather3A_2072] in [0] : vector<16xf32>, vector<16xi32> -> vector<16xf32>
        %gather3A_2074 = vector.shape_cast %broadcast_in_dim3A_31 : vector<16x1xi32> to vector<16xi32>
        %gather3A_2075 = tpu.dynamic_gather %get3A_2065[%gather3A_2074] in [0] : vector<16xf32>, vector<16xi32> -> vector<16xf32>
        %gather3A_2076 = vector.shape_cast %broadcast_in_dim3A_33 : vector<16x1xi32> to vector<16xi32>
        %gather3A_2077 = tpu.dynamic_gather %get3A_2065[%gather3A_2076] in [0] : vector<16xf32>, vector<16xi32> -> vector<16xf32>
        %gather3A_2078 = vector.shape_cast %broadcast_in_dim3A_35 : vector<16x1xi32> to vector<16xi32>
        %gather3A_2079 = tpu.dynamic_gather %get3A_2065[%gather3A_2078] in [0] : vector<16xf32>, vector<16xi32> -> vector<16xf32>
        %gather3A_2080 = vector.shape_cast %broadcast_in_dim3A_37 : vector<16x1xi32> to vector<16xi32>
        %gather3A_2081 = tpu.dynamic_gather %get3A_2065[%gather3A_2080] in [0] : vector<16xf32>, vector<16xi32> -> vector<16xf32>
        %get3A_2082 = arith.index_cast %add3A_1969 : i32 to index
        %get3A_2083 = arith.constant 64 : index
        %get3A_2084 = tpu.vector_load %arg14[%get3A_2082, %get3A_2083] {strides = array<i32>} : memref<48x128xi32, #tpu.memory_space<vmem>>, vector<16xi32>,
        %get3A_2085 = arith.index_cast %add3A_1969 : i32 to index
        %get3A_2086 = arith.constant 80 : index
        %get3A_2087 = tpu.vector_load %arg14[%get3A_2085, %get3A_2086] {strides = array<i32>} : memref<48x128xi32, #tpu.memory_space<vmem>>, vector<16xi32>,
        %get3A_2088 = arith.index_cast %add3A_1969 : i32 to index
        %get3A_2089 = arith.constant 96 : index
        %get3A_2090 = tpu.vector_load %arg14[%get3A_2088, %get3A_2089] {strides = array<i32>} : memref<48x128xi32, #tpu.memory_space<vmem>>, vector<16xi32>,
        %get3A_2091 = arith.index_cast %add3A_1969 : i32 to index
        %get3A_2092 = arith.constant 112 : index
        %get3A_2093 = tpu.vector_load %arg14[%get3A_2091, %get3A_2092] {strides = array<i32>} : memref<48x128xi32, #tpu.memory_space<vmem>>, vector<16xi32>,
        %shift_left3A_2094 = arith.constant 16 : i32
        %shift_left3A_2095 = vector.broadcast %shift_left3A_2094 : i32 to vector<16xi32>
        %shift_left3A_2096 = arith.shli %get3A_2084, %shift_left3A_2095 : vector<16xi32>
        %bitcast3A_2097 = vector.bitcast %shift_left3A_2096 : vector<16xi32> to vector<16xf32>
        %shift_left3A_2098 = arith.constant 16 : i32
        %shift_left3A_2099 = vector.broadcast %shift_left3A_2098 : i32 to vector<16xi32>
        %shift_left3A_2100 = arith.shli %get3A_2087, %shift_left3A_2099 : vector<16xi32>
        %bitcast3A_2101 = vector.bitcast %shift_left3A_2100 : vector<16xi32> to vector<16xf32>
        %shift_left3A_2102 = arith.constant 16 : i32
        %shift_left3A_2103 = vector.broadcast %shift_left3A_2102 : i32 to vector<16xi32>
        %shift_left3A_2104 = arith.shli %get3A_2090, %shift_left3A_2103 : vector<16xi32>
        %bitcast3A_2105 = vector.bitcast %shift_left3A_2104 : vector<16xi32> to vector<16xf32>
        %shift_left3A_2106 = arith.constant 16 : i32
        %shift_left3A_2107 = vector.broadcast %shift_left3A_2106 : i32 to vector<16xi32>
        %shift_left3A_2108 = arith.shli %get3A_2093, %shift_left3A_2107 : vector<16xi32>
        %bitcast3A_2109 = vector.bitcast %shift_left3A_2108 : vector<16xi32> to vector<16xf32>
        %and3A_2110 = arith.constant -65536 : i32
        %and3A_2111 = vector.broadcast %and3A_2110 : i32 to vector<16xi32>
        %and3A_2112 = arith.andi %get3A_2084, %and3A_2111 : vector<16xi32>
        %bitcast3A_2113 = vector.bitcast %and3A_2112 : vector<16xi32> to vector<16xf32>
        %and3A_2114 = arith.constant -65536 : i32
        %and3A_2115 = vector.broadcast %and3A_2114 : i32 to vector<16xi32>
        %and3A_2116 = arith.andi %get3A_2087, %and3A_2115 : vector<16xi32>
        %bitcast3A_2117 = vector.bitcast %and3A_2116 : vector<16xi32> to vector<16xf32>
        %and3A_2118 = arith.constant -65536 : i32
        %and3A_2119 = vector.broadcast %and3A_2118 : i32 to vector<16xi32>
        %and3A_2120 = arith.andi %get3A_2090, %and3A_2119 : vector<16xi32>
        %bitcast3A_2121 = vector.bitcast %and3A_2120 : vector<16xi32> to vector<16xf32>
        %and3A_2122 = arith.constant -65536 : i32
        %and3A_2123 = vector.broadcast %and3A_2122 : i32 to vector<16xi32>
        %and3A_2124 = arith.andi %get3A_2093, %and3A_2123 : vector<16xi32>
        %bitcast3A_2125 = vector.bitcast %and3A_2124 : vector<16xi32> to vector<16xf32>
        %mul3A_2126 = arith.mulf %bitcast3A_2097, %gather3A_2067 : vector<16xf32>
        %swap3A_2127 = arith.index_cast %add3A_1969 : i32 to index
        %swap3A_2128 = arith.constant 0 : index
        %swap3A_2129 = tpu.vector_load %arg16[%swap3A_2127, %swap3A_2128] {strides = array<i32>} : memref<48x128xf32, #tpu.memory_space<vmem>>, vector<16xf32>,
        tpu.vector_store %arg16[%swap3A_2127, %swap3A_2128], %mul3A_2126 {strides = array<i32>} : memref<48x128xf32, #tpu.memory_space<vmem>>, vector<16xf32>,
        %mul3A_2130 = arith.mulf %bitcast3A_2101, %gather3A_2069 : vector<16xf32>
        %swap3A_2131 = arith.index_cast %add3A_1969 : i32 to index
        %swap3A_2132 = arith.constant 16 : index
        %swap3A_2133 = tpu.vector_load %arg16[%swap3A_2131, %swap3A_2132] {strides = array<i32>} : memref<48x128xf32, #tpu.memory_space<vmem>>, vector<16xf32>,
        tpu.vector_store %arg16[%swap3A_2131, %swap3A_2132], %mul3A_2130 {strides = array<i32>} : memref<48x128xf32, #tpu.memory_space<vmem>>, vector<16xf32>,
        %mul3A_2134 = arith.mulf %bitcast3A_2105, %gather3A_2071 : vector<16xf32>
        %swap3A_2135 = arith.index_cast %add3A_1969 : i32 to index
        %swap3A_2136 = arith.constant 32 : index
        %swap3A_2137 = tpu.vector_load %arg16[%swap3A_2135, %swap3A_2136] {strides = array<i32>} : memref<48x128xf32, #tpu.memory_space<vmem>>, vector<16xf32>,
        tpu.vector_store %arg16[%swap3A_2135, %swap3A_2136], %mul3A_2134 {strides = array<i32>} : memref<48x128xf32, #tpu.memory_space<vmem>>, vector<16xf32>,
        %mul3A_2138 = arith.mulf %bitcast3A_2109, %gather3A_2073 : vector<16xf32>
        %swap3A_2139 = arith.index_cast %add3A_1969 : i32 to index
        %swap3A_2140 = arith.constant 48 : index
        %swap3A_2141 = tpu.vector_load %arg16[%swap3A_2139, %swap3A_2140] {strides = array<i32>} : memref<48x128xf32, #tpu.memory_space<vmem>>, vector<16xf32>,
        tpu.vector_store %arg16[%swap3A_2139, %swap3A_2140], %mul3A_2138 {strides = array<i32>} : memref<48x128xf32, #tpu.memory_space<vmem>>, vector<16xf32>,
        %mul3A_2142 = arith.mulf %bitcast3A_2113, %gather3A_2075 : vector<16xf32>
        %swap3A_2143 = arith.index_cast %add3A_1969 : i32 to index
        %swap3A_2144 = arith.constant 64 : index
        %swap3A_2145 = tpu.vector_load %arg16[%swap3A_2143, %swap3A_2144] {strides = array<i32>} : memref<48x128xf32, #tpu.memory_space<vmem>>, vector<16xf32>,
        tpu.vector_store %arg16[%swap3A_2143, %swap3A_2144], %mul3A_2142 {strides = array<i32>} : memref<48x128xf32, #tpu.memory_space<vmem>>, vector<16xf32>,
        %mul3A_2146 = arith.mulf %bitcast3A_2117, %gather3A_2077 : vector<16xf32>
        %swap3A_2147 = arith.index_cast %add3A_1969 : i32 to index
        %swap3A_2148 = arith.constant 80 : index
        %swap3A_2149 = tpu.vector_load %arg16[%swap3A_2147, %swap3A_2148] {strides = array<i32>} : memref<48x128xf32, #tpu.memory_space<vmem>>, vector<16xf32>,
        tpu.vector_store %arg16[%swap3A_2147, %swap3A_2148], %mul3A_2146 {strides = array<i32>} : memref<48x128xf32, #tpu.memory_space<vmem>>, vector<16xf32>,
        %mul3A_2150 = arith.mulf %bitcast3A_2121, %gather3A_2079 : vector<16xf32>
        %swap3A_2151 = arith.index_cast %add3A_1969 : i32 to index
        %swap3A_2152 = arith.constant 96 : index
        %swap3A_2153 = tpu.vector_load %arg16[%swap3A_2151, %swap3A_2152] {strides = array<i32>} : memref<48x128xf32, #tpu.memory_space<vmem>>, vector<16xf32>,
        tpu.vector_store %arg16[%swap3A_2151, %swap3A_2152], %mul3A_2150 {strides = array<i32>} : memref<48x128xf32, #tpu.memory_space<vmem>>, vector<16xf32>,
        %mul3A_2154 = arith.mulf %bitcast3A_2125, %gather3A_2081 : vector<16xf32>
        %swap3A_2155 = arith.index_cast %add3A_1969 : i32 to index
        %swap3A_2156 = arith.constant 112 : index
        %swap3A_2157 = tpu.vector_load %arg16[%swap3A_2155, %swap3A_2156] {strides = array<i32>} : memref<48x128xf32, #tpu.memory_space<vmem>>, vector<16xf32>,
        tpu.vector_store %arg16[%swap3A_2155, %swap3A_2156], %mul3A_2154 {strides = array<i32>} : memref<48x128xf32, #tpu.memory_space<vmem>>, vector<16xf32>,
        %scan3A_2158 = arith.constant 0 : i32
        scf.yield %scan3A_2158 : i32
      }
      %scan3A_395 = arith.constant 24 : i32
      %dma_start3A_396 = arith.constant 0 : i32
      %dma_start3A_397 = arith.constant 0 : i32
      %dma_start3A_398 = tpu.memref_slice %arg20[%dma_start3A_396, %dma_start3A_397] : memref<10032x128xf32, #tpu.memory_space<vmem_shared>> -> memref<10032x128xf32, #tpu.memory_space<vmem_shared>>
      tpu.enqueue_indirect_dma source(%arg16 : memref<48x128xf32, #tpu.memory_space<vmem>>) target(%dma_start3A_398 : memref<10032x128xf32, #tpu.memory_space<vmem_shared>>) offsets(%arg10 : memref<48xi32, #tpu.memory_space<vmem>>) semaphore(%arg26 : memref<!tpu.dma_semaphore, #tpu.memory_space<semaphore_mem>>)
      %get3A = arith.constant 0 : index
      %get3A_399 = tpu.vector_load %arg10[%get3A] {strides = array<i32>} : memref<48xi32, #tpu.memory_space<vmem>>, vector<16xi32>,
      %shift_right_logical3A = arith.constant 3 : i32
      %shift_right_logical3A_400 = vector.broadcast %shift_right_logical3A : i32 to vector<16xi32>
      %shift_right_logical3A_401 = arith.shrui %get3A_399, %shift_right_logical3A_400 : vector<16xi32>
      %swap3A = arith.constant 0 : index
      %swap3A_402 = tpu.vector_load %arg12[%swap3A] {strides = array<i32>} : memref<16xi32, #tpu.memory_space<vmem>>, vector<16xi32>,
      tpu.vector_store %arg12[%swap3A], %shift_right_logical3A_401 {strides = array<i32>} : memref<16xi32, #tpu.memory_space<vmem>>, vector<16xi32>,
      %and3A = arith.constant 7 : i32
      %and3A_403 = vector.broadcast %and3A : i32 to vector<16xi32>
      %and3A_404 = arith.andi %get3A_399, %and3A_403 : vector<16xi32>
      %shift_left3A = arith.constant 4 : i32
      %shift_left3A_405 = vector.broadcast %shift_left3A : i32 to vector<16xi32>
      %shift_left3A_406 = arith.shli %and3A_404, %shift_left3A_405 : vector<16xi32>
      %slice3A = vector.extract_strided_slice %shift_left3A_406 {offsets = [0], sizes = [1], strides = [1]} : vector<16xi32> to vector<1xi32>
      %squeeze3A = vector.extract %slice3A[0] : i32 from vector<1xi32>
      %slice3A_407 = vector.extract_strided_slice %shift_left3A_406 {offsets = [1], sizes = [1], strides = [1]} : vector<16xi32> to vector<1xi32>
      %squeeze3A_408 = vector.extract %slice3A_407[0] : i32 from vector<1xi32>
      %slice3A_409 = vector.extract_strided_slice %shift_left3A_406 {offsets = [2], sizes = [1], strides = [1]} : vector<16xi32> to vector<1xi32>
      %squeeze3A_410 = vector.extract %slice3A_409[0] : i32 from vector<1xi32>
      %slice3A_411 = vector.extract_strided_slice %shift_left3A_406 {offsets = [3], sizes = [1], strides = [1]} : vector<16xi32> to vector<1xi32>
      %squeeze3A_412 = vector.extract %slice3A_411[0] : i32 from vector<1xi32>
      %slice3A_413 = vector.extract_strided_slice %shift_left3A_406 {offsets = [4], sizes = [1], strides = [1]} : vector<16xi32> to vector<1xi32>
      %squeeze3A_414 = vector.extract %slice3A_413[0] : i32 from vector<1xi32>
      %slice3A_415 = vector.extract_strided_slice %shift_left3A_406 {offsets = [5], sizes = [1], strides = [1]} : vector<16xi32> to vector<1xi32>
      %squeeze3A_416 = vector.extract %slice3A_415[0] : i32 from vector<1xi32>
      %slice3A_417 = vector.extract_strided_slice %shift_left3A_406 {offsets = [6], sizes = [1], strides = [1]} : vector<16xi32> to vector<1xi32>
      %squeeze3A_418 = vector.extract %slice3A_417[0] : i32 from vector<1xi32>
      %slice3A_419 = vector.extract_strided_slice %shift_left3A_406 {offsets = [7], sizes = [1], strides = [1]} : vector<16xi32> to vector<1xi32>
      %squeeze3A_420 = vector.extract %slice3A_419[0] : i32 from vector<1xi32>
      %slice3A_421 = vector.extract_strided_slice %shift_left3A_406 {offsets = [8], sizes = [1], strides = [1]} : vector<16xi32> to vector<1xi32>
      %squeeze3A_422 = vector.extract %slice3A_421[0] : i32 from vector<1xi32>
      %slice3A_423 = vector.extract_strided_slice %shift_left3A_406 {offsets = [9], sizes = [1], strides = [1]} : vector<16xi32> to vector<1xi32>
      %squeeze3A_424 = vector.extract %slice3A_423[0] : i32 from vector<1xi32>
      %slice3A_425 = vector.extract_strided_slice %shift_left3A_406 {offsets = [10], sizes = [1], strides = [1]} : vector<16xi32> to vector<1xi32>
      %squeeze3A_426 = vector.extract %slice3A_425[0] : i32 from vector<1xi32>
      %slice3A_427 = vector.extract_strided_slice %shift_left3A_406 {offsets = [11], sizes = [1], strides = [1]} : vector<16xi32> to vector<1xi32>
      %squeeze3A_428 = vector.extract %slice3A_427[0] : i32 from vector<1xi32>
      %slice3A_429 = vector.extract_strided_slice %shift_left3A_406 {offsets = [12], sizes = [1], strides = [1]} : vector<16xi32> to vector<1xi32>
      %squeeze3A_430 = vector.extract %slice3A_429[0] : i32 from vector<1xi32>
      %slice3A_431 = vector.extract_strided_slice %shift_left3A_406 {offsets = [13], sizes = [1], strides = [1]} : vector<16xi32> to vector<1xi32>
      %squeeze3A_432 = vector.extract %slice3A_431[0] : i32 from vector<1xi32>
      %slice3A_433 = vector.extract_strided_slice %shift_left3A_406 {offsets = [14], sizes = [1], strides = [1]} : vector<16xi32> to vector<1xi32>
      %squeeze3A_434 = vector.extract %slice3A_433[0] : i32 from vector<1xi32>
      %slice3A_435 = vector.extract_strided_slice %shift_left3A_406 {offsets = [15], sizes = [1], strides = [1]} : vector<16xi32> to vector<1xi32>
      %squeeze3A_436 = vector.extract %slice3A_435[0] : i32 from vector<1xi32>
      %get3A_437 = arith.constant 0 : i32
      %get3A_438 = arith.index_cast %get3A_437 : i32 to index
      %get3A_439 = arith.constant 0 : index
      %get3A_440 = tpu.vector_load %arg18[%get3A_438, %get3A_439] {strides = array<i32>} : memref<48x16xf32, #tpu.memory_space<vmem>>, vector<16xf32>,
      %mul3A_441 = arith.mulf %get3A_440, %convert_element_type3A_5 : vector<16xf32>
      %get3A_442 = arith.constant 1 : i32
      %get3A_443 = arith.index_cast %get3A_442 : i32 to index
      %get3A_444 = arith.constant 0 : index
      %get3A_445 = tpu.vector_load %arg18[%get3A_443, %get3A_444] {strides = array<i32>} : memref<48x16xf32, #tpu.memory_space<vmem>>, vector<16xf32>,
      %mul3A_446 = arith.mulf %get3A_445, %convert_element_type3A_5 : vector<16xf32>
      %get3A_447 = arith.constant 2 : i32
      %get3A_448 = arith.index_cast %get3A_447 : i32 to index
      %get3A_449 = arith.constant 0 : index
      %get3A_450 = tpu.vector_load %arg18[%get3A_448, %get3A_449] {strides = array<i32>} : memref<48x16xf32, #tpu.memory_space<vmem>>, vector<16xf32>,
      %mul3A_451 = arith.mulf %get3A_450, %convert_element_type3A_5 : vector<16xf32>
      %get3A_452 = arith.constant 3 : i32
      %get3A_453 = arith.index_cast %get3A_452 : i32 to index
      %get3A_454 = arith.constant 0 : index
      %get3A_455 = tpu.vector_load %arg18[%get3A_453, %get3A_454] {strides = array<i32>} : memref<48x16xf32, #tpu.memory_space<vmem>>, vector<16xf32>,
      %mul3A_456 = arith.mulf %get3A_455, %convert_element_type3A_5 : vector<16xf32>
      %get3A_457 = arith.constant 4 : i32
      %get3A_458 = arith.index_cast %get3A_457 : i32 to index
      %get3A_459 = arith.constant 0 : index
      %get3A_460 = tpu.vector_load %arg18[%get3A_458, %get3A_459] {strides = array<i32>} : memref<48x16xf32, #tpu.memory_space<vmem>>, vector<16xf32>,
      %mul3A_461 = arith.mulf %get3A_460, %convert_element_type3A_5 : vector<16xf32>
      %get3A_462 = arith.constant 5 : i32
      %get3A_463 = arith.index_cast %get3A_462 : i32 to index
      %get3A_464 = arith.constant 0 : index
      %get3A_465 = tpu.vector_load %arg18[%get3A_463, %get3A_464] {strides = array<i32>} : memref<48x16xf32, #tpu.memory_space<vmem>>, vector<16xf32>,
      %mul3A_466 = arith.mulf %get3A_465, %convert_element_type3A_5 : vector<16xf32>
      %get3A_467 = arith.constant 6 : i32
      %get3A_468 = arith.index_cast %get3A_467 : i32 to index
      %get3A_469 = arith.constant 0 : index
      %get3A_470 = tpu.vector_load %arg18[%get3A_468, %get3A_469] {strides = array<i32>} : memref<48x16xf32, #tpu.memory_space<vmem>>, vector<16xf32>,
      %mul3A_471 = arith.mulf %get3A_470, %convert_element_type3A_5 : vector<16xf32>
      %get3A_472 = arith.constant 7 : i32
      %get3A_473 = arith.index_cast %get3A_472 : i32 to index
      %get3A_474 = arith.constant 0 : index
      %get3A_475 = tpu.vector_load %arg18[%get3A_473, %get3A_474] {strides = array<i32>} : memref<48x16xf32, #tpu.memory_space<vmem>>, vector<16xf32>,
      %mul3A_476 = arith.mulf %get3A_475, %convert_element_type3A_5 : vector<16xf32>
      %get3A_477 = arith.constant 8 : i32
      %get3A_478 = arith.index_cast %get3A_477 : i32 to index
      %get3A_479 = arith.constant 0 : index
      %get3A_480 = tpu.vector_load %arg18[%get3A_478, %get3A_479] {strides = array<i32>} : memref<48x16xf32, #tpu.memory_space<vmem>>, vector<16xf32>,
      %mul3A_481 = arith.mulf %get3A_480, %convert_element_type3A_5 : vector<16xf32>
      %get3A_482 = arith.constant 9 : i32
      %get3A_483 = arith.index_cast %get3A_482 : i32 to index
      %get3A_484 = arith.constant 0 : index
      %get3A_485 = tpu.vector_load %arg18[%get3A_483, %get3A_484] {strides = array<i32>} : memref<48x16xf32, #tpu.memory_space<vmem>>, vector<16xf32>,
      %mul3A_486 = arith.mulf %get3A_485, %convert_element_type3A_5 : vector<16xf32>
      %get3A_487 = arith.constant 10 : i32
      %get3A_488 = arith.index_cast %get3A_487 : i32 to index
      %get3A_489 = arith.constant 0 : index
      %get3A_490 = tpu.vector_load %arg18[%get3A_488, %get3A_489] {strides = array<i32>} : memref<48x16xf32, #tpu.memory_space<vmem>>, vector<16xf32>,
      %mul3A_491 = arith.mulf %get3A_490, %convert_element_type3A_5 : vector<16xf32>
      %get3A_492 = arith.constant 11 : i32
      %get3A_493 = arith.index_cast %get3A_492 : i32 to index
      %get3A_494 = arith.constant 0 : index
      %get3A_495 = tpu.vector_load %arg18[%get3A_493, %get3A_494] {strides = array<i32>} : memref<48x16xf32, #tpu.memory_space<vmem>>, vector<16xf32>,
      %mul3A_496 = arith.mulf %get3A_495, %convert_element_type3A_5 : vector<16xf32>
      %get3A_497 = arith.constant 12 : i32
      %get3A_498 = arith.index_cast %get3A_497 : i32 to index
      %get3A_499 = arith.constant 0 : index
      %get3A_500 = tpu.vector_load %arg18[%get3A_498, %get3A_499] {strides = array<i32>} : memref<48x16xf32, #tpu.memory_space<vmem>>, vector<16xf32>,
      %mul3A_501 = arith.mulf %get3A_500, %convert_element_type3A_5 : vector<16xf32>
      %get3A_502 = arith.constant 13 : i32
      %get3A_503 = arith.index_cast %get3A_502 : i32 to index
      %get3A_504 = arith.constant 0 : index
      %get3A_505 = tpu.vector_load %arg18[%get3A_503, %get3A_504] {strides = array<i32>} : memref<48x16xf32, #tpu.memory_space<vmem>>, vector<16xf32>,
      %mul3A_506 = arith.mulf %get3A_505, %convert_element_type3A_5 : vector<16xf32>
      %get3A_507 = arith.constant 14 : i32
      %get3A_508 = arith.index_cast %get3A_507 : i32 to index
      %get3A_509 = arith.constant 0 : index
      %get3A_510 = tpu.vector_load %arg18[%get3A_508, %get3A_509] {strides = array<i32>} : memref<48x16xf32, #tpu.memory_space<vmem>>, vector<16xf32>,
      %mul3A_511 = arith.mulf %get3A_510, %convert_element_type3A_5 : vector<16xf32>
      %get3A_512 = arith.constant 15 : i32
      %get3A_513 = arith.index_cast %get3A_512 : i32 to index
      %get3A_514 = arith.constant 0 : index
      %get3A_515 = tpu.vector_load %arg18[%get3A_513, %get3A_514] {strides = array<i32>} : memref<48x16xf32, #tpu.memory_space<vmem>>, vector<16xf32>,
      %mul3A_516 = arith.mulf %get3A_515, %convert_element_type3A_5 : vector<16xf32>
      %swap3A_517 = arith.constant 0 : i32
      %swap3A_518 = arith.index_cast %swap3A_517 : i32 to index
      %swap3A_519 = arith.index_cast %squeeze3A : i32 to index
      %swap3A_520 = tpu.vector_load %arg19[%swap3A_518, %swap3A_519] {strides = array<i32>} : memref<16x128xf32, #tpu.memory_space<vmem>>, vector<16xf32>,
      tpu.vector_store %arg19[%swap3A_518, %swap3A_519], %mul3A_441 {strides = array<i32>} : memref<16x128xf32, #tpu.memory_space<vmem>>, vector<16xf32>,
      %swap3A_521 = arith.constant 1 : i32
      %swap3A_522 = arith.index_cast %swap3A_521 : i32 to index
      %swap3A_523 = arith.index_cast %squeeze3A_408 : i32 to index
      %swap3A_524 = tpu.vector_load %arg19[%swap3A_522, %swap3A_523] {strides = array<i32>} : memref<16x128xf32, #tpu.memory_space<vmem>>, vector<16xf32>,
      tpu.vector_store %arg19[%swap3A_522, %swap3A_523], %mul3A_446 {strides = array<i32>} : memref<16x128xf32, #tpu.memory_space<vmem>>, vector<16xf32>,
      %swap3A_525 = arith.constant 2 : i32
      %swap3A_526 = arith.index_cast %swap3A_525 : i32 to index
      %swap3A_527 = arith.index_cast %squeeze3A_410 : i32 to index
      %swap3A_528 = tpu.vector_load %arg19[%swap3A_526, %swap3A_527] {strides = array<i32>} : memref<16x128xf32, #tpu.memory_space<vmem>>, vector<16xf32>,
      tpu.vector_store %arg19[%swap3A_526, %swap3A_527], %mul3A_451 {strides = array<i32>} : memref<16x128xf32, #tpu.memory_space<vmem>>, vector<16xf32>,
      %swap3A_529 = arith.constant 3 : i32
      %swap3A_530 = arith.index_cast %swap3A_529 : i32 to index
      %swap3A_531 = arith.index_cast %squeeze3A_412 : i32 to index
      %swap3A_532 = tpu.vector_load %arg19[%swap3A_530, %swap3A_531] {strides = array<i32>} : memref<16x128xf32, #tpu.memory_space<vmem>>, vector<16xf32>,
      tpu.vector_store %arg19[%swap3A_530, %swap3A_531], %mul3A_456 {strides = array<i32>} : memref<16x128xf32, #tpu.memory_space<vmem>>, vector<16xf32>,
      %swap3A_533 = arith.constant 4 : i32
      %swap3A_534 = arith.index_cast %swap3A_533 : i32 to index
      %swap3A_535 = arith.index_cast %squeeze3A_414 : i32 to index
      %swap3A_536 = tpu.vector_load %arg19[%swap3A_534, %swap3A_535] {strides = array<i32>} : memref<16x128xf32, #tpu.memory_space<vmem>>, vector<16xf32>,
      tpu.vector_store %arg19[%swap3A_534, %swap3A_535], %mul3A_461 {strides = array<i32>} : memref<16x128xf32, #tpu.memory_space<vmem>>, vector<16xf32>,
      %swap3A_537 = arith.constant 5 : i32
      %swap3A_538 = arith.index_cast %swap3A_537 : i32 to index
      %swap3A_539 = arith.index_cast %squeeze3A_416 : i32 to index
      %swap3A_540 = tpu.vector_load %arg19[%swap3A_538, %swap3A_539] {strides = array<i32>} : memref<16x128xf32, #tpu.memory_space<vmem>>, vector<16xf32>,
      tpu.vector_store %arg19[%swap3A_538, %swap3A_539], %mul3A_466 {strides = array<i32>} : memref<16x128xf32, #tpu.memory_space<vmem>>, vector<16xf32>,
      %swap3A_541 = arith.constant 6 : i32
      %swap3A_542 = arith.index_cast %swap3A_541 : i32 to index
      %swap3A_543 = arith.index_cast %squeeze3A_418 : i32 to index
      %swap3A_544 = tpu.vector_load %arg19[%swap3A_542, %swap3A_543] {strides = array<i32>} : memref<16x128xf32, #tpu.memory_space<vmem>>, vector<16xf32>,
      tpu.vector_store %arg19[%swap3A_542, %swap3A_543], %mul3A_471 {strides = array<i32>} : memref<16x128xf32, #tpu.memory_space<vmem>>, vector<16xf32>,
      %swap3A_545 = arith.constant 7 : i32
      %swap3A_546 = arith.index_cast %swap3A_545 : i32 to index
      %swap3A_547 = arith.index_cast %squeeze3A_420 : i32 to index
      %swap3A_548 = tpu.vector_load %arg19[%swap3A_546, %swap3A_547] {strides = array<i32>} : memref<16x128xf32, #tpu.memory_space<vmem>>, vector<16xf32>,
      tpu.vector_store %arg19[%swap3A_546, %swap3A_547], %mul3A_476 {strides = array<i32>} : memref<16x128xf32, #tpu.memory_space<vmem>>, vector<16xf32>,
      %swap3A_549 = arith.constant 8 : i32
      %swap3A_550 = arith.index_cast %swap3A_549 : i32 to index
      %swap3A_551 = arith.index_cast %squeeze3A_422 : i32 to index
      %swap3A_552 = tpu.vector_load %arg19[%swap3A_550, %swap3A_551] {strides = array<i32>} : memref<16x128xf32, #tpu.memory_space<vmem>>, vector<16xf32>,
      tpu.vector_store %arg19[%swap3A_550, %swap3A_551], %mul3A_481 {strides = array<i32>} : memref<16x128xf32, #tpu.memory_space<vmem>>, vector<16xf32>,
      %swap3A_553 = arith.constant 9 : i32
      %swap3A_554 = arith.index_cast %swap3A_553 : i32 to index
      %swap3A_555 = arith.index_cast %squeeze3A_424 : i32 to index
      %swap3A_556 = tpu.vector_load %arg19[%swap3A_554, %swap3A_555] {strides = array<i32>} : memref<16x128xf32, #tpu.memory_space<vmem>>, vector<16xf32>,
      tpu.vector_store %arg19[%swap3A_554, %swap3A_555], %mul3A_486 {strides = array<i32>} : memref<16x128xf32, #tpu.memory_space<vmem>>, vector<16xf32>,
      %swap3A_557 = arith.constant 10 : i32
      %swap3A_558 = arith.index_cast %swap3A_557 : i32 to index
      %swap3A_559 = arith.index_cast %squeeze3A_426 : i32 to index
      %swap3A_560 = tpu.vector_load %arg19[%swap3A_558, %swap3A_559] {strides = array<i32>} : memref<16x128xf32, #tpu.memory_space<vmem>>, vector<16xf32>,
      tpu.vector_store %arg19[%swap3A_558, %swap3A_559], %mul3A_491 {strides = array<i32>} : memref<16x128xf32, #tpu.memory_space<vmem>>, vector<16xf32>,
      %swap3A_561 = arith.constant 11 : i32
      %swap3A_562 = arith.index_cast %swap3A_561 : i32 to index
      %swap3A_563 = arith.index_cast %squeeze3A_428 : i32 to index
      %swap3A_564 = tpu.vector_load %arg19[%swap3A_562, %swap3A_563] {strides = array<i32>} : memref<16x128xf32, #tpu.memory_space<vmem>>, vector<16xf32>,
      tpu.vector_store %arg19[%swap3A_562, %swap3A_563], %mul3A_496 {strides = array<i32>} : memref<16x128xf32, #tpu.memory_space<vmem>>, vector<16xf32>,
      %swap3A_565 = arith.constant 12 : i32
      %swap3A_566 = arith.index_cast %swap3A_565 : i32 to index
      %swap3A_567 = arith.index_cast %squeeze3A_430 : i32 to index
      %swap3A_568 = tpu.vector_load %arg19[%swap3A_566, %swap3A_567] {strides = array<i32>} : memref<16x128xf32, #tpu.memory_space<vmem>>, vector<16xf32>,
      tpu.vector_store %arg19[%swap3A_566, %swap3A_567], %mul3A_501 {strides = array<i32>} : memref<16x128xf32, #tpu.memory_space<vmem>>, vector<16xf32>,
      %swap3A_569 = arith.constant 13 : i32
      %swap3A_570 = arith.index_cast %swap3A_569 : i32 to index
      %swap3A_571 = arith.index_cast %squeeze3A_432 : i32 to index
      %swap3A_572 = tpu.vector_load %arg19[%swap3A_570, %swap3A_571] {strides = array<i32>} : memref<16x128xf32, #tpu.memory_space<vmem>>, vector<16xf32>,
      tpu.vector_store %arg19[%swap3A_570, %swap3A_571], %mul3A_506 {strides = array<i32>} : memref<16x128xf32, #tpu.memory_space<vmem>>, vector<16xf32>,
      %swap3A_573 = arith.constant 14 : i32
      %swap3A_574 = arith.index_cast %swap3A_573 : i32 to index
      %swap3A_575 = arith.index_cast %squeeze3A_434 : i32 to index
      %swap3A_576 = tpu.vector_load %arg19[%swap3A_574, %swap3A_575] {strides = array<i32>} : memref<16x128xf32, #tpu.memory_space<vmem>>, vector<16xf32>,
      tpu.vector_store %arg19[%swap3A_574, %swap3A_575], %mul3A_511 {strides = array<i32>} : memref<16x128xf32, #tpu.memory_space<vmem>>, vector<16xf32>,
      %swap3A_577 = arith.constant 15 : i32
      %swap3A_578 = arith.index_cast %swap3A_577 : i32 to index
      %swap3A_579 = arith.index_cast %squeeze3A_436 : i32 to index
      %swap3A_580 = tpu.vector_load %arg19[%swap3A_578, %swap3A_579] {strides = array<i32>} : memref<16x128xf32, #tpu.memory_space<vmem>>, vector<16xf32>,
      tpu.vector_store %arg19[%swap3A_578, %swap3A_579], %mul3A_516 {strides = array<i32>} : memref<16x128xf32, #tpu.memory_space<vmem>>, vector<16xf32>,
      "tpu.region"() ({
        %run_scoped3A = tpu.sem_alloc : memref<!tpu.dma_semaphore, #tpu.memory_space<semaphore_mem>>
        %dma_start3A_1962 = arith.constant 0 : i32
        %dma_start3A_1963 = arith.constant 0 : i32
        %dma_start3A_1964 = tpu.memref_slice %arg21[%dma_start3A_1962, %dma_start3A_1963] : memref<1280x128xf32, #tpu.memory_space<vmem_shared>> -> memref<1280x128xf32, #tpu.memory_space<vmem_shared>>
        tpu.enqueue_indirect_dma source(%arg19 : memref<16x128xf32, #tpu.memory_space<vmem>>) target(%dma_start3A_1964 : memref<1280x128xf32, #tpu.memory_space<vmem_shared>>) offsets(%arg12 : memref<16xi32, #tpu.memory_space<vmem>>) semaphore(%run_scoped3A : memref<!tpu.dma_semaphore, #tpu.memory_space<semaphore_mem>>) {add = true}
        %dma_wait3A_1965 = arith.constant 0 : i32
        %dma_wait3A_1966 = arith.constant 0 : i32
        %dma_wait3A_1967 = tpu.memref_slice %arg21[%dma_wait3A_1965, %dma_wait3A_1966] : memref<1280x128xf32, #tpu.memory_space<vmem_shared>> -> memref<1280x128xf32, #tpu.memory_space<vmem_shared>>
        tpu.wait_indirect_dma semaphore(%run_scoped3A : memref<!tpu.dma_semaphore, #tpu.memory_space<semaphore_mem>>) src(%arg19 : memref<16x128xf32, #tpu.memory_space<vmem>>) dst(%dma_wait3A_1967 : memref<1280x128xf32, #tpu.memory_space<vmem_shared>>)
        tpu.yield
      }) : () -> ()
      %swap3A_581 = arith.constant 0 : i32
      %swap3A_582 = arith.index_cast %swap3A_581 : i32 to index
      %swap3A_583 = arith.index_cast %squeeze3A : i32 to index
      %swap3A_584 = tpu.vector_load %arg19[%swap3A_582, %swap3A_583] {strides = array<i32>} : memref<16x128xf32, #tpu.memory_space<vmem>>, vector<16xf32>,
      tpu.vector_store %arg19[%swap3A_582, %swap3A_583], %broadcast_in_dim3A_0 {strides = array<i32>} : memref<16x128xf32, #tpu.memory_space<vmem>>, vector<16xf32>,
      %swap3A_585 = arith.constant 1 : i32
      %swap3A_586 = arith.index_cast %swap3A_585 : i32 to index
      %swap3A_587 = arith.index_cast %squeeze3A_408 : i32 to index
      %swap3A_588 = tpu.vector_load %arg19[%swap3A_586, %swap3A_587] {strides = array<i32>} : memref<16x128xf32, #tpu.memory_space<vmem>>, vector<16xf32>,
      tpu.vector_store %arg19[%swap3A_586, %swap3A_587], %broadcast_in_dim3A_0 {strides = array<i32>} : memref<16x128xf32, #tpu.memory_space<vmem>>, vector<16xf32>,
      %swap3A_589 = arith.constant 2 : i32
      %swap3A_590 = arith.index_cast %swap3A_589 : i32 to index
      %swap3A_591 = arith.index_cast %squeeze3A_410 : i32 to index
      %swap3A_592 = tpu.vector_load %arg19[%swap3A_590, %swap3A_591] {strides = array<i32>} : memref<16x128xf32, #tpu.memory_space<vmem>>, vector<16xf32>,
      tpu.vector_store %arg19[%swap3A_590, %swap3A_591], %broadcast_in_dim3A_0 {strides = array<i32>} : memref<16x128xf32, #tpu.memory_space<vmem>>, vector<16xf32>,
      %swap3A_593 = arith.constant 3 : i32
      %swap3A_594 = arith.index_cast %swap3A_593 : i32 to index
      %swap3A_595 = arith.index_cast %squeeze3A_412 : i32 to index
      %swap3A_596 = tpu.vector_load %arg19[%swap3A_594, %swap3A_595] {strides = array<i32>} : memref<16x128xf32, #tpu.memory_space<vmem>>, vector<16xf32>,
      tpu.vector_store %arg19[%swap3A_594, %swap3A_595], %broadcast_in_dim3A_0 {strides = array<i32>} : memref<16x128xf32, #tpu.memory_space<vmem>>, vector<16xf32>,
      %swap3A_597 = arith.constant 4 : i32
      %swap3A_598 = arith.index_cast %swap3A_597 : i32 to index
      %swap3A_599 = arith.index_cast %squeeze3A_414 : i32 to index
      %swap3A_600 = tpu.vector_load %arg19[%swap3A_598, %swap3A_599] {strides = array<i32>} : memref<16x128xf32, #tpu.memory_space<vmem>>, vector<16xf32>,
      tpu.vector_store %arg19[%swap3A_598, %swap3A_599], %broadcast_in_dim3A_0 {strides = array<i32>} : memref<16x128xf32, #tpu.memory_space<vmem>>, vector<16xf32>,
      %swap3A_601 = arith.constant 5 : i32
      %swap3A_602 = arith.index_cast %swap3A_601 : i32 to index
      %swap3A_603 = arith.index_cast %squeeze3A_416 : i32 to index
      %swap3A_604 = tpu.vector_load %arg19[%swap3A_602, %swap3A_603] {strides = array<i32>} : memref<16x128xf32, #tpu.memory_space<vmem>>, vector<16xf32>,
      tpu.vector_store %arg19[%swap3A_602, %swap3A_603], %broadcast_in_dim3A_0 {strides = array<i32>} : memref<16x128xf32, #tpu.memory_space<vmem>>, vector<16xf32>,
      %swap3A_605 = arith.constant 6 : i32
      %swap3A_606 = arith.index_cast %swap3A_605 : i32 to index
      %swap3A_607 = arith.index_cast %squeeze3A_418 : i32 to index
      %swap3A_608 = tpu.vector_load %arg19[%swap3A_606, %swap3A_607] {strides = array<i32>} : memref<16x128xf32, #tpu.memory_space<vmem>>, vector<16xf32>,
      tpu.vector_store %arg19[%swap3A_606, %swap3A_607], %broadcast_in_dim3A_0 {strides = array<i32>} : memref<16x128xf32, #tpu.memory_space<vmem>>, vector<16xf32>,
      %swap3A_609 = arith.constant 7 : i32
      %swap3A_610 = arith.index_cast %swap3A_609 : i32 to index
      %swap3A_611 = arith.index_cast %squeeze3A_420 : i32 to index
      %swap3A_612 = tpu.vector_load %arg19[%swap3A_610, %swap3A_611] {strides = array<i32>} : memref<16x128xf32, #tpu.memory_space<vmem>>, vector<16xf32>,
      tpu.vector_store %arg19[%swap3A_610, %swap3A_611], %broadcast_in_dim3A_0 {strides = array<i32>} : memref<16x128xf32, #tpu.memory_space<vmem>>, vector<16xf32>,
      %swap3A_613 = arith.constant 8 : i32
      %swap3A_614 = arith.index_cast %swap3A_613 : i32 to index
      %swap3A_615 = arith.index_cast %squeeze3A_422 : i32 to index
      %swap3A_616 = tpu.vector_load %arg19[%swap3A_614, %swap3A_615] {strides = array<i32>} : memref<16x128xf32, #tpu.memory_space<vmem>>, vector<16xf32>,
      tpu.vector_store %arg19[%swap3A_614, %swap3A_615], %broadcast_in_dim3A_0 {strides = array<i32>} : memref<16x128xf32, #tpu.memory_space<vmem>>, vector<16xf32>,
      %swap3A_617 = arith.constant 9 : i32
      %swap3A_618 = arith.index_cast %swap3A_617 : i32 to index
      %swap3A_619 = arith.index_cast %squeeze3A_424 : i32 to index
      %swap3A_620 = tpu.vector_load %arg19[%swap3A_618, %swap3A_619] {strides = array<i32>} : memref<16x128xf32, #tpu.memory_space<vmem>>, vector<16xf32>,
      tpu.vector_store %arg19[%swap3A_618, %swap3A_619], %broadcast_in_dim3A_0 {strides = array<i32>} : memref<16x128xf32, #tpu.memory_space<vmem>>, vector<16xf32>,
      %swap3A_621 = arith.constant 10 : i32
      %swap3A_622 = arith.index_cast %swap3A_621 : i32 to index
      %swap3A_623 = arith.index_cast %squeeze3A_426 : i32 to index
      %swap3A_624 = tpu.vector_load %arg19[%swap3A_622, %swap3A_623] {strides = array<i32>} : memref<16x128xf32, #tpu.memory_space<vmem>>, vector<16xf32>,
      tpu.vector_store %arg19[%swap3A_622, %swap3A_623], %broadcast_in_dim3A_0 {strides = array<i32>} : memref<16x128xf32, #tpu.memory_space<vmem>>, vector<16xf32>,
      %swap3A_625 = arith.constant 11 : i32
      %swap3A_626 = arith.index_cast %swap3A_625 : i32 to index
      %swap3A_627 = arith.index_cast %squeeze3A_428 : i32 to index
      %swap3A_628 = tpu.vector_load %arg19[%swap3A_626, %swap3A_627] {strides = array<i32>} : memref<16x128xf32, #tpu.memory_space<vmem>>, vector<16xf32>,
      tpu.vector_store %arg19[%swap3A_626, %swap3A_627], %broadcast_in_dim3A_0 {strides = array<i32>} : memref<16x128xf32, #tpu.memory_space<vmem>>, vector<16xf32>,
      %swap3A_629 = arith.constant 12 : i32
      %swap3A_630 = arith.index_cast %swap3A_629 : i32 to index
      %swap3A_631 = arith.index_cast %squeeze3A_430 : i32 to index
      %swap3A_632 = tpu.vector_load %arg19[%swap3A_630, %swap3A_631] {strides = array<i32>} : memref<16x128xf32, #tpu.memory_space<vmem>>, vector<16xf32>,
      tpu.vector_store %arg19[%swap3A_630, %swap3A_631], %broadcast_in_dim3A_0 {strides = array<i32>} : memref<16x128xf32, #tpu.memory_space<vmem>>, vector<16xf32>,
      %swap3A_633 = arith.constant 13 : i32
      %swap3A_634 = arith.index_cast %swap3A_633 : i32 to index
      %swap3A_635 = arith.index_cast %squeeze3A_432 : i32 to index
      %swap3A_636 = tpu.vector_load %arg19[%swap3A_634, %swap3A_635] {strides = array<i32>} : memref<16x128xf32, #tpu.memory_space<vmem>>, vector<16xf32>,
      tpu.vector_store %arg19[%swap3A_634, %swap3A_635], %broadcast_in_dim3A_0 {strides = array<i32>} : memref<16x128xf32, #tpu.memory_space<vmem>>, vector<16xf32>,
      %swap3A_637 = arith.constant 14 : i32
      %swap3A_638 = arith.index_cast %swap3A_637 : i32 to index
      %swap3A_639 = arith.index_cast %squeeze3A_434 : i32 to index
      %swap3A_640 = tpu.vector_load %arg19[%swap3A_638, %swap3A_639] {strides = array<i32>} : memref<16x128xf32, #tpu.memory_space<vmem>>, vector<16xf32>,
      tpu.vector_store %arg19[%swap3A_638, %swap3A_639], %broadcast_in_dim3A_0 {strides = array<i32>} : memref<16x128xf32, #tpu.memory_space<vmem>>, vector<16xf32>,
      %swap3A_641 = arith.constant 15 : i32
      %swap3A_642 = arith.index_cast %swap3A_641 : i32 to index
      %swap3A_643 = arith.index_cast %squeeze3A_436 : i32 to index
      %swap3A_644 = tpu.vector_load %arg19[%swap3A_642, %swap3A_643] {strides = array<i32>} : memref<16x128xf32, #tpu.memory_space<vmem>>, vector<16xf32>,
      tpu.vector_store %arg19[%swap3A_642, %swap3A_643], %broadcast_in_dim3A_0 {strides = array<i32>} : memref<16x128xf32, #tpu.memory_space<vmem>>, vector<16xf32>,
      %get3A_645 = arith.constant 16 : index
      %get3A_646 = tpu.vector_load %arg10[%get3A_645] {strides = array<i32>} : memref<48xi32, #tpu.memory_space<vmem>>, vector<16xi32>,
      %shift_right_logical3A_647 = arith.constant 3 : i32
      %shift_right_logical3A_648 = vector.broadcast %shift_right_logical3A_647 : i32 to vector<16xi32>
      %shift_right_logical3A_649 = arith.shrui %get3A_646, %shift_right_logical3A_648 : vector<16xi32>
      %swap3A_650 = arith.constant 0 : index
      %swap3A_651 = tpu.vector_load %arg12[%swap3A_650] {strides = array<i32>} : memref<16xi32, #tpu.memory_space<vmem>>, vector<16xi32>,
      tpu.vector_store %arg12[%swap3A_650], %shift_right_logical3A_649 {strides = array<i32>} : memref<16xi32, #tpu.memory_space<vmem>>, vector<16xi32>,
      %and3A_652 = arith.constant 7 : i32
      %and3A_653 = vector.broadcast %and3A_652 : i32 to vector<16xi32>
      %and3A_654 = arith.andi %get3A_646, %and3A_653 : vector<16xi32>
      %shift_left3A_655 = arith.constant 4 : i32
      %shift_left3A_656 = vector.broadcast %shift_left3A_655 : i32 to vector<16xi32>
      %shift_left3A_657 = arith.shli %and3A_654, %shift_left3A_656 : vector<16xi32>
      %slice3A_658 = vector.extract_strided_slice %shift_left3A_657 {offsets = [0], sizes = [1], strides = [1]} : vector<16xi32> to vector<1xi32>
      %squeeze3A_659 = vector.extract %slice3A_658[0] : i32 from vector<1xi32>
      %slice3A_660 = vector.extract_strided_slice %shift_left3A_657 {offsets = [1], sizes = [1], strides = [1]} : vector<16xi32> to vector<1xi32>
      %squeeze3A_661 = vector.extract %slice3A_660[0] : i32 from vector<1xi32>
      %slice3A_662 = vector.extract_strided_slice %shift_left3A_657 {offsets = [2], sizes = [1], strides = [1]} : vector<16xi32> to vector<1xi32>
      %squeeze3A_663 = vector.extract %slice3A_662[0] : i32 from vector<1xi32>
      %slice3A_664 = vector.extract_strided_slice %shift_left3A_657 {offsets = [3], sizes = [1], strides = [1]} : vector<16xi32> to vector<1xi32>
      %squeeze3A_665 = vector.extract %slice3A_664[0] : i32 from vector<1xi32>
      %slice3A_666 = vector.extract_strided_slice %shift_left3A_657 {offsets = [4], sizes = [1], strides = [1]} : vector<16xi32> to vector<1xi32>
      %squeeze3A_667 = vector.extract %slice3A_666[0] : i32 from vector<1xi32>
      %slice3A_668 = vector.extract_strided_slice %shift_left3A_657 {offsets = [5], sizes = [1], strides = [1]} : vector<16xi32> to vector<1xi32>
      %squeeze3A_669 = vector.extract %slice3A_668[0] : i32 from vector<1xi32>
      %slice3A_670 = vector.extract_strided_slice %shift_left3A_657 {offsets = [6], sizes = [1], strides = [1]} : vector<16xi32> to vector<1xi32>
      %squeeze3A_671 = vector.extract %slice3A_670[0] : i32 from vector<1xi32>
      %slice3A_672 = vector.extract_strided_slice %shift_left3A_657 {offsets = [7], sizes = [1], strides = [1]} : vector<16xi32> to vector<1xi32>
      %squeeze3A_673 = vector.extract %slice3A_672[0] : i32 from vector<1xi32>
      %slice3A_674 = vector.extract_strided_slice %shift_left3A_657 {offsets = [8], sizes = [1], strides = [1]} : vector<16xi32> to vector<1xi32>
      %squeeze3A_675 = vector.extract %slice3A_674[0] : i32 from vector<1xi32>
      %slice3A_676 = vector.extract_strided_slice %shift_left3A_657 {offsets = [9], sizes = [1], strides = [1]} : vector<16xi32> to vector<1xi32>
      %squeeze3A_677 = vector.extract %slice3A_676[0] : i32 from vector<1xi32>
      %slice3A_678 = vector.extract_strided_slice %shift_left3A_657 {offsets = [10], sizes = [1], strides = [1]} : vector<16xi32> to vector<1xi32>
      %squeeze3A_679 = vector.extract %slice3A_678[0] : i32 from vector<1xi32>
      %slice3A_680 = vector.extract_strided_slice %shift_left3A_657 {offsets = [11], sizes = [1], strides = [1]} : vector<16xi32> to vector<1xi32>
      %squeeze3A_681 = vector.extract %slice3A_680[0] : i32 from vector<1xi32>
      %slice3A_682 = vector.extract_strided_slice %shift_left3A_657 {offsets = [12], sizes = [1], strides = [1]} : vector<16xi32> to vector<1xi32>
      %squeeze3A_683 = vector.extract %slice3A_682[0] : i32 from vector<1xi32>
      %slice3A_684 = vector.extract_strided_slice %shift_left3A_657 {offsets = [13], sizes = [1], strides = [1]} : vector<16xi32> to vector<1xi32>
      %squeeze3A_685 = vector.extract %slice3A_684[0] : i32 from vector<1xi32>
      %slice3A_686 = vector.extract_strided_slice %shift_left3A_657 {offsets = [14], sizes = [1], strides = [1]} : vector<16xi32> to vector<1xi32>
      %squeeze3A_687 = vector.extract %slice3A_686[0] : i32 from vector<1xi32>
      %slice3A_688 = vector.extract_strided_slice %shift_left3A_657 {offsets = [15], sizes = [1], strides = [1]} : vector<16xi32> to vector<1xi32>
      %squeeze3A_689 = vector.extract %slice3A_688[0] : i32 from vector<1xi32>
      %get3A_690 = arith.constant 16 : i32
      %get3A_691 = arith.index_cast %get3A_690 : i32 to index
      %get3A_692 = arith.constant 0 : index
      %get3A_693 = tpu.vector_load %arg18[%get3A_691, %get3A_692] {strides = array<i32>} : memref<48x16xf32, #tpu.memory_space<vmem>>, vector<16xf32>,
      %mul3A_694 = arith.mulf %get3A_693, %convert_element_type3A_5 : vector<16xf32>
      %get3A_695 = arith.constant 17 : i32
      %get3A_696 = arith.index_cast %get3A_695 : i32 to index
      %get3A_697 = arith.constant 0 : index
      %get3A_698 = tpu.vector_load %arg18[%get3A_696, %get3A_697] {strides = array<i32>} : memref<48x16xf32, #tpu.memory_space<vmem>>, vector<16xf32>,
      %mul3A_699 = arith.mulf %get3A_698, %convert_element_type3A_5 : vector<16xf32>
      %get3A_700 = arith.constant 18 : i32
      %get3A_701 = arith.index_cast %get3A_700 : i32 to index
      %get3A_702 = arith.constant 0 : index
      %get3A_703 = tpu.vector_load %arg18[%get3A_701, %get3A_702] {strides = array<i32>} : memref<48x16xf32, #tpu.memory_space<vmem>>, vector<16xf32>,
      %mul3A_704 = arith.mulf %get3A_703, %convert_element_type3A_5 : vector<16xf32>
      %get3A_705 = arith.constant 19 : i32
      %get3A_706 = arith.index_cast %get3A_705 : i32 to index
      %get3A_707 = arith.constant 0 : index
      %get3A_708 = tpu.vector_load %arg18[%get3A_706, %get3A_707] {strides = array<i32>} : memref<48x16xf32, #tpu.memory_space<vmem>>, vector<16xf32>,
      %mul3A_709 = arith.mulf %get3A_708, %convert_element_type3A_5 : vector<16xf32>
      %get3A_710 = arith.constant 20 : i32
      %get3A_711 = arith.index_cast %get3A_710 : i32 to index
      %get3A_712 = arith.constant 0 : index
      %get3A_713 = tpu.vector_load %arg18[%get3A_711, %get3A_712] {strides = array<i32>} : memref<48x16xf32, #tpu.memory_space<vmem>>, vector<16xf32>,
      %mul3A_714 = arith.mulf %get3A_713, %convert_element_type3A_5 : vector<16xf32>
      %get3A_715 = arith.constant 21 : i32
      %get3A_716 = arith.index_cast %get3A_715 : i32 to index
      %get3A_717 = arith.constant 0 : index
      %get3A_718 = tpu.vector_load %arg18[%get3A_716, %get3A_717] {strides = array<i32>} : memref<48x16xf32, #tpu.memory_space<vmem>>, vector<16xf32>,
      %mul3A_719 = arith.mulf %get3A_718, %convert_element_type3A_5 : vector<16xf32>
      %get3A_720 = arith.constant 22 : i32
      %get3A_721 = arith.index_cast %get3A_720 : i32 to index
      %get3A_722 = arith.constant 0 : index
      %get3A_723 = tpu.vector_load %arg18[%get3A_721, %get3A_722] {strides = array<i32>} : memref<48x16xf32, #tpu.memory_space<vmem>>, vector<16xf32>,
      %mul3A_724 = arith.mulf %get3A_723, %convert_element_type3A_5 : vector<16xf32>
      %get3A_725 = arith.constant 23 : i32
      %get3A_726 = arith.index_cast %get3A_725 : i32 to index
      %get3A_727 = arith.constant 0 : index
      %get3A_728 = tpu.vector_load %arg18[%get3A_726, %get3A_727] {strides = array<i32>} : memref<48x16xf32, #tpu.memory_space<vmem>>, vector<16xf32>,
      %mul3A_729 = arith.mulf %get3A_728, %convert_element_type3A_5 : vector<16xf32>
      %get3A_730 = arith.constant 24 : i32
      %get3A_731 = arith.index_cast %get3A_730 : i32 to index
      %get3A_732 = arith.constant 0 : index
      %get3A_733 = tpu.vector_load %arg18[%get3A_731, %get3A_732] {strides = array<i32>} : memref<48x16xf32, #tpu.memory_space<vmem>>, vector<16xf32>,
      %mul3A_734 = arith.mulf %get3A_733, %convert_element_type3A_5 : vector<16xf32>
      %get3A_735 = arith.constant 25 : i32
      %get3A_736 = arith.index_cast %get3A_735 : i32 to index
      %get3A_737 = arith.constant 0 : index
      %get3A_738 = tpu.vector_load %arg18[%get3A_736, %get3A_737] {strides = array<i32>} : memref<48x16xf32, #tpu.memory_space<vmem>>, vector<16xf32>,
      %mul3A_739 = arith.mulf %get3A_738, %convert_element_type3A_5 : vector<16xf32>
      %get3A_740 = arith.constant 26 : i32
      %get3A_741 = arith.index_cast %get3A_740 : i32 to index
      %get3A_742 = arith.constant 0 : index
      %get3A_743 = tpu.vector_load %arg18[%get3A_741, %get3A_742] {strides = array<i32>} : memref<48x16xf32, #tpu.memory_space<vmem>>, vector<16xf32>,
      %mul3A_744 = arith.mulf %get3A_743, %convert_element_type3A_5 : vector<16xf32>
      %get3A_745 = arith.constant 27 : i32
      %get3A_746 = arith.index_cast %get3A_745 : i32 to index
      %get3A_747 = arith.constant 0 : index
      %get3A_748 = tpu.vector_load %arg18[%get3A_746, %get3A_747] {strides = array<i32>} : memref<48x16xf32, #tpu.memory_space<vmem>>, vector<16xf32>,
      %mul3A_749 = arith.mulf %get3A_748, %convert_element_type3A_5 : vector<16xf32>
      %get3A_750 = arith.constant 28 : i32
      %get3A_751 = arith.index_cast %get3A_750 : i32 to index
      %get3A_752 = arith.constant 0 : index
      %get3A_753 = tpu.vector_load %arg18[%get3A_751, %get3A_752] {strides = array<i32>} : memref<48x16xf32, #tpu.memory_space<vmem>>, vector<16xf32>,
      %mul3A_754 = arith.mulf %get3A_753, %convert_element_type3A_5 : vector<16xf32>
      %get3A_755 = arith.constant 29 : i32
      %get3A_756 = arith.index_cast %get3A_755 : i32 to index
      %get3A_757 = arith.constant 0 : index
      %get3A_758 = tpu.vector_load %arg18[%get3A_756, %get3A_757] {strides = array<i32>} : memref<48x16xf32, #tpu.memory_space<vmem>>, vector<16xf32>,
      %mul3A_759 = arith.mulf %get3A_758, %convert_element_type3A_5 : vector<16xf32>
      %get3A_760 = arith.constant 30 : i32
      %get3A_761 = arith.index_cast %get3A_760 : i32 to index
      %get3A_762 = arith.constant 0 : index
      %get3A_763 = tpu.vector_load %arg18[%get3A_761, %get3A_762] {strides = array<i32>} : memref<48x16xf32, #tpu.memory_space<vmem>>, vector<16xf32>,
      %mul3A_764 = arith.mulf %get3A_763, %convert_element_type3A_5 : vector<16xf32>
      %get3A_765 = arith.constant 31 : i32
      %get3A_766 = arith.index_cast %get3A_765 : i32 to index
      %get3A_767 = arith.constant 0 : index
      %get3A_768 = tpu.vector_load %arg18[%get3A_766, %get3A_767] {strides = array<i32>} : memref<48x16xf32, #tpu.memory_space<vmem>>, vector<16xf32>,
      %mul3A_769 = arith.mulf %get3A_768, %convert_element_type3A_5 : vector<16xf32>
      %swap3A_770 = arith.constant 0 : i32
      %swap3A_771 = arith.index_cast %swap3A_770 : i32 to index
      %swap3A_772 = arith.index_cast %squeeze3A_659 : i32 to index
      %swap3A_773 = tpu.vector_load %arg19[%swap3A_771, %swap3A_772] {strides = array<i32>} : memref<16x128xf32, #tpu.memory_space<vmem>>, vector<16xf32>,
      tpu.vector_store %arg19[%swap3A_771, %swap3A_772], %mul3A_694 {strides = array<i32>} : memref<16x128xf32, #tpu.memory_space<vmem>>, vector<16xf32>,
      %swap3A_774 = arith.constant 1 : i32
      %swap3A_775 = arith.index_cast %swap3A_774 : i32 to index
      %swap3A_776 = arith.index_cast %squeeze3A_661 : i32 to index
      %swap3A_777 = tpu.vector_load %arg19[%swap3A_775, %swap3A_776] {strides = array<i32>} : memref<16x128xf32, #tpu.memory_space<vmem>>, vector<16xf32>,
      tpu.vector_store %arg19[%swap3A_775, %swap3A_776], %mul3A_699 {strides = array<i32>} : memref<16x128xf32, #tpu.memory_space<vmem>>, vector<16xf32>,
      %swap3A_778 = arith.constant 2 : i32
      %swap3A_779 = arith.index_cast %swap3A_778 : i32 to index
      %swap3A_780 = arith.index_cast %squeeze3A_663 : i32 to index
      %swap3A_781 = tpu.vector_load %arg19[%swap3A_779, %swap3A_780] {strides = array<i32>} : memref<16x128xf32, #tpu.memory_space<vmem>>, vector<16xf32>,
      tpu.vector_store %arg19[%swap3A_779, %swap3A_780], %mul3A_704 {strides = array<i32>} : memref<16x128xf32, #tpu.memory_space<vmem>>, vector<16xf32>,
      %swap3A_782 = arith.constant 3 : i32
      %swap3A_783 = arith.index_cast %swap3A_782 : i32 to index
      %swap3A_784 = arith.index_cast %squeeze3A_665 : i32 to index
      %swap3A_785 = tpu.vector_load %arg19[%swap3A_783, %swap3A_784] {strides = array<i32>} : memref<16x128xf32, #tpu.memory_space<vmem>>, vector<16xf32>,
      tpu.vector_store %arg19[%swap3A_783, %swap3A_784], %mul3A_709 {strides = array<i32>} : memref<16x128xf32, #tpu.memory_space<vmem>>, vector<16xf32>,
      %swap3A_786 = arith.constant 4 : i32
      %swap3A_787 = arith.index_cast %swap3A_786 : i32 to index
      %swap3A_788 = arith.index_cast %squeeze3A_667 : i32 to index
      %swap3A_789 = tpu.vector_load %arg19[%swap3A_787, %swap3A_788] {strides = array<i32>} : memref<16x128xf32, #tpu.memory_space<vmem>>, vector<16xf32>,
      tpu.vector_store %arg19[%swap3A_787, %swap3A_788], %mul3A_714 {strides = array<i32>} : memref<16x128xf32, #tpu.memory_space<vmem>>, vector<16xf32>,
      %swap3A_790 = arith.constant 5 : i32
      %swap3A_791 = arith.index_cast %swap3A_790 : i32 to index
      %swap3A_792 = arith.index_cast %squeeze3A_669 : i32 to index
      %swap3A_793 = tpu.vector_load %arg19[%swap3A_791, %swap3A_792] {strides = array<i32>} : memref<16x128xf32, #tpu.memory_space<vmem>>, vector<16xf32>,
      tpu.vector_store %arg19[%swap3A_791, %swap3A_792], %mul3A_719 {strides = array<i32>} : memref<16x128xf32, #tpu.memory_space<vmem>>, vector<16xf32>,
      %swap3A_794 = arith.constant 6 : i32
      %swap3A_795 = arith.index_cast %swap3A_794 : i32 to index
      %swap3A_796 = arith.index_cast %squeeze3A_671 : i32 to index
      %swap3A_797 = tpu.vector_load %arg19[%swap3A_795, %swap3A_796] {strides = array<i32>} : memref<16x128xf32, #tpu.memory_space<vmem>>, vector<16xf32>,
      tpu.vector_store %arg19[%swap3A_795, %swap3A_796], %mul3A_724 {strides = array<i32>} : memref<16x128xf32, #tpu.memory_space<vmem>>, vector<16xf32>,
      %swap3A_798 = arith.constant 7 : i32
      %swap3A_799 = arith.index_cast %swap3A_798 : i32 to index
      %swap3A_800 = arith.index_cast %squeeze3A_673 : i32 to index
      %swap3A_801 = tpu.vector_load %arg19[%swap3A_799, %swap3A_800] {strides = array<i32>} : memref<16x128xf32, #tpu.memory_space<vmem>>, vector<16xf32>,
      tpu.vector_store %arg19[%swap3A_799, %swap3A_800], %mul3A_729 {strides = array<i32>} : memref<16x128xf32, #tpu.memory_space<vmem>>, vector<16xf32>,
      %swap3A_802 = arith.constant 8 : i32
      %swap3A_803 = arith.index_cast %swap3A_802 : i32 to index
      %swap3A_804 = arith.index_cast %squeeze3A_675 : i32 to index
      %swap3A_805 = tpu.vector_load %arg19[%swap3A_803, %swap3A_804] {strides = array<i32>} : memref<16x128xf32, #tpu.memory_space<vmem>>, vector<16xf32>,
      tpu.vector_store %arg19[%swap3A_803, %swap3A_804], %mul3A_734 {strides = array<i32>} : memref<16x128xf32, #tpu.memory_space<vmem>>, vector<16xf32>,
      %swap3A_806 = arith.constant 9 : i32
      %swap3A_807 = arith.index_cast %swap3A_806 : i32 to index
      %swap3A_808 = arith.index_cast %squeeze3A_677 : i32 to index
      %swap3A_809 = tpu.vector_load %arg19[%swap3A_807, %swap3A_808] {strides = array<i32>} : memref<16x128xf32, #tpu.memory_space<vmem>>, vector<16xf32>,
      tpu.vector_store %arg19[%swap3A_807, %swap3A_808], %mul3A_739 {strides = array<i32>} : memref<16x128xf32, #tpu.memory_space<vmem>>, vector<16xf32>,
      %swap3A_810 = arith.constant 10 : i32
      %swap3A_811 = arith.index_cast %swap3A_810 : i32 to index
      %swap3A_812 = arith.index_cast %squeeze3A_679 : i32 to index
      %swap3A_813 = tpu.vector_load %arg19[%swap3A_811, %swap3A_812] {strides = array<i32>} : memref<16x128xf32, #tpu.memory_space<vmem>>, vector<16xf32>,
      tpu.vector_store %arg19[%swap3A_811, %swap3A_812], %mul3A_744 {strides = array<i32>} : memref<16x128xf32, #tpu.memory_space<vmem>>, vector<16xf32>,
      %swap3A_814 = arith.constant 11 : i32
      %swap3A_815 = arith.index_cast %swap3A_814 : i32 to index
      %swap3A_816 = arith.index_cast %squeeze3A_681 : i32 to index
      %swap3A_817 = tpu.vector_load %arg19[%swap3A_815, %swap3A_816] {strides = array<i32>} : memref<16x128xf32, #tpu.memory_space<vmem>>, vector<16xf32>,
      tpu.vector_store %arg19[%swap3A_815, %swap3A_816], %mul3A_749 {strides = array<i32>} : memref<16x128xf32, #tpu.memory_space<vmem>>, vector<16xf32>,
      %swap3A_818 = arith.constant 12 : i32
      %swap3A_819 = arith.index_cast %swap3A_818 : i32 to index
      %swap3A_820 = arith.index_cast %squeeze3A_683 : i32 to index
      %swap3A_821 = tpu.vector_load %arg19[%swap3A_819, %swap3A_820] {strides = array<i32>} : memref<16x128xf32, #tpu.memory_space<vmem>>, vector<16xf32>,
      tpu.vector_store %arg19[%swap3A_819, %swap3A_820], %mul3A_754 {strides = array<i32>} : memref<16x128xf32, #tpu.memory_space<vmem>>, vector<16xf32>,
      %swap3A_822 = arith.constant 13 : i32
      %swap3A_823 = arith.index_cast %swap3A_822 : i32 to index
      %swap3A_824 = arith.index_cast %squeeze3A_685 : i32 to index
      %swap3A_825 = tpu.vector_load %arg19[%swap3A_823, %swap3A_824] {strides = array<i32>} : memref<16x128xf32, #tpu.memory_space<vmem>>, vector<16xf32>,
      tpu.vector_store %arg19[%swap3A_823, %swap3A_824], %mul3A_759 {strides = array<i32>} : memref<16x128xf32, #tpu.memory_space<vmem>>, vector<16xf32>,
      %swap3A_826 = arith.constant 14 : i32
      %swap3A_827 = arith.index_cast %swap3A_826 : i32 to index
      %swap3A_828 = arith.index_cast %squeeze3A_687 : i32 to index
      %swap3A_829 = tpu.vector_load %arg19[%swap3A_827, %swap3A_828] {strides = array<i32>} : memref<16x128xf32, #tpu.memory_space<vmem>>, vector<16xf32>,
      tpu.vector_store %arg19[%swap3A_827, %swap3A_828], %mul3A_764 {strides = array<i32>} : memref<16x128xf32, #tpu.memory_space<vmem>>, vector<16xf32>,
      %swap3A_830 = arith.constant 15 : i32
      %swap3A_831 = arith.index_cast %swap3A_830 : i32 to index
      %swap3A_832 = arith.index_cast %squeeze3A_689 : i32 to index
      %swap3A_833 = tpu.vector_load %arg19[%swap3A_831, %swap3A_832] {strides = array<i32>} : memref<16x128xf32, #tpu.memory_space<vmem>>, vector<16xf32>,
      tpu.vector_store %arg19[%swap3A_831, %swap3A_832], %mul3A_769 {strides = array<i32>} : memref<16x128xf32, #tpu.memory_space<vmem>>, vector<16xf32>,
      "tpu.region"() ({
        %run_scoped3A = tpu.sem_alloc : memref<!tpu.dma_semaphore, #tpu.memory_space<semaphore_mem>>
        %dma_start3A_1962 = arith.constant 0 : i32
        %dma_start3A_1963 = arith.constant 0 : i32
        %dma_start3A_1964 = tpu.memref_slice %arg21[%dma_start3A_1962, %dma_start3A_1963] : memref<1280x128xf32, #tpu.memory_space<vmem_shared>> -> memref<1280x128xf32, #tpu.memory_space<vmem_shared>>
        tpu.enqueue_indirect_dma source(%arg19 : memref<16x128xf32, #tpu.memory_space<vmem>>) target(%dma_start3A_1964 : memref<1280x128xf32, #tpu.memory_space<vmem_shared>>) offsets(%arg12 : memref<16xi32, #tpu.memory_space<vmem>>) semaphore(%run_scoped3A : memref<!tpu.dma_semaphore, #tpu.memory_space<semaphore_mem>>) {add = true}
        %dma_wait3A_1965 = arith.constant 0 : i32
        %dma_wait3A_1966 = arith.constant 0 : i32
        %dma_wait3A_1967 = tpu.memref_slice %arg21[%dma_wait3A_1965, %dma_wait3A_1966] : memref<1280x128xf32, #tpu.memory_space<vmem_shared>> -> memref<1280x128xf32, #tpu.memory_space<vmem_shared>>
        tpu.wait_indirect_dma semaphore(%run_scoped3A : memref<!tpu.dma_semaphore, #tpu.memory_space<semaphore_mem>>) src(%arg19 : memref<16x128xf32, #tpu.memory_space<vmem>>) dst(%dma_wait3A_1967 : memref<1280x128xf32, #tpu.memory_space<vmem_shared>>)
        tpu.yield
      }) : () -> ()
      %swap3A_834 = arith.constant 0 : i32
      %swap3A_835 = arith.index_cast %swap3A_834 : i32 to index
      %swap3A_836 = arith.index_cast %squeeze3A_659 : i32 to index
      %swap3A_837 = tpu.vector_load %arg19[%swap3A_835, %swap3A_836] {strides = array<i32>} : memref<16x128xf32, #tpu.memory_space<vmem>>, vector<16xf32>,
      tpu.vector_store %arg19[%swap3A_835, %swap3A_836], %broadcast_in_dim3A_0 {strides = array<i32>} : memref<16x128xf32, #tpu.memory_space<vmem>>, vector<16xf32>,
      %swap3A_838 = arith.constant 1 : i32
      %swap3A_839 = arith.index_cast %swap3A_838 : i32 to index
      %swap3A_840 = arith.index_cast %squeeze3A_661 : i32 to index
      %swap3A_841 = tpu.vector_load %arg19[%swap3A_839, %swap3A_840] {strides = array<i32>} : memref<16x128xf32, #tpu.memory_space<vmem>>, vector<16xf32>,
      tpu.vector_store %arg19[%swap3A_839, %swap3A_840], %broadcast_in_dim3A_0 {strides = array<i32>} : memref<16x128xf32, #tpu.memory_space<vmem>>, vector<16xf32>,
      %swap3A_842 = arith.constant 2 : i32
      %swap3A_843 = arith.index_cast %swap3A_842 : i32 to index
      %swap3A_844 = arith.index_cast %squeeze3A_663 : i32 to index
      %swap3A_845 = tpu.vector_load %arg19[%swap3A_843, %swap3A_844] {strides = array<i32>} : memref<16x128xf32, #tpu.memory_space<vmem>>, vector<16xf32>,
      tpu.vector_store %arg19[%swap3A_843, %swap3A_844], %broadcast_in_dim3A_0 {strides = array<i32>} : memref<16x128xf32, #tpu.memory_space<vmem>>, vector<16xf32>,
      %swap3A_846 = arith.constant 3 : i32
      %swap3A_847 = arith.index_cast %swap3A_846 : i32 to index
      %swap3A_848 = arith.index_cast %squeeze3A_665 : i32 to index
      %swap3A_849 = tpu.vector_load %arg19[%swap3A_847, %swap3A_848] {strides = array<i32>} : memref<16x128xf32, #tpu.memory_space<vmem>>, vector<16xf32>,
      tpu.vector_store %arg19[%swap3A_847, %swap3A_848], %broadcast_in_dim3A_0 {strides = array<i32>} : memref<16x128xf32, #tpu.memory_space<vmem>>, vector<16xf32>,
      %swap3A_850 = arith.constant 4 : i32
      %swap3A_851 = arith.index_cast %swap3A_850 : i32 to index
      %swap3A_852 = arith.index_cast %squeeze3A_667 : i32 to index
      %swap3A_853 = tpu.vector_load %arg19[%swap3A_851, %swap3A_852] {strides = array<i32>} : memref<16x128xf32, #tpu.memory_space<vmem>>, vector<16xf32>,
      tpu.vector_store %arg19[%swap3A_851, %swap3A_852], %broadcast_in_dim3A_0 {strides = array<i32>} : memref<16x128xf32, #tpu.memory_space<vmem>>, vector<16xf32>,
      %swap3A_854 = arith.constant 5 : i32
      %swap3A_855 = arith.index_cast %swap3A_854 : i32 to index
      %swap3A_856 = arith.index_cast %squeeze3A_669 : i32 to index
      %swap3A_857 = tpu.vector_load %arg19[%swap3A_855, %swap3A_856] {strides = array<i32>} : memref<16x128xf32, #tpu.memory_space<vmem>>, vector<16xf32>,
      tpu.vector_store %arg19[%swap3A_855, %swap3A_856], %broadcast_in_dim3A_0 {strides = array<i32>} : memref<16x128xf32, #tpu.memory_space<vmem>>, vector<16xf32>,
      %swap3A_858 = arith.constant 6 : i32
      %swap3A_859 = arith.index_cast %swap3A_858 : i32 to index
      %swap3A_860 = arith.index_cast %squeeze3A_671 : i32 to index
      %swap3A_861 = tpu.vector_load %arg19[%swap3A_859, %swap3A_860] {strides = array<i32>} : memref<16x128xf32, #tpu.memory_space<vmem>>, vector<16xf32>,
      tpu.vector_store %arg19[%swap3A_859, %swap3A_860], %broadcast_in_dim3A_0 {strides = array<i32>} : memref<16x128xf32, #tpu.memory_space<vmem>>, vector<16xf32>,
      %swap3A_862 = arith.constant 7 : i32
      %swap3A_863 = arith.index_cast %swap3A_862 : i32 to index
      %swap3A_864 = arith.index_cast %squeeze3A_673 : i32 to index
      %swap3A_865 = tpu.vector_load %arg19[%swap3A_863, %swap3A_864] {strides = array<i32>} : memref<16x128xf32, #tpu.memory_space<vmem>>, vector<16xf32>,
      tpu.vector_store %arg19[%swap3A_863, %swap3A_864], %broadcast_in_dim3A_0 {strides = array<i32>} : memref<16x128xf32, #tpu.memory_space<vmem>>, vector<16xf32>,
      %swap3A_866 = arith.constant 8 : i32
      %swap3A_867 = arith.index_cast %swap3A_866 : i32 to index
      %swap3A_868 = arith.index_cast %squeeze3A_675 : i32 to index
      %swap3A_869 = tpu.vector_load %arg19[%swap3A_867, %swap3A_868] {strides = array<i32>} : memref<16x128xf32, #tpu.memory_space<vmem>>, vector<16xf32>,
      tpu.vector_store %arg19[%swap3A_867, %swap3A_868], %broadcast_in_dim3A_0 {strides = array<i32>} : memref<16x128xf32, #tpu.memory_space<vmem>>, vector<16xf32>,
      %swap3A_870 = arith.constant 9 : i32
      %swap3A_871 = arith.index_cast %swap3A_870 : i32 to index
      %swap3A_872 = arith.index_cast %squeeze3A_677 : i32 to index
      %swap3A_873 = tpu.vector_load %arg19[%swap3A_871, %swap3A_872] {strides = array<i32>} : memref<16x128xf32, #tpu.memory_space<vmem>>, vector<16xf32>,
      tpu.vector_store %arg19[%swap3A_871, %swap3A_872], %broadcast_in_dim3A_0 {strides = array<i32>} : memref<16x128xf32, #tpu.memory_space<vmem>>, vector<16xf32>,
      %swap3A_874 = arith.constant 10 : i32
      %swap3A_875 = arith.index_cast %swap3A_874 : i32 to index
      %swap3A_876 = arith.index_cast %squeeze3A_679 : i32 to index
      %swap3A_877 = tpu.vector_load %arg19[%swap3A_875, %swap3A_876] {strides = array<i32>} : memref<16x128xf32, #tpu.memory_space<vmem>>, vector<16xf32>,
      tpu.vector_store %arg19[%swap3A_875, %swap3A_876], %broadcast_in_dim3A_0 {strides = array<i32>} : memref<16x128xf32, #tpu.memory_space<vmem>>, vector<16xf32>,
      %swap3A_878 = arith.constant 11 : i32
      %swap3A_879 = arith.index_cast %swap3A_878 : i32 to index
      %swap3A_880 = arith.index_cast %squeeze3A_681 : i32 to index
      %swap3A_881 = tpu.vector_load %arg19[%swap3A_879, %swap3A_880] {strides = array<i32>} : memref<16x128xf32, #tpu.memory_space<vmem>>, vector<16xf32>,
      tpu.vector_store %arg19[%swap3A_879, %swap3A_880], %broadcast_in_dim3A_0 {strides = array<i32>} : memref<16x128xf32, #tpu.memory_space<vmem>>, vector<16xf32>,
      %swap3A_882 = arith.constant 12 : i32
      %swap3A_883 = arith.index_cast %swap3A_882 : i32 to index
      %swap3A_884 = arith.index_cast %squeeze3A_683 : i32 to index
      %swap3A_885 = tpu.vector_load %arg19[%swap3A_883, %swap3A_884] {strides = array<i32>} : memref<16x128xf32, #tpu.memory_space<vmem>>, vector<16xf32>,
      tpu.vector_store %arg19[%swap3A_883, %swap3A_884], %broadcast_in_dim3A_0 {strides = array<i32>} : memref<16x128xf32, #tpu.memory_space<vmem>>, vector<16xf32>,
      %swap3A_886 = arith.constant 13 : i32
      %swap3A_887 = arith.index_cast %swap3A_886 : i32 to index
      %swap3A_888 = arith.index_cast %squeeze3A_685 : i32 to index
      %swap3A_889 = tpu.vector_load %arg19[%swap3A_887, %swap3A_888] {strides = array<i32>} : memref<16x128xf32, #tpu.memory_space<vmem>>, vector<16xf32>,
      tpu.vector_store %arg19[%swap3A_887, %swap3A_888], %broadcast_in_dim3A_0 {strides = array<i32>} : memref<16x128xf32, #tpu.memory_space<vmem>>, vector<16xf32>,
      %swap3A_890 = arith.constant 14 : i32
      %swap3A_891 = arith.index_cast %swap3A_890 : i32 to index
      %swap3A_892 = arith.index_cast %squeeze3A_687 : i32 to index
      %swap3A_893 = tpu.vector_load %arg19[%swap3A_891, %swap3A_892] {strides = array<i32>} : memref<16x128xf32, #tpu.memory_space<vmem>>, vector<16xf32>,
      tpu.vector_store %arg19[%swap3A_891, %swap3A_892], %broadcast_in_dim3A_0 {strides = array<i32>} : memref<16x128xf32, #tpu.memory_space<vmem>>, vector<16xf32>,
      %swap3A_894 = arith.constant 15 : i32
      %swap3A_895 = arith.index_cast %swap3A_894 : i32 to index
      %swap3A_896 = arith.index_cast %squeeze3A_689 : i32 to index
      %swap3A_897 = tpu.vector_load %arg19[%swap3A_895, %swap3A_896] {strides = array<i32>} : memref<16x128xf32, #tpu.memory_space<vmem>>, vector<16xf32>,
      tpu.vector_store %arg19[%swap3A_895, %swap3A_896], %broadcast_in_dim3A_0 {strides = array<i32>} : memref<16x128xf32, #tpu.memory_space<vmem>>, vector<16xf32>,
      %get3A_898 = arith.constant 32 : index
      %get3A_899 = tpu.vector_load %arg10[%get3A_898] {strides = array<i32>} : memref<48xi32, #tpu.memory_space<vmem>>, vector<16xi32>,
      %shift_right_logical3A_900 = arith.constant 3 : i32
      %shift_right_logical3A_901 = vector.broadcast %shift_right_logical3A_900 : i32 to vector<16xi32>
      %shift_right_logical3A_902 = arith.shrui %get3A_899, %shift_right_logical3A_901 : vector<16xi32>
      %swap3A_903 = arith.constant 0 : index
      %swap3A_904 = tpu.vector_load %arg12[%swap3A_903] {strides = array<i32>} : memref<16xi32, #tpu.memory_space<vmem>>, vector<16xi32>,
      tpu.vector_store %arg12[%swap3A_903], %shift_right_logical3A_902 {strides = array<i32>} : memref<16xi32, #tpu.memory_space<vmem>>, vector<16xi32>,
      %and3A_905 = arith.constant 7 : i32
      %and3A_906 = vector.broadcast %and3A_905 : i32 to vector<16xi32>
      %and3A_907 = arith.andi %get3A_899, %and3A_906 : vector<16xi32>
      %shift_left3A_908 = arith.constant 4 : i32
      %shift_left3A_909 = vector.broadcast %shift_left3A_908 : i32 to vector<16xi32>
      %shift_left3A_910 = arith.shli %and3A_907, %shift_left3A_909 : vector<16xi32>
      %slice3A_911 = vector.extract_strided_slice %shift_left3A_910 {offsets = [0], sizes = [1], strides = [1]} : vector<16xi32> to vector<1xi32>
      %squeeze3A_912 = vector.extract %slice3A_911[0] : i32 from vector<1xi32>
      %slice3A_913 = vector.extract_strided_slice %shift_left3A_910 {offsets = [1], sizes = [1], strides = [1]} : vector<16xi32> to vector<1xi32>
      %squeeze3A_914 = vector.extract %slice3A_913[0] : i32 from vector<1xi32>
      %slice3A_915 = vector.extract_strided_slice %shift_left3A_910 {offsets = [2], sizes = [1], strides = [1]} : vector<16xi32> to vector<1xi32>
      %squeeze3A_916 = vector.extract %slice3A_915[0] : i32 from vector<1xi32>
      %slice3A_917 = vector.extract_strided_slice %shift_left3A_910 {offsets = [3], sizes = [1], strides = [1]} : vector<16xi32> to vector<1xi32>
      %squeeze3A_918 = vector.extract %slice3A_917[0] : i32 from vector<1xi32>
      %slice3A_919 = vector.extract_strided_slice %shift_left3A_910 {offsets = [4], sizes = [1], strides = [1]} : vector<16xi32> to vector<1xi32>
      %squeeze3A_920 = vector.extract %slice3A_919[0] : i32 from vector<1xi32>
      %slice3A_921 = vector.extract_strided_slice %shift_left3A_910 {offsets = [5], sizes = [1], strides = [1]} : vector<16xi32> to vector<1xi32>
      %squeeze3A_922 = vector.extract %slice3A_921[0] : i32 from vector<1xi32>
      %slice3A_923 = vector.extract_strided_slice %shift_left3A_910 {offsets = [6], sizes = [1], strides = [1]} : vector<16xi32> to vector<1xi32>
      %squeeze3A_924 = vector.extract %slice3A_923[0] : i32 from vector<1xi32>
      %slice3A_925 = vector.extract_strided_slice %shift_left3A_910 {offsets = [7], sizes = [1], strides = [1]} : vector<16xi32> to vector<1xi32>
      %squeeze3A_926 = vector.extract %slice3A_925[0] : i32 from vector<1xi32>
      %slice3A_927 = vector.extract_strided_slice %shift_left3A_910 {offsets = [8], sizes = [1], strides = [1]} : vector<16xi32> to vector<1xi32>
      %squeeze3A_928 = vector.extract %slice3A_927[0] : i32 from vector<1xi32>
      %slice3A_929 = vector.extract_strided_slice %shift_left3A_910 {offsets = [9], sizes = [1], strides = [1]} : vector<16xi32> to vector<1xi32>
      %squeeze3A_930 = vector.extract %slice3A_929[0] : i32 from vector<1xi32>
      %slice3A_931 = vector.extract_strided_slice %shift_left3A_910 {offsets = [10], sizes = [1], strides = [1]} : vector<16xi32> to vector<1xi32>
      %squeeze3A_932 = vector.extract %slice3A_931[0] : i32 from vector<1xi32>
      %slice3A_933 = vector.extract_strided_slice %shift_left3A_910 {offsets = [11], sizes = [1], strides = [1]} : vector<16xi32> to vector<1xi32>
      %squeeze3A_934 = vector.extract %slice3A_933[0] : i32 from vector<1xi32>
      %slice3A_935 = vector.extract_strided_slice %shift_left3A_910 {offsets = [12], sizes = [1], strides = [1]} : vector<16xi32> to vector<1xi32>
      %squeeze3A_936 = vector.extract %slice3A_935[0] : i32 from vector<1xi32>
      %slice3A_937 = vector.extract_strided_slice %shift_left3A_910 {offsets = [13], sizes = [1], strides = [1]} : vector<16xi32> to vector<1xi32>
      %squeeze3A_938 = vector.extract %slice3A_937[0] : i32 from vector<1xi32>
      %slice3A_939 = vector.extract_strided_slice %shift_left3A_910 {offsets = [14], sizes = [1], strides = [1]} : vector<16xi32> to vector<1xi32>
      %squeeze3A_940 = vector.extract %slice3A_939[0] : i32 from vector<1xi32>
      %slice3A_941 = vector.extract_strided_slice %shift_left3A_910 {offsets = [15], sizes = [1], strides = [1]} : vector<16xi32> to vector<1xi32>
      %squeeze3A_942 = vector.extract %slice3A_941[0] : i32 from vector<1xi32>
      %get3A_943 = arith.constant 32 : i32
      %get3A_944 = arith.index_cast %get3A_943 : i32 to index
      %get3A_945 = arith.constant 0 : index
      %get3A_946 = tpu.vector_load %arg18[%get3A_944, %get3A_945] {strides = array<i32>} : memref<48x16xf32, #tpu.memory_space<vmem>>, vector<16xf32>,
      %mul3A_947 = arith.mulf %get3A_946, %convert_element_type3A_5 : vector<16xf32>
      %get3A_948 = arith.constant 33 : i32
      %get3A_949 = arith.index_cast %get3A_948 : i32 to index
      %get3A_950 = arith.constant 0 : index
      %get3A_951 = tpu.vector_load %arg18[%get3A_949, %get3A_950] {strides = array<i32>} : memref<48x16xf32, #tpu.memory_space<vmem>>, vector<16xf32>,
      %mul3A_952 = arith.mulf %get3A_951, %convert_element_type3A_5 : vector<16xf32>
      %get3A_953 = arith.constant 34 : i32
      %get3A_954 = arith.index_cast %get3A_953 : i32 to index
      %get3A_955 = arith.constant 0 : index
      %get3A_956 = tpu.vector_load %arg18[%get3A_954, %get3A_955] {strides = array<i32>} : memref<48x16xf32, #tpu.memory_space<vmem>>, vector<16xf32>,
      %mul3A_957 = arith.mulf %get3A_956, %convert_element_type3A_5 : vector<16xf32>
      %get3A_958 = arith.constant 35 : i32
      %get3A_959 = arith.index_cast %get3A_958 : i32 to index
      %get3A_960 = arith.constant 0 : index
      %get3A_961 = tpu.vector_load %arg18[%get3A_959, %get3A_960] {strides = array<i32>} : memref<48x16xf32, #tpu.memory_space<vmem>>, vector<16xf32>,
      %mul3A_962 = arith.mulf %get3A_961, %convert_element_type3A_5 : vector<16xf32>
      %get3A_963 = arith.constant 36 : i32
      %get3A_964 = arith.index_cast %get3A_963 : i32 to index
      %get3A_965 = arith.constant 0 : index
      %get3A_966 = tpu.vector_load %arg18[%get3A_964, %get3A_965] {strides = array<i32>} : memref<48x16xf32, #tpu.memory_space<vmem>>, vector<16xf32>,
      %mul3A_967 = arith.mulf %get3A_966, %convert_element_type3A_5 : vector<16xf32>
      %get3A_968 = arith.constant 37 : i32
      %get3A_969 = arith.index_cast %get3A_968 : i32 to index
      %get3A_970 = arith.constant 0 : index
      %get3A_971 = tpu.vector_load %arg18[%get3A_969, %get3A_970] {strides = array<i32>} : memref<48x16xf32, #tpu.memory_space<vmem>>, vector<16xf32>,
      %mul3A_972 = arith.mulf %get3A_971, %convert_element_type3A_5 : vector<16xf32>
      %get3A_973 = arith.constant 38 : i32
      %get3A_974 = arith.index_cast %get3A_973 : i32 to index
      %get3A_975 = arith.constant 0 : index
      %get3A_976 = tpu.vector_load %arg18[%get3A_974, %get3A_975] {strides = array<i32>} : memref<48x16xf32, #tpu.memory_space<vmem>>, vector<16xf32>,
      %mul3A_977 = arith.mulf %get3A_976, %convert_element_type3A_5 : vector<16xf32>
      %get3A_978 = arith.constant 39 : i32
      %get3A_979 = arith.index_cast %get3A_978 : i32 to index
      %get3A_980 = arith.constant 0 : index
      %get3A_981 = tpu.vector_load %arg18[%get3A_979, %get3A_980] {strides = array<i32>} : memref<48x16xf32, #tpu.memory_space<vmem>>, vector<16xf32>,
      %mul3A_982 = arith.mulf %get3A_981, %convert_element_type3A_5 : vector<16xf32>
      %get3A_983 = arith.constant 40 : i32
      %get3A_984 = arith.index_cast %get3A_983 : i32 to index
      %get3A_985 = arith.constant 0 : index
      %get3A_986 = tpu.vector_load %arg18[%get3A_984, %get3A_985] {strides = array<i32>} : memref<48x16xf32, #tpu.memory_space<vmem>>, vector<16xf32>,
      %mul3A_987 = arith.mulf %get3A_986, %convert_element_type3A_5 : vector<16xf32>
      %get3A_988 = arith.constant 41 : i32
      %get3A_989 = arith.index_cast %get3A_988 : i32 to index
      %get3A_990 = arith.constant 0 : index
      %get3A_991 = tpu.vector_load %arg18[%get3A_989, %get3A_990] {strides = array<i32>} : memref<48x16xf32, #tpu.memory_space<vmem>>, vector<16xf32>,
      %mul3A_992 = arith.mulf %get3A_991, %convert_element_type3A_5 : vector<16xf32>
      %get3A_993 = arith.constant 42 : i32
      %get3A_994 = arith.index_cast %get3A_993 : i32 to index
      %get3A_995 = arith.constant 0 : index
      %get3A_996 = tpu.vector_load %arg18[%get3A_994, %get3A_995] {strides = array<i32>} : memref<48x16xf32, #tpu.memory_space<vmem>>, vector<16xf32>,
      %mul3A_997 = arith.mulf %get3A_996, %convert_element_type3A_5 : vector<16xf32>
      %get3A_998 = arith.constant 43 : i32
      %get3A_999 = arith.index_cast %get3A_998 : i32 to index
      %get3A_1000 = arith.constant 0 : index
      %get3A_1001 = tpu.vector_load %arg18[%get3A_999, %get3A_1000] {strides = array<i32>} : memref<48x16xf32, #tpu.memory_space<vmem>>, vector<16xf32>,
      %mul3A_1002 = arith.mulf %get3A_1001, %convert_element_type3A_5 : vector<16xf32>
      %get3A_1003 = arith.constant 44 : i32
      %get3A_1004 = arith.index_cast %get3A_1003 : i32 to index
      %get3A_1005 = arith.constant 0 : index
      %get3A_1006 = tpu.vector_load %arg18[%get3A_1004, %get3A_1005] {strides = array<i32>} : memref<48x16xf32, #tpu.memory_space<vmem>>, vector<16xf32>,
      %mul3A_1007 = arith.mulf %get3A_1006, %convert_element_type3A_5 : vector<16xf32>
      %get3A_1008 = arith.constant 45 : i32
      %get3A_1009 = arith.index_cast %get3A_1008 : i32 to index
      %get3A_1010 = arith.constant 0 : index
      %get3A_1011 = tpu.vector_load %arg18[%get3A_1009, %get3A_1010] {strides = array<i32>} : memref<48x16xf32, #tpu.memory_space<vmem>>, vector<16xf32>,
      %mul3A_1012 = arith.mulf %get3A_1011, %convert_element_type3A_5 : vector<16xf32>
      %get3A_1013 = arith.constant 46 : i32
      %get3A_1014 = arith.index_cast %get3A_1013 : i32 to index
      %get3A_1015 = arith.constant 0 : index
      %get3A_1016 = tpu.vector_load %arg18[%get3A_1014, %get3A_1015] {strides = array<i32>} : memref<48x16xf32, #tpu.memory_space<vmem>>, vector<16xf32>,
      %mul3A_1017 = arith.mulf %get3A_1016, %convert_element_type3A_5 : vector<16xf32>
      %get3A_1018 = arith.constant 47 : i32
      %get3A_1019 = arith.index_cast %get3A_1018 : i32 to index
      %get3A_1020 = arith.constant 0 : index
      %get3A_1021 = tpu.vector_load %arg18[%get3A_1019, %get3A_1020] {strides = array<i32>} : memref<48x16xf32, #tpu.memory_space<vmem>>, vector<16xf32>,
      %mul3A_1022 = arith.mulf %get3A_1021, %convert_element_type3A_5 : vector<16xf32>
      %swap3A_1023 = arith.constant 0 : i32
      %swap3A_1024 = arith.index_cast %swap3A_1023 : i32 to index
      %swap3A_1025 = arith.index_cast %squeeze3A_912 : i32 to index
      %swap3A_1026 = tpu.vector_load %arg19[%swap3A_1024, %swap3A_1025] {strides = array<i32>} : memref<16x128xf32, #tpu.memory_space<vmem>>, vector<16xf32>,
      tpu.vector_store %arg19[%swap3A_1024, %swap3A_1025], %mul3A_947 {strides = array<i32>} : memref<16x128xf32, #tpu.memory_space<vmem>>, vector<16xf32>,
      %swap3A_1027 = arith.constant 1 : i32
      %swap3A_1028 = arith.index_cast %swap3A_1027 : i32 to index
      %swap3A_1029 = arith.index_cast %squeeze3A_914 : i32 to index
      %swap3A_1030 = tpu.vector_load %arg19[%swap3A_1028, %swap3A_1029] {strides = array<i32>} : memref<16x128xf32, #tpu.memory_space<vmem>>, vector<16xf32>,
      tpu.vector_store %arg19[%swap3A_1028, %swap3A_1029], %mul3A_952 {strides = array<i32>} : memref<16x128xf32, #tpu.memory_space<vmem>>, vector<16xf32>,
      %swap3A_1031 = arith.constant 2 : i32
      %swap3A_1032 = arith.index_cast %swap3A_1031 : i32 to index
      %swap3A_1033 = arith.index_cast %squeeze3A_916 : i32 to index
      %swap3A_1034 = tpu.vector_load %arg19[%swap3A_1032, %swap3A_1033] {strides = array<i32>} : memref<16x128xf32, #tpu.memory_space<vmem>>, vector<16xf32>,
      tpu.vector_store %arg19[%swap3A_1032, %swap3A_1033], %mul3A_957 {strides = array<i32>} : memref<16x128xf32, #tpu.memory_space<vmem>>, vector<16xf32>,
      %swap3A_1035 = arith.constant 3 : i32
      %swap3A_1036 = arith.index_cast %swap3A_1035 : i32 to index
      %swap3A_1037 = arith.index_cast %squeeze3A_918 : i32 to index
      %swap3A_1038 = tpu.vector_load %arg19[%swap3A_1036, %swap3A_1037] {strides = array<i32>} : memref<16x128xf32, #tpu.memory_space<vmem>>, vector<16xf32>,
      tpu.vector_store %arg19[%swap3A_1036, %swap3A_1037], %mul3A_962 {strides = array<i32>} : memref<16x128xf32, #tpu.memory_space<vmem>>, vector<16xf32>,
      %swap3A_1039 = arith.constant 4 : i32
      %swap3A_1040 = arith.index_cast %swap3A_1039 : i32 to index
      %swap3A_1041 = arith.index_cast %squeeze3A_920 : i32 to index
      %swap3A_1042 = tpu.vector_load %arg19[%swap3A_1040, %swap3A_1041] {strides = array<i32>} : memref<16x128xf32, #tpu.memory_space<vmem>>, vector<16xf32>,
      tpu.vector_store %arg19[%swap3A_1040, %swap3A_1041], %mul3A_967 {strides = array<i32>} : memref<16x128xf32, #tpu.memory_space<vmem>>, vector<16xf32>,
      %swap3A_1043 = arith.constant 5 : i32
      %swap3A_1044 = arith.index_cast %swap3A_1043 : i32 to index
      %swap3A_1045 = arith.index_cast %squeeze3A_922 : i32 to index
      %swap3A_1046 = tpu.vector_load %arg19[%swap3A_1044, %swap3A_1045] {strides = array<i32>} : memref<16x128xf32, #tpu.memory_space<vmem>>, vector<16xf32>,
      tpu.vector_store %arg19[%swap3A_1044, %swap3A_1045], %mul3A_972 {strides = array<i32>} : memref<16x128xf32, #tpu.memory_space<vmem>>, vector<16xf32>,
      %swap3A_1047 = arith.constant 6 : i32
      %swap3A_1048 = arith.index_cast %swap3A_1047 : i32 to index
      %swap3A_1049 = arith.index_cast %squeeze3A_924 : i32 to index
      %swap3A_1050 = tpu.vector_load %arg19[%swap3A_1048, %swap3A_1049] {strides = array<i32>} : memref<16x128xf32, #tpu.memory_space<vmem>>, vector<16xf32>,
      tpu.vector_store %arg19[%swap3A_1048, %swap3A_1049], %mul3A_977 {strides = array<i32>} : memref<16x128xf32, #tpu.memory_space<vmem>>, vector<16xf32>,
      %swap3A_1051 = arith.constant 7 : i32
      %swap3A_1052 = arith.index_cast %swap3A_1051 : i32 to index
      %swap3A_1053 = arith.index_cast %squeeze3A_926 : i32 to index
      %swap3A_1054 = tpu.vector_load %arg19[%swap3A_1052, %swap3A_1053] {strides = array<i32>} : memref<16x128xf32, #tpu.memory_space<vmem>>, vector<16xf32>,
      tpu.vector_store %arg19[%swap3A_1052, %swap3A_1053], %mul3A_982 {strides = array<i32>} : memref<16x128xf32, #tpu.memory_space<vmem>>, vector<16xf32>,
      %swap3A_1055 = arith.constant 8 : i32
      %swap3A_1056 = arith.index_cast %swap3A_1055 : i32 to index
      %swap3A_1057 = arith.index_cast %squeeze3A_928 : i32 to index
      %swap3A_1058 = tpu.vector_load %arg19[%swap3A_1056, %swap3A_1057] {strides = array<i32>} : memref<16x128xf32, #tpu.memory_space<vmem>>, vector<16xf32>,
      tpu.vector_store %arg19[%swap3A_1056, %swap3A_1057], %mul3A_987 {strides = array<i32>} : memref<16x128xf32, #tpu.memory_space<vmem>>, vector<16xf32>,
      %swap3A_1059 = arith.constant 9 : i32
      %swap3A_1060 = arith.index_cast %swap3A_1059 : i32 to index
      %swap3A_1061 = arith.index_cast %squeeze3A_930 : i32 to index
      %swap3A_1062 = tpu.vector_load %arg19[%swap3A_1060, %swap3A_1061] {strides = array<i32>} : memref<16x128xf32, #tpu.memory_space<vmem>>, vector<16xf32>,
      tpu.vector_store %arg19[%swap3A_1060, %swap3A_1061], %mul3A_992 {strides = array<i32>} : memref<16x128xf32, #tpu.memory_space<vmem>>, vector<16xf32>,
      %swap3A_1063 = arith.constant 10 : i32
      %swap3A_1064 = arith.index_cast %swap3A_1063 : i32 to index
      %swap3A_1065 = arith.index_cast %squeeze3A_932 : i32 to index
      %swap3A_1066 = tpu.vector_load %arg19[%swap3A_1064, %swap3A_1065] {strides = array<i32>} : memref<16x128xf32, #tpu.memory_space<vmem>>, vector<16xf32>,
      tpu.vector_store %arg19[%swap3A_1064, %swap3A_1065], %mul3A_997 {strides = array<i32>} : memref<16x128xf32, #tpu.memory_space<vmem>>, vector<16xf32>,
      %swap3A_1067 = arith.constant 11 : i32
      %swap3A_1068 = arith.index_cast %swap3A_1067 : i32 to index
      %swap3A_1069 = arith.index_cast %squeeze3A_934 : i32 to index
      %swap3A_1070 = tpu.vector_load %arg19[%swap3A_1068, %swap3A_1069] {strides = array<i32>} : memref<16x128xf32, #tpu.memory_space<vmem>>, vector<16xf32>,
      tpu.vector_store %arg19[%swap3A_1068, %swap3A_1069], %mul3A_1002 {strides = array<i32>} : memref<16x128xf32, #tpu.memory_space<vmem>>, vector<16xf32>,
      %swap3A_1071 = arith.constant 12 : i32
      %swap3A_1072 = arith.index_cast %swap3A_1071 : i32 to index
      %swap3A_1073 = arith.index_cast %squeeze3A_936 : i32 to index
      %swap3A_1074 = tpu.vector_load %arg19[%swap3A_1072, %swap3A_1073] {strides = array<i32>} : memref<16x128xf32, #tpu.memory_space<vmem>>, vector<16xf32>,
      tpu.vector_store %arg19[%swap3A_1072, %swap3A_1073], %mul3A_1007 {strides = array<i32>} : memref<16x128xf32, #tpu.memory_space<vmem>>, vector<16xf32>,
      %swap3A_1075 = arith.constant 13 : i32
      %swap3A_1076 = arith.index_cast %swap3A_1075 : i32 to index
      %swap3A_1077 = arith.index_cast %squeeze3A_938 : i32 to index
      %swap3A_1078 = tpu.vector_load %arg19[%swap3A_1076, %swap3A_1077] {strides = array<i32>} : memref<16x128xf32, #tpu.memory_space<vmem>>, vector<16xf32>,
      tpu.vector_store %arg19[%swap3A_1076, %swap3A_1077], %mul3A_1012 {strides = array<i32>} : memref<16x128xf32, #tpu.memory_space<vmem>>, vector<16xf32>,
      %swap3A_1079 = arith.constant 14 : i32
      %swap3A_1080 = arith.index_cast %swap3A_1079 : i32 to index
      %swap3A_1081 = arith.index_cast %squeeze3A_940 : i32 to index
      %swap3A_1082 = tpu.vector_load %arg19[%swap3A_1080, %swap3A_1081] {strides = array<i32>} : memref<16x128xf32, #tpu.memory_space<vmem>>, vector<16xf32>,
      tpu.vector_store %arg19[%swap3A_1080, %swap3A_1081], %mul3A_1017 {strides = array<i32>} : memref<16x128xf32, #tpu.memory_space<vmem>>, vector<16xf32>,
      %swap3A_1083 = arith.constant 15 : i32
      %swap3A_1084 = arith.index_cast %swap3A_1083 : i32 to index
      %swap3A_1085 = arith.index_cast %squeeze3A_942 : i32 to index
      %swap3A_1086 = tpu.vector_load %arg19[%swap3A_1084, %swap3A_1085] {strides = array<i32>} : memref<16x128xf32, #tpu.memory_space<vmem>>, vector<16xf32>,
      tpu.vector_store %arg19[%swap3A_1084, %swap3A_1085], %mul3A_1022 {strides = array<i32>} : memref<16x128xf32, #tpu.memory_space<vmem>>, vector<16xf32>,
      "tpu.region"() ({
        %run_scoped3A = tpu.sem_alloc : memref<!tpu.dma_semaphore, #tpu.memory_space<semaphore_mem>>
        %dma_start3A_1962 = arith.constant 0 : i32
        %dma_start3A_1963 = arith.constant 0 : i32
        %dma_start3A_1964 = tpu.memref_slice %arg21[%dma_start3A_1962, %dma_start3A_1963] : memref<1280x128xf32, #tpu.memory_space<vmem_shared>> -> memref<1280x128xf32, #tpu.memory_space<vmem_shared>>
        tpu.enqueue_indirect_dma source(%arg19 : memref<16x128xf32, #tpu.memory_space<vmem>>) target(%dma_start3A_1964 : memref<1280x128xf32, #tpu.memory_space<vmem_shared>>) offsets(%arg12 : memref<16xi32, #tpu.memory_space<vmem>>) semaphore(%run_scoped3A : memref<!tpu.dma_semaphore, #tpu.memory_space<semaphore_mem>>) {add = true}
        %dma_wait3A_1965 = arith.constant 0 : i32
        %dma_wait3A_1966 = arith.constant 0 : i32
        %dma_wait3A_1967 = tpu.memref_slice %arg21[%dma_wait3A_1965, %dma_wait3A_1966] : memref<1280x128xf32, #tpu.memory_space<vmem_shared>> -> memref<1280x128xf32, #tpu.memory_space<vmem_shared>>
        tpu.wait_indirect_dma semaphore(%run_scoped3A : memref<!tpu.dma_semaphore, #tpu.memory_space<semaphore_mem>>) src(%arg19 : memref<16x128xf32, #tpu.memory_space<vmem>>) dst(%dma_wait3A_1967 : memref<1280x128xf32, #tpu.memory_space<vmem_shared>>)
        tpu.yield
      }) : () -> ()
      %swap3A_1087 = arith.constant 0 : i32
      %swap3A_1088 = arith.index_cast %swap3A_1087 : i32 to index
      %swap3A_1089 = arith.index_cast %squeeze3A_912 : i32 to index
      %swap3A_1090 = tpu.vector_load %arg19[%swap3A_1088, %swap3A_1089] {strides = array<i32>} : memref<16x128xf32, #tpu.memory_space<vmem>>, vector<16xf32>,
      tpu.vector_store %arg19[%swap3A_1088, %swap3A_1089], %broadcast_in_dim3A_0 {strides = array<i32>} : memref<16x128xf32, #tpu.memory_space<vmem>>, vector<16xf32>,
      %swap3A_1091 = arith.constant 1 : i32
      %swap3A_1092 = arith.index_cast %swap3A_1091 : i32 to index
      %swap3A_1093 = arith.index_cast %squeeze3A_914 : i32 to index
      %swap3A_1094 = tpu.vector_load %arg19[%swap3A_1092, %swap3A_1093] {strides = array<i32>} : memref<16x128xf32, #tpu.memory_space<vmem>>, vector<16xf32>,
      tpu.vector_store %arg19[%swap3A_1092, %swap3A_1093], %broadcast_in_dim3A_0 {strides = array<i32>} : memref<16x128xf32, #tpu.memory_space<vmem>>, vector<16xf32>,
      %swap3A_1095 = arith.constant 2 : i32
      %swap3A_1096 = arith.index_cast %swap3A_1095 : i32 to index
      %swap3A_1097 = arith.index_cast %squeeze3A_916 : i32 to index
      %swap3A_1098 = tpu.vector_load %arg19[%swap3A_1096, %swap3A_1097] {strides = array<i32>} : memref<16x128xf32, #tpu.memory_space<vmem>>, vector<16xf32>,
      tpu.vector_store %arg19[%swap3A_1096, %swap3A_1097], %broadcast_in_dim3A_0 {strides = array<i32>} : memref<16x128xf32, #tpu.memory_space<vmem>>, vector<16xf32>,
      %swap3A_1099 = arith.constant 3 : i32
      %swap3A_1100 = arith.index_cast %swap3A_1099 : i32 to index
      %swap3A_1101 = arith.index_cast %squeeze3A_918 : i32 to index
      %swap3A_1102 = tpu.vector_load %arg19[%swap3A_1100, %swap3A_1101] {strides = array<i32>} : memref<16x128xf32, #tpu.memory_space<vmem>>, vector<16xf32>,
      tpu.vector_store %arg19[%swap3A_1100, %swap3A_1101], %broadcast_in_dim3A_0 {strides = array<i32>} : memref<16x128xf32, #tpu.memory_space<vmem>>, vector<16xf32>,
      %swap3A_1103 = arith.constant 4 : i32
      %swap3A_1104 = arith.index_cast %swap3A_1103 : i32 to index
      %swap3A_1105 = arith.index_cast %squeeze3A_920 : i32 to index
      %swap3A_1106 = tpu.vector_load %arg19[%swap3A_1104, %swap3A_1105] {strides = array<i32>} : memref<16x128xf32, #tpu.memory_space<vmem>>, vector<16xf32>,
      tpu.vector_store %arg19[%swap3A_1104, %swap3A_1105], %broadcast_in_dim3A_0 {strides = array<i32>} : memref<16x128xf32, #tpu.memory_space<vmem>>, vector<16xf32>,
      %swap3A_1107 = arith.constant 5 : i32
      %swap3A_1108 = arith.index_cast %swap3A_1107 : i32 to index
      %swap3A_1109 = arith.index_cast %squeeze3A_922 : i32 to index
      %swap3A_1110 = tpu.vector_load %arg19[%swap3A_1108, %swap3A_1109] {strides = array<i32>} : memref<16x128xf32, #tpu.memory_space<vmem>>, vector<16xf32>,
      tpu.vector_store %arg19[%swap3A_1108, %swap3A_1109], %broadcast_in_dim3A_0 {strides = array<i32>} : memref<16x128xf32, #tpu.memory_space<vmem>>, vector<16xf32>,
      %swap3A_1111 = arith.constant 6 : i32
      %swap3A_1112 = arith.index_cast %swap3A_1111 : i32 to index
      %swap3A_1113 = arith.index_cast %squeeze3A_924 : i32 to index
      %swap3A_1114 = tpu.vector_load %arg19[%swap3A_1112, %swap3A_1113] {strides = array<i32>} : memref<16x128xf32, #tpu.memory_space<vmem>>, vector<16xf32>,
      tpu.vector_store %arg19[%swap3A_1112, %swap3A_1113], %broadcast_in_dim3A_0 {strides = array<i32>} : memref<16x128xf32, #tpu.memory_space<vmem>>, vector<16xf32>,
      %swap3A_1115 = arith.constant 7 : i32
      %swap3A_1116 = arith.index_cast %swap3A_1115 : i32 to index
      %swap3A_1117 = arith.index_cast %squeeze3A_926 : i32 to index
      %swap3A_1118 = tpu.vector_load %arg19[%swap3A_1116, %swap3A_1117] {strides = array<i32>} : memref<16x128xf32, #tpu.memory_space<vmem>>, vector<16xf32>,
      tpu.vector_store %arg19[%swap3A_1116, %swap3A_1117], %broadcast_in_dim3A_0 {strides = array<i32>} : memref<16x128xf32, #tpu.memory_space<vmem>>, vector<16xf32>,
      %swap3A_1119 = arith.constant 8 : i32
      %swap3A_1120 = arith.index_cast %swap3A_1119 : i32 to index
      %swap3A_1121 = arith.index_cast %squeeze3A_928 : i32 to index
      %swap3A_1122 = tpu.vector_load %arg19[%swap3A_1120, %swap3A_1121] {strides = array<i32>} : memref<16x128xf32, #tpu.memory_space<vmem>>, vector<16xf32>,
      tpu.vector_store %arg19[%swap3A_1120, %swap3A_1121], %broadcast_in_dim3A_0 {strides = array<i32>} : memref<16x128xf32, #tpu.memory_space<vmem>>, vector<16xf32>,
      %swap3A_1123 = arith.constant 9 : i32
      %swap3A_1124 = arith.index_cast %swap3A_1123 : i32 to index
      %swap3A_1125 = arith.index_cast %squeeze3A_930 : i32 to index
      %swap3A_1126 = tpu.vector_load %arg19[%swap3A_1124, %swap3A_1125] {strides = array<i32>} : memref<16x128xf32, #tpu.memory_space<vmem>>, vector<16xf32>,
      tpu.vector_store %arg19[%swap3A_1124, %swap3A_1125], %broadcast_in_dim3A_0 {strides = array<i32>} : memref<16x128xf32, #tpu.memory_space<vmem>>, vector<16xf32>,
      %swap3A_1127 = arith.constant 10 : i32
      %swap3A_1128 = arith.index_cast %swap3A_1127 : i32 to index
      %swap3A_1129 = arith.index_cast %squeeze3A_932 : i32 to index
      %swap3A_1130 = tpu.vector_load %arg19[%swap3A_1128, %swap3A_1129] {strides = array<i32>} : memref<16x128xf32, #tpu.memory_space<vmem>>, vector<16xf32>,
      tpu.vector_store %arg19[%swap3A_1128, %swap3A_1129], %broadcast_in_dim3A_0 {strides = array<i32>} : memref<16x128xf32, #tpu.memory_space<vmem>>, vector<16xf32>,
      %swap3A_1131 = arith.constant 11 : i32
      %swap3A_1132 = arith.index_cast %swap3A_1131 : i32 to index
      %swap3A_1133 = arith.index_cast %squeeze3A_934 : i32 to index
      %swap3A_1134 = tpu.vector_load %arg19[%swap3A_1132, %swap3A_1133] {strides = array<i32>} : memref<16x128xf32, #tpu.memory_space<vmem>>, vector<16xf32>,
      tpu.vector_store %arg19[%swap3A_1132, %swap3A_1133], %broadcast_in_dim3A_0 {strides = array<i32>} : memref<16x128xf32, #tpu.memory_space<vmem>>, vector<16xf32>,
      %swap3A_1135 = arith.constant 12 : i32
      %swap3A_1136 = arith.index_cast %swap3A_1135 : i32 to index
      %swap3A_1137 = arith.index_cast %squeeze3A_936 : i32 to index
      %swap3A_1138 = tpu.vector_load %arg19[%swap3A_1136, %swap3A_1137] {strides = array<i32>} : memref<16x128xf32, #tpu.memory_space<vmem>>, vector<16xf32>,
      tpu.vector_store %arg19[%swap3A_1136, %swap3A_1137], %broadcast_in_dim3A_0 {strides = array<i32>} : memref<16x128xf32, #tpu.memory_space<vmem>>, vector<16xf32>,
      %swap3A_1139 = arith.constant 13 : i32
      %swap3A_1140 = arith.index_cast %swap3A_1139 : i32 to index
      %swap3A_1141 = arith.index_cast %squeeze3A_938 : i32 to index
      %swap3A_1142 = tpu.vector_load %arg19[%swap3A_1140, %swap3A_1141] {strides = array<i32>} : memref<16x128xf32, #tpu.memory_space<vmem>>, vector<16xf32>,
      tpu.vector_store %arg19[%swap3A_1140, %swap3A_1141], %broadcast_in_dim3A_0 {strides = array<i32>} : memref<16x128xf32, #tpu.memory_space<vmem>>, vector<16xf32>,
      %swap3A_1143 = arith.constant 14 : i32
      %swap3A_1144 = arith.index_cast %swap3A_1143 : i32 to index
      %swap3A_1145 = arith.index_cast %squeeze3A_940 : i32 to index
      %swap3A_1146 = tpu.vector_load %arg19[%swap3A_1144, %swap3A_1145] {strides = array<i32>} : memref<16x128xf32, #tpu.memory_space<vmem>>, vector<16xf32>,
      tpu.vector_store %arg19[%swap3A_1144, %swap3A_1145], %broadcast_in_dim3A_0 {strides = array<i32>} : memref<16x128xf32, #tpu.memory_space<vmem>>, vector<16xf32>,
      %swap3A_1147 = arith.constant 15 : i32
      %swap3A_1148 = arith.index_cast %swap3A_1147 : i32 to index
      %swap3A_1149 = arith.index_cast %squeeze3A_942 : i32 to index
      %swap3A_1150 = tpu.vector_load %arg19[%swap3A_1148, %swap3A_1149] {strides = array<i32>} : memref<16x128xf32, #tpu.memory_space<vmem>>, vector<16xf32>,
      tpu.vector_store %arg19[%swap3A_1148, %swap3A_1149], %broadcast_in_dim3A_0 {strides = array<i32>} : memref<16x128xf32, #tpu.memory_space<vmem>>, vector<16xf32>,
      %dma_wait3A_1151 = arith.constant 0 : i32
      %dma_wait3A_1152 = arith.constant 0 : i32
      %dma_wait3A_1153 = tpu.memref_slice %arg2[%dma_wait3A_1151, %dma_wait3A_1152] : memref<10016x128xf32, #tpu.memory_space<hbm>> -> memref<10016x128xf32, #tpu.memory_space<hbm>>
      tpu.wait_indirect_dma semaphore(%arg22 : memref<!tpu.dma_semaphore, #tpu.memory_space<semaphore_mem>>) src(%dma_wait3A_1153 : memref<10016x128xf32, #tpu.memory_space<hbm>>) dst(%arg13 : memref<48x128xf32, #tpu.memory_space<vmem>>)
      %dma_wait3A_1154 = arith.constant 0 : i32
      %dma_wait3A_1155 = arith.constant 0 : i32
      %dma_wait3A_1156 = tpu.memref_slice %arg3[%dma_wait3A_1154, %dma_wait3A_1155] : memref<10016x128xi32, #tpu.memory_space<hbm>> -> memref<10016x128xi32, #tpu.memory_space<hbm>>
      tpu.wait_indirect_dma semaphore(%arg23 : memref<!tpu.dma_semaphore, #tpu.memory_space<semaphore_mem>>) src(%dma_wait3A_1156 : memref<10016x128xi32, #tpu.memory_space<hbm>>) dst(%arg15 : memref<48x128xi32, #tpu.memory_space<vmem>>)
      %scan3A_1157 = arith.constant 0 : i32
      %scan3A_1158 = arith.constant 0 : i32
      %scan3A_1159 = arith.constant 24 : i32
      %scan3A_1160 = arith.addi %scan3A_1158, %scan3A_1159 : i32
      %scan3A_1161 = arith.constant 1 : i32
      %scan3A_1162 = scf.for %scan3A_1962 = %scan3A_1158 to %scan3A_1160 step %scan3A_1161 iter_args(%scan3A_1963 = %scan3A_1157) -> (i32)  : i32 {
        %mul3A_1964 = arith.constant 2 : i32
        %mul3A_1965 = arith.muli %mul3A_1964, %scan3A_1962 : i32
        %mul3A_1966 = arith.constant 2 : i32
        %mul3A_1967 = arith.muli %mul3A_1966, %scan3A_1962 : i32
        %add3A_1968 = arith.constant 1 : i32
        %add3A_1969 = arith.addi %mul3A_1967, %add3A_1968 : i32
        %mul3A_1970 = arith.constant 0 : i32
        %mul3A_1971 = vector.broadcast %mul3A_1970 : i32 to vector<16xi32>
        %mul3A_1972 = arith.muli %iota3A, %mul3A_1971 : vector<16xi32>
        %add3A_1973 = vector.broadcast %mul3A_1965 : i32 to vector<16xi32>
        %add3A_1974 = arith.addi %mul3A_1972, %add3A_1973 : vector<16xi32>
        %mul3A_1975 = arith.constant 0 : i32
        %mul3A_1976 = vector.broadcast %mul3A_1975 : i32 to vector<16xi32>
        %mul3A_1977 = arith.muli %iota3A, %mul3A_1976 : vector<16xi32>
        %add3A_1978 = vector.broadcast %add3A_1969 : i32 to vector<16xi32>
        %add3A_1979 = arith.addi %mul3A_1977, %add3A_1978 : vector<16xi32>
        %get3A_1980 = arith.index_cast %mul3A_1965 : i32 to index
        %get3A_1981 = arith.constant 0 : index
        %get3A_1982 = tpu.vector_load %arg13[%get3A_1980, %get3A_1981] {strides = array<i32>} : memref<48x128xf32, #tpu.memory_space<vmem>>, vector<16xf32>,
        %get3A_1983 = arith.index_cast %mul3A_1965 : i32 to index
        %get3A_1984 = arith.constant 16 : index
        %get3A_1985 = tpu.vector_load %arg13[%get3A_1983, %get3A_1984] {strides = array<i32>} : memref<48x128xf32, #tpu.memory_space<vmem>>, vector<16xf32>,
        %get3A_1986 = arith.index_cast %mul3A_1965 : i32 to index
        %get3A_1987 = arith.constant 32 : index
        %get3A_1988 = tpu.vector_load %arg13[%get3A_1986, %get3A_1987] {strides = array<i32>} : memref<48x128xf32, #tpu.memory_space<vmem>>, vector<16xf32>,
        %get3A_1989 = arith.index_cast %mul3A_1965 : i32 to index
        %get3A_1990 = arith.constant 48 : index
        %get3A_1991 = tpu.vector_load %arg13[%get3A_1989, %get3A_1990] {strides = array<i32>} : memref<48x128xf32, #tpu.memory_space<vmem>>, vector<16xf32>,
        %get3A_1992 = arith.index_cast %mul3A_1965 : i32 to index
        %get3A_1993 = arith.constant 64 : index
        %get3A_1994 = tpu.vector_load %arg13[%get3A_1992, %get3A_1993] {strides = array<i32>} : memref<48x128xf32, #tpu.memory_space<vmem>>, vector<16xf32>,
        %get3A_1995 = arith.index_cast %mul3A_1965 : i32 to index
        %get3A_1996 = arith.constant 80 : index
        %get3A_1997 = tpu.vector_load %arg13[%get3A_1995, %get3A_1996] {strides = array<i32>} : memref<48x128xf32, #tpu.memory_space<vmem>>, vector<16xf32>,
        %get3A_1998 = arith.index_cast %mul3A_1965 : i32 to index
        %get3A_1999 = arith.constant 96 : index
        %get3A_2000 = tpu.vector_load %arg13[%get3A_1998, %get3A_1999] {strides = array<i32>} : memref<48x128xf32, #tpu.memory_space<vmem>>, vector<16xf32>,
        %get3A_2001 = arith.index_cast %mul3A_1965 : i32 to index
        %get3A_2002 = arith.constant 112 : index
        %get3A_2003 = tpu.vector_load %arg13[%get3A_2001, %get3A_2002] {strides = array<i32>} : memref<48x128xf32, #tpu.memory_space<vmem>>, vector<16xf32>,
        %get3A_2004 = arith.index_cast %mul3A_1965 : i32 to index
        %get3A_2005 = arith.constant 0 : index
        %get3A_2006 = tpu.vector_load %arg15[%get3A_2004, %get3A_2005] {strides = array<i32>} : memref<48x128xi32, #tpu.memory_space<vmem>>, vector<16xi32>,
        %get3A_2007 = arith.index_cast %mul3A_1965 : i32 to index
        %get3A_2008 = arith.constant 16 : index
        %get3A_2009 = tpu.vector_load %arg15[%get3A_2007, %get3A_2008] {strides = array<i32>} : memref<48x128xi32, #tpu.memory_space<vmem>>, vector<16xi32>,
        %get3A_2010 = arith.index_cast %mul3A_1965 : i32 to index
        %get3A_2011 = arith.constant 32 : index
        %get3A_2012 = tpu.vector_load %arg15[%get3A_2010, %get3A_2011] {strides = array<i32>} : memref<48x128xi32, #tpu.memory_space<vmem>>, vector<16xi32>,
        %get3A_2013 = arith.index_cast %mul3A_1965 : i32 to index
        %get3A_2014 = arith.constant 48 : index
        %get3A_2015 = tpu.vector_load %arg15[%get3A_2013, %get3A_2014] {strides = array<i32>} : memref<48x128xi32, #tpu.memory_space<vmem>>, vector<16xi32>,
        %shift_left3A_2016 = arith.constant 16 : i32
        %shift_left3A_2017 = vector.broadcast %shift_left3A_2016 : i32 to vector<16xi32>
        %shift_left3A_2018 = arith.shli %get3A_2006, %shift_left3A_2017 : vector<16xi32>
        %bitcast3A = vector.bitcast %shift_left3A_2018 : vector<16xi32> to vector<16xf32>
        %shift_left3A_2019 = arith.constant 16 : i32
        %shift_left3A_2020 = vector.broadcast %shift_left3A_2019 : i32 to vector<16xi32>
        %shift_left3A_2021 = arith.shli %get3A_2009, %shift_left3A_2020 : vector<16xi32>
        %bitcast3A_2022 = vector.bitcast %shift_left3A_2021 : vector<16xi32> to vector<16xf32>
        %shift_left3A_2023 = arith.constant 16 : i32
        %shift_left3A_2024 = vector.broadcast %shift_left3A_2023 : i32 to vector<16xi32>
        %shift_left3A_2025 = arith.shli %get3A_2012, %shift_left3A_2024 : vector<16xi32>
        %bitcast3A_2026 = vector.bitcast %shift_left3A_2025 : vector<16xi32> to vector<16xf32>
        %shift_left3A_2027 = arith.constant 16 : i32
        %shift_left3A_2028 = vector.broadcast %shift_left3A_2027 : i32 to vector<16xi32>
        %shift_left3A_2029 = arith.shli %get3A_2015, %shift_left3A_2028 : vector<16xi32>
        %bitcast3A_2030 = vector.bitcast %shift_left3A_2029 : vector<16xi32> to vector<16xf32>
        %and3A_2031 = arith.constant -65536 : i32
        %and3A_2032 = vector.broadcast %and3A_2031 : i32 to vector<16xi32>
        %and3A_2033 = arith.andi %get3A_2006, %and3A_2032 : vector<16xi32>
        %bitcast3A_2034 = vector.bitcast %and3A_2033 : vector<16xi32> to vector<16xf32>
        %and3A_2035 = arith.constant -65536 : i32
        %and3A_2036 = vector.broadcast %and3A_2035 : i32 to vector<16xi32>
        %and3A_2037 = arith.andi %get3A_2009, %and3A_2036 : vector<16xi32>
        %bitcast3A_2038 = vector.bitcast %and3A_2037 : vector<16xi32> to vector<16xf32>
        %and3A_2039 = arith.constant -65536 : i32
        %and3A_2040 = vector.broadcast %and3A_2039 : i32 to vector<16xi32>
        %and3A_2041 = arith.andi %get3A_2012, %and3A_2040 : vector<16xi32>
        %bitcast3A_2042 = vector.bitcast %and3A_2041 : vector<16xi32> to vector<16xf32>
        %and3A_2043 = arith.constant -65536 : i32
        %and3A_2044 = vector.broadcast %and3A_2043 : i32 to vector<16xi32>
        %and3A_2045 = arith.andi %get3A_2015, %and3A_2044 : vector<16xi32>
        %bitcast3A_2046 = vector.bitcast %and3A_2045 : vector<16xi32> to vector<16xf32>
        %mul3A_2047 = arith.mulf %get3A_1982, %bitcast3A : vector<16xf32>
        %broadcast_in_dim3A_2048 = arith.constant true
        %broadcast_in_dim3A_2049 = vector.broadcast %broadcast_in_dim3A_2048 : i1 to vector<16xi1>
        %masked_cumsum3A = tpu.scan <sum>, %mul3A_2047 masked %broadcast_in_dim3A_2049 : vector<16xf32>, vector<16xi1> -> vector<16xf32>
        %mul3A_2050 = arith.mulf %get3A_1985, %bitcast3A_2022 : vector<16xf32>
        %broadcast_in_dim3A_2051 = arith.constant true
        %broadcast_in_dim3A_2052 = vector.broadcast %broadcast_in_dim3A_2051 : i1 to vector<16xi1>
        %masked_cumsum3A_2053 = tpu.scan <sum>, %mul3A_2050 masked %broadcast_in_dim3A_2052 : vector<16xf32>, vector<16xi1> -> vector<16xf32>
        %mul3A_2054 = arith.mulf %get3A_1988, %bitcast3A_2026 : vector<16xf32>
        %broadcast_in_dim3A_2055 = arith.constant true
        %broadcast_in_dim3A_2056 = vector.broadcast %broadcast_in_dim3A_2055 : i1 to vector<16xi1>
        %masked_cumsum3A_2057 = tpu.scan <sum>, %mul3A_2054 masked %broadcast_in_dim3A_2056 : vector<16xf32>, vector<16xi1> -> vector<16xf32>
        %mul3A_2058 = arith.mulf %get3A_1991, %bitcast3A_2030 : vector<16xf32>
        %broadcast_in_dim3A_2059 = arith.constant true
        %broadcast_in_dim3A_2060 = vector.broadcast %broadcast_in_dim3A_2059 : i1 to vector<16xi1>
        %masked_cumsum3A_2061 = tpu.scan <sum>, %mul3A_2058 masked %broadcast_in_dim3A_2060 : vector<16xf32>, vector<16xi1> -> vector<16xf32>
        %mul3A_2062 = arith.mulf %get3A_1994, %bitcast3A_2034 : vector<16xf32>
        %broadcast_in_dim3A_2063 = arith.constant true
        %broadcast_in_dim3A_2064 = vector.broadcast %broadcast_in_dim3A_2063 : i1 to vector<16xi1>
        %masked_cumsum3A_2065 = tpu.scan <sum>, %mul3A_2062 masked %broadcast_in_dim3A_2064 : vector<16xf32>, vector<16xi1> -> vector<16xf32>
        %mul3A_2066 = arith.mulf %get3A_1997, %bitcast3A_2038 : vector<16xf32>
        %broadcast_in_dim3A_2067 = arith.constant true
        %broadcast_in_dim3A_2068 = vector.broadcast %broadcast_in_dim3A_2067 : i1 to vector<16xi1>
        %masked_cumsum3A_2069 = tpu.scan <sum>, %mul3A_2066 masked %broadcast_in_dim3A_2068 : vector<16xf32>, vector<16xi1> -> vector<16xf32>
        %mul3A_2070 = arith.mulf %get3A_2000, %bitcast3A_2042 : vector<16xf32>
        %broadcast_in_dim3A_2071 = arith.constant true
        %broadcast_in_dim3A_2072 = vector.broadcast %broadcast_in_dim3A_2071 : i1 to vector<16xi1>
        %masked_cumsum3A_2073 = tpu.scan <sum>, %mul3A_2070 masked %broadcast_in_dim3A_2072 : vector<16xf32>, vector<16xi1> -> vector<16xf32>
        %mul3A_2074 = arith.mulf %get3A_2003, %bitcast3A_2046 : vector<16xf32>
        %broadcast_in_dim3A_2075 = arith.constant true
        %broadcast_in_dim3A_2076 = vector.broadcast %broadcast_in_dim3A_2075 : i1 to vector<16xi1>
        %masked_cumsum3A_2077 = tpu.scan <sum>, %mul3A_2074 masked %broadcast_in_dim3A_2076 : vector<16xf32>, vector<16xi1> -> vector<16xf32>
        %get3A_2078 = arith.index_cast %add3A_1969 : i32 to index
        %get3A_2079 = arith.constant 0 : index
        %get3A_2080 = tpu.vector_load %arg13[%get3A_2078, %get3A_2079] {strides = array<i32>} : memref<48x128xf32, #tpu.memory_space<vmem>>, vector<16xf32>,
        %get3A_2081 = arith.index_cast %add3A_1969 : i32 to index
        %get3A_2082 = arith.constant 16 : index
        %get3A_2083 = tpu.vector_load %arg13[%get3A_2081, %get3A_2082] {strides = array<i32>} : memref<48x128xf32, #tpu.memory_space<vmem>>, vector<16xf32>,
        %get3A_2084 = arith.index_cast %add3A_1969 : i32 to index
        %get3A_2085 = arith.constant 32 : index
        %get3A_2086 = tpu.vector_load %arg13[%get3A_2084, %get3A_2085] {strides = array<i32>} : memref<48x128xf32, #tpu.memory_space<vmem>>, vector<16xf32>,
        %get3A_2087 = arith.index_cast %add3A_1969 : i32 to index
        %get3A_2088 = arith.constant 48 : index
        %get3A_2089 = tpu.vector_load %arg13[%get3A_2087, %get3A_2088] {strides = array<i32>} : memref<48x128xf32, #tpu.memory_space<vmem>>, vector<16xf32>,
        %get3A_2090 = arith.index_cast %add3A_1969 : i32 to index
        %get3A_2091 = arith.constant 64 : index
        %get3A_2092 = tpu.vector_load %arg13[%get3A_2090, %get3A_2091] {strides = array<i32>} : memref<48x128xf32, #tpu.memory_space<vmem>>, vector<16xf32>,
        %get3A_2093 = arith.index_cast %add3A_1969 : i32 to index
        %get3A_2094 = arith.constant 80 : index
        %get3A_2095 = tpu.vector_load %arg13[%get3A_2093, %get3A_2094] {strides = array<i32>} : memref<48x128xf32, #tpu.memory_space<vmem>>, vector<16xf32>,
        %get3A_2096 = arith.index_cast %add3A_1969 : i32 to index
        %get3A_2097 = arith.constant 96 : index
        %get3A_2098 = tpu.vector_load %arg13[%get3A_2096, %get3A_2097] {strides = array<i32>} : memref<48x128xf32, #tpu.memory_space<vmem>>, vector<16xf32>,
        %get3A_2099 = arith.index_cast %add3A_1969 : i32 to index
        %get3A_2100 = arith.constant 112 : index
        %get3A_2101 = tpu.vector_load %arg13[%get3A_2099, %get3A_2100] {strides = array<i32>} : memref<48x128xf32, #tpu.memory_space<vmem>>, vector<16xf32>,
        %get3A_2102 = arith.index_cast %add3A_1969 : i32 to index
        %get3A_2103 = arith.constant 0 : index
        %get3A_2104 = tpu.vector_load %arg15[%get3A_2102, %get3A_2103] {strides = array<i32>} : memref<48x128xi32, #tpu.memory_space<vmem>>, vector<16xi32>,
        %get3A_2105 = arith.index_cast %add3A_1969 : i32 to index
        %get3A_2106 = arith.constant 16 : index
        %get3A_2107 = tpu.vector_load %arg15[%get3A_2105, %get3A_2106] {strides = array<i32>} : memref<48x128xi32, #tpu.memory_space<vmem>>, vector<16xi32>,
        %get3A_2108 = arith.index_cast %add3A_1969 : i32 to index
        %get3A_2109 = arith.constant 32 : index
        %get3A_2110 = tpu.vector_load %arg15[%get3A_2108, %get3A_2109] {strides = array<i32>} : memref<48x128xi32, #tpu.memory_space<vmem>>, vector<16xi32>,
        %get3A_2111 = arith.index_cast %add3A_1969 : i32 to index
        %get3A_2112 = arith.constant 48 : index
        %get3A_2113 = tpu.vector_load %arg15[%get3A_2111, %get3A_2112] {strides = array<i32>} : memref<48x128xi32, #tpu.memory_space<vmem>>, vector<16xi32>,
        %shift_left3A_2114 = arith.constant 16 : i32
        %shift_left3A_2115 = vector.broadcast %shift_left3A_2114 : i32 to vector<16xi32>
        %shift_left3A_2116 = arith.shli %get3A_2104, %shift_left3A_2115 : vector<16xi32>
        %bitcast3A_2117 = vector.bitcast %shift_left3A_2116 : vector<16xi32> to vector<16xf32>
        %shift_left3A_2118 = arith.constant 16 : i32
        %shift_left3A_2119 = vector.broadcast %shift_left3A_2118 : i32 to vector<16xi32>
        %shift_left3A_2120 = arith.shli %get3A_2107, %shift_left3A_2119 : vector<16xi32>
        %bitcast3A_2121 = vector.bitcast %shift_left3A_2120 : vector<16xi32> to vector<16xf32>
        %shift_left3A_2122 = arith.constant 16 : i32
        %shift_left3A_2123 = vector.broadcast %shift_left3A_2122 : i32 to vector<16xi32>
        %shift_left3A_2124 = arith.shli %get3A_2110, %shift_left3A_2123 : vector<16xi32>
        %bitcast3A_2125 = vector.bitcast %shift_left3A_2124 : vector<16xi32> to vector<16xf32>
        %shift_left3A_2126 = arith.constant 16 : i32
        %shift_left3A_2127 = vector.broadcast %shift_left3A_2126 : i32 to vector<16xi32>
        %shift_left3A_2128 = arith.shli %get3A_2113, %shift_left3A_2127 : vector<16xi32>
        %bitcast3A_2129 = vector.bitcast %shift_left3A_2128 : vector<16xi32> to vector<16xf32>
        %and3A_2130 = arith.constant -65536 : i32
        %and3A_2131 = vector.broadcast %and3A_2130 : i32 to vector<16xi32>
        %and3A_2132 = arith.andi %get3A_2104, %and3A_2131 : vector<16xi32>
        %bitcast3A_2133 = vector.bitcast %and3A_2132 : vector<16xi32> to vector<16xf32>
        %and3A_2134 = arith.constant -65536 : i32
        %and3A_2135 = vector.broadcast %and3A_2134 : i32 to vector<16xi32>
        %and3A_2136 = arith.andi %get3A_2107, %and3A_2135 : vector<16xi32>
        %bitcast3A_2137 = vector.bitcast %and3A_2136 : vector<16xi32> to vector<16xf32>
        %and3A_2138 = arith.constant -65536 : i32
        %and3A_2139 = vector.broadcast %and3A_2138 : i32 to vector<16xi32>
        %and3A_2140 = arith.andi %get3A_2110, %and3A_2139 : vector<16xi32>
        %bitcast3A_2141 = vector.bitcast %and3A_2140 : vector<16xi32> to vector<16xf32>
        %and3A_2142 = arith.constant -65536 : i32
        %and3A_2143 = vector.broadcast %and3A_2142 : i32 to vector<16xi32>
        %and3A_2144 = arith.andi %get3A_2113, %and3A_2143 : vector<16xi32>
        %bitcast3A_2145 = vector.bitcast %and3A_2144 : vector<16xi32> to vector<16xf32>
        tpu.vector_store_idx %arg18[%add3A_1974, %broadcast_in_dim3A_7], %masked_cumsum3A masked %eq3A_2 : memref<48x16xf32, #tpu.memory_space<vmem>>[vector<16xi32>, vector<16xi32>], vector<16xf32>, vector<16xi1>
        tpu.vector_store_idx %arg18[%add3A_1974, %broadcast_in_dim3A_9], %masked_cumsum3A_2053 masked %eq3A_2 : memref<48x16xf32, #tpu.memory_space<vmem>>[vector<16xi32>, vector<16xi32>], vector<16xf32>, vector<16xi1>
        tpu.vector_store_idx %arg18[%add3A_1974, %broadcast_in_dim3A_11], %masked_cumsum3A_2057 masked %eq3A_2 : memref<48x16xf32, #tpu.memory_space<vmem>>[vector<16xi32>, vector<16xi32>], vector<16xf32>, vector<16xi1>
        tpu.vector_store_idx %arg18[%add3A_1974, %broadcast_in_dim3A_13], %masked_cumsum3A_2061 masked %eq3A_2 : memref<48x16xf32, #tpu.memory_space<vmem>>[vector<16xi32>, vector<16xi32>], vector<16xf32>, vector<16xi1>
        tpu.vector_store_idx %arg18[%add3A_1974, %broadcast_in_dim3A_15], %masked_cumsum3A_2065 masked %eq3A_2 : memref<48x16xf32, #tpu.memory_space<vmem>>[vector<16xi32>, vector<16xi32>], vector<16xf32>, vector<16xi1>
        tpu.vector_store_idx %arg18[%add3A_1974, %broadcast_in_dim3A_17], %masked_cumsum3A_2069 masked %eq3A_2 : memref<48x16xf32, #tpu.memory_space<vmem>>[vector<16xi32>, vector<16xi32>], vector<16xf32>, vector<16xi1>
        tpu.vector_store_idx %arg18[%add3A_1974, %broadcast_in_dim3A_19], %masked_cumsum3A_2073 masked %eq3A_2 : memref<48x16xf32, #tpu.memory_space<vmem>>[vector<16xi32>, vector<16xi32>], vector<16xf32>, vector<16xi1>
        tpu.vector_store_idx %arg18[%add3A_1974, %broadcast_in_dim3A_21], %masked_cumsum3A_2077 masked %eq3A_2 : memref<48x16xf32, #tpu.memory_space<vmem>>[vector<16xi32>, vector<16xi32>], vector<16xf32>, vector<16xi1>
        %mul3A_2146 = arith.mulf %get3A_2080, %bitcast3A_2117 : vector<16xf32>
        %broadcast_in_dim3A_2147 = arith.constant true
        %broadcast_in_dim3A_2148 = vector.broadcast %broadcast_in_dim3A_2147 : i1 to vector<16xi1>
        %masked_cumsum3A_2149 = tpu.scan <sum>, %mul3A_2146 masked %broadcast_in_dim3A_2148 : vector<16xf32>, vector<16xi1> -> vector<16xf32>
        %mul3A_2150 = arith.mulf %get3A_2083, %bitcast3A_2121 : vector<16xf32>
        %broadcast_in_dim3A_2151 = arith.constant true
        %broadcast_in_dim3A_2152 = vector.broadcast %broadcast_in_dim3A_2151 : i1 to vector<16xi1>
        %masked_cumsum3A_2153 = tpu.scan <sum>, %mul3A_2150 masked %broadcast_in_dim3A_2152 : vector<16xf32>, vector<16xi1> -> vector<16xf32>
        %mul3A_2154 = arith.mulf %get3A_2086, %bitcast3A_2125 : vector<16xf32>
        %broadcast_in_dim3A_2155 = arith.constant true
        %broadcast_in_dim3A_2156 = vector.broadcast %broadcast_in_dim3A_2155 : i1 to vector<16xi1>
        %masked_cumsum3A_2157 = tpu.scan <sum>, %mul3A_2154 masked %broadcast_in_dim3A_2156 : vector<16xf32>, vector<16xi1> -> vector<16xf32>
        %mul3A_2158 = arith.mulf %get3A_2089, %bitcast3A_2129 : vector<16xf32>
        %broadcast_in_dim3A_2159 = arith.constant true
        %broadcast_in_dim3A_2160 = vector.broadcast %broadcast_in_dim3A_2159 : i1 to vector<16xi1>
        %masked_cumsum3A_2161 = tpu.scan <sum>, %mul3A_2158 masked %broadcast_in_dim3A_2160 : vector<16xf32>, vector<16xi1> -> vector<16xf32>
        %mul3A_2162 = arith.mulf %get3A_2092, %bitcast3A_2133 : vector<16xf32>
        %broadcast_in_dim3A_2163 = arith.constant true
        %broadcast_in_dim3A_2164 = vector.broadcast %broadcast_in_dim3A_2163 : i1 to vector<16xi1>
        %masked_cumsum3A_2165 = tpu.scan <sum>, %mul3A_2162 masked %broadcast_in_dim3A_2164 : vector<16xf32>, vector<16xi1> -> vector<16xf32>
        %mul3A_2166 = arith.mulf %get3A_2095, %bitcast3A_2137 : vector<16xf32>
        %broadcast_in_dim3A_2167 = arith.constant true
        %broadcast_in_dim3A_2168 = vector.broadcast %broadcast_in_dim3A_2167 : i1 to vector<16xi1>
        %masked_cumsum3A_2169 = tpu.scan <sum>, %mul3A_2166 masked %broadcast_in_dim3A_2168 : vector<16xf32>, vector<16xi1> -> vector<16xf32>
        %mul3A_2170 = arith.mulf %get3A_2098, %bitcast3A_2141 : vector<16xf32>
        %broadcast_in_dim3A_2171 = arith.constant true
        %broadcast_in_dim3A_2172 = vector.broadcast %broadcast_in_dim3A_2171 : i1 to vector<16xi1>
        %masked_cumsum3A_2173 = tpu.scan <sum>, %mul3A_2170 masked %broadcast_in_dim3A_2172 : vector<16xf32>, vector<16xi1> -> vector<16xf32>
        %mul3A_2174 = arith.mulf %get3A_2101, %bitcast3A_2145 : vector<16xf32>
        %broadcast_in_dim3A_2175 = arith.constant true
        %broadcast_in_dim3A_2176 = vector.broadcast %broadcast_in_dim3A_2175 : i1 to vector<16xi1>
        %masked_cumsum3A_2177 = tpu.scan <sum>, %mul3A_2174 masked %broadcast_in_dim3A_2176 : vector<16xf32>, vector<16xi1> -> vector<16xf32>
        %get3A_2178 = arith.index_cast %mul3A_1965 : i32 to index
        %get3A_2179 = arith.constant 0 : index
        %get3A_2180 = tpu.vector_load %arg18[%get3A_2178, %get3A_2179] {strides = array<i32>} : memref<48x16xf32, #tpu.memory_space<vmem>>, vector<16xf32>,
        %exp3A = math.exp %get3A_2180 : vector<16xf32>
        %swap3A_2181 = arith.index_cast %mul3A_1965 : i32 to index
        %swap3A_2182 = arith.constant 0 : index
        %swap3A_2183 = tpu.vector_load %arg18[%swap3A_2181, %swap3A_2182] {strides = array<i32>} : memref<48x16xf32, #tpu.memory_space<vmem>>, vector<16xf32>,
        tpu.vector_store %arg18[%swap3A_2181, %swap3A_2182], %exp3A {strides = array<i32>} : memref<48x16xf32, #tpu.memory_space<vmem>>, vector<16xf32>,
        tpu.vector_store_idx %arg18[%add3A_1979, %broadcast_in_dim3A_7], %masked_cumsum3A_2149 masked %eq3A_2 : memref<48x16xf32, #tpu.memory_space<vmem>>[vector<16xi32>, vector<16xi32>], vector<16xf32>, vector<16xi1>
        tpu.vector_store_idx %arg18[%add3A_1979, %broadcast_in_dim3A_9], %masked_cumsum3A_2153 masked %eq3A_2 : memref<48x16xf32, #tpu.memory_space<vmem>>[vector<16xi32>, vector<16xi32>], vector<16xf32>, vector<16xi1>
        tpu.vector_store_idx %arg18[%add3A_1979, %broadcast_in_dim3A_11], %masked_cumsum3A_2157 masked %eq3A_2 : memref<48x16xf32, #tpu.memory_space<vmem>>[vector<16xi32>, vector<16xi32>], vector<16xf32>, vector<16xi1>
        tpu.vector_store_idx %arg18[%add3A_1979, %broadcast_in_dim3A_13], %masked_cumsum3A_2161 masked %eq3A_2 : memref<48x16xf32, #tpu.memory_space<vmem>>[vector<16xi32>, vector<16xi32>], vector<16xf32>, vector<16xi1>
        tpu.vector_store_idx %arg18[%add3A_1979, %broadcast_in_dim3A_15], %masked_cumsum3A_2165 masked %eq3A_2 : memref<48x16xf32, #tpu.memory_space<vmem>>[vector<16xi32>, vector<16xi32>], vector<16xf32>, vector<16xi1>
        tpu.vector_store_idx %arg18[%add3A_1979, %broadcast_in_dim3A_17], %masked_cumsum3A_2169 masked %eq3A_2 : memref<48x16xf32, #tpu.memory_space<vmem>>[vector<16xi32>, vector<16xi32>], vector<16xf32>, vector<16xi1>
        tpu.vector_store_idx %arg18[%add3A_1979, %broadcast_in_dim3A_19], %masked_cumsum3A_2173 masked %eq3A_2 : memref<48x16xf32, #tpu.memory_space<vmem>>[vector<16xi32>, vector<16xi32>], vector<16xf32>, vector<16xi1>
        tpu.vector_store_idx %arg18[%add3A_1979, %broadcast_in_dim3A_21], %masked_cumsum3A_2177 masked %eq3A_2 : memref<48x16xf32, #tpu.memory_space<vmem>>[vector<16xi32>, vector<16xi32>], vector<16xf32>, vector<16xi1>
        %get3A_2184 = arith.index_cast %add3A_1969 : i32 to index
        %get3A_2185 = arith.constant 0 : index
        %get3A_2186 = tpu.vector_load %arg18[%get3A_2184, %get3A_2185] {strides = array<i32>} : memref<48x16xf32, #tpu.memory_space<vmem>>, vector<16xf32>,
        %exp3A_2187 = math.exp %get3A_2186 : vector<16xf32>
        %swap3A_2188 = arith.index_cast %add3A_1969 : i32 to index
        %swap3A_2189 = arith.constant 0 : index
        %swap3A_2190 = tpu.vector_load %arg18[%swap3A_2188, %swap3A_2189] {strides = array<i32>} : memref<48x16xf32, #tpu.memory_space<vmem>>, vector<16xf32>,
        tpu.vector_store %arg18[%swap3A_2188, %swap3A_2189], %exp3A_2187 {strides = array<i32>} : memref<48x16xf32, #tpu.memory_space<vmem>>, vector<16xf32>,
        %scan3A_2191 = arith.constant 0 : i32
        scf.yield %scan3A_2191 : i32
      }
      %scan3A_1163 = arith.constant 24 : i32
      %mul3A_1164 = arith.constant 2 : i32
      %mul3A_1165 = arith.muli %mul3A_1164, %scan3A_347 : i32
      %add3A_1166 = arith.constant 1 : i32
      %add3A_1167 = arith.addi %mul3A_1165, %add3A_1166 : i32
      %add3A_1168 = arith.constant 1 : i32
      %add3A_1169 = arith.addi %add3A_1167, %add3A_1168 : i32
      %mul3A_1170 = arith.constant 48 : i32
      %mul3A_1171 = arith.muli %add3A_1169, %mul3A_1170 : i32
      %add3A_1172 = arith.addi %mul3A_184, %mul3A_1171 : i32
      %dma_start3A_1173 = tpu.memref_slice %arg4[%add3A_1172] : memref<322608xi32, #tpu.memory_space<hbm>> -> memref<48xi32, #tpu.memory_space<hbm>>
      %dma_start3A_1174 = tpu.memref_slice %arg4[%add3A_1172] : memref<322608xi32, #tpu.memory_space<hbm>> -> memref<48xi32, #tpu.memory_space<hbm>>
      tpu.enqueue_dma source(%dma_start3A_1174 : memref<48xi32, #tpu.memory_space<hbm>>) target(%arg8 : memref<48xi32, #tpu.memory_space<vmem>>) target_semaphore(%arg24 : memref<!tpu.dma_semaphore, #tpu.memory_space<semaphore_mem>>)
      %dma_start3A_1175 = tpu.memref_slice %arg5[%add3A_1172] : memref<322608xi32, #tpu.memory_space<hbm>> -> memref<48xi32, #tpu.memory_space<hbm>>
      %dma_start3A_1176 = tpu.memref_slice %arg5[%add3A_1172] : memref<322608xi32, #tpu.memory_space<hbm>> -> memref<48xi32, #tpu.memory_space<hbm>>
      tpu.enqueue_dma source(%dma_start3A_1176 : memref<48xi32, #tpu.memory_space<hbm>>) target(%arg10 : memref<48xi32, #tpu.memory_space<vmem>>) target_semaphore(%arg25 : memref<!tpu.dma_semaphore, #tpu.memory_space<semaphore_mem>>)
      %dma_wait3A_1177 = tpu.memref_slice %arg4[%add3A_1172] : memref<322608xi32, #tpu.memory_space<hbm>> -> memref<48xi32, #tpu.memory_space<hbm>>
      %dma_wait3A_1178 = tpu.memref_slice %arg4[%add3A_1172] : memref<322608xi32, #tpu.memory_space<hbm>> -> memref<48xi32, #tpu.memory_space<hbm>>
      tpu.wait_dma2 semaphore(%arg24 : memref<!tpu.dma_semaphore, #tpu.memory_space<semaphore_mem>>) src(%dma_wait3A_1178 : memref<48xi32, #tpu.memory_space<hbm>>) dst(%arg8 : memref<48xi32, #tpu.memory_space<vmem>>)
      %dma_wait3A_1179 = tpu.memref_slice %arg5[%add3A_1172] : memref<322608xi32, #tpu.memory_space<hbm>> -> memref<48xi32, #tpu.memory_space<hbm>>
      %dma_wait3A_1180 = tpu.memref_slice %arg5[%add3A_1172] : memref<322608xi32, #tpu.memory_space<hbm>> -> memref<48xi32, #tpu.memory_space<hbm>>
      tpu.wait_dma2 semaphore(%arg25 : memref<!tpu.dma_semaphore, #tpu.memory_space<semaphore_mem>>) src(%dma_wait3A_1180 : memref<48xi32, #tpu.memory_space<hbm>>) dst(%arg10 : memref<48xi32, #tpu.memory_space<vmem>>)
      %dma_start3A_1181 = arith.constant 0 : i32
      %dma_start3A_1182 = arith.constant 0 : i32
      %dma_start3A_1183 = tpu.memref_slice %arg2[%dma_start3A_1181, %dma_start3A_1182] : memref<10016x128xf32, #tpu.memory_space<hbm>> -> memref<10016x128xf32, #tpu.memory_space<hbm>>
      tpu.enqueue_indirect_dma source(%dma_start3A_1183 : memref<10016x128xf32, #tpu.memory_space<hbm>>) target(%arg13 : memref<48x128xf32, #tpu.memory_space<vmem>>) offsets(%arg10 : memref<48xi32, #tpu.memory_space<vmem>>) semaphore(%arg22 : memref<!tpu.dma_semaphore, #tpu.memory_space<semaphore_mem>>)
      %dma_start3A_1184 = arith.constant 0 : i32
      %dma_start3A_1185 = arith.constant 0 : i32
      %dma_start3A_1186 = tpu.memref_slice %arg3[%dma_start3A_1184, %dma_start3A_1185] : memref<10016x128xi32, #tpu.memory_space<hbm>> -> memref<10016x128xi32, #tpu.memory_space<hbm>>
      tpu.enqueue_indirect_dma source(%dma_start3A_1186 : memref<10016x128xi32, #tpu.memory_space<hbm>>) target(%arg14 : memref<48x128xi32, #tpu.memory_space<vmem>>) offsets(%arg8 : memref<48xi32, #tpu.memory_space<vmem>>) semaphore(%arg23 : memref<!tpu.dma_semaphore, #tpu.memory_space<semaphore_mem>>)
      %gt3A_1187 = arith.constant 0 : i32
      %gt3A_1188 = arith.cmpi sgt, %scan3A_347, %gt3A_1187 : i32
      %convert_element_type3A_1189 = arith.extui %gt3A_1188 : i1 to i32
      %cond3A_1190 = arith.constant 0 : i32
      %cond3A_1191 = arith.cmpi ne, %convert_element_type3A_1189, %cond3A_1190 : i32
      scf.if %cond3A_1191 {
        %dma_wait3A_1962 = arith.constant 0 : i32
        %dma_wait3A_1963 = arith.constant 0 : i32
        %dma_wait3A_1964 = tpu.memref_slice %arg20[%dma_wait3A_1962, %dma_wait3A_1963] : memref<10032x128xf32, #tpu.memory_space<vmem_shared>> -> memref<10032x128xf32, #tpu.memory_space<vmem_shared>>
        tpu.wait_indirect_dma semaphore(%arg27 : memref<!tpu.dma_semaphore, #tpu.memory_space<semaphore_mem>>) src(%arg17 : memref<48x128xf32, #tpu.memory_space<vmem>>) dst(%dma_wait3A_1964 : memref<10032x128xf32, #tpu.memory_space<vmem_shared>>)
      } else {
      }
      %scan3A_1192 = arith.constant 0 : i32
      %scan3A_1193 = arith.constant 0 : i32
      %scan3A_1194 = arith.constant 24 : i32
      %scan3A_1195 = arith.addi %scan3A_1193, %scan3A_1194 : i32
      %scan3A_1196 = arith.constant 1 : i32
      %scan3A_1197 = scf.for %scan3A_1962 = %scan3A_1193 to %scan3A_1195 step %scan3A_1196 iter_args(%scan3A_1963 = %scan3A_1192) -> (i32)  : i32 {
        %mul3A_1964 = arith.constant 2 : i32
        %mul3A_1965 = arith.muli %mul3A_1964, %scan3A_1962 : i32
        %mul3A_1966 = arith.constant 2 : i32
        %mul3A_1967 = arith.muli %mul3A_1966, %scan3A_1962 : i32
        %add3A_1968 = arith.constant 1 : i32
        %add3A_1969 = arith.addi %mul3A_1967, %add3A_1968 : i32
        %get3A_1970 = arith.index_cast %mul3A_1965 : i32 to index
        %get3A_1971 = arith.constant 0 : index
        %get3A_1972 = tpu.vector_load %arg18[%get3A_1970, %get3A_1971] {strides = array<i32>} : memref<48x16xf32, #tpu.memory_space<vmem>>, vector<16xf32>,
        %gather3A = vector.shape_cast %broadcast_in_dim3A_23 : vector<16x1xi32> to vector<16xi32>
        %gather3A_1973 = tpu.dynamic_gather %get3A_1972[%gather3A] in [0] : vector<16xf32>, vector<16xi32> -> vector<16xf32>
        %gather3A_1974 = vector.shape_cast %broadcast_in_dim3A_25 : vector<16x1xi32> to vector<16xi32>
        %gather3A_1975 = tpu.dynamic_gather %get3A_1972[%gather3A_1974] in [0] : vector<16xf32>, vector<16xi32> -> vector<16xf32>
        %gather3A_1976 = vector.shape_cast %broadcast_in_dim3A_27 : vector<16x1xi32> to vector<16xi32>
        %gather3A_1977 = tpu.dynamic_gather %get3A_1972[%gather3A_1976] in [0] : vector<16xf32>, vector<16xi32> -> vector<16xf32>
        %gather3A_1978 = vector.shape_cast %broadcast_in_dim3A_29 : vector<16x1xi32> to vector<16xi32>
        %gather3A_1979 = tpu.dynamic_gather %get3A_1972[%gather3A_1978] in [0] : vector<16xf32>, vector<16xi32> -> vector<16xf32>
        %gather3A_1980 = vector.shape_cast %broadcast_in_dim3A_31 : vector<16x1xi32> to vector<16xi32>
        %gather3A_1981 = tpu.dynamic_gather %get3A_1972[%gather3A_1980] in [0] : vector<16xf32>, vector<16xi32> -> vector<16xf32>
        %gather3A_1982 = vector.shape_cast %broadcast_in_dim3A_33 : vector<16x1xi32> to vector<16xi32>
        %gather3A_1983 = tpu.dynamic_gather %get3A_1972[%gather3A_1982] in [0] : vector<16xf32>, vector<16xi32> -> vector<16xf32>
        %gather3A_1984 = vector.shape_cast %broadcast_in_dim3A_35 : vector<16x1xi32> to vector<16xi32>
        %gather3A_1985 = tpu.dynamic_gather %get3A_1972[%gather3A_1984] in [0] : vector<16xf32>, vector<16xi32> -> vector<16xf32>
        %gather3A_1986 = vector.shape_cast %broadcast_in_dim3A_37 : vector<16x1xi32> to vector<16xi32>
        %gather3A_1987 = tpu.dynamic_gather %get3A_1972[%gather3A_1986] in [0] : vector<16xf32>, vector<16xi32> -> vector<16xf32>
        %get3A_1988 = arith.index_cast %mul3A_1965 : i32 to index
        %get3A_1989 = arith.constant 64 : index
        %get3A_1990 = tpu.vector_load %arg15[%get3A_1988, %get3A_1989] {strides = array<i32>} : memref<48x128xi32, #tpu.memory_space<vmem>>, vector<16xi32>,
        %get3A_1991 = arith.index_cast %mul3A_1965 : i32 to index
        %get3A_1992 = arith.constant 80 : index
        %get3A_1993 = tpu.vector_load %arg15[%get3A_1991, %get3A_1992] {strides = array<i32>} : memref<48x128xi32, #tpu.memory_space<vmem>>, vector<16xi32>,
        %get3A_1994 = arith.index_cast %mul3A_1965 : i32 to index
        %get3A_1995 = arith.constant 96 : index
        %get3A_1996 = tpu.vector_load %arg15[%get3A_1994, %get3A_1995] {strides = array<i32>} : memref<48x128xi32, #tpu.memory_space<vmem>>, vector<16xi32>,
        %get3A_1997 = arith.index_cast %mul3A_1965 : i32 to index
        %get3A_1998 = arith.constant 112 : index
        %get3A_1999 = tpu.vector_load %arg15[%get3A_1997, %get3A_1998] {strides = array<i32>} : memref<48x128xi32, #tpu.memory_space<vmem>>, vector<16xi32>,
        %shift_left3A_2000 = arith.constant 16 : i32
        %shift_left3A_2001 = vector.broadcast %shift_left3A_2000 : i32 to vector<16xi32>
        %shift_left3A_2002 = arith.shli %get3A_1990, %shift_left3A_2001 : vector<16xi32>
        %bitcast3A = vector.bitcast %shift_left3A_2002 : vector<16xi32> to vector<16xf32>
        %shift_left3A_2003 = arith.constant 16 : i32
        %shift_left3A_2004 = vector.broadcast %shift_left3A_2003 : i32 to vector<16xi32>
        %shift_left3A_2005 = arith.shli %get3A_1993, %shift_left3A_2004 : vector<16xi32>
        %bitcast3A_2006 = vector.bitcast %shift_left3A_2005 : vector<16xi32> to vector<16xf32>
        %shift_left3A_2007 = arith.constant 16 : i32
        %shift_left3A_2008 = vector.broadcast %shift_left3A_2007 : i32 to vector<16xi32>
        %shift_left3A_2009 = arith.shli %get3A_1996, %shift_left3A_2008 : vector<16xi32>
        %bitcast3A_2010 = vector.bitcast %shift_left3A_2009 : vector<16xi32> to vector<16xf32>
        %shift_left3A_2011 = arith.constant 16 : i32
        %shift_left3A_2012 = vector.broadcast %shift_left3A_2011 : i32 to vector<16xi32>
        %shift_left3A_2013 = arith.shli %get3A_1999, %shift_left3A_2012 : vector<16xi32>
        %bitcast3A_2014 = vector.bitcast %shift_left3A_2013 : vector<16xi32> to vector<16xf32>
        %and3A_2015 = arith.constant -65536 : i32
        %and3A_2016 = vector.broadcast %and3A_2015 : i32 to vector<16xi32>
        %and3A_2017 = arith.andi %get3A_1990, %and3A_2016 : vector<16xi32>
        %bitcast3A_2018 = vector.bitcast %and3A_2017 : vector<16xi32> to vector<16xf32>
        %and3A_2019 = arith.constant -65536 : i32
        %and3A_2020 = vector.broadcast %and3A_2019 : i32 to vector<16xi32>
        %and3A_2021 = arith.andi %get3A_1993, %and3A_2020 : vector<16xi32>
        %bitcast3A_2022 = vector.bitcast %and3A_2021 : vector<16xi32> to vector<16xf32>
        %and3A_2023 = arith.constant -65536 : i32
        %and3A_2024 = vector.broadcast %and3A_2023 : i32 to vector<16xi32>
        %and3A_2025 = arith.andi %get3A_1996, %and3A_2024 : vector<16xi32>
        %bitcast3A_2026 = vector.bitcast %and3A_2025 : vector<16xi32> to vector<16xf32>
        %and3A_2027 = arith.constant -65536 : i32
        %and3A_2028 = vector.broadcast %and3A_2027 : i32 to vector<16xi32>
        %and3A_2029 = arith.andi %get3A_1999, %and3A_2028 : vector<16xi32>
        %bitcast3A_2030 = vector.bitcast %and3A_2029 : vector<16xi32> to vector<16xf32>
        %mul3A_2031 = arith.mulf %bitcast3A, %gather3A_1973 : vector<16xf32>
        %swap3A_2032 = arith.index_cast %mul3A_1965 : i32 to index
        %swap3A_2033 = arith.constant 0 : index
        %swap3A_2034 = tpu.vector_load %arg17[%swap3A_2032, %swap3A_2033] {strides = array<i32>} : memref<48x128xf32, #tpu.memory_space<vmem>>, vector<16xf32>,
        tpu.vector_store %arg17[%swap3A_2032, %swap3A_2033], %mul3A_2031 {strides = array<i32>} : memref<48x128xf32, #tpu.memory_space<vmem>>, vector<16xf32>,
        %mul3A_2035 = arith.mulf %bitcast3A_2006, %gather3A_1975 : vector<16xf32>
        %swap3A_2036 = arith.index_cast %mul3A_1965 : i32 to index
        %swap3A_2037 = arith.constant 16 : index
        %swap3A_2038 = tpu.vector_load %arg17[%swap3A_2036, %swap3A_2037] {strides = array<i32>} : memref<48x128xf32, #tpu.memory_space<vmem>>, vector<16xf32>,
        tpu.vector_store %arg17[%swap3A_2036, %swap3A_2037], %mul3A_2035 {strides = array<i32>} : memref<48x128xf32, #tpu.memory_space<vmem>>, vector<16xf32>,
        %mul3A_2039 = arith.mulf %bitcast3A_2010, %gather3A_1977 : vector<16xf32>
        %swap3A_2040 = arith.index_cast %mul3A_1965 : i32 to index
        %swap3A_2041 = arith.constant 32 : index
        %swap3A_2042 = tpu.vector_load %arg17[%swap3A_2040, %swap3A_2041] {strides = array<i32>} : memref<48x128xf32, #tpu.memory_space<vmem>>, vector<16xf32>,
        tpu.vector_store %arg17[%swap3A_2040, %swap3A_2041], %mul3A_2039 {strides = array<i32>} : memref<48x128xf32, #tpu.memory_space<vmem>>, vector<16xf32>,
        %mul3A_2043 = arith.mulf %bitcast3A_2014, %gather3A_1979 : vector<16xf32>
        %swap3A_2044 = arith.index_cast %mul3A_1965 : i32 to index
        %swap3A_2045 = arith.constant 48 : index
        %swap3A_2046 = tpu.vector_load %arg17[%swap3A_2044, %swap3A_2045] {strides = array<i32>} : memref<48x128xf32, #tpu.memory_space<vmem>>, vector<16xf32>,
        tpu.vector_store %arg17[%swap3A_2044, %swap3A_2045], %mul3A_2043 {strides = array<i32>} : memref<48x128xf32, #tpu.memory_space<vmem>>, vector<16xf32>,
        %mul3A_2047 = arith.mulf %bitcast3A_2018, %gather3A_1981 : vector<16xf32>
        %swap3A_2048 = arith.index_cast %mul3A_1965 : i32 to index
        %swap3A_2049 = arith.constant 64 : index
        %swap3A_2050 = tpu.vector_load %arg17[%swap3A_2048, %swap3A_2049] {strides = array<i32>} : memref<48x128xf32, #tpu.memory_space<vmem>>, vector<16xf32>,
        tpu.vector_store %arg17[%swap3A_2048, %swap3A_2049], %mul3A_2047 {strides = array<i32>} : memref<48x128xf32, #tpu.memory_space<vmem>>, vector<16xf32>,
        %mul3A_2051 = arith.mulf %bitcast3A_2022, %gather3A_1983 : vector<16xf32>
        %swap3A_2052 = arith.index_cast %mul3A_1965 : i32 to index
        %swap3A_2053 = arith.constant 80 : index
        %swap3A_2054 = tpu.vector_load %arg17[%swap3A_2052, %swap3A_2053] {strides = array<i32>} : memref<48x128xf32, #tpu.memory_space<vmem>>, vector<16xf32>,
        tpu.vector_store %arg17[%swap3A_2052, %swap3A_2053], %mul3A_2051 {strides = array<i32>} : memref<48x128xf32, #tpu.memory_space<vmem>>, vector<16xf32>,
        %mul3A_2055 = arith.mulf %bitcast3A_2026, %gather3A_1985 : vector<16xf32>
        %swap3A_2056 = arith.index_cast %mul3A_1965 : i32 to index
        %swap3A_2057 = arith.constant 96 : index
        %swap3A_2058 = tpu.vector_load %arg17[%swap3A_2056, %swap3A_2057] {strides = array<i32>} : memref<48x128xf32, #tpu.memory_space<vmem>>, vector<16xf32>,
        tpu.vector_store %arg17[%swap3A_2056, %swap3A_2057], %mul3A_2055 {strides = array<i32>} : memref<48x128xf32, #tpu.memory_space<vmem>>, vector<16xf32>,
        %mul3A_2059 = arith.mulf %bitcast3A_2030, %gather3A_1987 : vector<16xf32>
        %swap3A_2060 = arith.index_cast %mul3A_1965 : i32 to index
        %swap3A_2061 = arith.constant 112 : index
        %swap3A_2062 = tpu.vector_load %arg17[%swap3A_2060, %swap3A_2061] {strides = array<i32>} : memref<48x128xf32, #tpu.memory_space<vmem>>, vector<16xf32>,
        tpu.vector_store %arg17[%swap3A_2060, %swap3A_2061], %mul3A_2059 {strides = array<i32>} : memref<48x128xf32, #tpu.memory_space<vmem>>, vector<16xf32>,
        %get3A_2063 = arith.index_cast %add3A_1969 : i32 to index
        %get3A_2064 = arith.constant 0 : index
        %get3A_2065 = tpu.vector_load %arg18[%get3A_2063, %get3A_2064] {strides = array<i32>} : memref<48x16xf32, #tpu.memory_space<vmem>>, vector<16xf32>,
        %gather3A_2066 = vector.shape_cast %broadcast_in_dim3A_23 : vector<16x1xi32> to vector<16xi32>
        %gather3A_2067 = tpu.dynamic_gather %get3A_2065[%gather3A_2066] in [0] : vector<16xf32>, vector<16xi32> -> vector<16xf32>
        %gather3A_2068 = vector.shape_cast %broadcast_in_dim3A_25 : vector<16x1xi32> to vector<16xi32>
        %gather3A_2069 = tpu.dynamic_gather %get3A_2065[%gather3A_2068] in [0] : vector<16xf32>, vector<16xi32> -> vector<16xf32>
        %gather3A_2070 = vector.shape_cast %broadcast_in_dim3A_27 : vector<16x1xi32> to vector<16xi32>
        %gather3A_2071 = tpu.dynamic_gather %get3A_2065[%gather3A_2070] in [0] : vector<16xf32>, vector<16xi32> -> vector<16xf32>
        %gather3A_2072 = vector.shape_cast %broadcast_in_dim3A_29 : vector<16x1xi32> to vector<16xi32>
        %gather3A_2073 = tpu.dynamic_gather %get3A_2065[%gather3A_2072] in [0] : vector<16xf32>, vector<16xi32> -> vector<16xf32>
        %gather3A_2074 = vector.shape_cast %broadcast_in_dim3A_31 : vector<16x1xi32> to vector<16xi32>
        %gather3A_2075 = tpu.dynamic_gather %get3A_2065[%gather3A_2074] in [0] : vector<16xf32>, vector<16xi32> -> vector<16xf32>
        %gather3A_2076 = vector.shape_cast %broadcast_in_dim3A_33 : vector<16x1xi32> to vector<16xi32>
        %gather3A_2077 = tpu.dynamic_gather %get3A_2065[%gather3A_2076] in [0] : vector<16xf32>, vector<16xi32> -> vector<16xf32>
        %gather3A_2078 = vector.shape_cast %broadcast_in_dim3A_35 : vector<16x1xi32> to vector<16xi32>
        %gather3A_2079 = tpu.dynamic_gather %get3A_2065[%gather3A_2078] in [0] : vector<16xf32>, vector<16xi32> -> vector<16xf32>
        %gather3A_2080 = vector.shape_cast %broadcast_in_dim3A_37 : vector<16x1xi32> to vector<16xi32>
        %gather3A_2081 = tpu.dynamic_gather %get3A_2065[%gather3A_2080] in [0] : vector<16xf32>, vector<16xi32> -> vector<16xf32>
        %get3A_2082 = arith.index_cast %add3A_1969 : i32 to index
        %get3A_2083 = arith.constant 64 : index
        %get3A_2084 = tpu.vector_load %arg15[%get3A_2082, %get3A_2083] {strides = array<i32>} : memref<48x128xi32, #tpu.memory_space<vmem>>, vector<16xi32>,
        %get3A_2085 = arith.index_cast %add3A_1969 : i32 to index
        %get3A_2086 = arith.constant 80 : index
        %get3A_2087 = tpu.vector_load %arg15[%get3A_2085, %get3A_2086] {strides = array<i32>} : memref<48x128xi32, #tpu.memory_space<vmem>>, vector<16xi32>,
        %get3A_2088 = arith.index_cast %add3A_1969 : i32 to index
        %get3A_2089 = arith.constant 96 : index
        %get3A_2090 = tpu.vector_load %arg15[%get3A_2088, %get3A_2089] {strides = array<i32>} : memref<48x128xi32, #tpu.memory_space<vmem>>, vector<16xi32>,
        %get3A_2091 = arith.index_cast %add3A_1969 : i32 to index
        %get3A_2092 = arith.constant 112 : index
        %get3A_2093 = tpu.vector_load %arg15[%get3A_2091, %get3A_2092] {strides = array<i32>} : memref<48x128xi32, #tpu.memory_space<vmem>>, vector<16xi32>,
        %shift_left3A_2094 = arith.constant 16 : i32
        %shift_left3A_2095 = vector.broadcast %shift_left3A_2094 : i32 to vector<16xi32>
        %shift_left3A_2096 = arith.shli %get3A_2084, %shift_left3A_2095 : vector<16xi32>
        %bitcast3A_2097 = vector.bitcast %shift_left3A_2096 : vector<16xi32> to vector<16xf32>
        %shift_left3A_2098 = arith.constant 16 : i32
        %shift_left3A_2099 = vector.broadcast %shift_left3A_2098 : i32 to vector<16xi32>
        %shift_left3A_2100 = arith.shli %get3A_2087, %shift_left3A_2099 : vector<16xi32>
        %bitcast3A_2101 = vector.bitcast %shift_left3A_2100 : vector<16xi32> to vector<16xf32>
        %shift_left3A_2102 = arith.constant 16 : i32
        %shift_left3A_2103 = vector.broadcast %shift_left3A_2102 : i32 to vector<16xi32>
        %shift_left3A_2104 = arith.shli %get3A_2090, %shift_left3A_2103 : vector<16xi32>
        %bitcast3A_2105 = vector.bitcast %shift_left3A_2104 : vector<16xi32> to vector<16xf32>
        %shift_left3A_2106 = arith.constant 16 : i32
        %shift_left3A_2107 = vector.broadcast %shift_left3A_2106 : i32 to vector<16xi32>
        %shift_left3A_2108 = arith.shli %get3A_2093, %shift_left3A_2107 : vector<16xi32>
        %bitcast3A_2109 = vector.bitcast %shift_left3A_2108 : vector<16xi32> to vector<16xf32>
        %and3A_2110 = arith.constant -65536 : i32
        %and3A_2111 = vector.broadcast %and3A_2110 : i32 to vector<16xi32>
        %and3A_2112 = arith.andi %get3A_2084, %and3A_2111 : vector<16xi32>
        %bitcast3A_2113 = vector.bitcast %and3A_2112 : vector<16xi32> to vector<16xf32>
        %and3A_2114 = arith.constant -65536 : i32
        %and3A_2115 = vector.broadcast %and3A_2114 : i32 to vector<16xi32>
        %and3A_2116 = arith.andi %get3A_2087, %and3A_2115 : vector<16xi32>
        %bitcast3A_2117 = vector.bitcast %and3A_2116 : vector<16xi32> to vector<16xf32>
        %and3A_2118 = arith.constant -65536 : i32
        %and3A_2119 = vector.broadcast %and3A_2118 : i32 to vector<16xi32>
        %and3A_2120 = arith.andi %get3A_2090, %and3A_2119 : vector<16xi32>
        %bitcast3A_2121 = vector.bitcast %and3A_2120 : vector<16xi32> to vector<16xf32>
        %and3A_2122 = arith.constant -65536 : i32
        %and3A_2123 = vector.broadcast %and3A_2122 : i32 to vector<16xi32>
        %and3A_2124 = arith.andi %get3A_2093, %and3A_2123 : vector<16xi32>
        %bitcast3A_2125 = vector.bitcast %and3A_2124 : vector<16xi32> to vector<16xf32>
        %mul3A_2126 = arith.mulf %bitcast3A_2097, %gather3A_2067 : vector<16xf32>
        %swap3A_2127 = arith.index_cast %add3A_1969 : i32 to index
        %swap3A_2128 = arith.constant 0 : index
        %swap3A_2129 = tpu.vector_load %arg17[%swap3A_2127, %swap3A_2128] {strides = array<i32>} : memref<48x128xf32, #tpu.memory_space<vmem>>, vector<16xf32>,
        tpu.vector_store %arg17[%swap3A_2127, %swap3A_2128], %mul3A_2126 {strides = array<i32>} : memref<48x128xf32, #tpu.memory_space<vmem>>, vector<16xf32>,
        %mul3A_2130 = arith.mulf %bitcast3A_2101, %gather3A_2069 : vector<16xf32>
        %swap3A_2131 = arith.index_cast %add3A_1969 : i32 to index
        %swap3A_2132 = arith.constant 16 : index
        %swap3A_2133 = tpu.vector_load %arg17[%swap3A_2131, %swap3A_2132] {strides = array<i32>} : memref<48x128xf32, #tpu.memory_space<vmem>>, vector<16xf32>,
        tpu.vector_store %arg17[%swap3A_2131, %swap3A_2132], %mul3A_2130 {strides = array<i32>} : memref<48x128xf32, #tpu.memory_space<vmem>>, vector<16xf32>,
        %mul3A_2134 = arith.mulf %bitcast3A_2105, %gather3A_2071 : vector<16xf32>
        %swap3A_2135 = arith.index_cast %add3A_1969 : i32 to index
        %swap3A_2136 = arith.constant 32 : index
        %swap3A_2137 = tpu.vector_load %arg17[%swap3A_2135, %swap3A_2136] {strides = array<i32>} : memref<48x128xf32, #tpu.memory_space<vmem>>, vector<16xf32>,
        tpu.vector_store %arg17[%swap3A_2135, %swap3A_2136], %mul3A_2134 {strides = array<i32>} : memref<48x128xf32, #tpu.memory_space<vmem>>, vector<16xf32>,
        %mul3A_2138 = arith.mulf %bitcast3A_2109, %gather3A_2073 : vector<16xf32>
        %swap3A_2139 = arith.index_cast %add3A_1969 : i32 to index
        %swap3A_2140 = arith.constant 48 : index
        %swap3A_2141 = tpu.vector_load %arg17[%swap3A_2139, %swap3A_2140] {strides = array<i32>} : memref<48x128xf32, #tpu.memory_space<vmem>>, vector<16xf32>,
        tpu.vector_store %arg17[%swap3A_2139, %swap3A_2140], %mul3A_2138 {strides = array<i32>} : memref<48x128xf32, #tpu.memory_space<vmem>>, vector<16xf32>,
        %mul3A_2142 = arith.mulf %bitcast3A_2113, %gather3A_2075 : vector<16xf32>
        %swap3A_2143 = arith.index_cast %add3A_1969 : i32 to index
        %swap3A_2144 = arith.constant 64 : index
        %swap3A_2145 = tpu.vector_load %arg17[%swap3A_2143, %swap3A_2144] {strides = array<i32>} : memref<48x128xf32, #tpu.memory_space<vmem>>, vector<16xf32>,
        tpu.vector_store %arg17[%swap3A_2143, %swap3A_2144], %mul3A_2142 {strides = array<i32>} : memref<48x128xf32, #tpu.memory_space<vmem>>, vector<16xf32>,
        %mul3A_2146 = arith.mulf %bitcast3A_2117, %gather3A_2077 : vector<16xf32>
        %swap3A_2147 = arith.index_cast %add3A_1969 : i32 to index
        %swap3A_2148 = arith.constant 80 : index
        %swap3A_2149 = tpu.vector_load %arg17[%swap3A_2147, %swap3A_2148] {strides = array<i32>} : memref<48x128xf32, #tpu.memory_space<vmem>>, vector<16xf32>,
        tpu.vector_store %arg17[%swap3A_2147, %swap3A_2148], %mul3A_2146 {strides = array<i32>} : memref<48x128xf32, #tpu.memory_space<vmem>>, vector<16xf32>,
        %mul3A_2150 = arith.mulf %bitcast3A_2121, %gather3A_2079 : vector<16xf32>
        %swap3A_2151 = arith.index_cast %add3A_1969 : i32 to index
        %swap3A_2152 = arith.constant 96 : index
        %swap3A_2153 = tpu.vector_load %arg17[%swap3A_2151, %swap3A_2152] {strides = array<i32>} : memref<48x128xf32, #tpu.memory_space<vmem>>, vector<16xf32>,
        tpu.vector_store %arg17[%swap3A_2151, %swap3A_2152], %mul3A_2150 {strides = array<i32>} : memref<48x128xf32, #tpu.memory_space<vmem>>, vector<16xf32>,
        %mul3A_2154 = arith.mulf %bitcast3A_2125, %gather3A_2081 : vector<16xf32>
        %swap3A_2155 = arith.index_cast %add3A_1969 : i32 to index
        %swap3A_2156 = arith.constant 112 : index
        %swap3A_2157 = tpu.vector_load %arg17[%swap3A_2155, %swap3A_2156] {strides = array<i32>} : memref<48x128xf32, #tpu.memory_space<vmem>>, vector<16xf32>,
        tpu.vector_store %arg17[%swap3A_2155, %swap3A_2156], %mul3A_2154 {strides = array<i32>} : memref<48x128xf32, #tpu.memory_space<vmem>>, vector<16xf32>,
        %scan3A_2158 = arith.constant 0 : i32
        scf.yield %scan3A_2158 : i32
      }
      %scan3A_1198 = arith.constant 24 : i32
      %dma_start3A_1199 = arith.constant 0 : i32
      %dma_start3A_1200 = arith.constant 0 : i32
      %dma_start3A_1201 = tpu.memref_slice %arg20[%dma_start3A_1199, %dma_start3A_1200] : memref<10032x128xf32, #tpu.memory_space<vmem_shared>> -> memref<10032x128xf32, #tpu.memory_space<vmem_shared>>
      tpu.enqueue_indirect_dma source(%arg17 : memref<48x128xf32, #tpu.memory_space<vmem>>) target(%dma_start3A_1201 : memref<10032x128xf32, #tpu.memory_space<vmem_shared>>) offsets(%arg11 : memref<48xi32, #tpu.memory_space<vmem>>) semaphore(%arg27 : memref<!tpu.dma_semaphore, #tpu.memory_space<semaphore_mem>>)
      %get3A_1202 = arith.constant 0 : index
      %get3A_1203 = tpu.vector_load %arg11[%get3A_1202] {strides = array<i32>} : memref<48xi32, #tpu.memory_space<vmem>>, vector<16xi32>,
      %shift_right_logical3A_1204 = arith.constant 3 : i32
      %shift_right_logical3A_1205 = vector.broadcast %shift_right_logical3A_1204 : i32 to vector<16xi32>
      %shift_right_logical3A_1206 = arith.shrui %get3A_1203, %shift_right_logical3A_1205 : vector<16xi32>
      %swap3A_1207 = arith.constant 0 : index
      %swap3A_1208 = tpu.vector_load %arg12[%swap3A_1207] {strides = array<i32>} : memref<16xi32, #tpu.memory_space<vmem>>, vector<16xi32>,
      tpu.vector_store %arg12[%swap3A_1207], %shift_right_logical3A_1206 {strides = array<i32>} : memref<16xi32, #tpu.memory_space<vmem>>, vector<16xi32>,
      %and3A_1209 = arith.constant 7 : i32
      %and3A_1210 = vector.broadcast %and3A_1209 : i32 to vector<16xi32>
      %and3A_1211 = arith.andi %get3A_1203, %and3A_1210 : vector<16xi32>
      %shift_left3A_1212 = arith.constant 4 : i32
      %shift_left3A_1213 = vector.broadcast %shift_left3A_1212 : i32 to vector<16xi32>
      %shift_left3A_1214 = arith.shli %and3A_1211, %shift_left3A_1213 : vector<16xi32>
      %slice3A_1215 = vector.extract_strided_slice %shift_left3A_1214 {offsets = [0], sizes = [1], strides = [1]} : vector<16xi32> to vector<1xi32>
      %squeeze3A_1216 = vector.extract %slice3A_1215[0] : i32 from vector<1xi32>
      %slice3A_1217 = vector.extract_strided_slice %shift_left3A_1214 {offsets = [1], sizes = [1], strides = [1]} : vector<16xi32> to vector<1xi32>
      %squeeze3A_1218 = vector.extract %slice3A_1217[0] : i32 from vector<1xi32>
      %slice3A_1219 = vector.extract_strided_slice %shift_left3A_1214 {offsets = [2], sizes = [1], strides = [1]} : vector<16xi32> to vector<1xi32>
      %squeeze3A_1220 = vector.extract %slice3A_1219[0] : i32 from vector<1xi32>
      %slice3A_1221 = vector.extract_strided_slice %shift_left3A_1214 {offsets = [3], sizes = [1], strides = [1]} : vector<16xi32> to vector<1xi32>
      %squeeze3A_1222 = vector.extract %slice3A_1221[0] : i32 from vector<1xi32>
      %slice3A_1223 = vector.extract_strided_slice %shift_left3A_1214 {offsets = [4], sizes = [1], strides = [1]} : vector<16xi32> to vector<1xi32>
      %squeeze3A_1224 = vector.extract %slice3A_1223[0] : i32 from vector<1xi32>
      %slice3A_1225 = vector.extract_strided_slice %shift_left3A_1214 {offsets = [5], sizes = [1], strides = [1]} : vector<16xi32> to vector<1xi32>
      %squeeze3A_1226 = vector.extract %slice3A_1225[0] : i32 from vector<1xi32>
      %slice3A_1227 = vector.extract_strided_slice %shift_left3A_1214 {offsets = [6], sizes = [1], strides = [1]} : vector<16xi32> to vector<1xi32>
      %squeeze3A_1228 = vector.extract %slice3A_1227[0] : i32 from vector<1xi32>
      %slice3A_1229 = vector.extract_strided_slice %shift_left3A_1214 {offsets = [7], sizes = [1], strides = [1]} : vector<16xi32> to vector<1xi32>
      %squeeze3A_1230 = vector.extract %slice3A_1229[0] : i32 from vector<1xi32>
      %slice3A_1231 = vector.extract_strided_slice %shift_left3A_1214 {offsets = [8], sizes = [1], strides = [1]} : vector<16xi32> to vector<1xi32>
      %squeeze3A_1232 = vector.extract %slice3A_1231[0] : i32 from vector<1xi32>
      %slice3A_1233 = vector.extract_strided_slice %shift_left3A_1214 {offsets = [9], sizes = [1], strides = [1]} : vector<16xi32> to vector<1xi32>
      %squeeze3A_1234 = vector.extract %slice3A_1233[0] : i32 from vector<1xi32>
      %slice3A_1235 = vector.extract_strided_slice %shift_left3A_1214 {offsets = [10], sizes = [1], strides = [1]} : vector<16xi32> to vector<1xi32>
      %squeeze3A_1236 = vector.extract %slice3A_1235[0] : i32 from vector<1xi32>
      %slice3A_1237 = vector.extract_strided_slice %shift_left3A_1214 {offsets = [11], sizes = [1], strides = [1]} : vector<16xi32> to vector<1xi32>
      %squeeze3A_1238 = vector.extract %slice3A_1237[0] : i32 from vector<1xi32>
      %slice3A_1239 = vector.extract_strided_slice %shift_left3A_1214 {offsets = [12], sizes = [1], strides = [1]} : vector<16xi32> to vector<1xi32>
      %squeeze3A_1240 = vector.extract %slice3A_1239[0] : i32 from vector<1xi32>
      %slice3A_1241 = vector.extract_strided_slice %shift_left3A_1214 {offsets = [13], sizes = [1], strides = [1]} : vector<16xi32> to vector<1xi32>
      %squeeze3A_1242 = vector.extract %slice3A_1241[0] : i32 from vector<1xi32>
      %slice3A_1243 = vector.extract_strided_slice %shift_left3A_1214 {offsets = [14], sizes = [1], strides = [1]} : vector<16xi32> to vector<1xi32>
      %squeeze3A_1244 = vector.extract %slice3A_1243[0] : i32 from vector<1xi32>
      %slice3A_1245 = vector.extract_strided_slice %shift_left3A_1214 {offsets = [15], sizes = [1], strides = [1]} : vector<16xi32> to vector<1xi32>
      %squeeze3A_1246 = vector.extract %slice3A_1245[0] : i32 from vector<1xi32>
      %get3A_1247 = arith.constant 0 : i32
      %get3A_1248 = arith.index_cast %get3A_1247 : i32 to index
      %get3A_1249 = arith.constant 0 : index
      %get3A_1250 = tpu.vector_load %arg18[%get3A_1248, %get3A_1249] {strides = array<i32>} : memref<48x16xf32, #tpu.memory_space<vmem>>, vector<16xf32>,
      %mul3A_1251 = arith.mulf %get3A_1250, %convert_element_type3A_5 : vector<16xf32>
      %get3A_1252 = arith.constant 1 : i32
      %get3A_1253 = arith.index_cast %get3A_1252 : i32 to index
      %get3A_1254 = arith.constant 0 : index
      %get3A_1255 = tpu.vector_load %arg18[%get3A_1253, %get3A_1254] {strides = array<i32>} : memref<48x16xf32, #tpu.memory_space<vmem>>, vector<16xf32>,
      %mul3A_1256 = arith.mulf %get3A_1255, %convert_element_type3A_5 : vector<16xf32>
      %get3A_1257 = arith.constant 2 : i32
      %get3A_1258 = arith.index_cast %get3A_1257 : i32 to index
      %get3A_1259 = arith.constant 0 : index
      %get3A_1260 = tpu.vector_load %arg18[%get3A_1258, %get3A_1259] {strides = array<i32>} : memref<48x16xf32, #tpu.memory_space<vmem>>, vector<16xf32>,
      %mul3A_1261 = arith.mulf %get3A_1260, %convert_element_type3A_5 : vector<16xf32>
      %get3A_1262 = arith.constant 3 : i32
      %get3A_1263 = arith.index_cast %get3A_1262 : i32 to index
      %get3A_1264 = arith.constant 0 : index
      %get3A_1265 = tpu.vector_load %arg18[%get3A_1263, %get3A_1264] {strides = array<i32>} : memref<48x16xf32, #tpu.memory_space<vmem>>, vector<16xf32>,
      %mul3A_1266 = arith.mulf %get3A_1265, %convert_element_type3A_5 : vector<16xf32>
      %get3A_1267 = arith.constant 4 : i32
      %get3A_1268 = arith.index_cast %get3A_1267 : i32 to index
      %get3A_1269 = arith.constant 0 : index
      %get3A_1270 = tpu.vector_load %arg18[%get3A_1268, %get3A_1269] {strides = array<i32>} : memref<48x16xf32, #tpu.memory_space<vmem>>, vector<16xf32>,
      %mul3A_1271 = arith.mulf %get3A_1270, %convert_element_type3A_5 : vector<16xf32>
      %get3A_1272 = arith.constant 5 : i32
      %get3A_1273 = arith.index_cast %get3A_1272 : i32 to index
      %get3A_1274 = arith.constant 0 : index
      %get3A_1275 = tpu.vector_load %arg18[%get3A_1273, %get3A_1274] {strides = array<i32>} : memref<48x16xf32, #tpu.memory_space<vmem>>, vector<16xf32>,
      %mul3A_1276 = arith.mulf %get3A_1275, %convert_element_type3A_5 : vector<16xf32>
      %get3A_1277 = arith.constant 6 : i32
      %get3A_1278 = arith.index_cast %get3A_1277 : i32 to index
      %get3A_1279 = arith.constant 0 : index
      %get3A_1280 = tpu.vector_load %arg18[%get3A_1278, %get3A_1279] {strides = array<i32>} : memref<48x16xf32, #tpu.memory_space<vmem>>, vector<16xf32>,
      %mul3A_1281 = arith.mulf %get3A_1280, %convert_element_type3A_5 : vector<16xf32>
      %get3A_1282 = arith.constant 7 : i32
      %get3A_1283 = arith.index_cast %get3A_1282 : i32 to index
      %get3A_1284 = arith.constant 0 : index
      %get3A_1285 = tpu.vector_load %arg18[%get3A_1283, %get3A_1284] {strides = array<i32>} : memref<48x16xf32, #tpu.memory_space<vmem>>, vector<16xf32>,
      %mul3A_1286 = arith.mulf %get3A_1285, %convert_element_type3A_5 : vector<16xf32>
      %get3A_1287 = arith.constant 8 : i32
      %get3A_1288 = arith.index_cast %get3A_1287 : i32 to index
      %get3A_1289 = arith.constant 0 : index
      %get3A_1290 = tpu.vector_load %arg18[%get3A_1288, %get3A_1289] {strides = array<i32>} : memref<48x16xf32, #tpu.memory_space<vmem>>, vector<16xf32>,
      %mul3A_1291 = arith.mulf %get3A_1290, %convert_element_type3A_5 : vector<16xf32>
      %get3A_1292 = arith.constant 9 : i32
      %get3A_1293 = arith.index_cast %get3A_1292 : i32 to index
      %get3A_1294 = arith.constant 0 : index
      %get3A_1295 = tpu.vector_load %arg18[%get3A_1293, %get3A_1294] {strides = array<i32>} : memref<48x16xf32, #tpu.memory_space<vmem>>, vector<16xf32>,
      %mul3A_1296 = arith.mulf %get3A_1295, %convert_element_type3A_5 : vector<16xf32>
      %get3A_1297 = arith.constant 10 : i32
      %get3A_1298 = arith.index_cast %get3A_1297 : i32 to index
      %get3A_1299 = arith.constant 0 : index
      %get3A_1300 = tpu.vector_load %arg18[%get3A_1298, %get3A_1299] {strides = array<i32>} : memref<48x16xf32, #tpu.memory_space<vmem>>, vector<16xf32>,
      %mul3A_1301 = arith.mulf %get3A_1300, %convert_element_type3A_5 : vector<16xf32>
      %get3A_1302 = arith.constant 11 : i32
      %get3A_1303 = arith.index_cast %get3A_1302 : i32 to index
      %get3A_1304 = arith.constant 0 : index
      %get3A_1305 = tpu.vector_load %arg18[%get3A_1303, %get3A_1304] {strides = array<i32>} : memref<48x16xf32, #tpu.memory_space<vmem>>, vector<16xf32>,
      %mul3A_1306 = arith.mulf %get3A_1305, %convert_element_type3A_5 : vector<16xf32>
      %get3A_1307 = arith.constant 12 : i32
      %get3A_1308 = arith.index_cast %get3A_1307 : i32 to index
      %get3A_1309 = arith.constant 0 : index
      %get3A_1310 = tpu.vector_load %arg18[%get3A_1308, %get3A_1309] {strides = array<i32>} : memref<48x16xf32, #tpu.memory_space<vmem>>, vector<16xf32>,
      %mul3A_1311 = arith.mulf %get3A_1310, %convert_element_type3A_5 : vector<16xf32>
      %get3A_1312 = arith.constant 13 : i32
      %get3A_1313 = arith.index_cast %get3A_1312 : i32 to index
      %get3A_1314 = arith.constant 0 : index
      %get3A_1315 = tpu.vector_load %arg18[%get3A_1313, %get3A_1314] {strides = array<i32>} : memref<48x16xf32, #tpu.memory_space<vmem>>, vector<16xf32>,
      %mul3A_1316 = arith.mulf %get3A_1315, %convert_element_type3A_5 : vector<16xf32>
      %get3A_1317 = arith.constant 14 : i32
      %get3A_1318 = arith.index_cast %get3A_1317 : i32 to index
      %get3A_1319 = arith.constant 0 : index
      %get3A_1320 = tpu.vector_load %arg18[%get3A_1318, %get3A_1319] {strides = array<i32>} : memref<48x16xf32, #tpu.memory_space<vmem>>, vector<16xf32>,
      %mul3A_1321 = arith.mulf %get3A_1320, %convert_element_type3A_5 : vector<16xf32>
      %get3A_1322 = arith.constant 15 : i32
      %get3A_1323 = arith.index_cast %get3A_1322 : i32 to index
      %get3A_1324 = arith.constant 0 : index
      %get3A_1325 = tpu.vector_load %arg18[%get3A_1323, %get3A_1324] {strides = array<i32>} : memref<48x16xf32, #tpu.memory_space<vmem>>, vector<16xf32>,
      %mul3A_1326 = arith.mulf %get3A_1325, %convert_element_type3A_5 : vector<16xf32>
      %swap3A_1327 = arith.constant 0 : i32
      %swap3A_1328 = arith.index_cast %swap3A_1327 : i32 to index
      %swap3A_1329 = arith.index_cast %squeeze3A_1216 : i32 to index
      %swap3A_1330 = tpu.vector_load %arg19[%swap3A_1328, %swap3A_1329] {strides = array<i32>} : memref<16x128xf32, #tpu.memory_space<vmem>>, vector<16xf32>,
      tpu.vector_store %arg19[%swap3A_1328, %swap3A_1329], %mul3A_1251 {strides = array<i32>} : memref<16x128xf32, #tpu.memory_space<vmem>>, vector<16xf32>,
      %swap3A_1331 = arith.constant 1 : i32
      %swap3A_1332 = arith.index_cast %swap3A_1331 : i32 to index
      %swap3A_1333 = arith.index_cast %squeeze3A_1218 : i32 to index
      %swap3A_1334 = tpu.vector_load %arg19[%swap3A_1332, %swap3A_1333] {strides = array<i32>} : memref<16x128xf32, #tpu.memory_space<vmem>>, vector<16xf32>,
      tpu.vector_store %arg19[%swap3A_1332, %swap3A_1333], %mul3A_1256 {strides = array<i32>} : memref<16x128xf32, #tpu.memory_space<vmem>>, vector<16xf32>,
      %swap3A_1335 = arith.constant 2 : i32
      %swap3A_1336 = arith.index_cast %swap3A_1335 : i32 to index
      %swap3A_1337 = arith.index_cast %squeeze3A_1220 : i32 to index
      %swap3A_1338 = tpu.vector_load %arg19[%swap3A_1336, %swap3A_1337] {strides = array<i32>} : memref<16x128xf32, #tpu.memory_space<vmem>>, vector<16xf32>,
      tpu.vector_store %arg19[%swap3A_1336, %swap3A_1337], %mul3A_1261 {strides = array<i32>} : memref<16x128xf32, #tpu.memory_space<vmem>>, vector<16xf32>,
      %swap3A_1339 = arith.constant 3 : i32
      %swap3A_1340 = arith.index_cast %swap3A_1339 : i32 to index
      %swap3A_1341 = arith.index_cast %squeeze3A_1222 : i32 to index
      %swap3A_1342 = tpu.vector_load %arg19[%swap3A_1340, %swap3A_1341] {strides = array<i32>} : memref<16x128xf32, #tpu.memory_space<vmem>>, vector<16xf32>,
      tpu.vector_store %arg19[%swap3A_1340, %swap3A_1341], %mul3A_1266 {strides = array<i32>} : memref<16x128xf32, #tpu.memory_space<vmem>>, vector<16xf32>,
      %swap3A_1343 = arith.constant 4 : i32
      %swap3A_1344 = arith.index_cast %swap3A_1343 : i32 to index
      %swap3A_1345 = arith.index_cast %squeeze3A_1224 : i32 to index
      %swap3A_1346 = tpu.vector_load %arg19[%swap3A_1344, %swap3A_1345] {strides = array<i32>} : memref<16x128xf32, #tpu.memory_space<vmem>>, vector<16xf32>,
      tpu.vector_store %arg19[%swap3A_1344, %swap3A_1345], %mul3A_1271 {strides = array<i32>} : memref<16x128xf32, #tpu.memory_space<vmem>>, vector<16xf32>,
      %swap3A_1347 = arith.constant 5 : i32
      %swap3A_1348 = arith.index_cast %swap3A_1347 : i32 to index
      %swap3A_1349 = arith.index_cast %squeeze3A_1226 : i32 to index
      %swap3A_1350 = tpu.vector_load %arg19[%swap3A_1348, %swap3A_1349] {strides = array<i32>} : memref<16x128xf32, #tpu.memory_space<vmem>>, vector<16xf32>,
      tpu.vector_store %arg19[%swap3A_1348, %swap3A_1349], %mul3A_1276 {strides = array<i32>} : memref<16x128xf32, #tpu.memory_space<vmem>>, vector<16xf32>,
      %swap3A_1351 = arith.constant 6 : i32
      %swap3A_1352 = arith.index_cast %swap3A_1351 : i32 to index
      %swap3A_1353 = arith.index_cast %squeeze3A_1228 : i32 to index
      %swap3A_1354 = tpu.vector_load %arg19[%swap3A_1352, %swap3A_1353] {strides = array<i32>} : memref<16x128xf32, #tpu.memory_space<vmem>>, vector<16xf32>,
      tpu.vector_store %arg19[%swap3A_1352, %swap3A_1353], %mul3A_1281 {strides = array<i32>} : memref<16x128xf32, #tpu.memory_space<vmem>>, vector<16xf32>,
      %swap3A_1355 = arith.constant 7 : i32
      %swap3A_1356 = arith.index_cast %swap3A_1355 : i32 to index
      %swap3A_1357 = arith.index_cast %squeeze3A_1230 : i32 to index
      %swap3A_1358 = tpu.vector_load %arg19[%swap3A_1356, %swap3A_1357] {strides = array<i32>} : memref<16x128xf32, #tpu.memory_space<vmem>>, vector<16xf32>,
      tpu.vector_store %arg19[%swap3A_1356, %swap3A_1357], %mul3A_1286 {strides = array<i32>} : memref<16x128xf32, #tpu.memory_space<vmem>>, vector<16xf32>,
      %swap3A_1359 = arith.constant 8 : i32
      %swap3A_1360 = arith.index_cast %swap3A_1359 : i32 to index
      %swap3A_1361 = arith.index_cast %squeeze3A_1232 : i32 to index
      %swap3A_1362 = tpu.vector_load %arg19[%swap3A_1360, %swap3A_1361] {strides = array<i32>} : memref<16x128xf32, #tpu.memory_space<vmem>>, vector<16xf32>,
      tpu.vector_store %arg19[%swap3A_1360, %swap3A_1361], %mul3A_1291 {strides = array<i32>} : memref<16x128xf32, #tpu.memory_space<vmem>>, vector<16xf32>,
      %swap3A_1363 = arith.constant 9 : i32
      %swap3A_1364 = arith.index_cast %swap3A_1363 : i32 to index
      %swap3A_1365 = arith.index_cast %squeeze3A_1234 : i32 to index
      %swap3A_1366 = tpu.vector_load %arg19[%swap3A_1364, %swap3A_1365] {strides = array<i32>} : memref<16x128xf32, #tpu.memory_space<vmem>>, vector<16xf32>,
      tpu.vector_store %arg19[%swap3A_1364, %swap3A_1365], %mul3A_1296 {strides = array<i32>} : memref<16x128xf32, #tpu.memory_space<vmem>>, vector<16xf32>,
      %swap3A_1367 = arith.constant 10 : i32
      %swap3A_1368 = arith.index_cast %swap3A_1367 : i32 to index
      %swap3A_1369 = arith.index_cast %squeeze3A_1236 : i32 to index
      %swap3A_1370 = tpu.vector_load %arg19[%swap3A_1368, %swap3A_1369] {strides = array<i32>} : memref<16x128xf32, #tpu.memory_space<vmem>>, vector<16xf32>,
      tpu.vector_store %arg19[%swap3A_1368, %swap3A_1369], %mul3A_1301 {strides = array<i32>} : memref<16x128xf32, #tpu.memory_space<vmem>>, vector<16xf32>,
      %swap3A_1371 = arith.constant 11 : i32
      %swap3A_1372 = arith.index_cast %swap3A_1371 : i32 to index
      %swap3A_1373 = arith.index_cast %squeeze3A_1238 : i32 to index
      %swap3A_1374 = tpu.vector_load %arg19[%swap3A_1372, %swap3A_1373] {strides = array<i32>} : memref<16x128xf32, #tpu.memory_space<vmem>>, vector<16xf32>,
      tpu.vector_store %arg19[%swap3A_1372, %swap3A_1373], %mul3A_1306 {strides = array<i32>} : memref<16x128xf32, #tpu.memory_space<vmem>>, vector<16xf32>,
      %swap3A_1375 = arith.constant 12 : i32
      %swap3A_1376 = arith.index_cast %swap3A_1375 : i32 to index
      %swap3A_1377 = arith.index_cast %squeeze3A_1240 : i32 to index
      %swap3A_1378 = tpu.vector_load %arg19[%swap3A_1376, %swap3A_1377] {strides = array<i32>} : memref<16x128xf32, #tpu.memory_space<vmem>>, vector<16xf32>,
      tpu.vector_store %arg19[%swap3A_1376, %swap3A_1377], %mul3A_1311 {strides = array<i32>} : memref<16x128xf32, #tpu.memory_space<vmem>>, vector<16xf32>,
      %swap3A_1379 = arith.constant 13 : i32
      %swap3A_1380 = arith.index_cast %swap3A_1379 : i32 to index
      %swap3A_1381 = arith.index_cast %squeeze3A_1242 : i32 to index
      %swap3A_1382 = tpu.vector_load %arg19[%swap3A_1380, %swap3A_1381] {strides = array<i32>} : memref<16x128xf32, #tpu.memory_space<vmem>>, vector<16xf32>,
      tpu.vector_store %arg19[%swap3A_1380, %swap3A_1381], %mul3A_1316 {strides = array<i32>} : memref<16x128xf32, #tpu.memory_space<vmem>>, vector<16xf32>,
      %swap3A_1383 = arith.constant 14 : i32
      %swap3A_1384 = arith.index_cast %swap3A_1383 : i32 to index
      %swap3A_1385 = arith.index_cast %squeeze3A_1244 : i32 to index
      %swap3A_1386 = tpu.vector_load %arg19[%swap3A_1384, %swap3A_1385] {strides = array<i32>} : memref<16x128xf32, #tpu.memory_space<vmem>>, vector<16xf32>,
      tpu.vector_store %arg19[%swap3A_1384, %swap3A_1385], %mul3A_1321 {strides = array<i32>} : memref<16x128xf32, #tpu.memory_space<vmem>>, vector<16xf32>,
      %swap3A_1387 = arith.constant 15 : i32
      %swap3A_1388 = arith.index_cast %swap3A_1387 : i32 to index
      %swap3A_1389 = arith.index_cast %squeeze3A_1246 : i32 to index
      %swap3A_1390 = tpu.vector_load %arg19[%swap3A_1388, %swap3A_1389] {strides = array<i32>} : memref<16x128xf32, #tpu.memory_space<vmem>>, vector<16xf32>,
      tpu.vector_store %arg19[%swap3A_1388, %swap3A_1389], %mul3A_1326 {strides = array<i32>} : memref<16x128xf32, #tpu.memory_space<vmem>>, vector<16xf32>,
      "tpu.region"() ({
        %run_scoped3A = tpu.sem_alloc : memref<!tpu.dma_semaphore, #tpu.memory_space<semaphore_mem>>
        %dma_start3A_1962 = arith.constant 0 : i32
        %dma_start3A_1963 = arith.constant 0 : i32
        %dma_start3A_1964 = tpu.memref_slice %arg21[%dma_start3A_1962, %dma_start3A_1963] : memref<1280x128xf32, #tpu.memory_space<vmem_shared>> -> memref<1280x128xf32, #tpu.memory_space<vmem_shared>>
        tpu.enqueue_indirect_dma source(%arg19 : memref<16x128xf32, #tpu.memory_space<vmem>>) target(%dma_start3A_1964 : memref<1280x128xf32, #tpu.memory_space<vmem_shared>>) offsets(%arg12 : memref<16xi32, #tpu.memory_space<vmem>>) semaphore(%run_scoped3A : memref<!tpu.dma_semaphore, #tpu.memory_space<semaphore_mem>>) {add = true}
        %dma_wait3A_1965 = arith.constant 0 : i32
        %dma_wait3A_1966 = arith.constant 0 : i32
        %dma_wait3A_1967 = tpu.memref_slice %arg21[%dma_wait3A_1965, %dma_wait3A_1966] : memref<1280x128xf32, #tpu.memory_space<vmem_shared>> -> memref<1280x128xf32, #tpu.memory_space<vmem_shared>>
        tpu.wait_indirect_dma semaphore(%run_scoped3A : memref<!tpu.dma_semaphore, #tpu.memory_space<semaphore_mem>>) src(%arg19 : memref<16x128xf32, #tpu.memory_space<vmem>>) dst(%dma_wait3A_1967 : memref<1280x128xf32, #tpu.memory_space<vmem_shared>>)
        tpu.yield
      }) : () -> ()
      %swap3A_1391 = arith.constant 0 : i32
      %swap3A_1392 = arith.index_cast %swap3A_1391 : i32 to index
      %swap3A_1393 = arith.index_cast %squeeze3A_1216 : i32 to index
      %swap3A_1394 = tpu.vector_load %arg19[%swap3A_1392, %swap3A_1393] {strides = array<i32>} : memref<16x128xf32, #tpu.memory_space<vmem>>, vector<16xf32>,
      tpu.vector_store %arg19[%swap3A_1392, %swap3A_1393], %broadcast_in_dim3A_0 {strides = array<i32>} : memref<16x128xf32, #tpu.memory_space<vmem>>, vector<16xf32>,
      %swap3A_1395 = arith.constant 1 : i32
      %swap3A_1396 = arith.index_cast %swap3A_1395 : i32 to index
      %swap3A_1397 = arith.index_cast %squeeze3A_1218 : i32 to index
      %swap3A_1398 = tpu.vector_load %arg19[%swap3A_1396, %swap3A_1397] {strides = array<i32>} : memref<16x128xf32, #tpu.memory_space<vmem>>, vector<16xf32>,
      tpu.vector_store %arg19[%swap3A_1396, %swap3A_1397], %broadcast_in_dim3A_0 {strides = array<i32>} : memref<16x128xf32, #tpu.memory_space<vmem>>, vector<16xf32>,
      %swap3A_1399 = arith.constant 2 : i32
      %swap3A_1400 = arith.index_cast %swap3A_1399 : i32 to index
      %swap3A_1401 = arith.index_cast %squeeze3A_1220 : i32 to index
      %swap3A_1402 = tpu.vector_load %arg19[%swap3A_1400, %swap3A_1401] {strides = array<i32>} : memref<16x128xf32, #tpu.memory_space<vmem>>, vector<16xf32>,
      tpu.vector_store %arg19[%swap3A_1400, %swap3A_1401], %broadcast_in_dim3A_0 {strides = array<i32>} : memref<16x128xf32, #tpu.memory_space<vmem>>, vector<16xf32>,
      %swap3A_1403 = arith.constant 3 : i32
      %swap3A_1404 = arith.index_cast %swap3A_1403 : i32 to index
      %swap3A_1405 = arith.index_cast %squeeze3A_1222 : i32 to index
      %swap3A_1406 = tpu.vector_load %arg19[%swap3A_1404, %swap3A_1405] {strides = array<i32>} : memref<16x128xf32, #tpu.memory_space<vmem>>, vector<16xf32>,
      tpu.vector_store %arg19[%swap3A_1404, %swap3A_1405], %broadcast_in_dim3A_0 {strides = array<i32>} : memref<16x128xf32, #tpu.memory_space<vmem>>, vector<16xf32>,
      %swap3A_1407 = arith.constant 4 : i32
      %swap3A_1408 = arith.index_cast %swap3A_1407 : i32 to index
      %swap3A_1409 = arith.index_cast %squeeze3A_1224 : i32 to index
      %swap3A_1410 = tpu.vector_load %arg19[%swap3A_1408, %swap3A_1409] {strides = array<i32>} : memref<16x128xf32, #tpu.memory_space<vmem>>, vector<16xf32>,
      tpu.vector_store %arg19[%swap3A_1408, %swap3A_1409], %broadcast_in_dim3A_0 {strides = array<i32>} : memref<16x128xf32, #tpu.memory_space<vmem>>, vector<16xf32>,
      %swap3A_1411 = arith.constant 5 : i32
      %swap3A_1412 = arith.index_cast %swap3A_1411 : i32 to index
      %swap3A_1413 = arith.index_cast %squeeze3A_1226 : i32 to index
      %swap3A_1414 = tpu.vector_load %arg19[%swap3A_1412, %swap3A_1413] {strides = array<i32>} : memref<16x128xf32, #tpu.memory_space<vmem>>, vector<16xf32>,
      tpu.vector_store %arg19[%swap3A_1412, %swap3A_1413], %broadcast_in_dim3A_0 {strides = array<i32>} : memref<16x128xf32, #tpu.memory_space<vmem>>, vector<16xf32>,
      %swap3A_1415 = arith.constant 6 : i32
      %swap3A_1416 = arith.index_cast %swap3A_1415 : i32 to index
      %swap3A_1417 = arith.index_cast %squeeze3A_1228 : i32 to index
      %swap3A_1418 = tpu.vector_load %arg19[%swap3A_1416, %swap3A_1417] {strides = array<i32>} : memref<16x128xf32, #tpu.memory_space<vmem>>, vector<16xf32>,
      tpu.vector_store %arg19[%swap3A_1416, %swap3A_1417], %broadcast_in_dim3A_0 {strides = array<i32>} : memref<16x128xf32, #tpu.memory_space<vmem>>, vector<16xf32>,
      %swap3A_1419 = arith.constant 7 : i32
      %swap3A_1420 = arith.index_cast %swap3A_1419 : i32 to index
      %swap3A_1421 = arith.index_cast %squeeze3A_1230 : i32 to index
      %swap3A_1422 = tpu.vector_load %arg19[%swap3A_1420, %swap3A_1421] {strides = array<i32>} : memref<16x128xf32, #tpu.memory_space<vmem>>, vector<16xf32>,
      tpu.vector_store %arg19[%swap3A_1420, %swap3A_1421], %broadcast_in_dim3A_0 {strides = array<i32>} : memref<16x128xf32, #tpu.memory_space<vmem>>, vector<16xf32>,
      %swap3A_1423 = arith.constant 8 : i32
      %swap3A_1424 = arith.index_cast %swap3A_1423 : i32 to index
      %swap3A_1425 = arith.index_cast %squeeze3A_1232 : i32 to index
      %swap3A_1426 = tpu.vector_load %arg19[%swap3A_1424, %swap3A_1425] {strides = array<i32>} : memref<16x128xf32, #tpu.memory_space<vmem>>, vector<16xf32>,
      tpu.vector_store %arg19[%swap3A_1424, %swap3A_1425], %broadcast_in_dim3A_0 {strides = array<i32>} : memref<16x128xf32, #tpu.memory_space<vmem>>, vector<16xf32>,
      %swap3A_1427 = arith.constant 9 : i32
      %swap3A_1428 = arith.index_cast %swap3A_1427 : i32 to index
      %swap3A_1429 = arith.index_cast %squeeze3A_1234 : i32 to index
      %swap3A_1430 = tpu.vector_load %arg19[%swap3A_1428, %swap3A_1429] {strides = array<i32>} : memref<16x128xf32, #tpu.memory_space<vmem>>, vector<16xf32>,
      tpu.vector_store %arg19[%swap3A_1428, %swap3A_1429], %broadcast_in_dim3A_0 {strides = array<i32>} : memref<16x128xf32, #tpu.memory_space<vmem>>, vector<16xf32>,
      %swap3A_1431 = arith.constant 10 : i32
      %swap3A_1432 = arith.index_cast %swap3A_1431 : i32 to index
      %swap3A_1433 = arith.index_cast %squeeze3A_1236 : i32 to index
      %swap3A_1434 = tpu.vector_load %arg19[%swap3A_1432, %swap3A_1433] {strides = array<i32>} : memref<16x128xf32, #tpu.memory_space<vmem>>, vector<16xf32>,
      tpu.vector_store %arg19[%swap3A_1432, %swap3A_1433], %broadcast_in_dim3A_0 {strides = array<i32>} : memref<16x128xf32, #tpu.memory_space<vmem>>, vector<16xf32>,
      %swap3A_1435 = arith.constant 11 : i32
      %swap3A_1436 = arith.index_cast %swap3A_1435 : i32 to index
      %swap3A_1437 = arith.index_cast %squeeze3A_1238 : i32 to index
      %swap3A_1438 = tpu.vector_load %arg19[%swap3A_1436, %swap3A_1437] {strides = array<i32>} : memref<16x128xf32, #tpu.memory_space<vmem>>, vector<16xf32>,
      tpu.vector_store %arg19[%swap3A_1436, %swap3A_1437], %broadcast_in_dim3A_0 {strides = array<i32>} : memref<16x128xf32, #tpu.memory_space<vmem>>, vector<16xf32>,
      %swap3A_1439 = arith.constant 12 : i32
      %swap3A_1440 = arith.index_cast %swap3A_1439 : i32 to index
      %swap3A_1441 = arith.index_cast %squeeze3A_1240 : i32 to index
      %swap3A_1442 = tpu.vector_load %arg19[%swap3A_1440, %swap3A_1441] {strides = array<i32>} : memref<16x128xf32, #tpu.memory_space<vmem>>, vector<16xf32>,
      tpu.vector_store %arg19[%swap3A_1440, %swap3A_1441], %broadcast_in_dim3A_0 {strides = array<i32>} : memref<16x128xf32, #tpu.memory_space<vmem>>, vector<16xf32>,
      %swap3A_1443 = arith.constant 13 : i32
      %swap3A_1444 = arith.index_cast %swap3A_1443 : i32 to index
      %swap3A_1445 = arith.index_cast %squeeze3A_1242 : i32 to index
      %swap3A_1446 = tpu.vector_load %arg19[%swap3A_1444, %swap3A_1445] {strides = array<i32>} : memref<16x128xf32, #tpu.memory_space<vmem>>, vector<16xf32>,
      tpu.vector_store %arg19[%swap3A_1444, %swap3A_1445], %broadcast_in_dim3A_0 {strides = array<i32>} : memref<16x128xf32, #tpu.memory_space<vmem>>, vector<16xf32>,
      %swap3A_1447 = arith.constant 14 : i32
      %swap3A_1448 = arith.index_cast %swap3A_1447 : i32 to index
      %swap3A_1449 = arith.index_cast %squeeze3A_1244 : i32 to index
      %swap3A_1450 = tpu.vector_load %arg19[%swap3A_1448, %swap3A_1449] {strides = array<i32>} : memref<16x128xf32, #tpu.memory_space<vmem>>, vector<16xf32>,
      tpu.vector_store %arg19[%swap3A_1448, %swap3A_1449], %broadcast_in_dim3A_0 {strides = array<i32>} : memref<16x128xf32, #tpu.memory_space<vmem>>, vector<16xf32>,
      %swap3A_1451 = arith.constant 15 : i32
      %swap3A_1452 = arith.index_cast %swap3A_1451 : i32 to index
      %swap3A_1453 = arith.index_cast %squeeze3A_1246 : i32 to index
      %swap3A_1454 = tpu.vector_load %arg19[%swap3A_1452, %swap3A_1453] {strides = array<i32>} : memref<16x128xf32, #tpu.memory_space<vmem>>, vector<16xf32>,
      tpu.vector_store %arg19[%swap3A_1452, %swap3A_1453], %broadcast_in_dim3A_0 {strides = array<i32>} : memref<16x128xf32, #tpu.memory_space<vmem>>, vector<16xf32>,
      %get3A_1455 = arith.constant 16 : index
      %get3A_1456 = tpu.vector_load %arg11[%get3A_1455] {strides = array<i32>} : memref<48xi32, #tpu.memory_space<vmem>>, vector<16xi32>,
      %shift_right_logical3A_1457 = arith.constant 3 : i32
      %shift_right_logical3A_1458 = vector.broadcast %shift_right_logical3A_1457 : i32 to vector<16xi32>
      %shift_right_logical3A_1459 = arith.shrui %get3A_1456, %shift_right_logical3A_1458 : vector<16xi32>
      %swap3A_1460 = arith.constant 0 : index
      %swap3A_1461 = tpu.vector_load %arg12[%swap3A_1460] {strides = array<i32>} : memref<16xi32, #tpu.memory_space<vmem>>, vector<16xi32>,
      tpu.vector_store %arg12[%swap3A_1460], %shift_right_logical3A_1459 {strides = array<i32>} : memref<16xi32, #tpu.memory_space<vmem>>, vector<16xi32>,
      %and3A_1462 = arith.constant 7 : i32
      %and3A_1463 = vector.broadcast %and3A_1462 : i32 to vector<16xi32>
      %and3A_1464 = arith.andi %get3A_1456, %and3A_1463 : vector<16xi32>
      %shift_left3A_1465 = arith.constant 4 : i32
      %shift_left3A_1466 = vector.broadcast %shift_left3A_1465 : i32 to vector<16xi32>
      %shift_left3A_1467 = arith.shli %and3A_1464, %shift_left3A_1466 : vector<16xi32>
      %slice3A_1468 = vector.extract_strided_slice %shift_left3A_1467 {offsets = [0], sizes = [1], strides = [1]} : vector<16xi32> to vector<1xi32>
      %squeeze3A_1469 = vector.extract %slice3A_1468[0] : i32 from vector<1xi32>
      %slice3A_1470 = vector.extract_strided_slice %shift_left3A_1467 {offsets = [1], sizes = [1], strides = [1]} : vector<16xi32> to vector<1xi32>
      %squeeze3A_1471 = vector.extract %slice3A_1470[0] : i32 from vector<1xi32>
      %slice3A_1472 = vector.extract_strided_slice %shift_left3A_1467 {offsets = [2], sizes = [1], strides = [1]} : vector<16xi32> to vector<1xi32>
      %squeeze3A_1473 = vector.extract %slice3A_1472[0] : i32 from vector<1xi32>
      %slice3A_1474 = vector.extract_strided_slice %shift_left3A_1467 {offsets = [3], sizes = [1], strides = [1]} : vector<16xi32> to vector<1xi32>
      %squeeze3A_1475 = vector.extract %slice3A_1474[0] : i32 from vector<1xi32>
      %slice3A_1476 = vector.extract_strided_slice %shift_left3A_1467 {offsets = [4], sizes = [1], strides = [1]} : vector<16xi32> to vector<1xi32>
      %squeeze3A_1477 = vector.extract %slice3A_1476[0] : i32 from vector<1xi32>
      %slice3A_1478 = vector.extract_strided_slice %shift_left3A_1467 {offsets = [5], sizes = [1], strides = [1]} : vector<16xi32> to vector<1xi32>
      %squeeze3A_1479 = vector.extract %slice3A_1478[0] : i32 from vector<1xi32>
      %slice3A_1480 = vector.extract_strided_slice %shift_left3A_1467 {offsets = [6], sizes = [1], strides = [1]} : vector<16xi32> to vector<1xi32>
      %squeeze3A_1481 = vector.extract %slice3A_1480[0] : i32 from vector<1xi32>
      %slice3A_1482 = vector.extract_strided_slice %shift_left3A_1467 {offsets = [7], sizes = [1], strides = [1]} : vector<16xi32> to vector<1xi32>
      %squeeze3A_1483 = vector.extract %slice3A_1482[0] : i32 from vector<1xi32>
      %slice3A_1484 = vector.extract_strided_slice %shift_left3A_1467 {offsets = [8], sizes = [1], strides = [1]} : vector<16xi32> to vector<1xi32>
      %squeeze3A_1485 = vector.extract %slice3A_1484[0] : i32 from vector<1xi32>
      %slice3A_1486 = vector.extract_strided_slice %shift_left3A_1467 {offsets = [9], sizes = [1], strides = [1]} : vector<16xi32> to vector<1xi32>
      %squeeze3A_1487 = vector.extract %slice3A_1486[0] : i32 from vector<1xi32>
      %slice3A_1488 = vector.extract_strided_slice %shift_left3A_1467 {offsets = [10], sizes = [1], strides = [1]} : vector<16xi32> to vector<1xi32>
      %squeeze3A_1489 = vector.extract %slice3A_1488[0] : i32 from vector<1xi32>
      %slice3A_1490 = vector.extract_strided_slice %shift_left3A_1467 {offsets = [11], sizes = [1], strides = [1]} : vector<16xi32> to vector<1xi32>
      %squeeze3A_1491 = vector.extract %slice3A_1490[0] : i32 from vector<1xi32>
      %slice3A_1492 = vector.extract_strided_slice %shift_left3A_1467 {offsets = [12], sizes = [1], strides = [1]} : vector<16xi32> to vector<1xi32>
      %squeeze3A_1493 = vector.extract %slice3A_1492[0] : i32 from vector<1xi32>
      %slice3A_1494 = vector.extract_strided_slice %shift_left3A_1467 {offsets = [13], sizes = [1], strides = [1]} : vector<16xi32> to vector<1xi32>
      %squeeze3A_1495 = vector.extract %slice3A_1494[0] : i32 from vector<1xi32>
      %slice3A_1496 = vector.extract_strided_slice %shift_left3A_1467 {offsets = [14], sizes = [1], strides = [1]} : vector<16xi32> to vector<1xi32>
      %squeeze3A_1497 = vector.extract %slice3A_1496[0] : i32 from vector<1xi32>
      %slice3A_1498 = vector.extract_strided_slice %shift_left3A_1467 {offsets = [15], sizes = [1], strides = [1]} : vector<16xi32> to vector<1xi32>
      %squeeze3A_1499 = vector.extract %slice3A_1498[0] : i32 from vector<1xi32>
      %get3A_1500 = arith.constant 16 : i32
      %get3A_1501 = arith.index_cast %get3A_1500 : i32 to index
      %get3A_1502 = arith.constant 0 : index
      %get3A_1503 = tpu.vector_load %arg18[%get3A_1501, %get3A_1502] {strides = array<i32>} : memref<48x16xf32, #tpu.memory_space<vmem>>, vector<16xf32>,
      %mul3A_1504 = arith.mulf %get3A_1503, %convert_element_type3A_5 : vector<16xf32>
      %get3A_1505 = arith.constant 17 : i32
      %get3A_1506 = arith.index_cast %get3A_1505 : i32 to index
      %get3A_1507 = arith.constant 0 : index
      %get3A_1508 = tpu.vector_load %arg18[%get3A_1506, %get3A_1507] {strides = array<i32>} : memref<48x16xf32, #tpu.memory_space<vmem>>, vector<16xf32>,
      %mul3A_1509 = arith.mulf %get3A_1508, %convert_element_type3A_5 : vector<16xf32>
      %get3A_1510 = arith.constant 18 : i32
      %get3A_1511 = arith.index_cast %get3A_1510 : i32 to index
      %get3A_1512 = arith.constant 0 : index
      %get3A_1513 = tpu.vector_load %arg18[%get3A_1511, %get3A_1512] {strides = array<i32>} : memref<48x16xf32, #tpu.memory_space<vmem>>, vector<16xf32>,
      %mul3A_1514 = arith.mulf %get3A_1513, %convert_element_type3A_5 : vector<16xf32>
      %get3A_1515 = arith.constant 19 : i32
      %get3A_1516 = arith.index_cast %get3A_1515 : i32 to index
      %get3A_1517 = arith.constant 0 : index
      %get3A_1518 = tpu.vector_load %arg18[%get3A_1516, %get3A_1517] {strides = array<i32>} : memref<48x16xf32, #tpu.memory_space<vmem>>, vector<16xf32>,
      %mul3A_1519 = arith.mulf %get3A_1518, %convert_element_type3A_5 : vector<16xf32>
      %get3A_1520 = arith.constant 20 : i32
      %get3A_1521 = arith.index_cast %get3A_1520 : i32 to index
      %get3A_1522 = arith.constant 0 : index
      %get3A_1523 = tpu.vector_load %arg18[%get3A_1521, %get3A_1522] {strides = array<i32>} : memref<48x16xf32, #tpu.memory_space<vmem>>, vector<16xf32>,
      %mul3A_1524 = arith.mulf %get3A_1523, %convert_element_type3A_5 : vector<16xf32>
      %get3A_1525 = arith.constant 21 : i32
      %get3A_1526 = arith.index_cast %get3A_1525 : i32 to index
      %get3A_1527 = arith.constant 0 : index
      %get3A_1528 = tpu.vector_load %arg18[%get3A_1526, %get3A_1527] {strides = array<i32>} : memref<48x16xf32, #tpu.memory_space<vmem>>, vector<16xf32>,
      %mul3A_1529 = arith.mulf %get3A_1528, %convert_element_type3A_5 : vector<16xf32>
      %get3A_1530 = arith.constant 22 : i32
      %get3A_1531 = arith.index_cast %get3A_1530 : i32 to index
      %get3A_1532 = arith.constant 0 : index
      %get3A_1533 = tpu.vector_load %arg18[%get3A_1531, %get3A_1532] {strides = array<i32>} : memref<48x16xf32, #tpu.memory_space<vmem>>, vector<16xf32>,
      %mul3A_1534 = arith.mulf %get3A_1533, %convert_element_type3A_5 : vector<16xf32>
      %get3A_1535 = arith.constant 23 : i32
      %get3A_1536 = arith.index_cast %get3A_1535 : i32 to index
      %get3A_1537 = arith.constant 0 : index
      %get3A_1538 = tpu.vector_load %arg18[%get3A_1536, %get3A_1537] {strides = array<i32>} : memref<48x16xf32, #tpu.memory_space<vmem>>, vector<16xf32>,
      %mul3A_1539 = arith.mulf %get3A_1538, %convert_element_type3A_5 : vector<16xf32>
      %get3A_1540 = arith.constant 24 : i32
      %get3A_1541 = arith.index_cast %get3A_1540 : i32 to index
      %get3A_1542 = arith.constant 0 : index
      %get3A_1543 = tpu.vector_load %arg18[%get3A_1541, %get3A_1542] {strides = array<i32>} : memref<48x16xf32, #tpu.memory_space<vmem>>, vector<16xf32>,
      %mul3A_1544 = arith.mulf %get3A_1543, %convert_element_type3A_5 : vector<16xf32>
      %get3A_1545 = arith.constant 25 : i32
      %get3A_1546 = arith.index_cast %get3A_1545 : i32 to index
      %get3A_1547 = arith.constant 0 : index
      %get3A_1548 = tpu.vector_load %arg18[%get3A_1546, %get3A_1547] {strides = array<i32>} : memref<48x16xf32, #tpu.memory_space<vmem>>, vector<16xf32>,
      %mul3A_1549 = arith.mulf %get3A_1548, %convert_element_type3A_5 : vector<16xf32>
      %get3A_1550 = arith.constant 26 : i32
      %get3A_1551 = arith.index_cast %get3A_1550 : i32 to index
      %get3A_1552 = arith.constant 0 : index
      %get3A_1553 = tpu.vector_load %arg18[%get3A_1551, %get3A_1552] {strides = array<i32>} : memref<48x16xf32, #tpu.memory_space<vmem>>, vector<16xf32>,
      %mul3A_1554 = arith.mulf %get3A_1553, %convert_element_type3A_5 : vector<16xf32>
      %get3A_1555 = arith.constant 27 : i32
      %get3A_1556 = arith.index_cast %get3A_1555 : i32 to index
      %get3A_1557 = arith.constant 0 : index
      %get3A_1558 = tpu.vector_load %arg18[%get3A_1556, %get3A_1557] {strides = array<i32>} : memref<48x16xf32, #tpu.memory_space<vmem>>, vector<16xf32>,
      %mul3A_1559 = arith.mulf %get3A_1558, %convert_element_type3A_5 : vector<16xf32>
      %get3A_1560 = arith.constant 28 : i32
      %get3A_1561 = arith.index_cast %get3A_1560 : i32 to index
      %get3A_1562 = arith.constant 0 : index
      %get3A_1563 = tpu.vector_load %arg18[%get3A_1561, %get3A_1562] {strides = array<i32>} : memref<48x16xf32, #tpu.memory_space<vmem>>, vector<16xf32>,
      %mul3A_1564 = arith.mulf %get3A_1563, %convert_element_type3A_5 : vector<16xf32>
      %get3A_1565 = arith.constant 29 : i32
      %get3A_1566 = arith.index_cast %get3A_1565 : i32 to index
      %get3A_1567 = arith.constant 0 : index
      %get3A_1568 = tpu.vector_load %arg18[%get3A_1566, %get3A_1567] {strides = array<i32>} : memref<48x16xf32, #tpu.memory_space<vmem>>, vector<16xf32>,
      %mul3A_1569 = arith.mulf %get3A_1568, %convert_element_type3A_5 : vector<16xf32>
      %get3A_1570 = arith.constant 30 : i32
      %get3A_1571 = arith.index_cast %get3A_1570 : i32 to index
      %get3A_1572 = arith.constant 0 : index
      %get3A_1573 = tpu.vector_load %arg18[%get3A_1571, %get3A_1572] {strides = array<i32>} : memref<48x16xf32, #tpu.memory_space<vmem>>, vector<16xf32>,
      %mul3A_1574 = arith.mulf %get3A_1573, %convert_element_type3A_5 : vector<16xf32>
      %get3A_1575 = arith.constant 31 : i32
      %get3A_1576 = arith.index_cast %get3A_1575 : i32 to index
      %get3A_1577 = arith.constant 0 : index
      %get3A_1578 = tpu.vector_load %arg18[%get3A_1576, %get3A_1577] {strides = array<i32>} : memref<48x16xf32, #tpu.memory_space<vmem>>, vector<16xf32>,
      %mul3A_1579 = arith.mulf %get3A_1578, %convert_element_type3A_5 : vector<16xf32>
      %swap3A_1580 = arith.constant 0 : i32
      %swap3A_1581 = arith.index_cast %swap3A_1580 : i32 to index
      %swap3A_1582 = arith.index_cast %squeeze3A_1469 : i32 to index
      %swap3A_1583 = tpu.vector_load %arg19[%swap3A_1581, %swap3A_1582] {strides = array<i32>} : memref<16x128xf32, #tpu.memory_space<vmem>>, vector<16xf32>,
      tpu.vector_store %arg19[%swap3A_1581, %swap3A_1582], %mul3A_1504 {strides = array<i32>} : memref<16x128xf32, #tpu.memory_space<vmem>>, vector<16xf32>,
      %swap3A_1584 = arith.constant 1 : i32
      %swap3A_1585 = arith.index_cast %swap3A_1584 : i32 to index
      %swap3A_1586 = arith.index_cast %squeeze3A_1471 : i32 to index
      %swap3A_1587 = tpu.vector_load %arg19[%swap3A_1585, %swap3A_1586] {strides = array<i32>} : memref<16x128xf32, #tpu.memory_space<vmem>>, vector<16xf32>,
      tpu.vector_store %arg19[%swap3A_1585, %swap3A_1586], %mul3A_1509 {strides = array<i32>} : memref<16x128xf32, #tpu.memory_space<vmem>>, vector<16xf32>,
      %swap3A_1588 = arith.constant 2 : i32
      %swap3A_1589 = arith.index_cast %swap3A_1588 : i32 to index
      %swap3A_1590 = arith.index_cast %squeeze3A_1473 : i32 to index
      %swap3A_1591 = tpu.vector_load %arg19[%swap3A_1589, %swap3A_1590] {strides = array<i32>} : memref<16x128xf32, #tpu.memory_space<vmem>>, vector<16xf32>,
      tpu.vector_store %arg19[%swap3A_1589, %swap3A_1590], %mul3A_1514 {strides = array<i32>} : memref<16x128xf32, #tpu.memory_space<vmem>>, vector<16xf32>,
      %swap3A_1592 = arith.constant 3 : i32
      %swap3A_1593 = arith.index_cast %swap3A_1592 : i32 to index
      %swap3A_1594 = arith.index_cast %squeeze3A_1475 : i32 to index
      %swap3A_1595 = tpu.vector_load %arg19[%swap3A_1593, %swap3A_1594] {strides = array<i32>} : memref<16x128xf32, #tpu.memory_space<vmem>>, vector<16xf32>,
      tpu.vector_store %arg19[%swap3A_1593, %swap3A_1594], %mul3A_1519 {strides = array<i32>} : memref<16x128xf32, #tpu.memory_space<vmem>>, vector<16xf32>,
      %swap3A_1596 = arith.constant 4 : i32
      %swap3A_1597 = arith.index_cast %swap3A_1596 : i32 to index
      %swap3A_1598 = arith.index_cast %squeeze3A_1477 : i32 to index
      %swap3A_1599 = tpu.vector_load %arg19[%swap3A_1597, %swap3A_1598] {strides = array<i32>} : memref<16x128xf32, #tpu.memory_space<vmem>>, vector<16xf32>,
      tpu.vector_store %arg19[%swap3A_1597, %swap3A_1598], %mul3A_1524 {strides = array<i32>} : memref<16x128xf32, #tpu.memory_space<vmem>>, vector<16xf32>,
      %swap3A_1600 = arith.constant 5 : i32
      %swap3A_1601 = arith.index_cast %swap3A_1600 : i32 to index
      %swap3A_1602 = arith.index_cast %squeeze3A_1479 : i32 to index
      %swap3A_1603 = tpu.vector_load %arg19[%swap3A_1601, %swap3A_1602] {strides = array<i32>} : memref<16x128xf32, #tpu.memory_space<vmem>>, vector<16xf32>,
      tpu.vector_store %arg19[%swap3A_1601, %swap3A_1602], %mul3A_1529 {strides = array<i32>} : memref<16x128xf32, #tpu.memory_space<vmem>>, vector<16xf32>,
      %swap3A_1604 = arith.constant 6 : i32
      %swap3A_1605 = arith.index_cast %swap3A_1604 : i32 to index
      %swap3A_1606 = arith.index_cast %squeeze3A_1481 : i32 to index
      %swap3A_1607 = tpu.vector_load %arg19[%swap3A_1605, %swap3A_1606] {strides = array<i32>} : memref<16x128xf32, #tpu.memory_space<vmem>>, vector<16xf32>,
      tpu.vector_store %arg19[%swap3A_1605, %swap3A_1606], %mul3A_1534 {strides = array<i32>} : memref<16x128xf32, #tpu.memory_space<vmem>>, vector<16xf32>,
      %swap3A_1608 = arith.constant 7 : i32
      %swap3A_1609 = arith.index_cast %swap3A_1608 : i32 to index
      %swap3A_1610 = arith.index_cast %squeeze3A_1483 : i32 to index
      %swap3A_1611 = tpu.vector_load %arg19[%swap3A_1609, %swap3A_1610] {strides = array<i32>} : memref<16x128xf32, #tpu.memory_space<vmem>>, vector<16xf32>,
      tpu.vector_store %arg19[%swap3A_1609, %swap3A_1610], %mul3A_1539 {strides = array<i32>} : memref<16x128xf32, #tpu.memory_space<vmem>>, vector<16xf32>,
      %swap3A_1612 = arith.constant 8 : i32
      %swap3A_1613 = arith.index_cast %swap3A_1612 : i32 to index
      %swap3A_1614 = arith.index_cast %squeeze3A_1485 : i32 to index
      %swap3A_1615 = tpu.vector_load %arg19[%swap3A_1613, %swap3A_1614] {strides = array<i32>} : memref<16x128xf32, #tpu.memory_space<vmem>>, vector<16xf32>,
      tpu.vector_store %arg19[%swap3A_1613, %swap3A_1614], %mul3A_1544 {strides = array<i32>} : memref<16x128xf32, #tpu.memory_space<vmem>>, vector<16xf32>,
      %swap3A_1616 = arith.constant 9 : i32
      %swap3A_1617 = arith.index_cast %swap3A_1616 : i32 to index
      %swap3A_1618 = arith.index_cast %squeeze3A_1487 : i32 to index
      %swap3A_1619 = tpu.vector_load %arg19[%swap3A_1617, %swap3A_1618] {strides = array<i32>} : memref<16x128xf32, #tpu.memory_space<vmem>>, vector<16xf32>,
      tpu.vector_store %arg19[%swap3A_1617, %swap3A_1618], %mul3A_1549 {strides = array<i32>} : memref<16x128xf32, #tpu.memory_space<vmem>>, vector<16xf32>,
      %swap3A_1620 = arith.constant 10 : i32
      %swap3A_1621 = arith.index_cast %swap3A_1620 : i32 to index
      %swap3A_1622 = arith.index_cast %squeeze3A_1489 : i32 to index
      %swap3A_1623 = tpu.vector_load %arg19[%swap3A_1621, %swap3A_1622] {strides = array<i32>} : memref<16x128xf32, #tpu.memory_space<vmem>>, vector<16xf32>,
      tpu.vector_store %arg19[%swap3A_1621, %swap3A_1622], %mul3A_1554 {strides = array<i32>} : memref<16x128xf32, #tpu.memory_space<vmem>>, vector<16xf32>,
      %swap3A_1624 = arith.constant 11 : i32
      %swap3A_1625 = arith.index_cast %swap3A_1624 : i32 to index
      %swap3A_1626 = arith.index_cast %squeeze3A_1491 : i32 to index
      %swap3A_1627 = tpu.vector_load %arg19[%swap3A_1625, %swap3A_1626] {strides = array<i32>} : memref<16x128xf32, #tpu.memory_space<vmem>>, vector<16xf32>,
      tpu.vector_store %arg19[%swap3A_1625, %swap3A_1626], %mul3A_1559 {strides = array<i32>} : memref<16x128xf32, #tpu.memory_space<vmem>>, vector<16xf32>,
      %swap3A_1628 = arith.constant 12 : i32
      %swap3A_1629 = arith.index_cast %swap3A_1628 : i32 to index
      %swap3A_1630 = arith.index_cast %squeeze3A_1493 : i32 to index
      %swap3A_1631 = tpu.vector_load %arg19[%swap3A_1629, %swap3A_1630] {strides = array<i32>} : memref<16x128xf32, #tpu.memory_space<vmem>>, vector<16xf32>,
      tpu.vector_store %arg19[%swap3A_1629, %swap3A_1630], %mul3A_1564 {strides = array<i32>} : memref<16x128xf32, #tpu.memory_space<vmem>>, vector<16xf32>,
      %swap3A_1632 = arith.constant 13 : i32
      %swap3A_1633 = arith.index_cast %swap3A_1632 : i32 to index
      %swap3A_1634 = arith.index_cast %squeeze3A_1495 : i32 to index
      %swap3A_1635 = tpu.vector_load %arg19[%swap3A_1633, %swap3A_1634] {strides = array<i32>} : memref<16x128xf32, #tpu.memory_space<vmem>>, vector<16xf32>,
      tpu.vector_store %arg19[%swap3A_1633, %swap3A_1634], %mul3A_1569 {strides = array<i32>} : memref<16x128xf32, #tpu.memory_space<vmem>>, vector<16xf32>,
      %swap3A_1636 = arith.constant 14 : i32
      %swap3A_1637 = arith.index_cast %swap3A_1636 : i32 to index
      %swap3A_1638 = arith.index_cast %squeeze3A_1497 : i32 to index
      %swap3A_1639 = tpu.vector_load %arg19[%swap3A_1637, %swap3A_1638] {strides = array<i32>} : memref<16x128xf32, #tpu.memory_space<vmem>>, vector<16xf32>,
      tpu.vector_store %arg19[%swap3A_1637, %swap3A_1638], %mul3A_1574 {strides = array<i32>} : memref<16x128xf32, #tpu.memory_space<vmem>>, vector<16xf32>,
      %swap3A_1640 = arith.constant 15 : i32
      %swap3A_1641 = arith.index_cast %swap3A_1640 : i32 to index
      %swap3A_1642 = arith.index_cast %squeeze3A_1499 : i32 to index
      %swap3A_1643 = tpu.vector_load %arg19[%swap3A_1641, %swap3A_1642] {strides = array<i32>} : memref<16x128xf32, #tpu.memory_space<vmem>>, vector<16xf32>,
      tpu.vector_store %arg19[%swap3A_1641, %swap3A_1642], %mul3A_1579 {strides = array<i32>} : memref<16x128xf32, #tpu.memory_space<vmem>>, vector<16xf32>,
      "tpu.region"() ({
        %run_scoped3A = tpu.sem_alloc : memref<!tpu.dma_semaphore, #tpu.memory_space<semaphore_mem>>
        %dma_start3A_1962 = arith.constant 0 : i32
        %dma_start3A_1963 = arith.constant 0 : i32
        %dma_start3A_1964 = tpu.memref_slice %arg21[%dma_start3A_1962, %dma_start3A_1963] : memref<1280x128xf32, #tpu.memory_space<vmem_shared>> -> memref<1280x128xf32, #tpu.memory_space<vmem_shared>>
        tpu.enqueue_indirect_dma source(%arg19 : memref<16x128xf32, #tpu.memory_space<vmem>>) target(%dma_start3A_1964 : memref<1280x128xf32, #tpu.memory_space<vmem_shared>>) offsets(%arg12 : memref<16xi32, #tpu.memory_space<vmem>>) semaphore(%run_scoped3A : memref<!tpu.dma_semaphore, #tpu.memory_space<semaphore_mem>>) {add = true}
        %dma_wait3A_1965 = arith.constant 0 : i32
        %dma_wait3A_1966 = arith.constant 0 : i32
        %dma_wait3A_1967 = tpu.memref_slice %arg21[%dma_wait3A_1965, %dma_wait3A_1966] : memref<1280x128xf32, #tpu.memory_space<vmem_shared>> -> memref<1280x128xf32, #tpu.memory_space<vmem_shared>>
        tpu.wait_indirect_dma semaphore(%run_scoped3A : memref<!tpu.dma_semaphore, #tpu.memory_space<semaphore_mem>>) src(%arg19 : memref<16x128xf32, #tpu.memory_space<vmem>>) dst(%dma_wait3A_1967 : memref<1280x128xf32, #tpu.memory_space<vmem_shared>>)
        tpu.yield
      }) : () -> ()
      %swap3A_1644 = arith.constant 0 : i32
      %swap3A_1645 = arith.index_cast %swap3A_1644 : i32 to index
      %swap3A_1646 = arith.index_cast %squeeze3A_1469 : i32 to index
      %swap3A_1647 = tpu.vector_load %arg19[%swap3A_1645, %swap3A_1646] {strides = array<i32>} : memref<16x128xf32, #tpu.memory_space<vmem>>, vector<16xf32>,
      tpu.vector_store %arg19[%swap3A_1645, %swap3A_1646], %broadcast_in_dim3A_0 {strides = array<i32>} : memref<16x128xf32, #tpu.memory_space<vmem>>, vector<16xf32>,
      %swap3A_1648 = arith.constant 1 : i32
      %swap3A_1649 = arith.index_cast %swap3A_1648 : i32 to index
      %swap3A_1650 = arith.index_cast %squeeze3A_1471 : i32 to index
      %swap3A_1651 = tpu.vector_load %arg19[%swap3A_1649, %swap3A_1650] {strides = array<i32>} : memref<16x128xf32, #tpu.memory_space<vmem>>, vector<16xf32>,
      tpu.vector_store %arg19[%swap3A_1649, %swap3A_1650], %broadcast_in_dim3A_0 {strides = array<i32>} : memref<16x128xf32, #tpu.memory_space<vmem>>, vector<16xf32>,
      %swap3A_1652 = arith.constant 2 : i32
      %swap3A_1653 = arith.index_cast %swap3A_1652 : i32 to index
      %swap3A_1654 = arith.index_cast %squeeze3A_1473 : i32 to index
      %swap3A_1655 = tpu.vector_load %arg19[%swap3A_1653, %swap3A_1654] {strides = array<i32>} : memref<16x128xf32, #tpu.memory_space<vmem>>, vector<16xf32>,
      tpu.vector_store %arg19[%swap3A_1653, %swap3A_1654], %broadcast_in_dim3A_0 {strides = array<i32>} : memref<16x128xf32, #tpu.memory_space<vmem>>, vector<16xf32>,
      %swap3A_1656 = arith.constant 3 : i32
      %swap3A_1657 = arith.index_cast %swap3A_1656 : i32 to index
      %swap3A_1658 = arith.index_cast %squeeze3A_1475 : i32 to index
      %swap3A_1659 = tpu.vector_load %arg19[%swap3A_1657, %swap3A_1658] {strides = array<i32>} : memref<16x128xf32, #tpu.memory_space<vmem>>, vector<16xf32>,
      tpu.vector_store %arg19[%swap3A_1657, %swap3A_1658], %broadcast_in_dim3A_0 {strides = array<i32>} : memref<16x128xf32, #tpu.memory_space<vmem>>, vector<16xf32>,
      %swap3A_1660 = arith.constant 4 : i32
      %swap3A_1661 = arith.index_cast %swap3A_1660 : i32 to index
      %swap3A_1662 = arith.index_cast %squeeze3A_1477 : i32 to index
      %swap3A_1663 = tpu.vector_load %arg19[%swap3A_1661, %swap3A_1662] {strides = array<i32>} : memref<16x128xf32, #tpu.memory_space<vmem>>, vector<16xf32>,
      tpu.vector_store %arg19[%swap3A_1661, %swap3A_1662], %broadcast_in_dim3A_0 {strides = array<i32>} : memref<16x128xf32, #tpu.memory_space<vmem>>, vector<16xf32>,
      %swap3A_1664 = arith.constant 5 : i32
      %swap3A_1665 = arith.index_cast %swap3A_1664 : i32 to index
      %swap3A_1666 = arith.index_cast %squeeze3A_1479 : i32 to index
      %swap3A_1667 = tpu.vector_load %arg19[%swap3A_1665, %swap3A_1666] {strides = array<i32>} : memref<16x128xf32, #tpu.memory_space<vmem>>, vector<16xf32>,
      tpu.vector_store %arg19[%swap3A_1665, %swap3A_1666], %broadcast_in_dim3A_0 {strides = array<i32>} : memref<16x128xf32, #tpu.memory_space<vmem>>, vector<16xf32>,
      %swap3A_1668 = arith.constant 6 : i32
      %swap3A_1669 = arith.index_cast %swap3A_1668 : i32 to index
      %swap3A_1670 = arith.index_cast %squeeze3A_1481 : i32 to index
      %swap3A_1671 = tpu.vector_load %arg19[%swap3A_1669, %swap3A_1670] {strides = array<i32>} : memref<16x128xf32, #tpu.memory_space<vmem>>, vector<16xf32>,
      tpu.vector_store %arg19[%swap3A_1669, %swap3A_1670], %broadcast_in_dim3A_0 {strides = array<i32>} : memref<16x128xf32, #tpu.memory_space<vmem>>, vector<16xf32>,
      %swap3A_1672 = arith.constant 7 : i32
      %swap3A_1673 = arith.index_cast %swap3A_1672 : i32 to index
      %swap3A_1674 = arith.index_cast %squeeze3A_1483 : i32 to index
      %swap3A_1675 = tpu.vector_load %arg19[%swap3A_1673, %swap3A_1674] {strides = array<i32>} : memref<16x128xf32, #tpu.memory_space<vmem>>, vector<16xf32>,
      tpu.vector_store %arg19[%swap3A_1673, %swap3A_1674], %broadcast_in_dim3A_0 {strides = array<i32>} : memref<16x128xf32, #tpu.memory_space<vmem>>, vector<16xf32>,
      %swap3A_1676 = arith.constant 8 : i32
      %swap3A_1677 = arith.index_cast %swap3A_1676 : i32 to index
      %swap3A_1678 = arith.index_cast %squeeze3A_1485 : i32 to index
      %swap3A_1679 = tpu.vector_load %arg19[%swap3A_1677, %swap3A_1678] {strides = array<i32>} : memref<16x128xf32, #tpu.memory_space<vmem>>, vector<16xf32>,
      tpu.vector_store %arg19[%swap3A_1677, %swap3A_1678], %broadcast_in_dim3A_0 {strides = array<i32>} : memref<16x128xf32, #tpu.memory_space<vmem>>, vector<16xf32>,
      %swap3A_1680 = arith.constant 9 : i32
      %swap3A_1681 = arith.index_cast %swap3A_1680 : i32 to index
      %swap3A_1682 = arith.index_cast %squeeze3A_1487 : i32 to index
      %swap3A_1683 = tpu.vector_load %arg19[%swap3A_1681, %swap3A_1682] {strides = array<i32>} : memref<16x128xf32, #tpu.memory_space<vmem>>, vector<16xf32>,
      tpu.vector_store %arg19[%swap3A_1681, %swap3A_1682], %broadcast_in_dim3A_0 {strides = array<i32>} : memref<16x128xf32, #tpu.memory_space<vmem>>, vector<16xf32>,
      %swap3A_1684 = arith.constant 10 : i32
      %swap3A_1685 = arith.index_cast %swap3A_1684 : i32 to index
      %swap3A_1686 = arith.index_cast %squeeze3A_1489 : i32 to index
      %swap3A_1687 = tpu.vector_load %arg19[%swap3A_1685, %swap3A_1686] {strides = array<i32>} : memref<16x128xf32, #tpu.memory_space<vmem>>, vector<16xf32>,
      tpu.vector_store %arg19[%swap3A_1685, %swap3A_1686], %broadcast_in_dim3A_0 {strides = array<i32>} : memref<16x128xf32, #tpu.memory_space<vmem>>, vector<16xf32>,
      %swap3A_1688 = arith.constant 11 : i32
      %swap3A_1689 = arith.index_cast %swap3A_1688 : i32 to index
      %swap3A_1690 = arith.index_cast %squeeze3A_1491 : i32 to index
      %swap3A_1691 = tpu.vector_load %arg19[%swap3A_1689, %swap3A_1690] {strides = array<i32>} : memref<16x128xf32, #tpu.memory_space<vmem>>, vector<16xf32>,
      tpu.vector_store %arg19[%swap3A_1689, %swap3A_1690], %broadcast_in_dim3A_0 {strides = array<i32>} : memref<16x128xf32, #tpu.memory_space<vmem>>, vector<16xf32>,
      %swap3A_1692 = arith.constant 12 : i32
      %swap3A_1693 = arith.index_cast %swap3A_1692 : i32 to index
      %swap3A_1694 = arith.index_cast %squeeze3A_1493 : i32 to index
      %swap3A_1695 = tpu.vector_load %arg19[%swap3A_1693, %swap3A_1694] {strides = array<i32>} : memref<16x128xf32, #tpu.memory_space<vmem>>, vector<16xf32>,
      tpu.vector_store %arg19[%swap3A_1693, %swap3A_1694], %broadcast_in_dim3A_0 {strides = array<i32>} : memref<16x128xf32, #tpu.memory_space<vmem>>, vector<16xf32>,
      %swap3A_1696 = arith.constant 13 : i32
      %swap3A_1697 = arith.index_cast %swap3A_1696 : i32 to index
      %swap3A_1698 = arith.index_cast %squeeze3A_1495 : i32 to index
      %swap3A_1699 = tpu.vector_load %arg19[%swap3A_1697, %swap3A_1698] {strides = array<i32>} : memref<16x128xf32, #tpu.memory_space<vmem>>, vector<16xf32>,
      tpu.vector_store %arg19[%swap3A_1697, %swap3A_1698], %broadcast_in_dim3A_0 {strides = array<i32>} : memref<16x128xf32, #tpu.memory_space<vmem>>, vector<16xf32>,
      %swap3A_1700 = arith.constant 14 : i32
      %swap3A_1701 = arith.index_cast %swap3A_1700 : i32 to index
      %swap3A_1702 = arith.index_cast %squeeze3A_1497 : i32 to index
      %swap3A_1703 = tpu.vector_load %arg19[%swap3A_1701, %swap3A_1702] {strides = array<i32>} : memref<16x128xf32, #tpu.memory_space<vmem>>, vector<16xf32>,
      tpu.vector_store %arg19[%swap3A_1701, %swap3A_1702], %broadcast_in_dim3A_0 {strides = array<i32>} : memref<16x128xf32, #tpu.memory_space<vmem>>, vector<16xf32>,
      %swap3A_1704 = arith.constant 15 : i32
      %swap3A_1705 = arith.index_cast %swap3A_1704 : i32 to index
      %swap3A_1706 = arith.index_cast %squeeze3A_1499 : i32 to index
      %swap3A_1707 = tpu.vector_load %arg19[%swap3A_1705, %swap3A_1706] {strides = array<i32>} : memref<16x128xf32, #tpu.memory_space<vmem>>, vector<16xf32>,
      tpu.vector_store %arg19[%swap3A_1705, %swap3A_1706], %broadcast_in_dim3A_0 {strides = array<i32>} : memref<16x128xf32, #tpu.memory_space<vmem>>, vector<16xf32>,
      %get3A_1708 = arith.constant 32 : index
      %get3A_1709 = tpu.vector_load %arg11[%get3A_1708] {strides = array<i32>} : memref<48xi32, #tpu.memory_space<vmem>>, vector<16xi32>,
      %shift_right_logical3A_1710 = arith.constant 3 : i32
      %shift_right_logical3A_1711 = vector.broadcast %shift_right_logical3A_1710 : i32 to vector<16xi32>
      %shift_right_logical3A_1712 = arith.shrui %get3A_1709, %shift_right_logical3A_1711 : vector<16xi32>
      %swap3A_1713 = arith.constant 0 : index
      %swap3A_1714 = tpu.vector_load %arg12[%swap3A_1713] {strides = array<i32>} : memref<16xi32, #tpu.memory_space<vmem>>, vector<16xi32>,
      tpu.vector_store %arg12[%swap3A_1713], %shift_right_logical3A_1712 {strides = array<i32>} : memref<16xi32, #tpu.memory_space<vmem>>, vector<16xi32>,
      %and3A_1715 = arith.constant 7 : i32
      %and3A_1716 = vector.broadcast %and3A_1715 : i32 to vector<16xi32>
      %and3A_1717 = arith.andi %get3A_1709, %and3A_1716 : vector<16xi32>
      %shift_left3A_1718 = arith.constant 4 : i32
      %shift_left3A_1719 = vector.broadcast %shift_left3A_1718 : i32 to vector<16xi32>
      %shift_left3A_1720 = arith.shli %and3A_1717, %shift_left3A_1719 : vector<16xi32>
      %slice3A_1721 = vector.extract_strided_slice %shift_left3A_1720 {offsets = [0], sizes = [1], strides = [1]} : vector<16xi32> to vector<1xi32>
      %squeeze3A_1722 = vector.extract %slice3A_1721[0] : i32 from vector<1xi32>
      %slice3A_1723 = vector.extract_strided_slice %shift_left3A_1720 {offsets = [1], sizes = [1], strides = [1]} : vector<16xi32> to vector<1xi32>
      %squeeze3A_1724 = vector.extract %slice3A_1723[0] : i32 from vector<1xi32>
      %slice3A_1725 = vector.extract_strided_slice %shift_left3A_1720 {offsets = [2], sizes = [1], strides = [1]} : vector<16xi32> to vector<1xi32>
      %squeeze3A_1726 = vector.extract %slice3A_1725[0] : i32 from vector<1xi32>
      %slice3A_1727 = vector.extract_strided_slice %shift_left3A_1720 {offsets = [3], sizes = [1], strides = [1]} : vector<16xi32> to vector<1xi32>
      %squeeze3A_1728 = vector.extract %slice3A_1727[0] : i32 from vector<1xi32>
      %slice3A_1729 = vector.extract_strided_slice %shift_left3A_1720 {offsets = [4], sizes = [1], strides = [1]} : vector<16xi32> to vector<1xi32>
      %squeeze3A_1730 = vector.extract %slice3A_1729[0] : i32 from vector<1xi32>
      %slice3A_1731 = vector.extract_strided_slice %shift_left3A_1720 {offsets = [5], sizes = [1], strides = [1]} : vector<16xi32> to vector<1xi32>
      %squeeze3A_1732 = vector.extract %slice3A_1731[0] : i32 from vector<1xi32>
      %slice3A_1733 = vector.extract_strided_slice %shift_left3A_1720 {offsets = [6], sizes = [1], strides = [1]} : vector<16xi32> to vector<1xi32>
      %squeeze3A_1734 = vector.extract %slice3A_1733[0] : i32 from vector<1xi32>
      %slice3A_1735 = vector.extract_strided_slice %shift_left3A_1720 {offsets = [7], sizes = [1], strides = [1]} : vector<16xi32> to vector<1xi32>
      %squeeze3A_1736 = vector.extract %slice3A_1735[0] : i32 from vector<1xi32>
      %slice3A_1737 = vector.extract_strided_slice %shift_left3A_1720 {offsets = [8], sizes = [1], strides = [1]} : vector<16xi32> to vector<1xi32>
      %squeeze3A_1738 = vector.extract %slice3A_1737[0] : i32 from vector<1xi32>
      %slice3A_1739 = vector.extract_strided_slice %shift_left3A_1720 {offsets = [9], sizes = [1], strides = [1]} : vector<16xi32> to vector<1xi32>
      %squeeze3A_1740 = vector.extract %slice3A_1739[0] : i32 from vector<1xi32>
      %slice3A_1741 = vector.extract_strided_slice %shift_left3A_1720 {offsets = [10], sizes = [1], strides = [1]} : vector<16xi32> to vector<1xi32>
      %squeeze3A_1742 = vector.extract %slice3A_1741[0] : i32 from vector<1xi32>
      %slice3A_1743 = vector.extract_strided_slice %shift_left3A_1720 {offsets = [11], sizes = [1], strides = [1]} : vector<16xi32> to vector<1xi32>
      %squeeze3A_1744 = vector.extract %slice3A_1743[0] : i32 from vector<1xi32>
      %slice3A_1745 = vector.extract_strided_slice %shift_left3A_1720 {offsets = [12], sizes = [1], strides = [1]} : vector<16xi32> to vector<1xi32>
      %squeeze3A_1746 = vector.extract %slice3A_1745[0] : i32 from vector<1xi32>
      %slice3A_1747 = vector.extract_strided_slice %shift_left3A_1720 {offsets = [13], sizes = [1], strides = [1]} : vector<16xi32> to vector<1xi32>
      %squeeze3A_1748 = vector.extract %slice3A_1747[0] : i32 from vector<1xi32>
      %slice3A_1749 = vector.extract_strided_slice %shift_left3A_1720 {offsets = [14], sizes = [1], strides = [1]} : vector<16xi32> to vector<1xi32>
      %squeeze3A_1750 = vector.extract %slice3A_1749[0] : i32 from vector<1xi32>
      %slice3A_1751 = vector.extract_strided_slice %shift_left3A_1720 {offsets = [15], sizes = [1], strides = [1]} : vector<16xi32> to vector<1xi32>
      %squeeze3A_1752 = vector.extract %slice3A_1751[0] : i32 from vector<1xi32>
      %get3A_1753 = arith.constant 32 : i32
      %get3A_1754 = arith.index_cast %get3A_1753 : i32 to index
      %get3A_1755 = arith.constant 0 : index
      %get3A_1756 = tpu.vector_load %arg18[%get3A_1754, %get3A_1755] {strides = array<i32>} : memref<48x16xf32, #tpu.memory_space<vmem>>, vector<16xf32>,
      %mul3A_1757 = arith.mulf %get3A_1756, %convert_element_type3A_5 : vector<16xf32>
      %get3A_1758 = arith.constant 33 : i32
      %get3A_1759 = arith.index_cast %get3A_1758 : i32 to index
      %get3A_1760 = arith.constant 0 : index
      %get3A_1761 = tpu.vector_load %arg18[%get3A_1759, %get3A_1760] {strides = array<i32>} : memref<48x16xf32, #tpu.memory_space<vmem>>, vector<16xf32>,
      %mul3A_1762 = arith.mulf %get3A_1761, %convert_element_type3A_5 : vector<16xf32>
      %get3A_1763 = arith.constant 34 : i32
      %get3A_1764 = arith.index_cast %get3A_1763 : i32 to index
      %get3A_1765 = arith.constant 0 : index
      %get3A_1766 = tpu.vector_load %arg18[%get3A_1764, %get3A_1765] {strides = array<i32>} : memref<48x16xf32, #tpu.memory_space<vmem>>, vector<16xf32>,
      %mul3A_1767 = arith.mulf %get3A_1766, %convert_element_type3A_5 : vector<16xf32>
      %get3A_1768 = arith.constant 35 : i32
      %get3A_1769 = arith.index_cast %get3A_1768 : i32 to index
      %get3A_1770 = arith.constant 0 : index
      %get3A_1771 = tpu.vector_load %arg18[%get3A_1769, %get3A_1770] {strides = array<i32>} : memref<48x16xf32, #tpu.memory_space<vmem>>, vector<16xf32>,
      %mul3A_1772 = arith.mulf %get3A_1771, %convert_element_type3A_5 : vector<16xf32>
      %get3A_1773 = arith.constant 36 : i32
      %get3A_1774 = arith.index_cast %get3A_1773 : i32 to index
      %get3A_1775 = arith.constant 0 : index
      %get3A_1776 = tpu.vector_load %arg18[%get3A_1774, %get3A_1775] {strides = array<i32>} : memref<48x16xf32, #tpu.memory_space<vmem>>, vector<16xf32>,
      %mul3A_1777 = arith.mulf %get3A_1776, %convert_element_type3A_5 : vector<16xf32>
      %get3A_1778 = arith.constant 37 : i32
      %get3A_1779 = arith.index_cast %get3A_1778 : i32 to index
      %get3A_1780 = arith.constant 0 : index
      %get3A_1781 = tpu.vector_load %arg18[%get3A_1779, %get3A_1780] {strides = array<i32>} : memref<48x16xf32, #tpu.memory_space<vmem>>, vector<16xf32>,
      %mul3A_1782 = arith.mulf %get3A_1781, %convert_element_type3A_5 : vector<16xf32>
      %get3A_1783 = arith.constant 38 : i32
      %get3A_1784 = arith.index_cast %get3A_1783 : i32 to index
      %get3A_1785 = arith.constant 0 : index
      %get3A_1786 = tpu.vector_load %arg18[%get3A_1784, %get3A_1785] {strides = array<i32>} : memref<48x16xf32, #tpu.memory_space<vmem>>, vector<16xf32>,
      %mul3A_1787 = arith.mulf %get3A_1786, %convert_element_type3A_5 : vector<16xf32>
      %get3A_1788 = arith.constant 39 : i32
      %get3A_1789 = arith.index_cast %get3A_1788 : i32 to index
      %get3A_1790 = arith.constant 0 : index
      %get3A_1791 = tpu.vector_load %arg18[%get3A_1789, %get3A_1790] {strides = array<i32>} : memref<48x16xf32, #tpu.memory_space<vmem>>, vector<16xf32>,
      %mul3A_1792 = arith.mulf %get3A_1791, %convert_element_type3A_5 : vector<16xf32>
      %get3A_1793 = arith.constant 40 : i32
      %get3A_1794 = arith.index_cast %get3A_1793 : i32 to index
      %get3A_1795 = arith.constant 0 : index
      %get3A_1796 = tpu.vector_load %arg18[%get3A_1794, %get3A_1795] {strides = array<i32>} : memref<48x16xf32, #tpu.memory_space<vmem>>, vector<16xf32>,
      %mul3A_1797 = arith.mulf %get3A_1796, %convert_element_type3A_5 : vector<16xf32>
      %get3A_1798 = arith.constant 41 : i32
      %get3A_1799 = arith.index_cast %get3A_1798 : i32 to index
      %get3A_1800 = arith.constant 0 : index
      %get3A_1801 = tpu.vector_load %arg18[%get3A_1799, %get3A_1800] {strides = array<i32>} : memref<48x16xf32, #tpu.memory_space<vmem>>, vector<16xf32>,
      %mul3A_1802 = arith.mulf %get3A_1801, %convert_element_type3A_5 : vector<16xf32>
      %get3A_1803 = arith.constant 42 : i32
      %get3A_1804 = arith.index_cast %get3A_1803 : i32 to index
      %get3A_1805 = arith.constant 0 : index
      %get3A_1806 = tpu.vector_load %arg18[%get3A_1804, %get3A_1805] {strides = array<i32>} : memref<48x16xf32, #tpu.memory_space<vmem>>, vector<16xf32>,
      %mul3A_1807 = arith.mulf %get3A_1806, %convert_element_type3A_5 : vector<16xf32>
      %get3A_1808 = arith.constant 43 : i32
      %get3A_1809 = arith.index_cast %get3A_1808 : i32 to index
      %get3A_1810 = arith.constant 0 : index
      %get3A_1811 = tpu.vector_load %arg18[%get3A_1809, %get3A_1810] {strides = array<i32>} : memref<48x16xf32, #tpu.memory_space<vmem>>, vector<16xf32>,
      %mul3A_1812 = arith.mulf %get3A_1811, %convert_element_type3A_5 : vector<16xf32>
      %get3A_1813 = arith.constant 44 : i32
      %get3A_1814 = arith.index_cast %get3A_1813 : i32 to index
      %get3A_1815 = arith.constant 0 : index
      %get3A_1816 = tpu.vector_load %arg18[%get3A_1814, %get3A_1815] {strides = array<i32>} : memref<48x16xf32, #tpu.memory_space<vmem>>, vector<16xf32>,
      %mul3A_1817 = arith.mulf %get3A_1816, %convert_element_type3A_5 : vector<16xf32>
      %get3A_1818 = arith.constant 45 : i32
      %get3A_1819 = arith.index_cast %get3A_1818 : i32 to index
      %get3A_1820 = arith.constant 0 : index
      %get3A_1821 = tpu.vector_load %arg18[%get3A_1819, %get3A_1820] {strides = array<i32>} : memref<48x16xf32, #tpu.memory_space<vmem>>, vector<16xf32>,
      %mul3A_1822 = arith.mulf %get3A_1821, %convert_element_type3A_5 : vector<16xf32>
      %get3A_1823 = arith.constant 46 : i32
      %get3A_1824 = arith.index_cast %get3A_1823 : i32 to index
      %get3A_1825 = arith.constant 0 : index
      %get3A_1826 = tpu.vector_load %arg18[%get3A_1824, %get3A_1825] {strides = array<i32>} : memref<48x16xf32, #tpu.memory_space<vmem>>, vector<16xf32>,
      %mul3A_1827 = arith.mulf %get3A_1826, %convert_element_type3A_5 : vector<16xf32>
      %get3A_1828 = arith.constant 47 : i32
      %get3A_1829 = arith.index_cast %get3A_1828 : i32 to index
      %get3A_1830 = arith.constant 0 : index
      %get3A_1831 = tpu.vector_load %arg18[%get3A_1829, %get3A_1830] {strides = array<i32>} : memref<48x16xf32, #tpu.memory_space<vmem>>, vector<16xf32>,
      %mul3A_1832 = arith.mulf %get3A_1831, %convert_element_type3A_5 : vector<16xf32>
      %swap3A_1833 = arith.constant 0 : i32
      %swap3A_1834 = arith.index_cast %swap3A_1833 : i32 to index
      %swap3A_1835 = arith.index_cast %squeeze3A_1722 : i32 to index
      %swap3A_1836 = tpu.vector_load %arg19[%swap3A_1834, %swap3A_1835] {strides = array<i32>} : memref<16x128xf32, #tpu.memory_space<vmem>>, vector<16xf32>,
      tpu.vector_store %arg19[%swap3A_1834, %swap3A_1835], %mul3A_1757 {strides = array<i32>} : memref<16x128xf32, #tpu.memory_space<vmem>>, vector<16xf32>,
      %swap3A_1837 = arith.constant 1 : i32
      %swap3A_1838 = arith.index_cast %swap3A_1837 : i32 to index
      %swap3A_1839 = arith.index_cast %squeeze3A_1724 : i32 to index
      %swap3A_1840 = tpu.vector_load %arg19[%swap3A_1838, %swap3A_1839] {strides = array<i32>} : memref<16x128xf32, #tpu.memory_space<vmem>>, vector<16xf32>,
      tpu.vector_store %arg19[%swap3A_1838, %swap3A_1839], %mul3A_1762 {strides = array<i32>} : memref<16x128xf32, #tpu.memory_space<vmem>>, vector<16xf32>,
      %swap3A_1841 = arith.constant 2 : i32
      %swap3A_1842 = arith.index_cast %swap3A_1841 : i32 to index
      %swap3A_1843 = arith.index_cast %squeeze3A_1726 : i32 to index
      %swap3A_1844 = tpu.vector_load %arg19[%swap3A_1842, %swap3A_1843] {strides = array<i32>} : memref<16x128xf32, #tpu.memory_space<vmem>>, vector<16xf32>,
      tpu.vector_store %arg19[%swap3A_1842, %swap3A_1843], %mul3A_1767 {strides = array<i32>} : memref<16x128xf32, #tpu.memory_space<vmem>>, vector<16xf32>,
      %swap3A_1845 = arith.constant 3 : i32
      %swap3A_1846 = arith.index_cast %swap3A_1845 : i32 to index
      %swap3A_1847 = arith.index_cast %squeeze3A_1728 : i32 to index
      %swap3A_1848 = tpu.vector_load %arg19[%swap3A_1846, %swap3A_1847] {strides = array<i32>} : memref<16x128xf32, #tpu.memory_space<vmem>>, vector<16xf32>,
      tpu.vector_store %arg19[%swap3A_1846, %swap3A_1847], %mul3A_1772 {strides = array<i32>} : memref<16x128xf32, #tpu.memory_space<vmem>>, vector<16xf32>,
      %swap3A_1849 = arith.constant 4 : i32
      %swap3A_1850 = arith.index_cast %swap3A_1849 : i32 to index
      %swap3A_1851 = arith.index_cast %squeeze3A_1730 : i32 to index
      %swap3A_1852 = tpu.vector_load %arg19[%swap3A_1850, %swap3A_1851] {strides = array<i32>} : memref<16x128xf32, #tpu.memory_space<vmem>>, vector<16xf32>,
      tpu.vector_store %arg19[%swap3A_1850, %swap3A_1851], %mul3A_1777 {strides = array<i32>} : memref<16x128xf32, #tpu.memory_space<vmem>>, vector<16xf32>,
      %swap3A_1853 = arith.constant 5 : i32
      %swap3A_1854 = arith.index_cast %swap3A_1853 : i32 to index
      %swap3A_1855 = arith.index_cast %squeeze3A_1732 : i32 to index
      %swap3A_1856 = tpu.vector_load %arg19[%swap3A_1854, %swap3A_1855] {strides = array<i32>} : memref<16x128xf32, #tpu.memory_space<vmem>>, vector<16xf32>,
      tpu.vector_store %arg19[%swap3A_1854, %swap3A_1855], %mul3A_1782 {strides = array<i32>} : memref<16x128xf32, #tpu.memory_space<vmem>>, vector<16xf32>,
      %swap3A_1857 = arith.constant 6 : i32
      %swap3A_1858 = arith.index_cast %swap3A_1857 : i32 to index
      %swap3A_1859 = arith.index_cast %squeeze3A_1734 : i32 to index
      %swap3A_1860 = tpu.vector_load %arg19[%swap3A_1858, %swap3A_1859] {strides = array<i32>} : memref<16x128xf32, #tpu.memory_space<vmem>>, vector<16xf32>,
      tpu.vector_store %arg19[%swap3A_1858, %swap3A_1859], %mul3A_1787 {strides = array<i32>} : memref<16x128xf32, #tpu.memory_space<vmem>>, vector<16xf32>,
      %swap3A_1861 = arith.constant 7 : i32
      %swap3A_1862 = arith.index_cast %swap3A_1861 : i32 to index
      %swap3A_1863 = arith.index_cast %squeeze3A_1736 : i32 to index
      %swap3A_1864 = tpu.vector_load %arg19[%swap3A_1862, %swap3A_1863] {strides = array<i32>} : memref<16x128xf32, #tpu.memory_space<vmem>>, vector<16xf32>,
      tpu.vector_store %arg19[%swap3A_1862, %swap3A_1863], %mul3A_1792 {strides = array<i32>} : memref<16x128xf32, #tpu.memory_space<vmem>>, vector<16xf32>,
      %swap3A_1865 = arith.constant 8 : i32
      %swap3A_1866 = arith.index_cast %swap3A_1865 : i32 to index
      %swap3A_1867 = arith.index_cast %squeeze3A_1738 : i32 to index
      %swap3A_1868 = tpu.vector_load %arg19[%swap3A_1866, %swap3A_1867] {strides = array<i32>} : memref<16x128xf32, #tpu.memory_space<vmem>>, vector<16xf32>,
      tpu.vector_store %arg19[%swap3A_1866, %swap3A_1867], %mul3A_1797 {strides = array<i32>} : memref<16x128xf32, #tpu.memory_space<vmem>>, vector<16xf32>,
      %swap3A_1869 = arith.constant 9 : i32
      %swap3A_1870 = arith.index_cast %swap3A_1869 : i32 to index
      %swap3A_1871 = arith.index_cast %squeeze3A_1740 : i32 to index
      %swap3A_1872 = tpu.vector_load %arg19[%swap3A_1870, %swap3A_1871] {strides = array<i32>} : memref<16x128xf32, #tpu.memory_space<vmem>>, vector<16xf32>,
      tpu.vector_store %arg19[%swap3A_1870, %swap3A_1871], %mul3A_1802 {strides = array<i32>} : memref<16x128xf32, #tpu.memory_space<vmem>>, vector<16xf32>,
      %swap3A_1873 = arith.constant 10 : i32
      %swap3A_1874 = arith.index_cast %swap3A_1873 : i32 to index
      %swap3A_1875 = arith.index_cast %squeeze3A_1742 : i32 to index
      %swap3A_1876 = tpu.vector_load %arg19[%swap3A_1874, %swap3A_1875] {strides = array<i32>} : memref<16x128xf32, #tpu.memory_space<vmem>>, vector<16xf32>,
      tpu.vector_store %arg19[%swap3A_1874, %swap3A_1875], %mul3A_1807 {strides = array<i32>} : memref<16x128xf32, #tpu.memory_space<vmem>>, vector<16xf32>,
      %swap3A_1877 = arith.constant 11 : i32
      %swap3A_1878 = arith.index_cast %swap3A_1877 : i32 to index
      %swap3A_1879 = arith.index_cast %squeeze3A_1744 : i32 to index
      %swap3A_1880 = tpu.vector_load %arg19[%swap3A_1878, %swap3A_1879] {strides = array<i32>} : memref<16x128xf32, #tpu.memory_space<vmem>>, vector<16xf32>,
      tpu.vector_store %arg19[%swap3A_1878, %swap3A_1879], %mul3A_1812 {strides = array<i32>} : memref<16x128xf32, #tpu.memory_space<vmem>>, vector<16xf32>,
      %swap3A_1881 = arith.constant 12 : i32
      %swap3A_1882 = arith.index_cast %swap3A_1881 : i32 to index
      %swap3A_1883 = arith.index_cast %squeeze3A_1746 : i32 to index
      %swap3A_1884 = tpu.vector_load %arg19[%swap3A_1882, %swap3A_1883] {strides = array<i32>} : memref<16x128xf32, #tpu.memory_space<vmem>>, vector<16xf32>,
      tpu.vector_store %arg19[%swap3A_1882, %swap3A_1883], %mul3A_1817 {strides = array<i32>} : memref<16x128xf32, #tpu.memory_space<vmem>>, vector<16xf32>,
      %swap3A_1885 = arith.constant 13 : i32
      %swap3A_1886 = arith.index_cast %swap3A_1885 : i32 to index
      %swap3A_1887 = arith.index_cast %squeeze3A_1748 : i32 to index
      %swap3A_1888 = tpu.vector_load %arg19[%swap3A_1886, %swap3A_1887] {strides = array<i32>} : memref<16x128xf32, #tpu.memory_space<vmem>>, vector<16xf32>,
      tpu.vector_store %arg19[%swap3A_1886, %swap3A_1887], %mul3A_1822 {strides = array<i32>} : memref<16x128xf32, #tpu.memory_space<vmem>>, vector<16xf32>,
      %swap3A_1889 = arith.constant 14 : i32
      %swap3A_1890 = arith.index_cast %swap3A_1889 : i32 to index
      %swap3A_1891 = arith.index_cast %squeeze3A_1750 : i32 to index
      %swap3A_1892 = tpu.vector_load %arg19[%swap3A_1890, %swap3A_1891] {strides = array<i32>} : memref<16x128xf32, #tpu.memory_space<vmem>>, vector<16xf32>,
      tpu.vector_store %arg19[%swap3A_1890, %swap3A_1891], %mul3A_1827 {strides = array<i32>} : memref<16x128xf32, #tpu.memory_space<vmem>>, vector<16xf32>,
      %swap3A_1893 = arith.constant 15 : i32
      %swap3A_1894 = arith.index_cast %swap3A_1893 : i32 to index
      %swap3A_1895 = arith.index_cast %squeeze3A_1752 : i32 to index
      %swap3A_1896 = tpu.vector_load %arg19[%swap3A_1894, %swap3A_1895] {strides = array<i32>} : memref<16x128xf32, #tpu.memory_space<vmem>>, vector<16xf32>,
      tpu.vector_store %arg19[%swap3A_1894, %swap3A_1895], %mul3A_1832 {strides = array<i32>} : memref<16x128xf32, #tpu.memory_space<vmem>>, vector<16xf32>,
      "tpu.region"() ({
        %run_scoped3A = tpu.sem_alloc : memref<!tpu.dma_semaphore, #tpu.memory_space<semaphore_mem>>
        %dma_start3A_1962 = arith.constant 0 : i32
        %dma_start3A_1963 = arith.constant 0 : i32
        %dma_start3A_1964 = tpu.memref_slice %arg21[%dma_start3A_1962, %dma_start3A_1963] : memref<1280x128xf32, #tpu.memory_space<vmem_shared>> -> memref<1280x128xf32, #tpu.memory_space<vmem_shared>>
        tpu.enqueue_indirect_dma source(%arg19 : memref<16x128xf32, #tpu.memory_space<vmem>>) target(%dma_start3A_1964 : memref<1280x128xf32, #tpu.memory_space<vmem_shared>>) offsets(%arg12 : memref<16xi32, #tpu.memory_space<vmem>>) semaphore(%run_scoped3A : memref<!tpu.dma_semaphore, #tpu.memory_space<semaphore_mem>>) {add = true}
        %dma_wait3A_1965 = arith.constant 0 : i32
        %dma_wait3A_1966 = arith.constant 0 : i32
        %dma_wait3A_1967 = tpu.memref_slice %arg21[%dma_wait3A_1965, %dma_wait3A_1966] : memref<1280x128xf32, #tpu.memory_space<vmem_shared>> -> memref<1280x128xf32, #tpu.memory_space<vmem_shared>>
        tpu.wait_indirect_dma semaphore(%run_scoped3A : memref<!tpu.dma_semaphore, #tpu.memory_space<semaphore_mem>>) src(%arg19 : memref<16x128xf32, #tpu.memory_space<vmem>>) dst(%dma_wait3A_1967 : memref<1280x128xf32, #tpu.memory_space<vmem_shared>>)
        tpu.yield
      }) : () -> ()
      %swap3A_1897 = arith.constant 0 : i32
      %swap3A_1898 = arith.index_cast %swap3A_1897 : i32 to index
      %swap3A_1899 = arith.index_cast %squeeze3A_1722 : i32 to index
      %swap3A_1900 = tpu.vector_load %arg19[%swap3A_1898, %swap3A_1899] {strides = array<i32>} : memref<16x128xf32, #tpu.memory_space<vmem>>, vector<16xf32>,
      tpu.vector_store %arg19[%swap3A_1898, %swap3A_1899], %broadcast_in_dim3A_0 {strides = array<i32>} : memref<16x128xf32, #tpu.memory_space<vmem>>, vector<16xf32>,
      %swap3A_1901 = arith.constant 1 : i32
      %swap3A_1902 = arith.index_cast %swap3A_1901 : i32 to index
      %swap3A_1903 = arith.index_cast %squeeze3A_1724 : i32 to index
      %swap3A_1904 = tpu.vector_load %arg19[%swap3A_1902, %swap3A_1903] {strides = array<i32>} : memref<16x128xf32, #tpu.memory_space<vmem>>, vector<16xf32>,
      tpu.vector_store %arg19[%swap3A_1902, %swap3A_1903], %broadcast_in_dim3A_0 {strides = array<i32>} : memref<16x128xf32, #tpu.memory_space<vmem>>, vector<16xf32>,
      %swap3A_1905 = arith.constant 2 : i32
      %swap3A_1906 = arith.index_cast %swap3A_1905 : i32 to index
      %swap3A_1907 = arith.index_cast %squeeze3A_1726 : i32 to index
      %swap3A_1908 = tpu.vector_load %arg19[%swap3A_1906, %swap3A_1907] {strides = array<i32>} : memref<16x128xf32, #tpu.memory_space<vmem>>, vector<16xf32>,
      tpu.vector_store %arg19[%swap3A_1906, %swap3A_1907], %broadcast_in_dim3A_0 {strides = array<i32>} : memref<16x128xf32, #tpu.memory_space<vmem>>, vector<16xf32>,
      %swap3A_1909 = arith.constant 3 : i32
      %swap3A_1910 = arith.index_cast %swap3A_1909 : i32 to index
      %swap3A_1911 = arith.index_cast %squeeze3A_1728 : i32 to index
      %swap3A_1912 = tpu.vector_load %arg19[%swap3A_1910, %swap3A_1911] {strides = array<i32>} : memref<16x128xf32, #tpu.memory_space<vmem>>, vector<16xf32>,
      tpu.vector_store %arg19[%swap3A_1910, %swap3A_1911], %broadcast_in_dim3A_0 {strides = array<i32>} : memref<16x128xf32, #tpu.memory_space<vmem>>, vector<16xf32>,
      %swap3A_1913 = arith.constant 4 : i32
      %swap3A_1914 = arith.index_cast %swap3A_1913 : i32 to index
      %swap3A_1915 = arith.index_cast %squeeze3A_1730 : i32 to index
      %swap3A_1916 = tpu.vector_load %arg19[%swap3A_1914, %swap3A_1915] {strides = array<i32>} : memref<16x128xf32, #tpu.memory_space<vmem>>, vector<16xf32>,
      tpu.vector_store %arg19[%swap3A_1914, %swap3A_1915], %broadcast_in_dim3A_0 {strides = array<i32>} : memref<16x128xf32, #tpu.memory_space<vmem>>, vector<16xf32>,
      %swap3A_1917 = arith.constant 5 : i32
      %swap3A_1918 = arith.index_cast %swap3A_1917 : i32 to index
      %swap3A_1919 = arith.index_cast %squeeze3A_1732 : i32 to index
      %swap3A_1920 = tpu.vector_load %arg19[%swap3A_1918, %swap3A_1919] {strides = array<i32>} : memref<16x128xf32, #tpu.memory_space<vmem>>, vector<16xf32>,
      tpu.vector_store %arg19[%swap3A_1918, %swap3A_1919], %broadcast_in_dim3A_0 {strides = array<i32>} : memref<16x128xf32, #tpu.memory_space<vmem>>, vector<16xf32>,
      %swap3A_1921 = arith.constant 6 : i32
      %swap3A_1922 = arith.index_cast %swap3A_1921 : i32 to index
      %swap3A_1923 = arith.index_cast %squeeze3A_1734 : i32 to index
      %swap3A_1924 = tpu.vector_load %arg19[%swap3A_1922, %swap3A_1923] {strides = array<i32>} : memref<16x128xf32, #tpu.memory_space<vmem>>, vector<16xf32>,
      tpu.vector_store %arg19[%swap3A_1922, %swap3A_1923], %broadcast_in_dim3A_0 {strides = array<i32>} : memref<16x128xf32, #tpu.memory_space<vmem>>, vector<16xf32>,
      %swap3A_1925 = arith.constant 7 : i32
      %swap3A_1926 = arith.index_cast %swap3A_1925 : i32 to index
      %swap3A_1927 = arith.index_cast %squeeze3A_1736 : i32 to index
      %swap3A_1928 = tpu.vector_load %arg19[%swap3A_1926, %swap3A_1927] {strides = array<i32>} : memref<16x128xf32, #tpu.memory_space<vmem>>, vector<16xf32>,
      tpu.vector_store %arg19[%swap3A_1926, %swap3A_1927], %broadcast_in_dim3A_0 {strides = array<i32>} : memref<16x128xf32, #tpu.memory_space<vmem>>, vector<16xf32>,
      %swap3A_1929 = arith.constant 8 : i32
      %swap3A_1930 = arith.index_cast %swap3A_1929 : i32 to index
      %swap3A_1931 = arith.index_cast %squeeze3A_1738 : i32 to index
      %swap3A_1932 = tpu.vector_load %arg19[%swap3A_1930, %swap3A_1931] {strides = array<i32>} : memref<16x128xf32, #tpu.memory_space<vmem>>, vector<16xf32>,
      tpu.vector_store %arg19[%swap3A_1930, %swap3A_1931], %broadcast_in_dim3A_0 {strides = array<i32>} : memref<16x128xf32, #tpu.memory_space<vmem>>, vector<16xf32>,
      %swap3A_1933 = arith.constant 9 : i32
      %swap3A_1934 = arith.index_cast %swap3A_1933 : i32 to index
      %swap3A_1935 = arith.index_cast %squeeze3A_1740 : i32 to index
      %swap3A_1936 = tpu.vector_load %arg19[%swap3A_1934, %swap3A_1935] {strides = array<i32>} : memref<16x128xf32, #tpu.memory_space<vmem>>, vector<16xf32>,
      tpu.vector_store %arg19[%swap3A_1934, %swap3A_1935], %broadcast_in_dim3A_0 {strides = array<i32>} : memref<16x128xf32, #tpu.memory_space<vmem>>, vector<16xf32>,
      %swap3A_1937 = arith.constant 10 : i32
      %swap3A_1938 = arith.index_cast %swap3A_1937 : i32 to index
      %swap3A_1939 = arith.index_cast %squeeze3A_1742 : i32 to index
      %swap3A_1940 = tpu.vector_load %arg19[%swap3A_1938, %swap3A_1939] {strides = array<i32>} : memref<16x128xf32, #tpu.memory_space<vmem>>, vector<16xf32>,
      tpu.vector_store %arg19[%swap3A_1938, %swap3A_1939], %broadcast_in_dim3A_0 {strides = array<i32>} : memref<16x128xf32, #tpu.memory_space<vmem>>, vector<16xf32>,
      %swap3A_1941 = arith.constant 11 : i32
      %swap3A_1942 = arith.index_cast %swap3A_1941 : i32 to index
      %swap3A_1943 = arith.index_cast %squeeze3A_1744 : i32 to index
      %swap3A_1944 = tpu.vector_load %arg19[%swap3A_1942, %swap3A_1943] {strides = array<i32>} : memref<16x128xf32, #tpu.memory_space<vmem>>, vector<16xf32>,
      tpu.vector_store %arg19[%swap3A_1942, %swap3A_1943], %broadcast_in_dim3A_0 {strides = array<i32>} : memref<16x128xf32, #tpu.memory_space<vmem>>, vector<16xf32>,
      %swap3A_1945 = arith.constant 12 : i32
      %swap3A_1946 = arith.index_cast %swap3A_1945 : i32 to index
      %swap3A_1947 = arith.index_cast %squeeze3A_1746 : i32 to index
      %swap3A_1948 = tpu.vector_load %arg19[%swap3A_1946, %swap3A_1947] {strides = array<i32>} : memref<16x128xf32, #tpu.memory_space<vmem>>, vector<16xf32>,
      tpu.vector_store %arg19[%swap3A_1946, %swap3A_1947], %broadcast_in_dim3A_0 {strides = array<i32>} : memref<16x128xf32, #tpu.memory_space<vmem>>, vector<16xf32>,
      %swap3A_1949 = arith.constant 13 : i32
      %swap3A_1950 = arith.index_cast %swap3A_1949 : i32 to index
      %swap3A_1951 = arith.index_cast %squeeze3A_1748 : i32 to index
      %swap3A_1952 = tpu.vector_load %arg19[%swap3A_1950, %swap3A_1951] {strides = array<i32>} : memref<16x128xf32, #tpu.memory_space<vmem>>, vector<16xf32>,
      tpu.vector_store %arg19[%swap3A_1950, %swap3A_1951], %broadcast_in_dim3A_0 {strides = array<i32>} : memref<16x128xf32, #tpu.memory_space<vmem>>, vector<16xf32>,
      %swap3A_1953 = arith.constant 14 : i32
      %swap3A_1954 = arith.index_cast %swap3A_1953 : i32 to index
      %swap3A_1955 = arith.index_cast %squeeze3A_1750 : i32 to index
      %swap3A_1956 = tpu.vector_load %arg19[%swap3A_1954, %swap3A_1955] {strides = array<i32>} : memref<16x128xf32, #tpu.memory_space<vmem>>, vector<16xf32>,
      tpu.vector_store %arg19[%swap3A_1954, %swap3A_1955], %broadcast_in_dim3A_0 {strides = array<i32>} : memref<16x128xf32, #tpu.memory_space<vmem>>, vector<16xf32>,
      %swap3A_1957 = arith.constant 15 : i32
      %swap3A_1958 = arith.index_cast %swap3A_1957 : i32 to index
      %swap3A_1959 = arith.index_cast %squeeze3A_1752 : i32 to index
      %swap3A_1960 = tpu.vector_load %arg19[%swap3A_1958, %swap3A_1959] {strides = array<i32>} : memref<16x128xf32, #tpu.memory_space<vmem>>, vector<16xf32>,
      tpu.vector_store %arg19[%swap3A_1958, %swap3A_1959], %broadcast_in_dim3A_0 {strides = array<i32>} : memref<16x128xf32, #tpu.memory_space<vmem>>, vector<16xf32>,
      %scan3A_1961 = arith.constant 0 : i32
      scf.yield %scan3A_1961 : i32
    }
    %scan3A_196 = arith.constant 105 : i32
    %dma_wait3A = arith.constant 0 : i32
    %dma_wait3A_197 = arith.constant 0 : i32
    %dma_wait3A_198 = tpu.memref_slice %arg20[%dma_wait3A, %dma_wait3A_197] : memref<10032x128xf32, #tpu.memory_space<vmem_shared>> -> memref<10032x128xf32, #tpu.memory_space<vmem_shared>>
    tpu.wait_indirect_dma semaphore(%arg26 : memref<!tpu.dma_semaphore, #tpu.memory_space<semaphore_mem>>) src(%arg16 : memref<48x128xf32, #tpu.memory_space<vmem>>) dst(%dma_wait3A_198 : memref<10032x128xf32, #tpu.memory_space<vmem_shared>>)
    %dma_wait3A_199 = arith.constant 0 : i32
    %dma_wait3A_200 = arith.constant 0 : i32
    %dma_wait3A_201 = tpu.memref_slice %arg20[%dma_wait3A_199, %dma_wait3A_200] : memref<10032x128xf32, #tpu.memory_space<vmem_shared>> -> memref<10032x128xf32, #tpu.memory_space<vmem_shared>>
    tpu.wait_indirect_dma semaphore(%arg27 : memref<!tpu.dma_semaphore, #tpu.memory_space<semaphore_mem>>) src(%arg17 : memref<48x128xf32, #tpu.memory_space<vmem>>) dst(%dma_wait3A_201 : memref<10032x128xf32, #tpu.memory_space<vmem_shared>>)
    %dma_wait3A_202 = arith.constant 0 : i32
    %dma_wait3A_203 = arith.constant 0 : i32
    %dma_wait3A_204 = tpu.memref_slice %arg2[%dma_wait3A_202, %dma_wait3A_203] : memref<10016x128xf32, #tpu.memory_space<hbm>> -> memref<10016x128xf32, #tpu.memory_space<hbm>>
    tpu.wait_indirect_dma semaphore(%arg22 : memref<!tpu.dma_semaphore, #tpu.memory_space<semaphore_mem>>) src(%dma_wait3A_204 : memref<10016x128xf32, #tpu.memory_space<hbm>>) dst(%arg13 : memref<48x128xf32, #tpu.memory_space<vmem>>)
    %dma_wait3A_205 = arith.constant 0 : i32
    %dma_wait3A_206 = arith.constant 0 : i32
    %dma_wait3A_207 = tpu.memref_slice %arg3[%dma_wait3A_205, %dma_wait3A_206] : memref<10016x128xi32, #tpu.memory_space<hbm>> -> memref<10016x128xi32, #tpu.memory_space<hbm>>
    tpu.wait_indirect_dma semaphore(%arg23 : memref<!tpu.dma_semaphore, #tpu.memory_space<semaphore_mem>>) src(%dma_wait3A_207 : memref<10016x128xi32, #tpu.memory_space<hbm>>) dst(%arg14 : memref<48x128xi32, #tpu.memory_space<vmem>>)
    %barrier3A_208 = arith.constant 0 : index
    tpu.barrier barrier_id(%barrier3A_208)
    %mul3A_209 = arith.constant 14 : i32
    %mul3A_210 = arith.muli %arg1, %mul3A_209 : i32
    %add3A_211 = arith.constant 0 : i32
    %add3A_212 = arith.addi %mul3A_210, %add3A_211 : i32
    %lt3A_213 = arith.constant 209 : i32
    %lt3A_214 = arith.cmpi slt, %add3A_212, %lt3A_213 : i32
    %convert_element_type3A_215 = arith.extui %lt3A_214 : i1 to i32
    %cond3A_216 = arith.constant 0 : i32
    %cond3A_217 = arith.cmpi ne, %convert_element_type3A_215, %cond3A_216 : i32
    scf.if %cond3A_217 {
      %mul3A_347 = arith.constant 48 : i32
      %mul3A_348 = arith.muli %add3A_212, %mul3A_347 : i32
      "tpu.region"() ({
        %run_scoped3A = tpu.sem_alloc : memref<!tpu.dma_semaphore, #tpu.memory_space<semaphore_mem>>
        %dma_start3A_351 = arith.constant 0 : i32
        %dma_start3A_352 = tpu.memref_slice %arg20[%mul3A_348, %dma_start3A_351] : memref<10032x128xf32, #tpu.memory_space<vmem_shared>> -> memref<48x128xf32, #tpu.memory_space<vmem_shared>>
        %dma_start3A_353 = arith.constant 0 : i32
        %dma_start3A_354 = tpu.memref_slice %arg20[%mul3A_348, %dma_start3A_353] : memref<10032x128xf32, #tpu.memory_space<vmem_shared>> -> memref<48x128xf32, #tpu.memory_space<vmem_shared>>
        tpu.enqueue_dma source(%dma_start3A_354 : memref<48x128xf32, #tpu.memory_space<vmem_shared>>) target(%arg16 : memref<48x128xf32, #tpu.memory_space<vmem>>) target_semaphore(%run_scoped3A : memref<!tpu.dma_semaphore, #tpu.memory_space<semaphore_mem>>)
        %dma_wait3A_355 = arith.constant 0 : i32
        %dma_wait3A_356 = tpu.memref_slice %arg20[%mul3A_348, %dma_wait3A_355] : memref<10032x128xf32, #tpu.memory_space<vmem_shared>> -> memref<48x128xf32, #tpu.memory_space<vmem_shared>>
        %dma_wait3A_357 = arith.constant 0 : i32
        %dma_wait3A_358 = tpu.memref_slice %arg20[%mul3A_348, %dma_wait3A_357] : memref<10032x128xf32, #tpu.memory_space<vmem_shared>> -> memref<48x128xf32, #tpu.memory_space<vmem_shared>>
        tpu.wait_dma2 semaphore(%run_scoped3A : memref<!tpu.dma_semaphore, #tpu.memory_space<semaphore_mem>>) src(%dma_wait3A_358 : memref<48x128xf32, #tpu.memory_space<vmem_shared>>) dst(%arg16 : memref<48x128xf32, #tpu.memory_space<vmem>>)
        tpu.yield
      }) : () -> ()
      %mul3A_349 = arith.constant 48 : i32
      %mul3A_350 = arith.muli %add3A_212, %mul3A_349 : i32
      "tpu.region"() ({
        %run_scoped3A = tpu.sem_alloc : memref<!tpu.dma_semaphore, #tpu.memory_space<semaphore_mem>>
        %dma_start3A_351 = arith.constant 0 : i32
        %dma_start3A_352 = tpu.memref_slice %arg6[%arg0, %mul3A_350, %dma_start3A_351] : memref<2x10032x128xf32, #tpu.memory_space<hbm>> -> memref<1x48x128xf32, #tpu.memory_space<hbm>>
        %dma_start3A_353 = tpu.memref_squeeze %dma_start3A_352 : memref<1x48x128xf32, #tpu.memory_space<hbm>> -> memref<48x128xf32, #tpu.memory_space<hbm>>
        %dma_start3A_354 = arith.constant 0 : i32
        %dma_start3A_355 = tpu.memref_slice %arg6[%arg0, %mul3A_350, %dma_start3A_354] : memref<2x10032x128xf32, #tpu.memory_space<hbm>> -> memref<1x48x128xf32, #tpu.memory_space<hbm>>
        %dma_start3A_356 = tpu.memref_squeeze %dma_start3A_355 : memref<1x48x128xf32, #tpu.memory_space<hbm>> -> memref<48x128xf32, #tpu.memory_space<hbm>>
        tpu.enqueue_dma source(%arg16 : memref<48x128xf32, #tpu.memory_space<vmem>>) target(%dma_start3A_356 : memref<48x128xf32, #tpu.memory_space<hbm>>) target_semaphore(%run_scoped3A : memref<!tpu.dma_semaphore, #tpu.memory_space<semaphore_mem>>)
        %dma_wait3A_357 = arith.constant 0 : i32
        %dma_wait3A_358 = tpu.memref_slice %arg6[%arg0, %mul3A_350, %dma_wait3A_357] : memref<2x10032x128xf32, #tpu.memory_space<hbm>> -> memref<1x48x128xf32, #tpu.memory_space<hbm>>
        %dma_wait3A_359 = tpu.memref_squeeze %dma_wait3A_358 : memref<1x48x128xf32, #tpu.memory_space<hbm>> -> memref<48x128xf32, #tpu.memory_space<hbm>>
        %dma_wait3A_360 = arith.constant 0 : i32
        %dma_wait3A_361 = tpu.memref_slice %arg6[%arg0, %mul3A_350, %dma_wait3A_360] : memref<2x10032x128xf32, #tpu.memory_space<hbm>> -> memref<1x48x128xf32, #tpu.memory_space<hbm>>
        %dma_wait3A_362 = tpu.memref_squeeze %dma_wait3A_361 : memref<1x48x128xf32, #tpu.memory_space<hbm>> -> memref<48x128xf32, #tpu.memory_space<hbm>>
        tpu.wait_dma2 semaphore(%run_scoped3A : memref<!tpu.dma_semaphore, #tpu.memory_space<semaphore_mem>>) src(%arg16 : memref<48x128xf32, #tpu.memory_space<vmem>>) dst(%dma_wait3A_362 : memref<48x128xf32, #tpu.memory_space<hbm>>)
        tpu.yield
      }) : () -> ()
    } else {
    }
    %mul3A_218 = arith.constant 14 : i32
    %mul3A_219 = arith.muli %arg1, %mul3A_218 : i32
    %add3A_220 = arith.constant 1 : i32
    %add3A_221 = arith.addi %mul3A_219, %add3A_220 : i32
    %lt3A_222 = arith.constant 209 : i32
    %lt3A_223 = arith.cmpi slt, %add3A_221, %lt3A_222 : i32
    %convert_element_type3A_224 = arith.extui %lt3A_223 : i1 to i32
    %cond3A_225 = arith.constant 0 : i32
    %cond3A_226 = arith.cmpi ne, %convert_element_type3A_224, %cond3A_225 : i32
    scf.if %cond3A_226 {
      %mul3A_347 = arith.constant 48 : i32
      %mul3A_348 = arith.muli %add3A_221, %mul3A_347 : i32
      "tpu.region"() ({
        %run_scoped3A = tpu.sem_alloc : memref<!tpu.dma_semaphore, #tpu.memory_space<semaphore_mem>>
        %dma_start3A_351 = arith.constant 0 : i32
        %dma_start3A_352 = tpu.memref_slice %arg20[%mul3A_348, %dma_start3A_351] : memref<10032x128xf32, #tpu.memory_space<vmem_shared>> -> memref<48x128xf32, #tpu.memory_space<vmem_shared>>
        %dma_start3A_353 = arith.constant 0 : i32
        %dma_start3A_354 = tpu.memref_slice %arg20[%mul3A_348, %dma_start3A_353] : memref<10032x128xf32, #tpu.memory_space<vmem_shared>> -> memref<48x128xf32, #tpu.memory_space<vmem_shared>>
        tpu.enqueue_dma source(%dma_start3A_354 : memref<48x128xf32, #tpu.memory_space<vmem_shared>>) target(%arg16 : memref<48x128xf32, #tpu.memory_space<vmem>>) target_semaphore(%run_scoped3A : memref<!tpu.dma_semaphore, #tpu.memory_space<semaphore_mem>>)
        %dma_wait3A_355 = arith.constant 0 : i32
        %dma_wait3A_356 = tpu.memref_slice %arg20[%mul3A_348, %dma_wait3A_355] : memref<10032x128xf32, #tpu.memory_space<vmem_shared>> -> memref<48x128xf32, #tpu.memory_space<vmem_shared>>
        %dma_wait3A_357 = arith.constant 0 : i32
        %dma_wait3A_358 = tpu.memref_slice %arg20[%mul3A_348, %dma_wait3A_357] : memref<10032x128xf32, #tpu.memory_space<vmem_shared>> -> memref<48x128xf32, #tpu.memory_space<vmem_shared>>
        tpu.wait_dma2 semaphore(%run_scoped3A : memref<!tpu.dma_semaphore, #tpu.memory_space<semaphore_mem>>) src(%dma_wait3A_358 : memref<48x128xf32, #tpu.memory_space<vmem_shared>>) dst(%arg16 : memref<48x128xf32, #tpu.memory_space<vmem>>)
        tpu.yield
      }) : () -> ()
      %mul3A_349 = arith.constant 48 : i32
      %mul3A_350 = arith.muli %add3A_221, %mul3A_349 : i32
      "tpu.region"() ({
        %run_scoped3A = tpu.sem_alloc : memref<!tpu.dma_semaphore, #tpu.memory_space<semaphore_mem>>
        %dma_start3A_351 = arith.constant 0 : i32
        %dma_start3A_352 = tpu.memref_slice %arg6[%arg0, %mul3A_350, %dma_start3A_351] : memref<2x10032x128xf32, #tpu.memory_space<hbm>> -> memref<1x48x128xf32, #tpu.memory_space<hbm>>
        %dma_start3A_353 = tpu.memref_squeeze %dma_start3A_352 : memref<1x48x128xf32, #tpu.memory_space<hbm>> -> memref<48x128xf32, #tpu.memory_space<hbm>>
        %dma_start3A_354 = arith.constant 0 : i32
        %dma_start3A_355 = tpu.memref_slice %arg6[%arg0, %mul3A_350, %dma_start3A_354] : memref<2x10032x128xf32, #tpu.memory_space<hbm>> -> memref<1x48x128xf32, #tpu.memory_space<hbm>>
        %dma_start3A_356 = tpu.memref_squeeze %dma_start3A_355 : memref<1x48x128xf32, #tpu.memory_space<hbm>> -> memref<48x128xf32, #tpu.memory_space<hbm>>
        tpu.enqueue_dma source(%arg16 : memref<48x128xf32, #tpu.memory_space<vmem>>) target(%dma_start3A_356 : memref<48x128xf32, #tpu.memory_space<hbm>>) target_semaphore(%run_scoped3A : memref<!tpu.dma_semaphore, #tpu.memory_space<semaphore_mem>>)
        %dma_wait3A_357 = arith.constant 0 : i32
        %dma_wait3A_358 = tpu.memref_slice %arg6[%arg0, %mul3A_350, %dma_wait3A_357] : memref<2x10032x128xf32, #tpu.memory_space<hbm>> -> memref<1x48x128xf32, #tpu.memory_space<hbm>>
        %dma_wait3A_359 = tpu.memref_squeeze %dma_wait3A_358 : memref<1x48x128xf32, #tpu.memory_space<hbm>> -> memref<48x128xf32, #tpu.memory_space<hbm>>
        %dma_wait3A_360 = arith.constant 0 : i32
        %dma_wait3A_361 = tpu.memref_slice %arg6[%arg0, %mul3A_350, %dma_wait3A_360] : memref<2x10032x128xf32, #tpu.memory_space<hbm>> -> memref<1x48x128xf32, #tpu.memory_space<hbm>>
        %dma_wait3A_362 = tpu.memref_squeeze %dma_wait3A_361 : memref<1x48x128xf32, #tpu.memory_space<hbm>> -> memref<48x128xf32, #tpu.memory_space<hbm>>
        tpu.wait_dma2 semaphore(%run_scoped3A : memref<!tpu.dma_semaphore, #tpu.memory_space<semaphore_mem>>) src(%arg16 : memref<48x128xf32, #tpu.memory_space<vmem>>) dst(%dma_wait3A_362 : memref<48x128xf32, #tpu.memory_space<hbm>>)
        tpu.yield
      }) : () -> ()
    } else {
    }
    %mul3A_227 = arith.constant 14 : i32
    %mul3A_228 = arith.muli %arg1, %mul3A_227 : i32
    %add3A_229 = arith.constant 2 : i32
    %add3A_230 = arith.addi %mul3A_228, %add3A_229 : i32
    %lt3A_231 = arith.constant 209 : i32
    %lt3A_232 = arith.cmpi slt, %add3A_230, %lt3A_231 : i32
    %convert_element_type3A_233 = arith.extui %lt3A_232 : i1 to i32
    %cond3A_234 = arith.constant 0 : i32
    %cond3A_235 = arith.cmpi ne, %convert_element_type3A_233, %cond3A_234 : i32
    scf.if %cond3A_235 {
      %mul3A_347 = arith.constant 48 : i32
      %mul3A_348 = arith.muli %add3A_230, %mul3A_347 : i32
      "tpu.region"() ({
        %run_scoped3A = tpu.sem_alloc : memref<!tpu.dma_semaphore, #tpu.memory_space<semaphore_mem>>
        %dma_start3A_351 = arith.constant 0 : i32
        %dma_start3A_352 = tpu.memref_slice %arg20[%mul3A_348, %dma_start3A_351] : memref<10032x128xf32, #tpu.memory_space<vmem_shared>> -> memref<48x128xf32, #tpu.memory_space<vmem_shared>>
        %dma_start3A_353 = arith.constant 0 : i32
        %dma_start3A_354 = tpu.memref_slice %arg20[%mul3A_348, %dma_start3A_353] : memref<10032x128xf32, #tpu.memory_space<vmem_shared>> -> memref<48x128xf32, #tpu.memory_space<vmem_shared>>
        tpu.enqueue_dma source(%dma_start3A_354 : memref<48x128xf32, #tpu.memory_space<vmem_shared>>) target(%arg16 : memref<48x128xf32, #tpu.memory_space<vmem>>) target_semaphore(%run_scoped3A : memref<!tpu.dma_semaphore, #tpu.memory_space<semaphore_mem>>)
        %dma_wait3A_355 = arith.constant 0 : i32
        %dma_wait3A_356 = tpu.memref_slice %arg20[%mul3A_348, %dma_wait3A_355] : memref<10032x128xf32, #tpu.memory_space<vmem_shared>> -> memref<48x128xf32, #tpu.memory_space<vmem_shared>>
        %dma_wait3A_357 = arith.constant 0 : i32
        %dma_wait3A_358 = tpu.memref_slice %arg20[%mul3A_348, %dma_wait3A_357] : memref<10032x128xf32, #tpu.memory_space<vmem_shared>> -> memref<48x128xf32, #tpu.memory_space<vmem_shared>>
        tpu.wait_dma2 semaphore(%run_scoped3A : memref<!tpu.dma_semaphore, #tpu.memory_space<semaphore_mem>>) src(%dma_wait3A_358 : memref<48x128xf32, #tpu.memory_space<vmem_shared>>) dst(%arg16 : memref<48x128xf32, #tpu.memory_space<vmem>>)
        tpu.yield
      }) : () -> ()
      %mul3A_349 = arith.constant 48 : i32
      %mul3A_350 = arith.muli %add3A_230, %mul3A_349 : i32
      "tpu.region"() ({
        %run_scoped3A = tpu.sem_alloc : memref<!tpu.dma_semaphore, #tpu.memory_space<semaphore_mem>>
        %dma_start3A_351 = arith.constant 0 : i32
        %dma_start3A_352 = tpu.memref_slice %arg6[%arg0, %mul3A_350, %dma_start3A_351] : memref<2x10032x128xf32, #tpu.memory_space<hbm>> -> memref<1x48x128xf32, #tpu.memory_space<hbm>>
        %dma_start3A_353 = tpu.memref_squeeze %dma_start3A_352 : memref<1x48x128xf32, #tpu.memory_space<hbm>> -> memref<48x128xf32, #tpu.memory_space<hbm>>
        %dma_start3A_354 = arith.constant 0 : i32
        %dma_start3A_355 = tpu.memref_slice %arg6[%arg0, %mul3A_350, %dma_start3A_354] : memref<2x10032x128xf32, #tpu.memory_space<hbm>> -> memref<1x48x128xf32, #tpu.memory_space<hbm>>
        %dma_start3A_356 = tpu.memref_squeeze %dma_start3A_355 : memref<1x48x128xf32, #tpu.memory_space<hbm>> -> memref<48x128xf32, #tpu.memory_space<hbm>>
        tpu.enqueue_dma source(%arg16 : memref<48x128xf32, #tpu.memory_space<vmem>>) target(%dma_start3A_356 : memref<48x128xf32, #tpu.memory_space<hbm>>) target_semaphore(%run_scoped3A : memref<!tpu.dma_semaphore, #tpu.memory_space<semaphore_mem>>)
        %dma_wait3A_357 = arith.constant 0 : i32
        %dma_wait3A_358 = tpu.memref_slice %arg6[%arg0, %mul3A_350, %dma_wait3A_357] : memref<2x10032x128xf32, #tpu.memory_space<hbm>> -> memref<1x48x128xf32, #tpu.memory_space<hbm>>
        %dma_wait3A_359 = tpu.memref_squeeze %dma_wait3A_358 : memref<1x48x128xf32, #tpu.memory_space<hbm>> -> memref<48x128xf32, #tpu.memory_space<hbm>>
        %dma_wait3A_360 = arith.constant 0 : i32
        %dma_wait3A_361 = tpu.memref_slice %arg6[%arg0, %mul3A_350, %dma_wait3A_360] : memref<2x10032x128xf32, #tpu.memory_space<hbm>> -> memref<1x48x128xf32, #tpu.memory_space<hbm>>
        %dma_wait3A_362 = tpu.memref_squeeze %dma_wait3A_361 : memref<1x48x128xf32, #tpu.memory_space<hbm>> -> memref<48x128xf32, #tpu.memory_space<hbm>>
        tpu.wait_dma2 semaphore(%run_scoped3A : memref<!tpu.dma_semaphore, #tpu.memory_space<semaphore_mem>>) src(%arg16 : memref<48x128xf32, #tpu.memory_space<vmem>>) dst(%dma_wait3A_362 : memref<48x128xf32, #tpu.memory_space<hbm>>)
        tpu.yield
      }) : () -> ()
    } else {
    }
    %mul3A_236 = arith.constant 14 : i32
    %mul3A_237 = arith.muli %arg1, %mul3A_236 : i32
    %add3A_238 = arith.constant 3 : i32
    %add3A_239 = arith.addi %mul3A_237, %add3A_238 : i32
    %lt3A_240 = arith.constant 209 : i32
    %lt3A_241 = arith.cmpi slt, %add3A_239, %lt3A_240 : i32
    %convert_element_type3A_242 = arith.extui %lt3A_241 : i1 to i32
    %cond3A_243 = arith.constant 0 : i32
    %cond3A_244 = arith.cmpi ne, %convert_element_type3A_242, %cond3A_243 : i32
    scf.if %cond3A_244 {
      %mul3A_347 = arith.constant 48 : i32
      %mul3A_348 = arith.muli %add3A_239, %mul3A_347 : i32
      "tpu.region"() ({
        %run_scoped3A = tpu.sem_alloc : memref<!tpu.dma_semaphore, #tpu.memory_space<semaphore_mem>>
        %dma_start3A_351 = arith.constant 0 : i32
        %dma_start3A_352 = tpu.memref_slice %arg20[%mul3A_348, %dma_start3A_351] : memref<10032x128xf32, #tpu.memory_space<vmem_shared>> -> memref<48x128xf32, #tpu.memory_space<vmem_shared>>
        %dma_start3A_353 = arith.constant 0 : i32
        %dma_start3A_354 = tpu.memref_slice %arg20[%mul3A_348, %dma_start3A_353] : memref<10032x128xf32, #tpu.memory_space<vmem_shared>> -> memref<48x128xf32, #tpu.memory_space<vmem_shared>>
        tpu.enqueue_dma source(%dma_start3A_354 : memref<48x128xf32, #tpu.memory_space<vmem_shared>>) target(%arg16 : memref<48x128xf32, #tpu.memory_space<vmem>>) target_semaphore(%run_scoped3A : memref<!tpu.dma_semaphore, #tpu.memory_space<semaphore_mem>>)
        %dma_wait3A_355 = arith.constant 0 : i32
        %dma_wait3A_356 = tpu.memref_slice %arg20[%mul3A_348, %dma_wait3A_355] : memref<10032x128xf32, #tpu.memory_space<vmem_shared>> -> memref<48x128xf32, #tpu.memory_space<vmem_shared>>
        %dma_wait3A_357 = arith.constant 0 : i32
        %dma_wait3A_358 = tpu.memref_slice %arg20[%mul3A_348, %dma_wait3A_357] : memref<10032x128xf32, #tpu.memory_space<vmem_shared>> -> memref<48x128xf32, #tpu.memory_space<vmem_shared>>
        tpu.wait_dma2 semaphore(%run_scoped3A : memref<!tpu.dma_semaphore, #tpu.memory_space<semaphore_mem>>) src(%dma_wait3A_358 : memref<48x128xf32, #tpu.memory_space<vmem_shared>>) dst(%arg16 : memref<48x128xf32, #tpu.memory_space<vmem>>)
        tpu.yield
      }) : () -> ()
      %mul3A_349 = arith.constant 48 : i32
      %mul3A_350 = arith.muli %add3A_239, %mul3A_349 : i32
      "tpu.region"() ({
        %run_scoped3A = tpu.sem_alloc : memref<!tpu.dma_semaphore, #tpu.memory_space<semaphore_mem>>
        %dma_start3A_351 = arith.constant 0 : i32
        %dma_start3A_352 = tpu.memref_slice %arg6[%arg0, %mul3A_350, %dma_start3A_351] : memref<2x10032x128xf32, #tpu.memory_space<hbm>> -> memref<1x48x128xf32, #tpu.memory_space<hbm>>
        %dma_start3A_353 = tpu.memref_squeeze %dma_start3A_352 : memref<1x48x128xf32, #tpu.memory_space<hbm>> -> memref<48x128xf32, #tpu.memory_space<hbm>>
        %dma_start3A_354 = arith.constant 0 : i32
        %dma_start3A_355 = tpu.memref_slice %arg6[%arg0, %mul3A_350, %dma_start3A_354] : memref<2x10032x128xf32, #tpu.memory_space<hbm>> -> memref<1x48x128xf32, #tpu.memory_space<hbm>>
        %dma_start3A_356 = tpu.memref_squeeze %dma_start3A_355 : memref<1x48x128xf32, #tpu.memory_space<hbm>> -> memref<48x128xf32, #tpu.memory_space<hbm>>
        tpu.enqueue_dma source(%arg16 : memref<48x128xf32, #tpu.memory_space<vmem>>) target(%dma_start3A_356 : memref<48x128xf32, #tpu.memory_space<hbm>>) target_semaphore(%run_scoped3A : memref<!tpu.dma_semaphore, #tpu.memory_space<semaphore_mem>>)
        %dma_wait3A_357 = arith.constant 0 : i32
        %dma_wait3A_358 = tpu.memref_slice %arg6[%arg0, %mul3A_350, %dma_wait3A_357] : memref<2x10032x128xf32, #tpu.memory_space<hbm>> -> memref<1x48x128xf32, #tpu.memory_space<hbm>>
        %dma_wait3A_359 = tpu.memref_squeeze %dma_wait3A_358 : memref<1x48x128xf32, #tpu.memory_space<hbm>> -> memref<48x128xf32, #tpu.memory_space<hbm>>
        %dma_wait3A_360 = arith.constant 0 : i32
        %dma_wait3A_361 = tpu.memref_slice %arg6[%arg0, %mul3A_350, %dma_wait3A_360] : memref<2x10032x128xf32, #tpu.memory_space<hbm>> -> memref<1x48x128xf32, #tpu.memory_space<hbm>>
        %dma_wait3A_362 = tpu.memref_squeeze %dma_wait3A_361 : memref<1x48x128xf32, #tpu.memory_space<hbm>> -> memref<48x128xf32, #tpu.memory_space<hbm>>
        tpu.wait_dma2 semaphore(%run_scoped3A : memref<!tpu.dma_semaphore, #tpu.memory_space<semaphore_mem>>) src(%arg16 : memref<48x128xf32, #tpu.memory_space<vmem>>) dst(%dma_wait3A_362 : memref<48x128xf32, #tpu.memory_space<hbm>>)
        tpu.yield
      }) : () -> ()
    } else {
    }
    %mul3A_245 = arith.constant 14 : i32
    %mul3A_246 = arith.muli %arg1, %mul3A_245 : i32
    %add3A_247 = arith.constant 4 : i32
    %add3A_248 = arith.addi %mul3A_246, %add3A_247 : i32
    %lt3A_249 = arith.constant 209 : i32
    %lt3A_250 = arith.cmpi slt, %add3A_248, %lt3A_249 : i32
    %convert_element_type3A_251 = arith.extui %lt3A_250 : i1 to i32
    %cond3A_252 = arith.constant 0 : i32
    %cond3A_253 = arith.cmpi ne, %convert_element_type3A_251, %cond3A_252 : i32
    scf.if %cond3A_253 {
      %mul3A_347 = arith.constant 48 : i32
      %mul3A_348 = arith.muli %add3A_248, %mul3A_347 : i32
      "tpu.region"() ({
        %run_scoped3A = tpu.sem_alloc : memref<!tpu.dma_semaphore, #tpu.memory_space<semaphore_mem>>
        %dma_start3A_351 = arith.constant 0 : i32
        %dma_start3A_352 = tpu.memref_slice %arg20[%mul3A_348, %dma_start3A_351] : memref<10032x128xf32, #tpu.memory_space<vmem_shared>> -> memref<48x128xf32, #tpu.memory_space<vmem_shared>>
        %dma_start3A_353 = arith.constant 0 : i32
        %dma_start3A_354 = tpu.memref_slice %arg20[%mul3A_348, %dma_start3A_353] : memref<10032x128xf32, #tpu.memory_space<vmem_shared>> -> memref<48x128xf32, #tpu.memory_space<vmem_shared>>
        tpu.enqueue_dma source(%dma_start3A_354 : memref<48x128xf32, #tpu.memory_space<vmem_shared>>) target(%arg16 : memref<48x128xf32, #tpu.memory_space<vmem>>) target_semaphore(%run_scoped3A : memref<!tpu.dma_semaphore, #tpu.memory_space<semaphore_mem>>)
        %dma_wait3A_355 = arith.constant 0 : i32
        %dma_wait3A_356 = tpu.memref_slice %arg20[%mul3A_348, %dma_wait3A_355] : memref<10032x128xf32, #tpu.memory_space<vmem_shared>> -> memref<48x128xf32, #tpu.memory_space<vmem_shared>>
        %dma_wait3A_357 = arith.constant 0 : i32
        %dma_wait3A_358 = tpu.memref_slice %arg20[%mul3A_348, %dma_wait3A_357] : memref<10032x128xf32, #tpu.memory_space<vmem_shared>> -> memref<48x128xf32, #tpu.memory_space<vmem_shared>>
        tpu.wait_dma2 semaphore(%run_scoped3A : memref<!tpu.dma_semaphore, #tpu.memory_space<semaphore_mem>>) src(%dma_wait3A_358 : memref<48x128xf32, #tpu.memory_space<vmem_shared>>) dst(%arg16 : memref<48x128xf32, #tpu.memory_space<vmem>>)
        tpu.yield
      }) : () -> ()
      %mul3A_349 = arith.constant 48 : i32
      %mul3A_350 = arith.muli %add3A_248, %mul3A_349 : i32
      "tpu.region"() ({
        %run_scoped3A = tpu.sem_alloc : memref<!tpu.dma_semaphore, #tpu.memory_space<semaphore_mem>>
        %dma_start3A_351 = arith.constant 0 : i32
        %dma_start3A_352 = tpu.memref_slice %arg6[%arg0, %mul3A_350, %dma_start3A_351] : memref<2x10032x128xf32, #tpu.memory_space<hbm>> -> memref<1x48x128xf32, #tpu.memory_space<hbm>>
        %dma_start3A_353 = tpu.memref_squeeze %dma_start3A_352 : memref<1x48x128xf32, #tpu.memory_space<hbm>> -> memref<48x128xf32, #tpu.memory_space<hbm>>
        %dma_start3A_354 = arith.constant 0 : i32
        %dma_start3A_355 = tpu.memref_slice %arg6[%arg0, %mul3A_350, %dma_start3A_354] : memref<2x10032x128xf32, #tpu.memory_space<hbm>> -> memref<1x48x128xf32, #tpu.memory_space<hbm>>
        %dma_start3A_356 = tpu.memref_squeeze %dma_start3A_355 : memref<1x48x128xf32, #tpu.memory_space<hbm>> -> memref<48x128xf32, #tpu.memory_space<hbm>>
        tpu.enqueue_dma source(%arg16 : memref<48x128xf32, #tpu.memory_space<vmem>>) target(%dma_start3A_356 : memref<48x128xf32, #tpu.memory_space<hbm>>) target_semaphore(%run_scoped3A : memref<!tpu.dma_semaphore, #tpu.memory_space<semaphore_mem>>)
        %dma_wait3A_357 = arith.constant 0 : i32
        %dma_wait3A_358 = tpu.memref_slice %arg6[%arg0, %mul3A_350, %dma_wait3A_357] : memref<2x10032x128xf32, #tpu.memory_space<hbm>> -> memref<1x48x128xf32, #tpu.memory_space<hbm>>
        %dma_wait3A_359 = tpu.memref_squeeze %dma_wait3A_358 : memref<1x48x128xf32, #tpu.memory_space<hbm>> -> memref<48x128xf32, #tpu.memory_space<hbm>>
        %dma_wait3A_360 = arith.constant 0 : i32
        %dma_wait3A_361 = tpu.memref_slice %arg6[%arg0, %mul3A_350, %dma_wait3A_360] : memref<2x10032x128xf32, #tpu.memory_space<hbm>> -> memref<1x48x128xf32, #tpu.memory_space<hbm>>
        %dma_wait3A_362 = tpu.memref_squeeze %dma_wait3A_361 : memref<1x48x128xf32, #tpu.memory_space<hbm>> -> memref<48x128xf32, #tpu.memory_space<hbm>>
        tpu.wait_dma2 semaphore(%run_scoped3A : memref<!tpu.dma_semaphore, #tpu.memory_space<semaphore_mem>>) src(%arg16 : memref<48x128xf32, #tpu.memory_space<vmem>>) dst(%dma_wait3A_362 : memref<48x128xf32, #tpu.memory_space<hbm>>)
        tpu.yield
      }) : () -> ()
    } else {
    }
    %mul3A_254 = arith.constant 14 : i32
    %mul3A_255 = arith.muli %arg1, %mul3A_254 : i32
    %add3A_256 = arith.constant 5 : i32
    %add3A_257 = arith.addi %mul3A_255, %add3A_256 : i32
    %lt3A_258 = arith.constant 209 : i32
    %lt3A_259 = arith.cmpi slt, %add3A_257, %lt3A_258 : i32
    %convert_element_type3A_260 = arith.extui %lt3A_259 : i1 to i32
    %cond3A_261 = arith.constant 0 : i32
    %cond3A_262 = arith.cmpi ne, %convert_element_type3A_260, %cond3A_261 : i32
    scf.if %cond3A_262 {
      %mul3A_347 = arith.constant 48 : i32
      %mul3A_348 = arith.muli %add3A_257, %mul3A_347 : i32
      "tpu.region"() ({
        %run_scoped3A = tpu.sem_alloc : memref<!tpu.dma_semaphore, #tpu.memory_space<semaphore_mem>>
        %dma_start3A_351 = arith.constant 0 : i32
        %dma_start3A_352 = tpu.memref_slice %arg20[%mul3A_348, %dma_start3A_351] : memref<10032x128xf32, #tpu.memory_space<vmem_shared>> -> memref<48x128xf32, #tpu.memory_space<vmem_shared>>
        %dma_start3A_353 = arith.constant 0 : i32
        %dma_start3A_354 = tpu.memref_slice %arg20[%mul3A_348, %dma_start3A_353] : memref<10032x128xf32, #tpu.memory_space<vmem_shared>> -> memref<48x128xf32, #tpu.memory_space<vmem_shared>>
        tpu.enqueue_dma source(%dma_start3A_354 : memref<48x128xf32, #tpu.memory_space<vmem_shared>>) target(%arg16 : memref<48x128xf32, #tpu.memory_space<vmem>>) target_semaphore(%run_scoped3A : memref<!tpu.dma_semaphore, #tpu.memory_space<semaphore_mem>>)
        %dma_wait3A_355 = arith.constant 0 : i32
        %dma_wait3A_356 = tpu.memref_slice %arg20[%mul3A_348, %dma_wait3A_355] : memref<10032x128xf32, #tpu.memory_space<vmem_shared>> -> memref<48x128xf32, #tpu.memory_space<vmem_shared>>
        %dma_wait3A_357 = arith.constant 0 : i32
        %dma_wait3A_358 = tpu.memref_slice %arg20[%mul3A_348, %dma_wait3A_357] : memref<10032x128xf32, #tpu.memory_space<vmem_shared>> -> memref<48x128xf32, #tpu.memory_space<vmem_shared>>
        tpu.wait_dma2 semaphore(%run_scoped3A : memref<!tpu.dma_semaphore, #tpu.memory_space<semaphore_mem>>) src(%dma_wait3A_358 : memref<48x128xf32, #tpu.memory_space<vmem_shared>>) dst(%arg16 : memref<48x128xf32, #tpu.memory_space<vmem>>)
        tpu.yield
      }) : () -> ()
      %mul3A_349 = arith.constant 48 : i32
      %mul3A_350 = arith.muli %add3A_257, %mul3A_349 : i32
      "tpu.region"() ({
        %run_scoped3A = tpu.sem_alloc : memref<!tpu.dma_semaphore, #tpu.memory_space<semaphore_mem>>
        %dma_start3A_351 = arith.constant 0 : i32
        %dma_start3A_352 = tpu.memref_slice %arg6[%arg0, %mul3A_350, %dma_start3A_351] : memref<2x10032x128xf32, #tpu.memory_space<hbm>> -> memref<1x48x128xf32, #tpu.memory_space<hbm>>
        %dma_start3A_353 = tpu.memref_squeeze %dma_start3A_352 : memref<1x48x128xf32, #tpu.memory_space<hbm>> -> memref<48x128xf32, #tpu.memory_space<hbm>>
        %dma_start3A_354 = arith.constant 0 : i32
        %dma_start3A_355 = tpu.memref_slice %arg6[%arg0, %mul3A_350, %dma_start3A_354] : memref<2x10032x128xf32, #tpu.memory_space<hbm>> -> memref<1x48x128xf32, #tpu.memory_space<hbm>>
        %dma_start3A_356 = tpu.memref_squeeze %dma_start3A_355 : memref<1x48x128xf32, #tpu.memory_space<hbm>> -> memref<48x128xf32, #tpu.memory_space<hbm>>
        tpu.enqueue_dma source(%arg16 : memref<48x128xf32, #tpu.memory_space<vmem>>) target(%dma_start3A_356 : memref<48x128xf32, #tpu.memory_space<hbm>>) target_semaphore(%run_scoped3A : memref<!tpu.dma_semaphore, #tpu.memory_space<semaphore_mem>>)
        %dma_wait3A_357 = arith.constant 0 : i32
        %dma_wait3A_358 = tpu.memref_slice %arg6[%arg0, %mul3A_350, %dma_wait3A_357] : memref<2x10032x128xf32, #tpu.memory_space<hbm>> -> memref<1x48x128xf32, #tpu.memory_space<hbm>>
        %dma_wait3A_359 = tpu.memref_squeeze %dma_wait3A_358 : memref<1x48x128xf32, #tpu.memory_space<hbm>> -> memref<48x128xf32, #tpu.memory_space<hbm>>
        %dma_wait3A_360 = arith.constant 0 : i32
        %dma_wait3A_361 = tpu.memref_slice %arg6[%arg0, %mul3A_350, %dma_wait3A_360] : memref<2x10032x128xf32, #tpu.memory_space<hbm>> -> memref<1x48x128xf32, #tpu.memory_space<hbm>>
        %dma_wait3A_362 = tpu.memref_squeeze %dma_wait3A_361 : memref<1x48x128xf32, #tpu.memory_space<hbm>> -> memref<48x128xf32, #tpu.memory_space<hbm>>
        tpu.wait_dma2 semaphore(%run_scoped3A : memref<!tpu.dma_semaphore, #tpu.memory_space<semaphore_mem>>) src(%arg16 : memref<48x128xf32, #tpu.memory_space<vmem>>) dst(%dma_wait3A_362 : memref<48x128xf32, #tpu.memory_space<hbm>>)
        tpu.yield
      }) : () -> ()
    } else {
    }
    %mul3A_263 = arith.constant 14 : i32
    %mul3A_264 = arith.muli %arg1, %mul3A_263 : i32
    %add3A_265 = arith.constant 6 : i32
    %add3A_266 = arith.addi %mul3A_264, %add3A_265 : i32
    %lt3A_267 = arith.constant 209 : i32
    %lt3A_268 = arith.cmpi slt, %add3A_266, %lt3A_267 : i32
    %convert_element_type3A_269 = arith.extui %lt3A_268 : i1 to i32
    %cond3A_270 = arith.constant 0 : i32
    %cond3A_271 = arith.cmpi ne, %convert_element_type3A_269, %cond3A_270 : i32
    scf.if %cond3A_271 {
      %mul3A_347 = arith.constant 48 : i32
      %mul3A_348 = arith.muli %add3A_266, %mul3A_347 : i32
      "tpu.region"() ({
        %run_scoped3A = tpu.sem_alloc : memref<!tpu.dma_semaphore, #tpu.memory_space<semaphore_mem>>
        %dma_start3A_351 = arith.constant 0 : i32
        %dma_start3A_352 = tpu.memref_slice %arg20[%mul3A_348, %dma_start3A_351] : memref<10032x128xf32, #tpu.memory_space<vmem_shared>> -> memref<48x128xf32, #tpu.memory_space<vmem_shared>>
        %dma_start3A_353 = arith.constant 0 : i32
        %dma_start3A_354 = tpu.memref_slice %arg20[%mul3A_348, %dma_start3A_353] : memref<10032x128xf32, #tpu.memory_space<vmem_shared>> -> memref<48x128xf32, #tpu.memory_space<vmem_shared>>
        tpu.enqueue_dma source(%dma_start3A_354 : memref<48x128xf32, #tpu.memory_space<vmem_shared>>) target(%arg16 : memref<48x128xf32, #tpu.memory_space<vmem>>) target_semaphore(%run_scoped3A : memref<!tpu.dma_semaphore, #tpu.memory_space<semaphore_mem>>)
        %dma_wait3A_355 = arith.constant 0 : i32
        %dma_wait3A_356 = tpu.memref_slice %arg20[%mul3A_348, %dma_wait3A_355] : memref<10032x128xf32, #tpu.memory_space<vmem_shared>> -> memref<48x128xf32, #tpu.memory_space<vmem_shared>>
        %dma_wait3A_357 = arith.constant 0 : i32
        %dma_wait3A_358 = tpu.memref_slice %arg20[%mul3A_348, %dma_wait3A_357] : memref<10032x128xf32, #tpu.memory_space<vmem_shared>> -> memref<48x128xf32, #tpu.memory_space<vmem_shared>>
        tpu.wait_dma2 semaphore(%run_scoped3A : memref<!tpu.dma_semaphore, #tpu.memory_space<semaphore_mem>>) src(%dma_wait3A_358 : memref<48x128xf32, #tpu.memory_space<vmem_shared>>) dst(%arg16 : memref<48x128xf32, #tpu.memory_space<vmem>>)
        tpu.yield
      }) : () -> ()
      %mul3A_349 = arith.constant 48 : i32
      %mul3A_350 = arith.muli %add3A_266, %mul3A_349 : i32
      "tpu.region"() ({
        %run_scoped3A = tpu.sem_alloc : memref<!tpu.dma_semaphore, #tpu.memory_space<semaphore_mem>>
        %dma_start3A_351 = arith.constant 0 : i32
        %dma_start3A_352 = tpu.memref_slice %arg6[%arg0, %mul3A_350, %dma_start3A_351] : memref<2x10032x128xf32, #tpu.memory_space<hbm>> -> memref<1x48x128xf32, #tpu.memory_space<hbm>>
        %dma_start3A_353 = tpu.memref_squeeze %dma_start3A_352 : memref<1x48x128xf32, #tpu.memory_space<hbm>> -> memref<48x128xf32, #tpu.memory_space<hbm>>
        %dma_start3A_354 = arith.constant 0 : i32
        %dma_start3A_355 = tpu.memref_slice %arg6[%arg0, %mul3A_350, %dma_start3A_354] : memref<2x10032x128xf32, #tpu.memory_space<hbm>> -> memref<1x48x128xf32, #tpu.memory_space<hbm>>
        %dma_start3A_356 = tpu.memref_squeeze %dma_start3A_355 : memref<1x48x128xf32, #tpu.memory_space<hbm>> -> memref<48x128xf32, #tpu.memory_space<hbm>>
        tpu.enqueue_dma source(%arg16 : memref<48x128xf32, #tpu.memory_space<vmem>>) target(%dma_start3A_356 : memref<48x128xf32, #tpu.memory_space<hbm>>) target_semaphore(%run_scoped3A : memref<!tpu.dma_semaphore, #tpu.memory_space<semaphore_mem>>)
        %dma_wait3A_357 = arith.constant 0 : i32
        %dma_wait3A_358 = tpu.memref_slice %arg6[%arg0, %mul3A_350, %dma_wait3A_357] : memref<2x10032x128xf32, #tpu.memory_space<hbm>> -> memref<1x48x128xf32, #tpu.memory_space<hbm>>
        %dma_wait3A_359 = tpu.memref_squeeze %dma_wait3A_358 : memref<1x48x128xf32, #tpu.memory_space<hbm>> -> memref<48x128xf32, #tpu.memory_space<hbm>>
        %dma_wait3A_360 = arith.constant 0 : i32
        %dma_wait3A_361 = tpu.memref_slice %arg6[%arg0, %mul3A_350, %dma_wait3A_360] : memref<2x10032x128xf32, #tpu.memory_space<hbm>> -> memref<1x48x128xf32, #tpu.memory_space<hbm>>
        %dma_wait3A_362 = tpu.memref_squeeze %dma_wait3A_361 : memref<1x48x128xf32, #tpu.memory_space<hbm>> -> memref<48x128xf32, #tpu.memory_space<hbm>>
        tpu.wait_dma2 semaphore(%run_scoped3A : memref<!tpu.dma_semaphore, #tpu.memory_space<semaphore_mem>>) src(%arg16 : memref<48x128xf32, #tpu.memory_space<vmem>>) dst(%dma_wait3A_362 : memref<48x128xf32, #tpu.memory_space<hbm>>)
        tpu.yield
      }) : () -> ()
    } else {
    }
    %mul3A_272 = arith.constant 14 : i32
    %mul3A_273 = arith.muli %arg1, %mul3A_272 : i32
    %add3A_274 = arith.constant 7 : i32
    %add3A_275 = arith.addi %mul3A_273, %add3A_274 : i32
    %lt3A_276 = arith.constant 209 : i32
    %lt3A_277 = arith.cmpi slt, %add3A_275, %lt3A_276 : i32
    %convert_element_type3A_278 = arith.extui %lt3A_277 : i1 to i32
    %cond3A_279 = arith.constant 0 : i32
    %cond3A_280 = arith.cmpi ne, %convert_element_type3A_278, %cond3A_279 : i32
    scf.if %cond3A_280 {
      %mul3A_347 = arith.constant 48 : i32
      %mul3A_348 = arith.muli %add3A_275, %mul3A_347 : i32
      "tpu.region"() ({
        %run_scoped3A = tpu.sem_alloc : memref<!tpu.dma_semaphore, #tpu.memory_space<semaphore_mem>>
        %dma_start3A_351 = arith.constant 0 : i32
        %dma_start3A_352 = tpu.memref_slice %arg20[%mul3A_348, %dma_start3A_351] : memref<10032x128xf32, #tpu.memory_space<vmem_shared>> -> memref<48x128xf32, #tpu.memory_space<vmem_shared>>
        %dma_start3A_353 = arith.constant 0 : i32
        %dma_start3A_354 = tpu.memref_slice %arg20[%mul3A_348, %dma_start3A_353] : memref<10032x128xf32, #tpu.memory_space<vmem_shared>> -> memref<48x128xf32, #tpu.memory_space<vmem_shared>>
        tpu.enqueue_dma source(%dma_start3A_354 : memref<48x128xf32, #tpu.memory_space<vmem_shared>>) target(%arg16 : memref<48x128xf32, #tpu.memory_space<vmem>>) target_semaphore(%run_scoped3A : memref<!tpu.dma_semaphore, #tpu.memory_space<semaphore_mem>>)
        %dma_wait3A_355 = arith.constant 0 : i32
        %dma_wait3A_356 = tpu.memref_slice %arg20[%mul3A_348, %dma_wait3A_355] : memref<10032x128xf32, #tpu.memory_space<vmem_shared>> -> memref<48x128xf32, #tpu.memory_space<vmem_shared>>
        %dma_wait3A_357 = arith.constant 0 : i32
        %dma_wait3A_358 = tpu.memref_slice %arg20[%mul3A_348, %dma_wait3A_357] : memref<10032x128xf32, #tpu.memory_space<vmem_shared>> -> memref<48x128xf32, #tpu.memory_space<vmem_shared>>
        tpu.wait_dma2 semaphore(%run_scoped3A : memref<!tpu.dma_semaphore, #tpu.memory_space<semaphore_mem>>) src(%dma_wait3A_358 : memref<48x128xf32, #tpu.memory_space<vmem_shared>>) dst(%arg16 : memref<48x128xf32, #tpu.memory_space<vmem>>)
        tpu.yield
      }) : () -> ()
      %mul3A_349 = arith.constant 48 : i32
      %mul3A_350 = arith.muli %add3A_275, %mul3A_349 : i32
      "tpu.region"() ({
        %run_scoped3A = tpu.sem_alloc : memref<!tpu.dma_semaphore, #tpu.memory_space<semaphore_mem>>
        %dma_start3A_351 = arith.constant 0 : i32
        %dma_start3A_352 = tpu.memref_slice %arg6[%arg0, %mul3A_350, %dma_start3A_351] : memref<2x10032x128xf32, #tpu.memory_space<hbm>> -> memref<1x48x128xf32, #tpu.memory_space<hbm>>
        %dma_start3A_353 = tpu.memref_squeeze %dma_start3A_352 : memref<1x48x128xf32, #tpu.memory_space<hbm>> -> memref<48x128xf32, #tpu.memory_space<hbm>>
        %dma_start3A_354 = arith.constant 0 : i32
        %dma_start3A_355 = tpu.memref_slice %arg6[%arg0, %mul3A_350, %dma_start3A_354] : memref<2x10032x128xf32, #tpu.memory_space<hbm>> -> memref<1x48x128xf32, #tpu.memory_space<hbm>>
        %dma_start3A_356 = tpu.memref_squeeze %dma_start3A_355 : memref<1x48x128xf32, #tpu.memory_space<hbm>> -> memref<48x128xf32, #tpu.memory_space<hbm>>
        tpu.enqueue_dma source(%arg16 : memref<48x128xf32, #tpu.memory_space<vmem>>) target(%dma_start3A_356 : memref<48x128xf32, #tpu.memory_space<hbm>>) target_semaphore(%run_scoped3A : memref<!tpu.dma_semaphore, #tpu.memory_space<semaphore_mem>>)
        %dma_wait3A_357 = arith.constant 0 : i32
        %dma_wait3A_358 = tpu.memref_slice %arg6[%arg0, %mul3A_350, %dma_wait3A_357] : memref<2x10032x128xf32, #tpu.memory_space<hbm>> -> memref<1x48x128xf32, #tpu.memory_space<hbm>>
        %dma_wait3A_359 = tpu.memref_squeeze %dma_wait3A_358 : memref<1x48x128xf32, #tpu.memory_space<hbm>> -> memref<48x128xf32, #tpu.memory_space<hbm>>
        %dma_wait3A_360 = arith.constant 0 : i32
        %dma_wait3A_361 = tpu.memref_slice %arg6[%arg0, %mul3A_350, %dma_wait3A_360] : memref<2x10032x128xf32, #tpu.memory_space<hbm>> -> memref<1x48x128xf32, #tpu.memory_space<hbm>>
        %dma_wait3A_362 = tpu.memref_squeeze %dma_wait3A_361 : memref<1x48x128xf32, #tpu.memory_space<hbm>> -> memref<48x128xf32, #tpu.memory_space<hbm>>
        tpu.wait_dma2 semaphore(%run_scoped3A : memref<!tpu.dma_semaphore, #tpu.memory_space<semaphore_mem>>) src(%arg16 : memref<48x128xf32, #tpu.memory_space<vmem>>) dst(%dma_wait3A_362 : memref<48x128xf32, #tpu.memory_space<hbm>>)
        tpu.yield
      }) : () -> ()
    } else {
    }
    %mul3A_281 = arith.constant 14 : i32
    %mul3A_282 = arith.muli %arg1, %mul3A_281 : i32
    %add3A_283 = arith.constant 8 : i32
    %add3A_284 = arith.addi %mul3A_282, %add3A_283 : i32
    %lt3A_285 = arith.constant 209 : i32
    %lt3A_286 = arith.cmpi slt, %add3A_284, %lt3A_285 : i32
    %convert_element_type3A_287 = arith.extui %lt3A_286 : i1 to i32
    %cond3A_288 = arith.constant 0 : i32
    %cond3A_289 = arith.cmpi ne, %convert_element_type3A_287, %cond3A_288 : i32
    scf.if %cond3A_289 {
      %mul3A_347 = arith.constant 48 : i32
      %mul3A_348 = arith.muli %add3A_284, %mul3A_347 : i32
      "tpu.region"() ({
        %run_scoped3A = tpu.sem_alloc : memref<!tpu.dma_semaphore, #tpu.memory_space<semaphore_mem>>
        %dma_start3A_351 = arith.constant 0 : i32
        %dma_start3A_352 = tpu.memref_slice %arg20[%mul3A_348, %dma_start3A_351] : memref<10032x128xf32, #tpu.memory_space<vmem_shared>> -> memref<48x128xf32, #tpu.memory_space<vmem_shared>>
        %dma_start3A_353 = arith.constant 0 : i32
        %dma_start3A_354 = tpu.memref_slice %arg20[%mul3A_348, %dma_start3A_353] : memref<10032x128xf32, #tpu.memory_space<vmem_shared>> -> memref<48x128xf32, #tpu.memory_space<vmem_shared>>
        tpu.enqueue_dma source(%dma_start3A_354 : memref<48x128xf32, #tpu.memory_space<vmem_shared>>) target(%arg16 : memref<48x128xf32, #tpu.memory_space<vmem>>) target_semaphore(%run_scoped3A : memref<!tpu.dma_semaphore, #tpu.memory_space<semaphore_mem>>)
        %dma_wait3A_355 = arith.constant 0 : i32
        %dma_wait3A_356 = tpu.memref_slice %arg20[%mul3A_348, %dma_wait3A_355] : memref<10032x128xf32, #tpu.memory_space<vmem_shared>> -> memref<48x128xf32, #tpu.memory_space<vmem_shared>>
        %dma_wait3A_357 = arith.constant 0 : i32
        %dma_wait3A_358 = tpu.memref_slice %arg20[%mul3A_348, %dma_wait3A_357] : memref<10032x128xf32, #tpu.memory_space<vmem_shared>> -> memref<48x128xf32, #tpu.memory_space<vmem_shared>>
        tpu.wait_dma2 semaphore(%run_scoped3A : memref<!tpu.dma_semaphore, #tpu.memory_space<semaphore_mem>>) src(%dma_wait3A_358 : memref<48x128xf32, #tpu.memory_space<vmem_shared>>) dst(%arg16 : memref<48x128xf32, #tpu.memory_space<vmem>>)
        tpu.yield
      }) : () -> ()
      %mul3A_349 = arith.constant 48 : i32
      %mul3A_350 = arith.muli %add3A_284, %mul3A_349 : i32
      "tpu.region"() ({
        %run_scoped3A = tpu.sem_alloc : memref<!tpu.dma_semaphore, #tpu.memory_space<semaphore_mem>>
        %dma_start3A_351 = arith.constant 0 : i32
        %dma_start3A_352 = tpu.memref_slice %arg6[%arg0, %mul3A_350, %dma_start3A_351] : memref<2x10032x128xf32, #tpu.memory_space<hbm>> -> memref<1x48x128xf32, #tpu.memory_space<hbm>>
        %dma_start3A_353 = tpu.memref_squeeze %dma_start3A_352 : memref<1x48x128xf32, #tpu.memory_space<hbm>> -> memref<48x128xf32, #tpu.memory_space<hbm>>
        %dma_start3A_354 = arith.constant 0 : i32
        %dma_start3A_355 = tpu.memref_slice %arg6[%arg0, %mul3A_350, %dma_start3A_354] : memref<2x10032x128xf32, #tpu.memory_space<hbm>> -> memref<1x48x128xf32, #tpu.memory_space<hbm>>
        %dma_start3A_356 = tpu.memref_squeeze %dma_start3A_355 : memref<1x48x128xf32, #tpu.memory_space<hbm>> -> memref<48x128xf32, #tpu.memory_space<hbm>>
        tpu.enqueue_dma source(%arg16 : memref<48x128xf32, #tpu.memory_space<vmem>>) target(%dma_start3A_356 : memref<48x128xf32, #tpu.memory_space<hbm>>) target_semaphore(%run_scoped3A : memref<!tpu.dma_semaphore, #tpu.memory_space<semaphore_mem>>)
        %dma_wait3A_357 = arith.constant 0 : i32
        %dma_wait3A_358 = tpu.memref_slice %arg6[%arg0, %mul3A_350, %dma_wait3A_357] : memref<2x10032x128xf32, #tpu.memory_space<hbm>> -> memref<1x48x128xf32, #tpu.memory_space<hbm>>
        %dma_wait3A_359 = tpu.memref_squeeze %dma_wait3A_358 : memref<1x48x128xf32, #tpu.memory_space<hbm>> -> memref<48x128xf32, #tpu.memory_space<hbm>>
        %dma_wait3A_360 = arith.constant 0 : i32
        %dma_wait3A_361 = tpu.memref_slice %arg6[%arg0, %mul3A_350, %dma_wait3A_360] : memref<2x10032x128xf32, #tpu.memory_space<hbm>> -> memref<1x48x128xf32, #tpu.memory_space<hbm>>
        %dma_wait3A_362 = tpu.memref_squeeze %dma_wait3A_361 : memref<1x48x128xf32, #tpu.memory_space<hbm>> -> memref<48x128xf32, #tpu.memory_space<hbm>>
        tpu.wait_dma2 semaphore(%run_scoped3A : memref<!tpu.dma_semaphore, #tpu.memory_space<semaphore_mem>>) src(%arg16 : memref<48x128xf32, #tpu.memory_space<vmem>>) dst(%dma_wait3A_362 : memref<48x128xf32, #tpu.memory_space<hbm>>)
        tpu.yield
      }) : () -> ()
    } else {
    }
    %mul3A_290 = arith.constant 14 : i32
    %mul3A_291 = arith.muli %arg1, %mul3A_290 : i32
    %add3A_292 = arith.constant 9 : i32
    %add3A_293 = arith.addi %mul3A_291, %add3A_292 : i32
    %lt3A_294 = arith.constant 209 : i32
    %lt3A_295 = arith.cmpi slt, %add3A_293, %lt3A_294 : i32
    %convert_element_type3A_296 = arith.extui %lt3A_295 : i1 to i32
    %cond3A_297 = arith.constant 0 : i32
    %cond3A_298 = arith.cmpi ne, %convert_element_type3A_296, %cond3A_297 : i32
    scf.if %cond3A_298 {
      %mul3A_347 = arith.constant 48 : i32
      %mul3A_348 = arith.muli %add3A_293, %mul3A_347 : i32
      "tpu.region"() ({
        %run_scoped3A = tpu.sem_alloc : memref<!tpu.dma_semaphore, #tpu.memory_space<semaphore_mem>>
        %dma_start3A_351 = arith.constant 0 : i32
        %dma_start3A_352 = tpu.memref_slice %arg20[%mul3A_348, %dma_start3A_351] : memref<10032x128xf32, #tpu.memory_space<vmem_shared>> -> memref<48x128xf32, #tpu.memory_space<vmem_shared>>
        %dma_start3A_353 = arith.constant 0 : i32
        %dma_start3A_354 = tpu.memref_slice %arg20[%mul3A_348, %dma_start3A_353] : memref<10032x128xf32, #tpu.memory_space<vmem_shared>> -> memref<48x128xf32, #tpu.memory_space<vmem_shared>>
        tpu.enqueue_dma source(%dma_start3A_354 : memref<48x128xf32, #tpu.memory_space<vmem_shared>>) target(%arg16 : memref<48x128xf32, #tpu.memory_space<vmem>>) target_semaphore(%run_scoped3A : memref<!tpu.dma_semaphore, #tpu.memory_space<semaphore_mem>>)
        %dma_wait3A_355 = arith.constant 0 : i32
        %dma_wait3A_356 = tpu.memref_slice %arg20[%mul3A_348, %dma_wait3A_355] : memref<10032x128xf32, #tpu.memory_space<vmem_shared>> -> memref<48x128xf32, #tpu.memory_space<vmem_shared>>
        %dma_wait3A_357 = arith.constant 0 : i32
        %dma_wait3A_358 = tpu.memref_slice %arg20[%mul3A_348, %dma_wait3A_357] : memref<10032x128xf32, #tpu.memory_space<vmem_shared>> -> memref<48x128xf32, #tpu.memory_space<vmem_shared>>
        tpu.wait_dma2 semaphore(%run_scoped3A : memref<!tpu.dma_semaphore, #tpu.memory_space<semaphore_mem>>) src(%dma_wait3A_358 : memref<48x128xf32, #tpu.memory_space<vmem_shared>>) dst(%arg16 : memref<48x128xf32, #tpu.memory_space<vmem>>)
        tpu.yield
      }) : () -> ()
      %mul3A_349 = arith.constant 48 : i32
      %mul3A_350 = arith.muli %add3A_293, %mul3A_349 : i32
      "tpu.region"() ({
        %run_scoped3A = tpu.sem_alloc : memref<!tpu.dma_semaphore, #tpu.memory_space<semaphore_mem>>
        %dma_start3A_351 = arith.constant 0 : i32
        %dma_start3A_352 = tpu.memref_slice %arg6[%arg0, %mul3A_350, %dma_start3A_351] : memref<2x10032x128xf32, #tpu.memory_space<hbm>> -> memref<1x48x128xf32, #tpu.memory_space<hbm>>
        %dma_start3A_353 = tpu.memref_squeeze %dma_start3A_352 : memref<1x48x128xf32, #tpu.memory_space<hbm>> -> memref<48x128xf32, #tpu.memory_space<hbm>>
        %dma_start3A_354 = arith.constant 0 : i32
        %dma_start3A_355 = tpu.memref_slice %arg6[%arg0, %mul3A_350, %dma_start3A_354] : memref<2x10032x128xf32, #tpu.memory_space<hbm>> -> memref<1x48x128xf32, #tpu.memory_space<hbm>>
        %dma_start3A_356 = tpu.memref_squeeze %dma_start3A_355 : memref<1x48x128xf32, #tpu.memory_space<hbm>> -> memref<48x128xf32, #tpu.memory_space<hbm>>
        tpu.enqueue_dma source(%arg16 : memref<48x128xf32, #tpu.memory_space<vmem>>) target(%dma_start3A_356 : memref<48x128xf32, #tpu.memory_space<hbm>>) target_semaphore(%run_scoped3A : memref<!tpu.dma_semaphore, #tpu.memory_space<semaphore_mem>>)
        %dma_wait3A_357 = arith.constant 0 : i32
        %dma_wait3A_358 = tpu.memref_slice %arg6[%arg0, %mul3A_350, %dma_wait3A_357] : memref<2x10032x128xf32, #tpu.memory_space<hbm>> -> memref<1x48x128xf32, #tpu.memory_space<hbm>>
        %dma_wait3A_359 = tpu.memref_squeeze %dma_wait3A_358 : memref<1x48x128xf32, #tpu.memory_space<hbm>> -> memref<48x128xf32, #tpu.memory_space<hbm>>
        %dma_wait3A_360 = arith.constant 0 : i32
        %dma_wait3A_361 = tpu.memref_slice %arg6[%arg0, %mul3A_350, %dma_wait3A_360] : memref<2x10032x128xf32, #tpu.memory_space<hbm>> -> memref<1x48x128xf32, #tpu.memory_space<hbm>>
        %dma_wait3A_362 = tpu.memref_squeeze %dma_wait3A_361 : memref<1x48x128xf32, #tpu.memory_space<hbm>> -> memref<48x128xf32, #tpu.memory_space<hbm>>
        tpu.wait_dma2 semaphore(%run_scoped3A : memref<!tpu.dma_semaphore, #tpu.memory_space<semaphore_mem>>) src(%arg16 : memref<48x128xf32, #tpu.memory_space<vmem>>) dst(%dma_wait3A_362 : memref<48x128xf32, #tpu.memory_space<hbm>>)
        tpu.yield
      }) : () -> ()
    } else {
    }
    %mul3A_299 = arith.constant 14 : i32
    %mul3A_300 = arith.muli %arg1, %mul3A_299 : i32
    %add3A_301 = arith.constant 10 : i32
    %add3A_302 = arith.addi %mul3A_300, %add3A_301 : i32
    %lt3A_303 = arith.constant 209 : i32
    %lt3A_304 = arith.cmpi slt, %add3A_302, %lt3A_303 : i32
    %convert_element_type3A_305 = arith.extui %lt3A_304 : i1 to i32
    %cond3A_306 = arith.constant 0 : i32
    %cond3A_307 = arith.cmpi ne, %convert_element_type3A_305, %cond3A_306 : i32
    scf.if %cond3A_307 {
      %mul3A_347 = arith.constant 48 : i32
      %mul3A_348 = arith.muli %add3A_302, %mul3A_347 : i32
      "tpu.region"() ({
        %run_scoped3A = tpu.sem_alloc : memref<!tpu.dma_semaphore, #tpu.memory_space<semaphore_mem>>
        %dma_start3A_351 = arith.constant 0 : i32
        %dma_start3A_352 = tpu.memref_slice %arg20[%mul3A_348, %dma_start3A_351] : memref<10032x128xf32, #tpu.memory_space<vmem_shared>> -> memref<48x128xf32, #tpu.memory_space<vmem_shared>>
        %dma_start3A_353 = arith.constant 0 : i32
        %dma_start3A_354 = tpu.memref_slice %arg20[%mul3A_348, %dma_start3A_353] : memref<10032x128xf32, #tpu.memory_space<vmem_shared>> -> memref<48x128xf32, #tpu.memory_space<vmem_shared>>
        tpu.enqueue_dma source(%dma_start3A_354 : memref<48x128xf32, #tpu.memory_space<vmem_shared>>) target(%arg16 : memref<48x128xf32, #tpu.memory_space<vmem>>) target_semaphore(%run_scoped3A : memref<!tpu.dma_semaphore, #tpu.memory_space<semaphore_mem>>)
        %dma_wait3A_355 = arith.constant 0 : i32
        %dma_wait3A_356 = tpu.memref_slice %arg20[%mul3A_348, %dma_wait3A_355] : memref<10032x128xf32, #tpu.memory_space<vmem_shared>> -> memref<48x128xf32, #tpu.memory_space<vmem_shared>>
        %dma_wait3A_357 = arith.constant 0 : i32
        %dma_wait3A_358 = tpu.memref_slice %arg20[%mul3A_348, %dma_wait3A_357] : memref<10032x128xf32, #tpu.memory_space<vmem_shared>> -> memref<48x128xf32, #tpu.memory_space<vmem_shared>>
        tpu.wait_dma2 semaphore(%run_scoped3A : memref<!tpu.dma_semaphore, #tpu.memory_space<semaphore_mem>>) src(%dma_wait3A_358 : memref<48x128xf32, #tpu.memory_space<vmem_shared>>) dst(%arg16 : memref<48x128xf32, #tpu.memory_space<vmem>>)
        tpu.yield
      }) : () -> ()
      %mul3A_349 = arith.constant 48 : i32
      %mul3A_350 = arith.muli %add3A_302, %mul3A_349 : i32
      "tpu.region"() ({
        %run_scoped3A = tpu.sem_alloc : memref<!tpu.dma_semaphore, #tpu.memory_space<semaphore_mem>>
        %dma_start3A_351 = arith.constant 0 : i32
        %dma_start3A_352 = tpu.memref_slice %arg6[%arg0, %mul3A_350, %dma_start3A_351] : memref<2x10032x128xf32, #tpu.memory_space<hbm>> -> memref<1x48x128xf32, #tpu.memory_space<hbm>>
        %dma_start3A_353 = tpu.memref_squeeze %dma_start3A_352 : memref<1x48x128xf32, #tpu.memory_space<hbm>> -> memref<48x128xf32, #tpu.memory_space<hbm>>
        %dma_start3A_354 = arith.constant 0 : i32
        %dma_start3A_355 = tpu.memref_slice %arg6[%arg0, %mul3A_350, %dma_start3A_354] : memref<2x10032x128xf32, #tpu.memory_space<hbm>> -> memref<1x48x128xf32, #tpu.memory_space<hbm>>
        %dma_start3A_356 = tpu.memref_squeeze %dma_start3A_355 : memref<1x48x128xf32, #tpu.memory_space<hbm>> -> memref<48x128xf32, #tpu.memory_space<hbm>>
        tpu.enqueue_dma source(%arg16 : memref<48x128xf32, #tpu.memory_space<vmem>>) target(%dma_start3A_356 : memref<48x128xf32, #tpu.memory_space<hbm>>) target_semaphore(%run_scoped3A : memref<!tpu.dma_semaphore, #tpu.memory_space<semaphore_mem>>)
        %dma_wait3A_357 = arith.constant 0 : i32
        %dma_wait3A_358 = tpu.memref_slice %arg6[%arg0, %mul3A_350, %dma_wait3A_357] : memref<2x10032x128xf32, #tpu.memory_space<hbm>> -> memref<1x48x128xf32, #tpu.memory_space<hbm>>
        %dma_wait3A_359 = tpu.memref_squeeze %dma_wait3A_358 : memref<1x48x128xf32, #tpu.memory_space<hbm>> -> memref<48x128xf32, #tpu.memory_space<hbm>>
        %dma_wait3A_360 = arith.constant 0 : i32
        %dma_wait3A_361 = tpu.memref_slice %arg6[%arg0, %mul3A_350, %dma_wait3A_360] : memref<2x10032x128xf32, #tpu.memory_space<hbm>> -> memref<1x48x128xf32, #tpu.memory_space<hbm>>
        %dma_wait3A_362 = tpu.memref_squeeze %dma_wait3A_361 : memref<1x48x128xf32, #tpu.memory_space<hbm>> -> memref<48x128xf32, #tpu.memory_space<hbm>>
        tpu.wait_dma2 semaphore(%run_scoped3A : memref<!tpu.dma_semaphore, #tpu.memory_space<semaphore_mem>>) src(%arg16 : memref<48x128xf32, #tpu.memory_space<vmem>>) dst(%dma_wait3A_362 : memref<48x128xf32, #tpu.memory_space<hbm>>)
        tpu.yield
      }) : () -> ()
    } else {
    }
    %mul3A_308 = arith.constant 14 : i32
    %mul3A_309 = arith.muli %arg1, %mul3A_308 : i32
    %add3A_310 = arith.constant 11 : i32
    %add3A_311 = arith.addi %mul3A_309, %add3A_310 : i32
    %lt3A_312 = arith.constant 209 : i32
    %lt3A_313 = arith.cmpi slt, %add3A_311, %lt3A_312 : i32
    %convert_element_type3A_314 = arith.extui %lt3A_313 : i1 to i32
    %cond3A_315 = arith.constant 0 : i32
    %cond3A_316 = arith.cmpi ne, %convert_element_type3A_314, %cond3A_315 : i32
    scf.if %cond3A_316 {
      %mul3A_347 = arith.constant 48 : i32
      %mul3A_348 = arith.muli %add3A_311, %mul3A_347 : i32
      "tpu.region"() ({
        %run_scoped3A = tpu.sem_alloc : memref<!tpu.dma_semaphore, #tpu.memory_space<semaphore_mem>>
        %dma_start3A_351 = arith.constant 0 : i32
        %dma_start3A_352 = tpu.memref_slice %arg20[%mul3A_348, %dma_start3A_351] : memref<10032x128xf32, #tpu.memory_space<vmem_shared>> -> memref<48x128xf32, #tpu.memory_space<vmem_shared>>
        %dma_start3A_353 = arith.constant 0 : i32
        %dma_start3A_354 = tpu.memref_slice %arg20[%mul3A_348, %dma_start3A_353] : memref<10032x128xf32, #tpu.memory_space<vmem_shared>> -> memref<48x128xf32, #tpu.memory_space<vmem_shared>>
        tpu.enqueue_dma source(%dma_start3A_354 : memref<48x128xf32, #tpu.memory_space<vmem_shared>>) target(%arg16 : memref<48x128xf32, #tpu.memory_space<vmem>>) target_semaphore(%run_scoped3A : memref<!tpu.dma_semaphore, #tpu.memory_space<semaphore_mem>>)
        %dma_wait3A_355 = arith.constant 0 : i32
        %dma_wait3A_356 = tpu.memref_slice %arg20[%mul3A_348, %dma_wait3A_355] : memref<10032x128xf32, #tpu.memory_space<vmem_shared>> -> memref<48x128xf32, #tpu.memory_space<vmem_shared>>
        %dma_wait3A_357 = arith.constant 0 : i32
        %dma_wait3A_358 = tpu.memref_slice %arg20[%mul3A_348, %dma_wait3A_357] : memref<10032x128xf32, #tpu.memory_space<vmem_shared>> -> memref<48x128xf32, #tpu.memory_space<vmem_shared>>
        tpu.wait_dma2 semaphore(%run_scoped3A : memref<!tpu.dma_semaphore, #tpu.memory_space<semaphore_mem>>) src(%dma_wait3A_358 : memref<48x128xf32, #tpu.memory_space<vmem_shared>>) dst(%arg16 : memref<48x128xf32, #tpu.memory_space<vmem>>)
        tpu.yield
      }) : () -> ()
      %mul3A_349 = arith.constant 48 : i32
      %mul3A_350 = arith.muli %add3A_311, %mul3A_349 : i32
      "tpu.region"() ({
        %run_scoped3A = tpu.sem_alloc : memref<!tpu.dma_semaphore, #tpu.memory_space<semaphore_mem>>
        %dma_start3A_351 = arith.constant 0 : i32
        %dma_start3A_352 = tpu.memref_slice %arg6[%arg0, %mul3A_350, %dma_start3A_351] : memref<2x10032x128xf32, #tpu.memory_space<hbm>> -> memref<1x48x128xf32, #tpu.memory_space<hbm>>
        %dma_start3A_353 = tpu.memref_squeeze %dma_start3A_352 : memref<1x48x128xf32, #tpu.memory_space<hbm>> -> memref<48x128xf32, #tpu.memory_space<hbm>>
        %dma_start3A_354 = arith.constant 0 : i32
        %dma_start3A_355 = tpu.memref_slice %arg6[%arg0, %mul3A_350, %dma_start3A_354] : memref<2x10032x128xf32, #tpu.memory_space<hbm>> -> memref<1x48x128xf32, #tpu.memory_space<hbm>>
        %dma_start3A_356 = tpu.memref_squeeze %dma_start3A_355 : memref<1x48x128xf32, #tpu.memory_space<hbm>> -> memref<48x128xf32, #tpu.memory_space<hbm>>
        tpu.enqueue_dma source(%arg16 : memref<48x128xf32, #tpu.memory_space<vmem>>) target(%dma_start3A_356 : memref<48x128xf32, #tpu.memory_space<hbm>>) target_semaphore(%run_scoped3A : memref<!tpu.dma_semaphore, #tpu.memory_space<semaphore_mem>>)
        %dma_wait3A_357 = arith.constant 0 : i32
        %dma_wait3A_358 = tpu.memref_slice %arg6[%arg0, %mul3A_350, %dma_wait3A_357] : memref<2x10032x128xf32, #tpu.memory_space<hbm>> -> memref<1x48x128xf32, #tpu.memory_space<hbm>>
        %dma_wait3A_359 = tpu.memref_squeeze %dma_wait3A_358 : memref<1x48x128xf32, #tpu.memory_space<hbm>> -> memref<48x128xf32, #tpu.memory_space<hbm>>
        %dma_wait3A_360 = arith.constant 0 : i32
        %dma_wait3A_361 = tpu.memref_slice %arg6[%arg0, %mul3A_350, %dma_wait3A_360] : memref<2x10032x128xf32, #tpu.memory_space<hbm>> -> memref<1x48x128xf32, #tpu.memory_space<hbm>>
        %dma_wait3A_362 = tpu.memref_squeeze %dma_wait3A_361 : memref<1x48x128xf32, #tpu.memory_space<hbm>> -> memref<48x128xf32, #tpu.memory_space<hbm>>
        tpu.wait_dma2 semaphore(%run_scoped3A : memref<!tpu.dma_semaphore, #tpu.memory_space<semaphore_mem>>) src(%arg16 : memref<48x128xf32, #tpu.memory_space<vmem>>) dst(%dma_wait3A_362 : memref<48x128xf32, #tpu.memory_space<hbm>>)
        tpu.yield
      }) : () -> ()
    } else {
    }
    %mul3A_317 = arith.constant 14 : i32
    %mul3A_318 = arith.muli %arg1, %mul3A_317 : i32
    %add3A_319 = arith.constant 12 : i32
    %add3A_320 = arith.addi %mul3A_318, %add3A_319 : i32
    %lt3A_321 = arith.constant 209 : i32
    %lt3A_322 = arith.cmpi slt, %add3A_320, %lt3A_321 : i32
    %convert_element_type3A_323 = arith.extui %lt3A_322 : i1 to i32
    %cond3A_324 = arith.constant 0 : i32
    %cond3A_325 = arith.cmpi ne, %convert_element_type3A_323, %cond3A_324 : i32
    scf.if %cond3A_325 {
      %mul3A_347 = arith.constant 48 : i32
      %mul3A_348 = arith.muli %add3A_320, %mul3A_347 : i32
      "tpu.region"() ({
        %run_scoped3A = tpu.sem_alloc : memref<!tpu.dma_semaphore, #tpu.memory_space<semaphore_mem>>
        %dma_start3A_351 = arith.constant 0 : i32
        %dma_start3A_352 = tpu.memref_slice %arg20[%mul3A_348, %dma_start3A_351] : memref<10032x128xf32, #tpu.memory_space<vmem_shared>> -> memref<48x128xf32, #tpu.memory_space<vmem_shared>>
        %dma_start3A_353 = arith.constant 0 : i32
        %dma_start3A_354 = tpu.memref_slice %arg20[%mul3A_348, %dma_start3A_353] : memref<10032x128xf32, #tpu.memory_space<vmem_shared>> -> memref<48x128xf32, #tpu.memory_space<vmem_shared>>
        tpu.enqueue_dma source(%dma_start3A_354 : memref<48x128xf32, #tpu.memory_space<vmem_shared>>) target(%arg16 : memref<48x128xf32, #tpu.memory_space<vmem>>) target_semaphore(%run_scoped3A : memref<!tpu.dma_semaphore, #tpu.memory_space<semaphore_mem>>)
        %dma_wait3A_355 = arith.constant 0 : i32
        %dma_wait3A_356 = tpu.memref_slice %arg20[%mul3A_348, %dma_wait3A_355] : memref<10032x128xf32, #tpu.memory_space<vmem_shared>> -> memref<48x128xf32, #tpu.memory_space<vmem_shared>>
        %dma_wait3A_357 = arith.constant 0 : i32
        %dma_wait3A_358 = tpu.memref_slice %arg20[%mul3A_348, %dma_wait3A_357] : memref<10032x128xf32, #tpu.memory_space<vmem_shared>> -> memref<48x128xf32, #tpu.memory_space<vmem_shared>>
        tpu.wait_dma2 semaphore(%run_scoped3A : memref<!tpu.dma_semaphore, #tpu.memory_space<semaphore_mem>>) src(%dma_wait3A_358 : memref<48x128xf32, #tpu.memory_space<vmem_shared>>) dst(%arg16 : memref<48x128xf32, #tpu.memory_space<vmem>>)
        tpu.yield
      }) : () -> ()
      %mul3A_349 = arith.constant 48 : i32
      %mul3A_350 = arith.muli %add3A_320, %mul3A_349 : i32
      "tpu.region"() ({
        %run_scoped3A = tpu.sem_alloc : memref<!tpu.dma_semaphore, #tpu.memory_space<semaphore_mem>>
        %dma_start3A_351 = arith.constant 0 : i32
        %dma_start3A_352 = tpu.memref_slice %arg6[%arg0, %mul3A_350, %dma_start3A_351] : memref<2x10032x128xf32, #tpu.memory_space<hbm>> -> memref<1x48x128xf32, #tpu.memory_space<hbm>>
        %dma_start3A_353 = tpu.memref_squeeze %dma_start3A_352 : memref<1x48x128xf32, #tpu.memory_space<hbm>> -> memref<48x128xf32, #tpu.memory_space<hbm>>
        %dma_start3A_354 = arith.constant 0 : i32
        %dma_start3A_355 = tpu.memref_slice %arg6[%arg0, %mul3A_350, %dma_start3A_354] : memref<2x10032x128xf32, #tpu.memory_space<hbm>> -> memref<1x48x128xf32, #tpu.memory_space<hbm>>
        %dma_start3A_356 = tpu.memref_squeeze %dma_start3A_355 : memref<1x48x128xf32, #tpu.memory_space<hbm>> -> memref<48x128xf32, #tpu.memory_space<hbm>>
        tpu.enqueue_dma source(%arg16 : memref<48x128xf32, #tpu.memory_space<vmem>>) target(%dma_start3A_356 : memref<48x128xf32, #tpu.memory_space<hbm>>) target_semaphore(%run_scoped3A : memref<!tpu.dma_semaphore, #tpu.memory_space<semaphore_mem>>)
        %dma_wait3A_357 = arith.constant 0 : i32
        %dma_wait3A_358 = tpu.memref_slice %arg6[%arg0, %mul3A_350, %dma_wait3A_357] : memref<2x10032x128xf32, #tpu.memory_space<hbm>> -> memref<1x48x128xf32, #tpu.memory_space<hbm>>
        %dma_wait3A_359 = tpu.memref_squeeze %dma_wait3A_358 : memref<1x48x128xf32, #tpu.memory_space<hbm>> -> memref<48x128xf32, #tpu.memory_space<hbm>>
        %dma_wait3A_360 = arith.constant 0 : i32
        %dma_wait3A_361 = tpu.memref_slice %arg6[%arg0, %mul3A_350, %dma_wait3A_360] : memref<2x10032x128xf32, #tpu.memory_space<hbm>> -> memref<1x48x128xf32, #tpu.memory_space<hbm>>
        %dma_wait3A_362 = tpu.memref_squeeze %dma_wait3A_361 : memref<1x48x128xf32, #tpu.memory_space<hbm>> -> memref<48x128xf32, #tpu.memory_space<hbm>>
        tpu.wait_dma2 semaphore(%run_scoped3A : memref<!tpu.dma_semaphore, #tpu.memory_space<semaphore_mem>>) src(%arg16 : memref<48x128xf32, #tpu.memory_space<vmem>>) dst(%dma_wait3A_362 : memref<48x128xf32, #tpu.memory_space<hbm>>)
        tpu.yield
      }) : () -> ()
    } else {
    }
    %mul3A_326 = arith.constant 14 : i32
    %mul3A_327 = arith.muli %arg1, %mul3A_326 : i32
    %add3A_328 = arith.constant 13 : i32
    %add3A_329 = arith.addi %mul3A_327, %add3A_328 : i32
    %lt3A_330 = arith.constant 209 : i32
    %lt3A_331 = arith.cmpi slt, %add3A_329, %lt3A_330 : i32
    %convert_element_type3A_332 = arith.extui %lt3A_331 : i1 to i32
    %cond3A_333 = arith.constant 0 : i32
    %cond3A_334 = arith.cmpi ne, %convert_element_type3A_332, %cond3A_333 : i32
    scf.if %cond3A_334 {
      %mul3A_347 = arith.constant 48 : i32
      %mul3A_348 = arith.muli %add3A_329, %mul3A_347 : i32
      "tpu.region"() ({
        %run_scoped3A = tpu.sem_alloc : memref<!tpu.dma_semaphore, #tpu.memory_space<semaphore_mem>>
        %dma_start3A_351 = arith.constant 0 : i32
        %dma_start3A_352 = tpu.memref_slice %arg20[%mul3A_348, %dma_start3A_351] : memref<10032x128xf32, #tpu.memory_space<vmem_shared>> -> memref<48x128xf32, #tpu.memory_space<vmem_shared>>
        %dma_start3A_353 = arith.constant 0 : i32
        %dma_start3A_354 = tpu.memref_slice %arg20[%mul3A_348, %dma_start3A_353] : memref<10032x128xf32, #tpu.memory_space<vmem_shared>> -> memref<48x128xf32, #tpu.memory_space<vmem_shared>>
        tpu.enqueue_dma source(%dma_start3A_354 : memref<48x128xf32, #tpu.memory_space<vmem_shared>>) target(%arg16 : memref<48x128xf32, #tpu.memory_space<vmem>>) target_semaphore(%run_scoped3A : memref<!tpu.dma_semaphore, #tpu.memory_space<semaphore_mem>>)
        %dma_wait3A_355 = arith.constant 0 : i32
        %dma_wait3A_356 = tpu.memref_slice %arg20[%mul3A_348, %dma_wait3A_355] : memref<10032x128xf32, #tpu.memory_space<vmem_shared>> -> memref<48x128xf32, #tpu.memory_space<vmem_shared>>
        %dma_wait3A_357 = arith.constant 0 : i32
        %dma_wait3A_358 = tpu.memref_slice %arg20[%mul3A_348, %dma_wait3A_357] : memref<10032x128xf32, #tpu.memory_space<vmem_shared>> -> memref<48x128xf32, #tpu.memory_space<vmem_shared>>
        tpu.wait_dma2 semaphore(%run_scoped3A : memref<!tpu.dma_semaphore, #tpu.memory_space<semaphore_mem>>) src(%dma_wait3A_358 : memref<48x128xf32, #tpu.memory_space<vmem_shared>>) dst(%arg16 : memref<48x128xf32, #tpu.memory_space<vmem>>)
        tpu.yield
      }) : () -> ()
      %mul3A_349 = arith.constant 48 : i32
      %mul3A_350 = arith.muli %add3A_329, %mul3A_349 : i32
      "tpu.region"() ({
        %run_scoped3A = tpu.sem_alloc : memref<!tpu.dma_semaphore, #tpu.memory_space<semaphore_mem>>
        %dma_start3A_351 = arith.constant 0 : i32
        %dma_start3A_352 = tpu.memref_slice %arg6[%arg0, %mul3A_350, %dma_start3A_351] : memref<2x10032x128xf32, #tpu.memory_space<hbm>> -> memref<1x48x128xf32, #tpu.memory_space<hbm>>
        %dma_start3A_353 = tpu.memref_squeeze %dma_start3A_352 : memref<1x48x128xf32, #tpu.memory_space<hbm>> -> memref<48x128xf32, #tpu.memory_space<hbm>>
        %dma_start3A_354 = arith.constant 0 : i32
        %dma_start3A_355 = tpu.memref_slice %arg6[%arg0, %mul3A_350, %dma_start3A_354] : memref<2x10032x128xf32, #tpu.memory_space<hbm>> -> memref<1x48x128xf32, #tpu.memory_space<hbm>>
        %dma_start3A_356 = tpu.memref_squeeze %dma_start3A_355 : memref<1x48x128xf32, #tpu.memory_space<hbm>> -> memref<48x128xf32, #tpu.memory_space<hbm>>
        tpu.enqueue_dma source(%arg16 : memref<48x128xf32, #tpu.memory_space<vmem>>) target(%dma_start3A_356 : memref<48x128xf32, #tpu.memory_space<hbm>>) target_semaphore(%run_scoped3A : memref<!tpu.dma_semaphore, #tpu.memory_space<semaphore_mem>>)
        %dma_wait3A_357 = arith.constant 0 : i32
        %dma_wait3A_358 = tpu.memref_slice %arg6[%arg0, %mul3A_350, %dma_wait3A_357] : memref<2x10032x128xf32, #tpu.memory_space<hbm>> -> memref<1x48x128xf32, #tpu.memory_space<hbm>>
        %dma_wait3A_359 = tpu.memref_squeeze %dma_wait3A_358 : memref<1x48x128xf32, #tpu.memory_space<hbm>> -> memref<48x128xf32, #tpu.memory_space<hbm>>
        %dma_wait3A_360 = arith.constant 0 : i32
        %dma_wait3A_361 = tpu.memref_slice %arg6[%arg0, %mul3A_350, %dma_wait3A_360] : memref<2x10032x128xf32, #tpu.memory_space<hbm>> -> memref<1x48x128xf32, #tpu.memory_space<hbm>>
        %dma_wait3A_362 = tpu.memref_squeeze %dma_wait3A_361 : memref<1x48x128xf32, #tpu.memory_space<hbm>> -> memref<48x128xf32, #tpu.memory_space<hbm>>
        tpu.wait_dma2 semaphore(%run_scoped3A : memref<!tpu.dma_semaphore, #tpu.memory_space<semaphore_mem>>) src(%arg16 : memref<48x128xf32, #tpu.memory_space<vmem>>) dst(%dma_wait3A_362 : memref<48x128xf32, #tpu.memory_space<hbm>>)
        tpu.yield
      }) : () -> ()
    } else {
    }
    %mul3A_335 = arith.constant 80 : i32
    %mul3A_336 = arith.muli %arg1, %mul3A_335 : i32
    "tpu.region"() ({
      %run_scoped3A = tpu.sem_alloc : memref<!tpu.dma_semaphore, #tpu.memory_space<semaphore_mem>>
      %dma_start3A_347 = arith.constant 0 : i32
      %dma_start3A_348 = tpu.memref_slice %arg21[%mul3A_336, %dma_start3A_347] : memref<1280x128xf32, #tpu.memory_space<vmem_shared>> -> memref<48x128xf32, #tpu.memory_space<vmem_shared>>
      %dma_start3A_349 = arith.constant 0 : i32
      %dma_start3A_350 = tpu.memref_slice %arg21[%mul3A_336, %dma_start3A_349] : memref<1280x128xf32, #tpu.memory_space<vmem_shared>> -> memref<48x128xf32, #tpu.memory_space<vmem_shared>>
      tpu.enqueue_dma source(%dma_start3A_350 : memref<48x128xf32, #tpu.memory_space<vmem_shared>>) target(%arg17 : memref<48x128xf32, #tpu.memory_space<vmem>>) target_semaphore(%run_scoped3A : memref<!tpu.dma_semaphore, #tpu.memory_space<semaphore_mem>>)
      %dma_wait3A_351 = arith.constant 0 : i32
      %dma_wait3A_352 = tpu.memref_slice %arg21[%mul3A_336, %dma_wait3A_351] : memref<1280x128xf32, #tpu.memory_space<vmem_shared>> -> memref<48x128xf32, #tpu.memory_space<vmem_shared>>
      %dma_wait3A_353 = arith.constant 0 : i32
      %dma_wait3A_354 = tpu.memref_slice %arg21[%mul3A_336, %dma_wait3A_353] : memref<1280x128xf32, #tpu.memory_space<vmem_shared>> -> memref<48x128xf32, #tpu.memory_space<vmem_shared>>
      tpu.wait_dma2 semaphore(%run_scoped3A : memref<!tpu.dma_semaphore, #tpu.memory_space<semaphore_mem>>) src(%dma_wait3A_354 : memref<48x128xf32, #tpu.memory_space<vmem_shared>>) dst(%arg17 : memref<48x128xf32, #tpu.memory_space<vmem>>)
      tpu.yield
    }) : () -> ()
    %mul3A_337 = arith.constant 80 : i32
    %mul3A_338 = arith.muli %arg1, %mul3A_337 : i32
    "tpu.region"() ({
      %run_scoped3A = tpu.sem_alloc : memref<!tpu.dma_semaphore, #tpu.memory_space<semaphore_mem>>
      %dma_start3A_347 = arith.constant 0 : i32
      %dma_start3A_348 = tpu.memref_slice %arg7[%arg0, %mul3A_338, %dma_start3A_347] : memref<2x1280x128xf32, #tpu.memory_space<hbm>> -> memref<1x48x128xf32, #tpu.memory_space<hbm>>
      %dma_start3A_349 = tpu.memref_squeeze %dma_start3A_348 : memref<1x48x128xf32, #tpu.memory_space<hbm>> -> memref<48x128xf32, #tpu.memory_space<hbm>>
      %dma_start3A_350 = arith.constant 0 : i32
      %dma_start3A_351 = tpu.memref_slice %arg7[%arg0, %mul3A_338, %dma_start3A_350] : memref<2x1280x128xf32, #tpu.memory_space<hbm>> -> memref<1x48x128xf32, #tpu.memory_space<hbm>>
      %dma_start3A_352 = tpu.memref_squeeze %dma_start3A_351 : memref<1x48x128xf32, #tpu.memory_space<hbm>> -> memref<48x128xf32, #tpu.memory_space<hbm>>
      tpu.enqueue_dma source(%arg17 : memref<48x128xf32, #tpu.memory_space<vmem>>) target(%dma_start3A_352 : memref<48x128xf32, #tpu.memory_space<hbm>>) target_semaphore(%run_scoped3A : memref<!tpu.dma_semaphore, #tpu.memory_space<semaphore_mem>>)
      %dma_wait3A_353 = arith.constant 0 : i32
      %dma_wait3A_354 = tpu.memref_slice %arg7[%arg0, %mul3A_338, %dma_wait3A_353] : memref<2x1280x128xf32, #tpu.memory_space<hbm>> -> memref<1x48x128xf32, #tpu.memory_space<hbm>>
      %dma_wait3A_355 = tpu.memref_squeeze %dma_wait3A_354 : memref<1x48x128xf32, #tpu.memory_space<hbm>> -> memref<48x128xf32, #tpu.memory_space<hbm>>
      %dma_wait3A_356 = arith.constant 0 : i32
      %dma_wait3A_357 = tpu.memref_slice %arg7[%arg0, %mul3A_338, %dma_wait3A_356] : memref<2x1280x128xf32, #tpu.memory_space<hbm>> -> memref<1x48x128xf32, #tpu.memory_space<hbm>>
      %dma_wait3A_358 = tpu.memref_squeeze %dma_wait3A_357 : memref<1x48x128xf32, #tpu.memory_space<hbm>> -> memref<48x128xf32, #tpu.memory_space<hbm>>
      tpu.wait_dma2 semaphore(%run_scoped3A : memref<!tpu.dma_semaphore, #tpu.memory_space<semaphore_mem>>) src(%arg17 : memref<48x128xf32, #tpu.memory_space<vmem>>) dst(%dma_wait3A_358 : memref<48x128xf32, #tpu.memory_space<hbm>>)
      tpu.yield
    }) : () -> ()
    %mul3A_339 = arith.constant 80 : i32
    %mul3A_340 = arith.muli %arg1, %mul3A_339 : i32
    %add3A_341 = arith.constant 48 : i32
    %add3A_342 = arith.addi %mul3A_340, %add3A_341 : i32
    "tpu.region"() ({
      %run_scoped3A = tpu.sem_alloc : memref<!tpu.dma_semaphore, #tpu.memory_space<semaphore_mem>>
      %dma_start3A_347 = arith.constant 0 : i32
      %dma_start3A_348 = arith.constant 0 : i32
      %dma_start3A_349 = tpu.memref_slice %arg17[%dma_start3A_347, %dma_start3A_348] : memref<48x128xf32, #tpu.memory_space<vmem>> -> memref<32x128xf32, #tpu.memory_space<vmem>>
      %dma_start3A_350 = arith.constant 0 : i32
      %dma_start3A_351 = tpu.memref_slice %arg21[%add3A_342, %dma_start3A_350] : memref<1280x128xf32, #tpu.memory_space<vmem_shared>> -> memref<32x128xf32, #tpu.memory_space<vmem_shared>>
      %dma_start3A_352 = arith.constant 0 : i32
      %dma_start3A_353 = arith.constant 0 : i32
      %dma_start3A_354 = tpu.memref_slice %arg17[%dma_start3A_352, %dma_start3A_353] : memref<48x128xf32, #tpu.memory_space<vmem>> -> memref<32x128xf32, #tpu.memory_space<vmem>>
      %dma_start3A_355 = arith.constant 0 : i32
      %dma_start3A_356 = tpu.memref_slice %arg21[%add3A_342, %dma_start3A_355] : memref<1280x128xf32, #tpu.memory_space<vmem_shared>> -> memref<32x128xf32, #tpu.memory_space<vmem_shared>>
      tpu.enqueue_dma source(%dma_start3A_356 : memref<32x128xf32, #tpu.memory_space<vmem_shared>>) target(%dma_start3A_354 : memref<32x128xf32, #tpu.memory_space<vmem>>) target_semaphore(%run_scoped3A : memref<!tpu.dma_semaphore, #tpu.memory_space<semaphore_mem>>)
      %dma_wait3A_357 = arith.constant 0 : i32
      %dma_wait3A_358 = arith.constant 0 : i32
      %dma_wait3A_359 = tpu.memref_slice %arg17[%dma_wait3A_357, %dma_wait3A_358] : memref<48x128xf32, #tpu.memory_space<vmem>> -> memref<32x128xf32, #tpu.memory_space<vmem>>
      %dma_wait3A_360 = arith.constant 0 : i32
      %dma_wait3A_361 = tpu.memref_slice %arg21[%add3A_342, %dma_wait3A_360] : memref<1280x128xf32, #tpu.memory_space<vmem_shared>> -> memref<32x128xf32, #tpu.memory_space<vmem_shared>>
      %dma_wait3A_362 = arith.constant 0 : i32
      %dma_wait3A_363 = arith.constant 0 : i32
      %dma_wait3A_364 = tpu.memref_slice %arg17[%dma_wait3A_362, %dma_wait3A_363] : memref<48x128xf32, #tpu.memory_space<vmem>> -> memref<32x128xf32, #tpu.memory_space<vmem>>
      %dma_wait3A_365 = arith.constant 0 : i32
      %dma_wait3A_366 = tpu.memref_slice %arg21[%add3A_342, %dma_wait3A_365] : memref<1280x128xf32, #tpu.memory_space<vmem_shared>> -> memref<32x128xf32, #tpu.memory_space<vmem_shared>>
      tpu.wait_dma2 semaphore(%run_scoped3A : memref<!tpu.dma_semaphore, #tpu.memory_space<semaphore_mem>>) src(%dma_wait3A_366 : memref<32x128xf32, #tpu.memory_space<vmem_shared>>) dst(%dma_wait3A_364 : memref<32x128xf32, #tpu.memory_space<vmem>>)
      tpu.yield
    }) : () -> ()
    %mul3A_343 = arith.constant 80 : i32
    %mul3A_344 = arith.muli %arg1, %mul3A_343 : i32
    %add3A_345 = arith.constant 48 : i32
    %add3A_346 = arith.addi %mul3A_344, %add3A_345 : i32
    "tpu.region"() ({
      %run_scoped3A = tpu.sem_alloc : memref<!tpu.dma_semaphore, #tpu.memory_space<semaphore_mem>>
      %dma_start3A_347 = arith.constant 0 : i32
      %dma_start3A_348 = arith.constant 0 : i32
      %dma_start3A_349 = tpu.memref_slice %arg17[%dma_start3A_347, %dma_start3A_348] : memref<48x128xf32, #tpu.memory_space<vmem>> -> memref<32x128xf32, #tpu.memory_space<vmem>>
      %dma_start3A_350 = arith.constant 0 : i32
      %dma_start3A_351 = tpu.memref_slice %arg7[%arg0, %add3A_346, %dma_start3A_350] : memref<2x1280x128xf32, #tpu.memory_space<hbm>> -> memref<1x32x128xf32, #tpu.memory_space<hbm>>
      %dma_start3A_352 = tpu.memref_squeeze %dma_start3A_351 : memref<1x32x128xf32, #tpu.memory_space<hbm>> -> memref<32x128xf32, #tpu.memory_space<hbm>>
      %dma_start3A_353 = arith.constant 0 : i32
      %dma_start3A_354 = tpu.memref_slice %arg7[%arg0, %add3A_346, %dma_start3A_353] : memref<2x1280x128xf32, #tpu.memory_space<hbm>> -> memref<1x32x128xf32, #tpu.memory_space<hbm>>
      %dma_start3A_355 = tpu.memref_squeeze %dma_start3A_354 : memref<1x32x128xf32, #tpu.memory_space<hbm>> -> memref<32x128xf32, #tpu.memory_space<hbm>>
      %dma_start3A_356 = arith.constant 0 : i32
      %dma_start3A_357 = arith.constant 0 : i32
      %dma_start3A_358 = tpu.memref_slice %arg17[%dma_start3A_356, %dma_start3A_357] : memref<48x128xf32, #tpu.memory_space<vmem>> -> memref<32x128xf32, #tpu.memory_space<vmem>>
      tpu.enqueue_dma source(%dma_start3A_358 : memref<32x128xf32, #tpu.memory_space<vmem>>) target(%dma_start3A_355 : memref<32x128xf32, #tpu.memory_space<hbm>>) target_semaphore(%run_scoped3A : memref<!tpu.dma_semaphore, #tpu.memory_space<semaphore_mem>>)
      %dma_wait3A_359 = arith.constant 0 : i32
      %dma_wait3A_360 = arith.constant 0 : i32
      %dma_wait3A_361 = tpu.memref_slice %arg17[%dma_wait3A_359, %dma_wait3A_360] : memref<48x128xf32, #tpu.memory_space<vmem>> -> memref<32x128xf32, #tpu.memory_space<vmem>>
      %dma_wait3A_362 = arith.constant 0 : i32
      %dma_wait3A_363 = tpu.memref_slice %arg7[%arg0, %add3A_346, %dma_wait3A_362] : memref<2x1280x128xf32, #tpu.memory_space<hbm>> -> memref<1x32x128xf32, #tpu.memory_space<hbm>>
      %dma_wait3A_364 = tpu.memref_squeeze %dma_wait3A_363 : memref<1x32x128xf32, #tpu.memory_space<hbm>> -> memref<32x128xf32, #tpu.memory_space<hbm>>
      %dma_wait3A_365 = arith.constant 0 : i32
      %dma_wait3A_366 = tpu.memref_slice %arg7[%arg0, %add3A_346, %dma_wait3A_365] : memref<2x1280x128xf32, #tpu.memory_space<hbm>> -> memref<1x32x128xf32, #tpu.memory_space<hbm>>
      %dma_wait3A_367 = tpu.memref_squeeze %dma_wait3A_366 : memref<1x32x128xf32, #tpu.memory_space<hbm>> -> memref<32x128xf32, #tpu.memory_space<hbm>>
      %dma_wait3A_368 = arith.constant 0 : i32
      %dma_wait3A_369 = arith.constant 0 : i32
      %dma_wait3A_370 = tpu.memref_slice %arg17[%dma_wait3A_368, %dma_wait3A_369] : memref<48x128xf32, #tpu.memory_space<vmem>> -> memref<32x128xf32, #tpu.memory_space<vmem>>
      tpu.wait_dma2 semaphore(%run_scoped3A : memref<!tpu.dma_semaphore, #tpu.memory_space<semaphore_mem>>) src(%dma_wait3A_370 : memref<32x128xf32, #tpu.memory_space<vmem>>) dst(%dma_wait3A_367 : memref<32x128xf32, #tpu.memory_space<hbm>>)
      tpu.yield
    }) : () -> ()
    return
  }
}

module attributes {stable_mosaic.version = 14 : i64} {
  func.func @_proj_body(%arg0: i32, %arg1: memref<1000x128xf32, #tpu.memory_space<vmem>>, %arg2: memref<1000x128xf32, #tpu.memory_space<vmem>>, %arg3: memref<128x128xf32, #tpu.memory_space<vmem>>, %arg4: memref<128xf32, #tpu.memory_space<vmem>>, %arg5: memref<128x128xf32, #tpu.memory_space<vmem>>, %arg6: memref<128xf32, #tpu.memory_space<vmem>>, %arg7: memref<128x128xf32, #tpu.memory_space<vmem>>, %arg8: memref<128xf32, #tpu.memory_space<vmem>>, %arg9: memref<128xf32, #tpu.memory_space<vmem>>, %arg10: memref<128xf32, #tpu.memory_space<vmem>>, %arg11: memref<1000x128xf32, #tpu.memory_space<vmem>>, %arg12: memref<1000x128xi32, #tpu.memory_space<vmem>>) attributes {dimension_semantics = [#tpu.dimension_semantics<arbitrary>], iteration_bounds = array<i64: 10>, scalar_prefetch = 0 : i64, scratch_operands = 0 : i64, tpu.core_type = #tpu.core_type<tc>, window_params = [{transform_indices = @transform_0, window_bounds = array<i64: 1000, 128>}, {transform_indices = @transform_1, window_bounds = array<i64: 1000, 128>}, {pipeline_mode = #tpu.pipeline_mode<synchronous>, transform_indices = @transform_2, window_bounds = array<i64: 128, 128>}, {pipeline_mode = #tpu.pipeline_mode<synchronous>, transform_indices = @transform_3, window_bounds = array<i64: 128>}, {pipeline_mode = #tpu.pipeline_mode<synchronous>, transform_indices = @transform_4, window_bounds = array<i64: 128, 128>}, {pipeline_mode = #tpu.pipeline_mode<synchronous>, transform_indices = @transform_5, window_bounds = array<i64: 128>}, {pipeline_mode = #tpu.pipeline_mode<synchronous>, transform_indices = @transform_6, window_bounds = array<i64: 128, 128>}, {pipeline_mode = #tpu.pipeline_mode<synchronous>, transform_indices = @transform_7, window_bounds = array<i64: 128>}, {pipeline_mode = #tpu.pipeline_mode<synchronous>, transform_indices = @transform_8, window_bounds = array<i64: 128>}, {pipeline_mode = #tpu.pipeline_mode<synchronous>, transform_indices = @transform_9, window_bounds = array<i64: 128>}, {transform_indices = @transform_10, window_bounds = array<i64: 1000, 128>}, {transform_indices = @transform_11, window_bounds = array<i64: 1000, 128>}]} {
    %get3A = arith.constant 0 : index
    %get3A_0 = arith.constant 0 : index
    %get3A_1 = vector.load %arg1[%get3A, %get3A_0] : memref<1000x128xf32, #tpu.memory_space<vmem>>, vector<1000x128xf32>
    %get3A_2 = arith.constant 0 : index
    %get3A_3 = vector.load %arg9[%get3A_2] : memref<128xf32, #tpu.memory_space<vmem>>, vector<128xf32>
    %get3A_4 = arith.constant 0 : index
    %get3A_5 = vector.load %arg10[%get3A_4] : memref<128xf32, #tpu.memory_space<vmem>>, vector<128xf32>
    %reduce_sum3A = arith.constant dense<0.000000e+00> : vector<1000xf32>
    %reduce_sum3A_6 = vector.multi_reduction <add>, %get3A_1, %reduce_sum3A [1] : vector<1000x128xf32> to vector<1000xf32>
    %broadcast_in_dim3A = vector.shape_cast %reduce_sum3A_6 : vector<1000xf32> to vector<1000x1xf32>
    %div3A = arith.constant 1.280000e+02 : f32
    %div3A_7 = vector.broadcast %div3A : f32 to vector<1000x1xf32>
    %div3A_8 = arith.divf %broadcast_in_dim3A, %div3A_7 : vector<1000x1xf32>
    %sub3A = vector.broadcast %div3A_8 : vector<1000x1xf32> to vector<1000x128xf32>
    %sub3A_9 = arith.subf %get3A_1, %sub3A : vector<1000x128xf32>
    %sub3A_10 = vector.broadcast %div3A_8 : vector<1000x1xf32> to vector<1000x128xf32>
    %sub3A_11 = arith.subf %get3A_1, %sub3A_10 : vector<1000x128xf32>
    %mul3A = arith.mulf %sub3A_9, %sub3A_11 : vector<1000x128xf32>
    %reduce_sum3A_12 = arith.constant dense<0.000000e+00> : vector<1000xf32>
    %reduce_sum3A_13 = vector.multi_reduction <add>, %mul3A, %reduce_sum3A_12 [1] : vector<1000x128xf32> to vector<1000xf32>
    %broadcast_in_dim3A_14 = vector.shape_cast %reduce_sum3A_13 : vector<1000xf32> to vector<1000x1xf32>
    %div3A_15 = arith.constant 1.280000e+02 : f32
    %div3A_16 = vector.broadcast %div3A_15 : f32 to vector<1000x1xf32>
    %div3A_17 = arith.divf %broadcast_in_dim3A_14, %div3A_16 : vector<1000x1xf32>
    %sub3A_18 = vector.broadcast %div3A_8 : vector<1000x1xf32> to vector<1000x128xf32>
    %sub3A_19 = arith.subf %get3A_1, %sub3A_18 : vector<1000x128xf32>
    %add3A = arith.constant 9.99999974E-6 : f32
    %add3A_20 = vector.broadcast %add3A : f32 to vector<1000x1xf32>
    %add3A_21 = arith.addf %div3A_17, %add3A_20 : vector<1000x1xf32>
    %sqrt3A = math.sqrt %add3A_21 : vector<1000x1xf32>
    %div3A_22 = vector.broadcast %sqrt3A : vector<1000x1xf32> to vector<1000x128xf32>
    %div3A_23 = arith.divf %sub3A_19, %div3A_22 : vector<1000x128xf32>
    %broadcast_in_dim3A_24 = vector.shape_cast %get3A_3 : vector<128xf32> to vector<1x128xf32>
    %mul3A_25 = vector.broadcast %broadcast_in_dim3A_24 : vector<1x128xf32> to vector<1000x128xf32>
    %mul3A_26 = arith.mulf %div3A_23, %mul3A_25 : vector<1000x128xf32>
    %broadcast_in_dim3A_27 = vector.shape_cast %get3A_5 : vector<128xf32> to vector<1x128xf32>
    %add3A_28 = vector.broadcast %broadcast_in_dim3A_27 : vector<1x128xf32> to vector<1000x128xf32>
    %add3A_29 = arith.addf %mul3A_26, %add3A_28 : vector<1000x128xf32>
    %reduce_sum3A_30 = arith.constant dense<0.000000e+00> : vector<1000xf32>
    %reduce_sum3A_31 = vector.multi_reduction <add>, %add3A_29, %reduce_sum3A_30 [1] : vector<1000x128xf32> to vector<1000xf32>
    %broadcast_in_dim3A_32 = vector.shape_cast %reduce_sum3A_31 : vector<1000xf32> to vector<1000x1xf32>
    %ne3A = arith.constant 0.000000e+00 : f32
    %ne3A_33 = vector.broadcast %ne3A : f32 to vector<1000x1xf32>
    %ne3A_34 = arith.cmpf one, %broadcast_in_dim3A_32, %ne3A_33 : vector<1000x1xf32>
    %convert_element_type3A = arith.extui %ne3A_34 : vector<1000x1xi1> to vector<1000x1xi32>
    %convert_element_type3A_35 = arith.sitofp %convert_element_type3A : vector<1000x1xi32> to vector<1000x1xf32>
    %get3A_36 = arith.constant 0 : index
    %get3A_37 = arith.constant 0 : index
    %get3A_38 = vector.load %arg2[%get3A_36, %get3A_37] : memref<1000x128xf32, #tpu.memory_space<vmem>>, vector<1000x128xf32>
    %get3A_39 = arith.constant 0 : index
    %get3A_40 = arith.constant 0 : index
    %get3A_41 = vector.load %arg3[%get3A_39, %get3A_40] : memref<128x128xf32, #tpu.memory_space<vmem>>, vector<128x128xf32>
    %dot_general3A = arith.constant dense<0.000000e+00> : vector<1000x128xf32>
    %dot_general3A_42 = tpu.matmul %get3A_38, %get3A_41, %dot_general3A {dimension_numbers = #tpu.dot_dimension_numbers<[1], [0], [0], [1], [0, 0, 1, 1], [], []>, transpose_lhs_hint = false} : vector<1000x128xf32>, vector<128x128xf32>, vector<1000x128xf32> -> vector<1000x128xf32>
    %get3A_43 = arith.constant 0 : index
    %get3A_44 = vector.load %arg4[%get3A_43] : memref<128xf32, #tpu.memory_space<vmem>>, vector<128xf32>
    %broadcast_in_dim3A_45 = vector.shape_cast %get3A_44 : vector<128xf32> to vector<1x128xf32>
    %add3A_46 = vector.broadcast %broadcast_in_dim3A_45 : vector<1x128xf32> to vector<1000x128xf32>
    %add3A_47 = arith.addf %dot_general3A_42, %add3A_46 : vector<1000x128xf32>
    %swap3A = arith.constant 0 : index
    %swap3A_48 = arith.constant 0 : index
    %swap3A_49 = vector.load %arg11[%swap3A, %swap3A_48] : memref<1000x128xf32, #tpu.memory_space<vmem>>, vector<1000x128xf32>
    tpu.vector_store %arg11[%swap3A, %swap3A_48], %add3A_47 {strides = array<i32>} : memref<1000x128xf32, #tpu.memory_space<vmem>>, vector<1000x128xf32>,
    %get3A_50 = arith.constant 0 : index
    %get3A_51 = arith.constant 0 : index
    %get3A_52 = vector.load %arg5[%get3A_50, %get3A_51] : memref<128x128xf32, #tpu.memory_space<vmem>>, vector<128x128xf32>
    %dot_general3A_53 = arith.constant dense<0.000000e+00> : vector<1000x128xf32>
    %dot_general3A_54 = tpu.matmul %add3A_29, %get3A_52, %dot_general3A_53 {dimension_numbers = #tpu.dot_dimension_numbers<[1], [0], [0], [1], [0, 0, 1, 1], [], []>, transpose_lhs_hint = false} : vector<1000x128xf32>, vector<128x128xf32>, vector<1000x128xf32> -> vector<1000x128xf32>
    %get3A_55 = arith.constant 0 : index
    %get3A_56 = vector.load %arg6[%get3A_55] : memref<128xf32, #tpu.memory_space<vmem>>, vector<128xf32>
    %broadcast_in_dim3A_57 = vector.shape_cast %get3A_56 : vector<128xf32> to vector<1x128xf32>
    %add3A_58 = vector.broadcast %broadcast_in_dim3A_57 : vector<1x128xf32> to vector<1000x128xf32>
    %add3A_59 = arith.addf %dot_general3A_54, %add3A_58 : vector<1000x128xf32>
    %mul3A_60 = arith.constant 2.500000e-01 : f32
    %mul3A_61 = vector.broadcast %mul3A_60 : f32 to vector<1000x128xf32>
    %mul3A_62 = arith.mulf %add3A_59, %mul3A_61 : vector<1000x128xf32>
    %get3A_63 = arith.constant 0 : index
    %get3A_64 = arith.constant 0 : index
    %get3A_65 = vector.load %arg7[%get3A_63, %get3A_64] : memref<128x128xf32, #tpu.memory_space<vmem>>, vector<128x128xf32>
    %dot_general3A_66 = arith.constant dense<0.000000e+00> : vector<1000x128xf32>
    %dot_general3A_67 = tpu.matmul %add3A_29, %get3A_65, %dot_general3A_66 {dimension_numbers = #tpu.dot_dimension_numbers<[1], [0], [0], [1], [0, 0, 1, 1], [], []>, transpose_lhs_hint = false} : vector<1000x128xf32>, vector<128x128xf32>, vector<1000x128xf32> -> vector<1000x128xf32>
    %get3A_68 = arith.constant 0 : index
    %get3A_69 = vector.load %arg8[%get3A_68] : memref<128xf32, #tpu.memory_space<vmem>>, vector<128xf32>
    %broadcast_in_dim3A_70 = vector.shape_cast %get3A_69 : vector<128xf32> to vector<1x128xf32>
    %add3A_71 = vector.broadcast %broadcast_in_dim3A_70 : vector<1x128xf32> to vector<1000x128xf32>
    %add3A_72 = arith.addf %dot_general3A_67, %add3A_71 : vector<1000x128xf32>
    %mul3A_73 = vector.broadcast %convert_element_type3A_35 : vector<1000x1xf32> to vector<1000x128xf32>
    %mul3A_74 = arith.mulf %add3A_72, %mul3A_73 : vector<1000x128xf32>
    %slice3A = vector.extract_strided_slice %mul3A_62 {offsets = [0, 0], sizes = [1000, 64], strides = [1, 1]} : vector<1000x128xf32> to vector<1000x64xf32>
    %convert_element_type3A_75 = arith.truncf %slice3A : vector<1000x64xf32> to vector<1000x64xbf16>
    %convert_element_type3A_76 = arith.extf %convert_element_type3A_75 : vector<1000x64xbf16> to vector<1000x64xf32>
    %slice3A_77 = vector.extract_strided_slice %mul3A_62 {offsets = [0, 64], sizes = [1000, 64], strides = [1, 1]} : vector<1000x128xf32> to vector<1000x64xf32>
    %convert_element_type3A_78 = arith.truncf %slice3A_77 : vector<1000x64xf32> to vector<1000x64xbf16>
    %convert_element_type3A_79 = arith.extf %convert_element_type3A_78 : vector<1000x64xbf16> to vector<1000x64xf32>
    %bitcast_convert_type3A = tpu.bitcast %convert_element_type3A_76 : vector<1000x64xf32> -> vector<1000x64xi32>
    %bitcast_convert_type3A_80 = tpu.bitcast %convert_element_type3A_79 : vector<1000x64xf32> -> vector<1000x64xi32>
    %shift_right_logical3A = arith.constant 16 : i32
    %shift_right_logical3A_81 = vector.broadcast %shift_right_logical3A : i32 to vector<1000x64xi32>
    %shift_right_logical3A_82 = arith.shrui %bitcast_convert_type3A, %shift_right_logical3A_81 : vector<1000x64xi32>
    %and3A = arith.constant -65536 : i32
    %and3A_83 = vector.broadcast %and3A : i32 to vector<1000x64xi32>
    %and3A_84 = arith.andi %bitcast_convert_type3A_80, %and3A_83 : vector<1000x64xi32>
    %or3A = arith.ori %shift_right_logical3A_82, %and3A_84 : vector<1000x64xi32>
    %swap3A_85 = arith.constant 0 : index
    %swap3A_86 = arith.constant 0 : index
    %swap3A_87 = vector.load %arg12[%swap3A_85, %swap3A_86] : memref<1000x128xi32, #tpu.memory_space<vmem>>, vector<1000x64xi32>
    tpu.vector_store %arg12[%swap3A_85, %swap3A_86], %or3A {strides = array<i32>} : memref<1000x128xi32, #tpu.memory_space<vmem>>, vector<1000x64xi32>,
    %slice3A_88 = vector.extract_strided_slice %mul3A_74 {offsets = [0, 0], sizes = [1000, 64], strides = [1, 1]} : vector<1000x128xf32> to vector<1000x64xf32>
    %convert_element_type3A_89 = arith.truncf %slice3A_88 : vector<1000x64xf32> to vector<1000x64xbf16>
    %convert_element_type3A_90 = arith.extf %convert_element_type3A_89 : vector<1000x64xbf16> to vector<1000x64xf32>
    %slice3A_91 = vector.extract_strided_slice %mul3A_74 {offsets = [0, 64], sizes = [1000, 64], strides = [1, 1]} : vector<1000x128xf32> to vector<1000x64xf32>
    %convert_element_type3A_92 = arith.truncf %slice3A_91 : vector<1000x64xf32> to vector<1000x64xbf16>
    %convert_element_type3A_93 = arith.extf %convert_element_type3A_92 : vector<1000x64xbf16> to vector<1000x64xf32>
    %bitcast_convert_type3A_94 = tpu.bitcast %convert_element_type3A_90 : vector<1000x64xf32> -> vector<1000x64xi32>
    %bitcast_convert_type3A_95 = tpu.bitcast %convert_element_type3A_93 : vector<1000x64xf32> -> vector<1000x64xi32>
    %shift_right_logical3A_96 = arith.constant 16 : i32
    %shift_right_logical3A_97 = vector.broadcast %shift_right_logical3A_96 : i32 to vector<1000x64xi32>
    %shift_right_logical3A_98 = arith.shrui %bitcast_convert_type3A_94, %shift_right_logical3A_97 : vector<1000x64xi32>
    %and3A_99 = arith.constant -65536 : i32
    %and3A_100 = vector.broadcast %and3A_99 : i32 to vector<1000x64xi32>
    %and3A_101 = arith.andi %bitcast_convert_type3A_95, %and3A_100 : vector<1000x64xi32>
    %or3A_102 = arith.ori %shift_right_logical3A_98, %and3A_101 : vector<1000x64xi32>
    %swap3A_103 = arith.constant 0 : index
    %swap3A_104 = arith.constant 64 : index
    %swap3A_105 = vector.load %arg12[%swap3A_103, %swap3A_104] : memref<1000x128xi32, #tpu.memory_space<vmem>>, vector<1000x64xi32>
    tpu.vector_store %arg12[%swap3A_103, %swap3A_104], %or3A_102 {strides = array<i32>} : memref<1000x128xi32, #tpu.memory_space<vmem>>, vector<1000x64xi32>,
    return
  }
  func.func @transform_0(%arg0: i32) -> (i32, i32) {
    %c0_i32 = arith.constant 0 : i32
    %c0_i32_0 = arith.constant 0 : i32
    return %arg0, %c0_i32 : i32, i32
  }
  func.func @transform_1(%arg0: i32) -> (i32, i32) {
    %c0_i32 = arith.constant 0 : i32
    %c0_i32_0 = arith.constant 0 : i32
    return %arg0, %c0_i32 : i32, i32
  }
  func.func @transform_2(%arg0: i32) -> (i32, i32) {
    %c0_i32 = arith.constant 0 : i32
    %c0_i32_0 = arith.constant 0 : i32
    %c0_i32_1 = arith.constant 0 : i32
    return %c0_i32, %c0_i32_0 : i32, i32
  }
  func.func @transform_3(%arg0: i32) -> i32 {
    %c0_i32 = arith.constant 0 : i32
    %c0_i32_0 = arith.constant 0 : i32
    return %c0_i32 : i32
  }
  func.func @transform_4(%arg0: i32) -> (i32, i32) {
    %c0_i32 = arith.constant 0 : i32
    %c0_i32_0 = arith.constant 0 : i32
    %c0_i32_1 = arith.constant 0 : i32
    return %c0_i32, %c0_i32_0 : i32, i32
  }
  func.func @transform_5(%arg0: i32) -> i32 {
    %c0_i32 = arith.constant 0 : i32
    %c0_i32_0 = arith.constant 0 : i32
    return %c0_i32 : i32
  }
  func.func @transform_6(%arg0: i32) -> (i32, i32) {
    %c0_i32 = arith.constant 0 : i32
    %c0_i32_0 = arith.constant 0 : i32
    %c0_i32_1 = arith.constant 0 : i32
    return %c0_i32, %c0_i32_0 : i32, i32
  }
  func.func @transform_7(%arg0: i32) -> i32 {
    %c0_i32 = arith.constant 0 : i32
    %c0_i32_0 = arith.constant 0 : i32
    return %c0_i32 : i32
  }
  func.func @transform_8(%arg0: i32) -> i32 {
    %c0_i32 = arith.constant 0 : i32
    %c0_i32_0 = arith.constant 0 : i32
    return %c0_i32 : i32
  }
  func.func @transform_9(%arg0: i32) -> i32 {
    %c0_i32 = arith.constant 0 : i32
    %c0_i32_0 = arith.constant 0 : i32
    return %c0_i32 : i32
  }
  func.func @transform_10(%arg0: i32) -> (i32, i32) {
    %c0_i32 = arith.constant 0 : i32
    %c0_i32_0 = arith.constant 0 : i32
    return %arg0, %c0_i32 : i32, i32
  }
  func.func @transform_11(%arg0: i32) -> (i32, i32) {
    %c0_i32 = arith.constant 0 : i32
    %c0_i32_0 = arith.constant 0 : i32
    return %arg0, %c0_i32 : i32, i32
  }
}

module attributes {stable_mosaic.version = 14 : i64} {
  func.func @_post_body(%arg0: i32, %arg1: memref<1000x16xf32, #tpu.memory_space<vmem>>, %arg2: memref<1000x16xf32, #tpu.memory_space<vmem>>, %arg3: memref<1000x128xf32, #tpu.memory_space<vmem>>, %arg4: memref<1000x128xf32, #tpu.memory_space<vmem>>, %arg5: memref<1000x128xf32, #tpu.memory_space<vmem>>, %arg6: memref<8x128xf32, #tpu.memory_space<vmem>>, %arg7: memref<128x128xf32, #tpu.memory_space<vmem>>, %arg8: memref<128xf32, #tpu.memory_space<vmem>>, %arg9: memref<128x128xf32, #tpu.memory_space<vmem>>, %arg10: memref<128xf32, #tpu.memory_space<vmem>>, %arg11: memref<128x128xf32, #tpu.memory_space<vmem>>, %arg12: memref<128xf32, #tpu.memory_space<vmem>>, %arg13: memref<128xf32, #tpu.memory_space<vmem>>, %arg14: memref<128xf32, #tpu.memory_space<vmem>>, %arg15: memref<128x512xf32, #tpu.memory_space<vmem>>, %arg16: memref<512xf32, #tpu.memory_space<vmem>>, %arg17: memref<512x128xf32, #tpu.memory_space<vmem>>, %arg18: memref<128xf32, #tpu.memory_space<vmem>>, %arg19: memref<1000x128xf32, #tpu.memory_space<vmem>>) attributes {dimension_semantics = [#tpu.dimension_semantics<arbitrary>], iteration_bounds = array<i64: 10>, scalar_prefetch = 0 : i64, scratch_operands = 0 : i64, tpu.core_type = #tpu.core_type<tc>, window_params = [{transform_indices = @transform_0, window_bounds = array<i64: 1000, 16>}, {transform_indices = @transform_1, window_bounds = array<i64: 1000, 16>}, {transform_indices = @transform_2, window_bounds = array<i64: 1000, 128>}, {transform_indices = @transform_3, window_bounds = array<i64: 1000, 128>}, {transform_indices = @transform_4, window_bounds = array<i64: 1000, 128>}, {pipeline_mode = #tpu.pipeline_mode<synchronous>, transform_indices = @transform_5, window_bounds = array<i64: 8, 128>}, {pipeline_mode = #tpu.pipeline_mode<synchronous>, transform_indices = @transform_6, window_bounds = array<i64: 128, 128>}, {pipeline_mode = #tpu.pipeline_mode<synchronous>, transform_indices = @transform_7, window_bounds = array<i64: 128>}, {pipeline_mode = #tpu.pipeline_mode<synchronous>, transform_indices = @transform_8, window_bounds = array<i64: 128, 128>}, {pipeline_mode = #tpu.pipeline_mode<synchronous>, transform_indices = @transform_9, window_bounds = array<i64: 128>}, {pipeline_mode = #tpu.pipeline_mode<synchronous>, transform_indices = @transform_10, window_bounds = array<i64: 128, 128>}, {pipeline_mode = #tpu.pipeline_mode<synchronous>, transform_indices = @transform_11, window_bounds = array<i64: 128>}, {pipeline_mode = #tpu.pipeline_mode<synchronous>, transform_indices = @transform_12, window_bounds = array<i64: 128>}, {pipeline_mode = #tpu.pipeline_mode<synchronous>, transform_indices = @transform_13, window_bounds = array<i64: 128>}, {pipeline_mode = #tpu.pipeline_mode<synchronous>, transform_indices = @transform_14, window_bounds = array<i64: 128, 512>}, {pipeline_mode = #tpu.pipeline_mode<synchronous>, transform_indices = @transform_15, window_bounds = array<i64: 512>}, {pipeline_mode = #tpu.pipeline_mode<synchronous>, transform_indices = @transform_16, window_bounds = array<i64: 512, 128>}, {pipeline_mode = #tpu.pipeline_mode<synchronous>, transform_indices = @transform_17, window_bounds = array<i64: 128>}, {transform_indices = @transform_18, window_bounds = array<i64: 1000, 128>}]} {
    %get3A = arith.constant 0 : index
    %get3A_0 = arith.constant 0 : index
    %get3A_1 = vector.load %arg1[%get3A, %get3A_0] : memref<1000x16xf32, #tpu.memory_space<vmem>>, vector<1000x8xf32>
    %get3A_2 = arith.constant 0 : index
    %get3A_3 = arith.constant 0 : index
    %get3A_4 = vector.load %arg2[%get3A_2, %get3A_3] : memref<1000x16xf32, #tpu.memory_space<vmem>>, vector<1000x8xf32>
    %add3A = arith.addf %get3A_1, %get3A_4 : vector<1000x8xf32>
    %add3A_5 = arith.constant 1.000000e-16 : f32
    %add3A_6 = vector.broadcast %add3A_5 : f32 to vector<1000x8xf32>
    %add3A_7 = arith.addf %add3A, %add3A_6 : vector<1000x8xf32>
    %div3A = arith.constant 1.000000e+00 : f32
    %div3A_8 = vector.broadcast %div3A : f32 to vector<1000x8xf32>
    %div3A_9 = arith.divf %div3A_8, %add3A_7 : vector<1000x8xf32>
    %get3A_10 = arith.constant 0 : index
    %get3A_11 = arith.constant 0 : index
    %get3A_12 = vector.load %arg6[%get3A_10, %get3A_11] : memref<8x128xf32, #tpu.memory_space<vmem>>, vector<8x128xf32>
    %dot_general3A = arith.constant dense<0.000000e+00> : vector<1000x128xf32>
    %dot_general3A_13 = tpu.matmul %div3A_9, %get3A_12, %dot_general3A {dimension_numbers = #tpu.dot_dimension_numbers<[1], [0], [0], [1], [0, 0, 1, 1], [], []>, transpose_lhs_hint = false} : vector<1000x8xf32>, vector<8x128xf32>, vector<1000x128xf32> -> vector<1000x128xf32>
    %get3A_14 = arith.constant 0 : index
    %get3A_15 = arith.constant 0 : index
    %get3A_16 = vector.load %arg3[%get3A_14, %get3A_15] : memref<1000x128xf32, #tpu.memory_space<vmem>>, vector<1000x128xf32>
    %get3A_17 = arith.constant 0 : index
    %get3A_18 = arith.constant 0 : index
    %get3A_19 = vector.load %arg4[%get3A_17, %get3A_18] : memref<1000x128xf32, #tpu.memory_space<vmem>>, vector<1000x128xf32>
    %add3A_20 = arith.addf %get3A_16, %get3A_19 : vector<1000x128xf32>
    %mul3A = arith.mulf %add3A_20, %dot_general3A_13 : vector<1000x128xf32>
    %get3A_21 = arith.constant 0 : index
    %get3A_22 = arith.constant 0 : index
    %get3A_23 = vector.load %arg5[%get3A_21, %get3A_22] : memref<1000x128xf32, #tpu.memory_space<vmem>>, vector<1000x128xf32>
    %get3A_24 = arith.constant 0 : index
    %get3A_25 = arith.constant 0 : index
    %get3A_26 = vector.load %arg7[%get3A_24, %get3A_25] : memref<128x128xf32, #tpu.memory_space<vmem>>, vector<128x128xf32>
    %dot_general3A_27 = arith.constant dense<0.000000e+00> : vector<1000x128xf32>
    %dot_general3A_28 = tpu.matmul %mul3A, %get3A_26, %dot_general3A_27 {dimension_numbers = #tpu.dot_dimension_numbers<[1], [0], [0], [1], [0, 0, 1, 1], [], []>, transpose_lhs_hint = false} : vector<1000x128xf32>, vector<128x128xf32>, vector<1000x128xf32> -> vector<1000x128xf32>
    %get3A_29 = arith.constant 0 : index
    %get3A_30 = vector.load %arg8[%get3A_29] : memref<128xf32, #tpu.memory_space<vmem>>, vector<128xf32>
    %broadcast_in_dim3A = vector.shape_cast %get3A_30 : vector<128xf32> to vector<1x128xf32>
    %add3A_31 = vector.broadcast %broadcast_in_dim3A : vector<1x128xf32> to vector<1000x128xf32>
    %add3A_32 = arith.addf %dot_general3A_28, %add3A_31 : vector<1000x128xf32>
    %get3A_33 = arith.constant 0 : index
    %get3A_34 = arith.constant 0 : index
    %get3A_35 = vector.load %arg9[%get3A_33, %get3A_34] : memref<128x128xf32, #tpu.memory_space<vmem>>, vector<128x128xf32>
    %dot_general3A_36 = arith.constant dense<0.000000e+00> : vector<1000x128xf32>
    %dot_general3A_37 = tpu.matmul %get3A_23, %get3A_35, %dot_general3A_36 {dimension_numbers = #tpu.dot_dimension_numbers<[1], [0], [0], [1], [0, 0, 1, 1], [], []>, transpose_lhs_hint = false} : vector<1000x128xf32>, vector<128x128xf32>, vector<1000x128xf32> -> vector<1000x128xf32>
    %add3A_38 = arith.addf %add3A_32, %dot_general3A_37 : vector<1000x128xf32>
    %get3A_39 = arith.constant 0 : index
    %get3A_40 = vector.load %arg10[%get3A_39] : memref<128xf32, #tpu.memory_space<vmem>>, vector<128xf32>
    %broadcast_in_dim3A_41 = vector.shape_cast %get3A_40 : vector<128xf32> to vector<1x128xf32>
    %add3A_42 = vector.broadcast %broadcast_in_dim3A_41 : vector<1x128xf32> to vector<1000x128xf32>
    %add3A_43 = arith.addf %add3A_38, %add3A_42 : vector<1000x128xf32>
    %neg3A = arith.constant 0.000000e+00 : f32
    %neg3A_44 = vector.broadcast %neg3A : f32 to vector<1000x128xf32>
    %neg3A_45 = arith.subf %neg3A_44, %add3A_43 : vector<1000x128xf32>
    %exp3A = math.exp %neg3A_45 : vector<1000x128xf32>
    %add3A_46 = arith.constant 1.000000e+00 : f32
    %add3A_47 = vector.broadcast %add3A_46 : f32 to vector<1000x128xf32>
    %add3A_48 = arith.addf %add3A_47, %exp3A : vector<1000x128xf32>
    %div3A_49 = arith.constant 1.000000e+00 : f32
    %div3A_50 = vector.broadcast %div3A_49 : f32 to vector<1000x128xf32>
    %div3A_51 = arith.divf %div3A_50, %add3A_48 : vector<1000x128xf32>
    %mul3A_52 = arith.mulf %mul3A, %div3A_51 : vector<1000x128xf32>
    %get3A_53 = arith.constant 0 : index
    %get3A_54 = arith.constant 0 : index
    %get3A_55 = vector.load %arg11[%get3A_53, %get3A_54] : memref<128x128xf32, #tpu.memory_space<vmem>>, vector<128x128xf32>
    %dot_general3A_56 = arith.constant dense<0.000000e+00> : vector<1000x128xf32>
    %dot_general3A_57 = tpu.matmul %mul3A_52, %get3A_55, %dot_general3A_56 {dimension_numbers = #tpu.dot_dimension_numbers<[1], [0], [0], [1], [0, 0, 1, 1], [], []>, transpose_lhs_hint = false} : vector<1000x128xf32>, vector<128x128xf32>, vector<1000x128xf32> -> vector<1000x128xf32>
    %get3A_58 = arith.constant 0 : index
    %get3A_59 = vector.load %arg12[%get3A_58] : memref<128xf32, #tpu.memory_space<vmem>>, vector<128xf32>
    %broadcast_in_dim3A_60 = vector.shape_cast %get3A_59 : vector<128xf32> to vector<1x128xf32>
    %add3A_61 = vector.broadcast %broadcast_in_dim3A_60 : vector<1x128xf32> to vector<1000x128xf32>
    %add3A_62 = arith.addf %dot_general3A_57, %add3A_61 : vector<1000x128xf32>
    %add3A_63 = arith.addf %get3A_23, %add3A_62 : vector<1000x128xf32>
    %get3A_64 = arith.constant 0 : index
    %get3A_65 = vector.load %arg13[%get3A_64] : memref<128xf32, #tpu.memory_space<vmem>>, vector<128xf32>
    %get3A_66 = arith.constant 0 : index
    %get3A_67 = vector.load %arg14[%get3A_66] : memref<128xf32, #tpu.memory_space<vmem>>, vector<128xf32>
    %reduce_sum3A = arith.constant dense<0.000000e+00> : vector<1000xf32>
    %reduce_sum3A_68 = vector.multi_reduction <add>, %add3A_63, %reduce_sum3A [1] : vector<1000x128xf32> to vector<1000xf32>
    %broadcast_in_dim3A_69 = vector.shape_cast %reduce_sum3A_68 : vector<1000xf32> to vector<1000x1xf32>
    %div3A_70 = arith.constant 1.280000e+02 : f32
    %div3A_71 = vector.broadcast %div3A_70 : f32 to vector<1000x1xf32>
    %div3A_72 = arith.divf %broadcast_in_dim3A_69, %div3A_71 : vector<1000x1xf32>
    %sub3A = vector.broadcast %div3A_72 : vector<1000x1xf32> to vector<1000x128xf32>
    %sub3A_73 = arith.subf %add3A_63, %sub3A : vector<1000x128xf32>
    %sub3A_74 = vector.broadcast %div3A_72 : vector<1000x1xf32> to vector<1000x128xf32>
    %sub3A_75 = arith.subf %add3A_63, %sub3A_74 : vector<1000x128xf32>
    %mul3A_76 = arith.mulf %sub3A_73, %sub3A_75 : vector<1000x128xf32>
    %reduce_sum3A_77 = arith.constant dense<0.000000e+00> : vector<1000xf32>
    %reduce_sum3A_78 = vector.multi_reduction <add>, %mul3A_76, %reduce_sum3A_77 [1] : vector<1000x128xf32> to vector<1000xf32>
    %broadcast_in_dim3A_79 = vector.shape_cast %reduce_sum3A_78 : vector<1000xf32> to vector<1000x1xf32>
    %div3A_80 = arith.constant 1.280000e+02 : f32
    %div3A_81 = vector.broadcast %div3A_80 : f32 to vector<1000x1xf32>
    %div3A_82 = arith.divf %broadcast_in_dim3A_79, %div3A_81 : vector<1000x1xf32>
    %sub3A_83 = vector.broadcast %div3A_72 : vector<1000x1xf32> to vector<1000x128xf32>
    %sub3A_84 = arith.subf %add3A_63, %sub3A_83 : vector<1000x128xf32>
    %add3A_85 = arith.constant 9.99999974E-6 : f32
    %add3A_86 = vector.broadcast %add3A_85 : f32 to vector<1000x1xf32>
    %add3A_87 = arith.addf %div3A_82, %add3A_86 : vector<1000x1xf32>
    %sqrt3A = math.sqrt %add3A_87 : vector<1000x1xf32>
    %div3A_88 = vector.broadcast %sqrt3A : vector<1000x1xf32> to vector<1000x128xf32>
    %div3A_89 = arith.divf %sub3A_84, %div3A_88 : vector<1000x128xf32>
    %broadcast_in_dim3A_90 = vector.shape_cast %get3A_65 : vector<128xf32> to vector<1x128xf32>
    %mul3A_91 = vector.broadcast %broadcast_in_dim3A_90 : vector<1x128xf32> to vector<1000x128xf32>
    %mul3A_92 = arith.mulf %div3A_89, %mul3A_91 : vector<1000x128xf32>
    %broadcast_in_dim3A_93 = vector.shape_cast %get3A_67 : vector<128xf32> to vector<1x128xf32>
    %add3A_94 = vector.broadcast %broadcast_in_dim3A_93 : vector<1x128xf32> to vector<1000x128xf32>
    %add3A_95 = arith.addf %mul3A_92, %add3A_94 : vector<1000x128xf32>
    %get3A_96 = arith.constant 0 : index
    %get3A_97 = arith.constant 0 : index
    %get3A_98 = vector.load %arg15[%get3A_96, %get3A_97] : memref<128x512xf32, #tpu.memory_space<vmem>>, vector<128x512xf32>
    %dot_general3A_99 = arith.constant dense<0.000000e+00> : vector<1000x512xf32>
    %dot_general3A_100 = tpu.matmul %add3A_95, %get3A_98, %dot_general3A_99 {dimension_numbers = #tpu.dot_dimension_numbers<[1], [0], [0], [1], [0, 0, 1, 1], [], []>, transpose_lhs_hint = false} : vector<1000x128xf32>, vector<128x512xf32>, vector<1000x512xf32> -> vector<1000x512xf32>
    %get3A_101 = arith.constant 0 : index
    %get3A_102 = vector.load %arg16[%get3A_101] : memref<512xf32, #tpu.memory_space<vmem>>, vector<512xf32>
    %broadcast_in_dim3A_103 = vector.shape_cast %get3A_102 : vector<512xf32> to vector<1x512xf32>
    %add3A_104 = vector.broadcast %broadcast_in_dim3A_103 : vector<1x512xf32> to vector<1000x512xf32>
    %add3A_105 = arith.addf %dot_general3A_100, %add3A_104 : vector<1000x512xf32>
    %max3A = arith.constant 0.000000e+00 : f32
    %max3A_106 = vector.broadcast %max3A : f32 to vector<1000x512xf32>
    %max3A_107 = arith.maximumf %add3A_105, %max3A_106 : vector<1000x512xf32>
    %get3A_108 = arith.constant 0 : index
    %get3A_109 = arith.constant 0 : index
    %get3A_110 = vector.load %arg17[%get3A_108, %get3A_109] : memref<512x128xf32, #tpu.memory_space<vmem>>, vector<512x128xf32>
    %dot_general3A_111 = arith.constant dense<0.000000e+00> : vector<1000x128xf32>
    %dot_general3A_112 = tpu.matmul %max3A_107, %get3A_110, %dot_general3A_111 {dimension_numbers = #tpu.dot_dimension_numbers<[1], [0], [0], [1], [0, 0, 1, 1], [], []>, transpose_lhs_hint = false} : vector<1000x512xf32>, vector<512x128xf32>, vector<1000x128xf32> -> vector<1000x128xf32>
    %get3A_113 = arith.constant 0 : index
    %get3A_114 = vector.load %arg18[%get3A_113] : memref<128xf32, #tpu.memory_space<vmem>>, vector<128xf32>
    %broadcast_in_dim3A_115 = vector.shape_cast %get3A_114 : vector<128xf32> to vector<1x128xf32>
    %add3A_116 = vector.broadcast %broadcast_in_dim3A_115 : vector<1x128xf32> to vector<1000x128xf32>
    %add3A_117 = arith.addf %dot_general3A_112, %add3A_116 : vector<1000x128xf32>
    %add3A_118 = arith.addf %add3A_63, %add3A_117 : vector<1000x128xf32>
    %swap3A = arith.constant 0 : index
    %swap3A_119 = arith.constant 0 : index
    %swap3A_120 = vector.load %arg19[%swap3A, %swap3A_119] : memref<1000x128xf32, #tpu.memory_space<vmem>>, vector<1000x128xf32>
    tpu.vector_store %arg19[%swap3A, %swap3A_119], %add3A_118 {strides = array<i32>} : memref<1000x128xf32, #tpu.memory_space<vmem>>, vector<1000x128xf32>,
    return
  }
  func.func @transform_0(%arg0: i32) -> (i32, i32) {
    %c0_i32 = arith.constant 0 : i32
    %c0_i32_0 = arith.constant 0 : i32
    return %arg0, %c0_i32 : i32, i32
  }
  func.func @transform_1(%arg0: i32) -> (i32, i32) {
    %c0_i32 = arith.constant 0 : i32
    %c0_i32_0 = arith.constant 0 : i32
    return %arg0, %c0_i32 : i32, i32
  }
  func.func @transform_2(%arg0: i32) -> (i32, i32) {
    %c0_i32 = arith.constant 0 : i32
    %c0_i32_0 = arith.constant 0 : i32
    return %arg0, %c0_i32 : i32, i32
  }
  func.func @transform_3(%arg0: i32) -> (i32, i32) {
    %c0_i32 = arith.constant 0 : i32
    %c0_i32_0 = arith.constant 0 : i32
    return %arg0, %c0_i32 : i32, i32
  }
  func.func @transform_4(%arg0: i32) -> (i32, i32) {
    %c0_i32 = arith.constant 0 : i32
    %c0_i32_0 = arith.constant 0 : i32
    return %arg0, %c0_i32 : i32, i32
  }
  func.func @transform_5(%arg0: i32) -> (i32, i32) {
    %c0_i32 = arith.constant 0 : i32
    %c0_i32_0 = arith.constant 0 : i32
    %c0_i32_1 = arith.constant 0 : i32
    return %c0_i32, %c0_i32_0 : i32, i32
  }
  func.func @transform_6(%arg0: i32) -> (i32, i32) {
    %c0_i32 = arith.constant 0 : i32
    %c0_i32_0 = arith.constant 0 : i32
    %c0_i32_1 = arith.constant 0 : i32
    return %c0_i32, %c0_i32_0 : i32, i32
  }
  func.func @transform_7(%arg0: i32) -> i32 {
    %c0_i32 = arith.constant 0 : i32
    %c0_i32_0 = arith.constant 0 : i32
    return %c0_i32 : i32
  }
  func.func @transform_8(%arg0: i32) -> (i32, i32) {
    %c0_i32 = arith.constant 0 : i32
    %c0_i32_0 = arith.constant 0 : i32
    %c0_i32_1 = arith.constant 0 : i32
    return %c0_i32, %c0_i32_0 : i32, i32
  }
  func.func @transform_9(%arg0: i32) -> i32 {
    %c0_i32 = arith.constant 0 : i32
    %c0_i32_0 = arith.constant 0 : i32
    return %c0_i32 : i32
  }
  func.func @transform_10(%arg0: i32) -> (i32, i32) {
    %c0_i32 = arith.constant 0 : i32
    %c0_i32_0 = arith.constant 0 : i32
    %c0_i32_1 = arith.constant 0 : i32
    return %c0_i32, %c0_i32_0 : i32, i32
  }
  func.func @transform_11(%arg0: i32) -> i32 {
    %c0_i32 = arith.constant 0 : i32
    %c0_i32_0 = arith.constant 0 : i32
    return %c0_i32 : i32
  }
  func.func @transform_12(%arg0: i32) -> i32 {
    %c0_i32 = arith.constant 0 : i32
    %c0_i32_0 = arith.constant 0 : i32
    return %c0_i32 : i32
  }
  func.func @transform_13(%arg0: i32) -> i32 {
    %c0_i32 = arith.constant 0 : i32
    %c0_i32_0 = arith.constant 0 : i32
    return %c0_i32 : i32
  }
  func.func @transform_14(%arg0: i32) -> (i32, i32) {
    %c0_i32 = arith.constant 0 : i32
    %c0_i32_0 = arith.constant 0 : i32
    %c0_i32_1 = arith.constant 0 : i32
    return %c0_i32, %c0_i32_0 : i32, i32
  }
  func.func @transform_15(%arg0: i32) -> i32 {
    %c0_i32 = arith.constant 0 : i32
    %c0_i32_0 = arith.constant 0 : i32
    return %c0_i32 : i32
  }
  func.func @transform_16(%arg0: i32) -> (i32, i32) {
    %c0_i32 = arith.constant 0 : i32
    %c0_i32_0 = arith.constant 0 : i32
    %c0_i32_1 = arith.constant 0 : i32
    return %c0_i32, %c0_i32_0 : i32, i32
  }
  func.func @transform_17(%arg0: i32) -> i32 {
    %c0_i32 = arith.constant 0 : i32
    %c0_i32_0 = arith.constant 0 : i32
    return %c0_i32 : i32
  }
  func.func @transform_18(%arg0: i32) -> (i32, i32) {
    %c0_i32 = arith.constant 0 : i32
    %c0_i32_0 = arith.constant 0 : i32
    return %arg0, %c0_i32 : i32, i32
  }
}

</mosaic_0001>

<sc_bundles>
// kernel: kernel.5.cloned.1.call-start
scs
__scs_entry_jumppad:
0x0: {  	(pc) =	sbr.rel $0x88, $3  }
0x1: {  	(tag) =	ssettag $0x0;
	lr =	simm.s32 $0x1  }
0x2: {  	[smem:$0x3F8A] =	sst lr;
	_ =	strace $0xD0000000  }
0x3: {  	_ = 	snop  }
0x4: {  	_ = 	snop  }
0x5: {  	_ = 	snop  }
0x6: {  	_ = 	snop  }
0x7: {  	_ = 	snop  }
__scs_overlays_trampoline_lowered:
0x8: {  	[smem:$0x3F99] =	sst s0  }
0x9: {  	[smem:$0x3F9A] =	sst s1  }
0xa: {  	[smem:$0x3F9B] =	sst s2  }
0xb: {  	[smem:$0x3F9C] =	sst s3  }
0xc: {  	[smem:$0x3F9D] =	sst s4  }
0xd: {  	[smem:$0x3F9E] =	sst s5  }
0xe: {  	[smem:$0x3F9F] =	sst s6  }
0xf: {  	[smem:$0x3FA0] =	sst s7  }
0x10: {  	[smem:$0x3FA1] =	sst s8  }
0x11: {  	[smem:$0x3FA2] =	sst s9;
	s0 =	simm.s32 @!p0 $0x0  }
0x12: {  	s1 =	sld [smem:$0x3F88];
	s0 =	simm.s32 @p0 $0x1  }
0x13: {  	[smem:$0x3FA3] =	sst s0;
	s0 =	simm.s32 @!p1 $0x0  }
0x14: {  	s2 =	sld [smem:$0x3F87];
	s0 =	simm.s32 @p1 $0x1  }
0x15: {  	[smem:$0x3FA4] =	sst s0;
	s0 =	simm.s32 @!p2 $0x0  }
0x16: {  	s3 =	sld [smem:$0x3FDB];
	s0 =	simm.s32 @p2 $0x1  }
0x17: {  	s4 =	simm.s32 $0x1BF5;
	[smem:$0x3FA6] =	sst s0  }
0x18: {  	s0 =	sld [smem:$0x3F89];
	_ =	swait.ge [sflag:s4], $0x0  }
0x19: {  	s7 =	sld [smem:$0x3F8A]  }
0x1a: {  	s8 =	sadd.s32 $0xFFFFE003, lr  }
0x1b: {  	s9 =	sadd.s32 $0xFFFFFEF7, lr;
	s5 =	simm.s32 $0xFFFFFFFF;
	p2 =	slt.u32 s8, $0xFFFFF086  }
0x1c: {  	p1 =	slt.u32 s9, $0xF7A;
	s5 =	simm.s32 @!p2 $0x0  }
0x1d: {  	s5 =	simm.s32 @p1 $0x1;
	p0 =	seq.s32 s7, s2  }
0x1e: {  	s7 =	smul.u32 @!p0 $0xF7A, s2;
	p2 =	seq.s32 @!p0 s5, $0x0  }
0x1f: {  	s9 =	smul.u32 $0xF7A, s1;
	s8 =	simm.s32 @!p0 $0x1BF5;
	p2 =	por !p2, p0  }
0x20: {  	[sflag:s8] =	ssyncset.s32 @!p0 $0xFFFFF086;
	s6 =	sadd.s32 @!p0 s3, s7;
	s7 =	simm.s32 @!p0 $0x108  }
0x21: {  	s3 =	sadd.s32 s3, s9;
	s6 =	sadd.s32 @!p0 $0x88, s6;
	s7 =	simm.s32 @p2 $0x1082  }
0x22: {  	[simem:s7], [sflag:s8] =	dma.local @!p0 [hbm:s6], $0xF7A  }
0x23: {  	s9 =	sor.u32 $0xD0000000, s2;
	s6 =	simm.s32 $0x108;
	_ =	swait.ge @!p0 [sflag:s8], $0x0  }
0x24: {  	s3 =	sadd.s32 $0x88, s3;
	s6 =	simm.s32 @!p1 $0x1082;
	[sflag:s4] =	ssyncset.s32 $0xFFFFF086  }
0x25: {  	[simem:s6], [sflag:s4] =	dma.local [hbm:s3], $0xF7A  }
0x26: {  	[smem:$0x3F8A] =	sst s1;
	(tag) =	ssettag s2;
	_ =	strace s9  }
0x27: {  	s1 =	sld [smem:$0x3F9A]  }
0x28: {  	s2 =	sld [smem:$0x3F9B]  }
0x29: {  	s4 =	sld [smem:$0x3F9D]  }
0x2a: {  	p0 =	seq.s32 s5, $0x0;
	s5 =	sld [smem:$0x3F9E]  }
0x2b: {  	s6 =	sld [smem:$0x3F9F]  }
0x2c: {  	s7 =	sld [smem:$0x3FA0]  }
0x2d: {  	s3 =	simm.s32 $0x108;
	s8 =	sld [smem:$0x3FA1]  }
0x2e: {  	s3 =	simm.s32 @!p0 $0x1082;
	s9 =	sld [smem:$0x3FA2]  }
0x2f: {  	lr =	sadd.s32 s0, s3;
	s0 =	sld [smem:$0x3F99]  }
0x30: {  	s3 =	sld [smem:$0x3F9C]  }
0x31: {  	[smem:$0x3FA5] =	sst s10  }
0x32: {  	s10 =	sld [smem:$0x3FA3];
	_ =	sdelay $0x3  }
0x33: {  	p0 =	seq.s32 s10, $0x1;
	s10 =	sld [smem:$0x3FA5];
	_ =	sdelay $0x3  }
0x34: {  	[smem:$0x3FA5] =	sst s10  }
0x35: {  	s10 =	sld [smem:$0x3FA4];
	_ =	sdelay $0x3  }
0x36: {  	p1 =	seq.s32 s10, $0x1;
	s10 =	sld [smem:$0x3FA5];
	_ =	sdelay $0x3  }
0x37: {  	[smem:$0x3FA5] =	sst s10  }
0x38: {  	s10 =	sld [smem:$0x3FA6]  }
0x39: {  	_ = 	snop;
	(pc) =	sbr.ind lr, $3  }
0x3a: {  	_ = 	snop  }
0x3b: {  	_ = 	snop  }
0x3c: {  	p2 =	seq.s32 s10, $0x1;
	s10 =	sld [smem:$0x3FA5]  }
0x3d: {  	_ =	shalt  }
0x3e: {  	_ =	shalt  }
0x3f: {  	_ =	shalt  }
0x40: {  	_ =	shalt  }
0x41: {  	_ =	shalt  }
0x42: {  	_ =	shalt  }
0x43: {  	_ =	shalt  }
0x44: {  	_ =	shalt  }
0x45: {  	_ =	shalt  }
0x46: {  	_ =	shalt  }
0x47: {  	_ =	shalt  }
0x48: {  	_ =	shalt  }
0x49: {  	_ =	shalt  }
0x4a: {  	_ =	shalt  }
0x4b: {  	_ =	shalt  }
0x4c: {  	_ =	shalt  }
0x4d: {  	_ =	shalt  }
0x4e: {  	_ =	shalt  }
0x4f: {  	_ =	shalt  }
0x50: {  	_ =	shalt  }
0x51: {  	_ =	shalt  }
0x52: {  	_ =	shalt  }
0x53: {  	_ =	shalt  }
0x54: {  	_ =	shalt  }
0x55: {  	_ =	shalt  }
0x56: {  	_ =	shalt  }
0x57: {  	_ =	shalt  }
0x58: {  	_ =	shalt  }
0x59: {  	_ =	shalt  }
0x5a: {  	_ =	shalt  }
0x5b: {  	_ =	shalt  }
0x5c: {  	_ =	shalt  }
0x5d: {  	_ =	shalt  }
0x5e: {  	_ =	shalt  }
0x5f: {  	_ =	shalt  }
0x60: {  	_ =	shalt  }
0x61: {  	_ =	shalt  }
0x62: {  	_ =	shalt  }
0x63: {  	_ =	shalt  }
0x64: {  	_ =	shalt  }
0x65: {  	_ =	shalt  }
0x66: {  	_ =	shalt  }
0x67: {  	_ =	shalt  }
0x68: {  	_ =	shalt  }
0x69: {  	_ =	shalt  }
0x6a: {  	_ =	shalt  }
0x6b: {  	_ =	shalt  }
0x6c: {  	_ =	shalt  }
0x6d: {  	_ =	shalt  }
0x6e: {  	_ =	shalt  }
0x6f: {  	_ =	shalt  }
0x70: {  	_ =	shalt  }
0x71: {  	_ =	shalt  }
0x72: {  	_ =	shalt  }
0x73: {  	_ =	shalt  }
0x74: {  	_ =	shalt  }
0x75: {  	_ =	shalt  }
0x76: {  	_ =	shalt  }
0x77: {  	_ =	shalt  }
0x78: {  	_ =	shalt  }
0x79: {  	_ =	shalt  }
0x7a: {  	_ =	shalt  }
0x7b: {  	_ =	shalt  }
0x7c: {  	_ =	shalt  }
0x7d: {  	_ =	shalt  }
0x7e: {  	_ =	shalt  }
0x7f: {  	_ =	shalt  }
0x80: {  	_ =	shalt  }
0x81: {  	_ =	shalt  }
0x82: {  	_ =	shalt  }
0x83: {  	_ =	shalt  }
0x84: {  	_ =	shalt  }
0x85: {  	_ =	shalt  }
0x86: {  	_ =	shalt  }
0x87: {  	_ =	shalt  }
.Lfunc_end0:
.L_simem_size_0:
called_computation_lowered:
.L_overlay_start_0:
0x88: {  	s2 =	sld [smem:$0x3FD9]  }
0x89: {  	s3 =	sld [smem:$0x3FFE];
	_ =	sdelay $0x1  }
0x8a: {  	s1 =	srdreg.scid  }
0x8b: {  	s0 =	sand.u32 $0x1, s1  }
0x8c: {  	s17 =	sshll.u32 s0, $0xA;
	s2 =	sadd.s32 s3, s2  }
0x8d: {  	s2 =	sadd.s32 s2, s17  }
0x8e: {  	[smem:$0x3FB1] =	sst s2  }
0x8f: {  	_ = 	snop  }
0x90: {  	s2 =	sld [smem:$0x3FD0];
	(tm) =	ssettm $0x1  }
0x91: {  	s18 =	sld [smem:$0x3FFB];
	_ =	sdelay $0x3  }
0x92: {  	_ =	strace s18  }
0x93: {  	s3 =	sld [smem:$0x3FFC];
	_ =	sdelay $0x3  }
0x94: {  	_ =	strace s3  }
0x95: {  	s3 =	sld [smem:$0x3FFD];
	_ =	sdelay $0x3  }
0x96: {  	_ =	strace s3  }
0x97: {  	_ =	strace $0x8FFFFFFF  }
0x98: {  	s19 =	sld [smem:$0x3FDB];
	_ =	sdelay $0x1  }
0x99: {  	s4 =	simm.s32 $_scs_section_size  }
0x9a: {  	s5 =	simm.s32 $_size__tile_overlayer_lowered;
	s6 =	simm.s32 $_tile_overlayer_lowered  }
0x9b: {  	s22 =	simm.s32 $0x1BFF;
	s21 =	sshll.u32 s6, $0x1;
	s3 =	sadd.s32 s4, s19  }
0x9c: {  	s7 =	simm.s32 $0x0;
	s20 =	sshll.u32 s5, $0x1;
	s5 =	sadd.s32 s21, s3  }
0x9d: {  	[timem:s7], [sflag:s22] =	dma.local [hbm:s5], s20  }
0x9e: {  	_ =	swait.ge [sflag:s22], s20  }
0x9f: {  	s4 =	ssub.s32 $0x0, s20;
	[sflag:s22] =	ssyncset.done $0x0  }
0xa0: {  	[sflag:s22] =	ssyncadd.s32 s4;
	_ =	sdelay $0x1  }
0xa1: {  	s23 =	simm.s32 $0x1B8B  }
0xa2: {  	_ =	swait.ge [sflag:s23], $0x1  }
0xa3: {  	[sflag:s23] =	ssyncset.done $0x0  }
0xa4: {  	s25 =	simm.s32 $0x1B8E;
	s24 =	sld [smem:$0x3FFE];
	[sflag:s23] =	ssyncadd.s32 $0xFFFFFFFF  }
0xa5: {  	s26 =	simm.s32 $execute0_lowered;
	[smem:$0x3FD2] =	sst s25  }
0xa6: {  	s5 =	sshll.u32 s26, $0x1;
	_ =	strace $0x80000046;
	[dreg:$0x1] =	wrdreg $0xFFFFFFFF  }
0xa7: {  	s28 =	simm.s32 $_size_execute0_lowered;
	s3 =	sadd.s32 s3, s5;
	[dreg:$0x0] =	wrdreg $0x0  }
0xa8: {  	s5 =	sshll.u32 s28, $0x1;
	[dreg:$0x2] =	wrdreg s3  }
0xa9: {  	[dreg:$0x3] =	wrdreg s5  }
0xaa: {  	[dreg:$0x4] =	wrdreg $0xC0  }
0xab: {  	_ =	task [dreg:s7], $0x5FFFF  }
0xac: {  	[dreg:$0x1] =	wrdreg $0xFFFFFFFF  }
0xad: {  	[dreg:$0x0] =	wrdreg $0x60  }
0xae: {  	[dreg:$0x2] =	wrdreg s24  }
0xaf: {  	[dreg:$0x3] =	wrdreg s2  }
0xb0: {  	[dreg:$0x4] =	wrdreg $0x9A800  }
0xb1: {  	[dreg:$0x5] =	wrdreg $0x1D4000  }
0xb2: {  	[dreg:$0x6] =	wrdreg $0x9  }
0xb3: {  	_ =	task.clear_ibuf [dreg:s7], $0x7FFFF;
	_ =	strace $0x90000046  }
0xb4: {  	s29 =	simm.s32 $0x9;
	_ =	strace $0x80000048  }
0xb5: {  	_ =	swait.ge [sflag:s29], $0x1  }
0xb6: {  	[sflag:s29] =	ssyncadd.s32 $0xFFFFFFFF  }
0xb7: {  	_ =	strace $0x90000048  }
0xb8: {  	_ =	sfence  }
0xb9: {  	s30 =	sld [smem:$0x0];
	_ =	sdelay $0x2  }
0xba: {  	s31 =	sshll.u32 s1, $0xD;
	s1 =	sshrl.u32 s1, $0x2  }
0xbb: {  	s3 =	sand.u32 $0x4000, s31;
	s1 =	sadd.s32 s1, s30  }
0xbc: {  	s0 =	sor.u32 s3, s0;
	s1 =	sshll.u32 s1, $0x11  }
0xbd: {  	s0 =	sor.u32 s1, s0  }
0xbe: {  	s0 =	sadd.s32 $0x8F2B, s0  }
0xbf: {  	[sflag:s0] =	ssyncadd.remote.s32 $0x1  }
0xc0: {  	_ =	sfence.sel $0xFFFF  }
0xc1: {  	[dreg:$0x0] =	wrdreg $0xFFFFFFFF;
	(pc) =	sbr.abs _section_cstart, $3  }
0xc2: {  	[dreg:$0x1] =	wrdreg $0xFFFFFFFF  }
0xc3: {  	_ =	task.clear_ibuf [dreg:s7], $0x2FFFF;
	_ =	strace $0x9FFFFFFF  }
0xc4: {  	(tm) =	ssettm $0x7FFFFFFF  }
0xc5: {  	_ =	shalt  }
tec
execute0_lowered:
.L_overlay_start_1:
0x0: {  	(tag) =	ssettag $0x1  }
0x1: {  	s0 =	rddreg [dreg:$0x0]  }
0x2: {  	s11 =	rddreg [dreg:$0x1]  }
0x3: {  	s30 =	rddreg [dreg:$0x2]  }
0x4: {  	s2 =	rddreg [dreg:$0x3]  }
0x5: {  	s4 =	simm.s32 $0x0;
	s12 =	srdreg.scid;
	s31 =	simm.s32 $0x7  }
0x6: {  	s28 =	simm.s32 $0x9280;
	[smem:$0x7FF] =	sst s4;
	s1 =	sadd.s32 $0x17A00, s0  }
0x7: {  	s3 =	sadd.s32 $0x3EC00, s0;
	s5 =	sadd.s32 $0x3E00, s0;
	s9 =	sand.u32 $0x1, s12  }
0x8: {  	_ =	strace $0x80000047;
	[dreg:$0x5] =	wrdreg s1;
	s1 =	stileid.u32  }
0x9: {  	s8 =	sadd.s32 $0x65E00, s0;
	[dreg:$0x6] =	wrdreg s3;
	s21 =	smul.u32 $0x28000, s9  }
0xa: {  	s7 =	sadd.s32 $0xDC00, s0;
	[dreg:$0x8] =	wrdreg s8;
	s3 =	smul.u32 $0xE, s1  }
0xb: {  	s0 =	ssub.s32 $0x2, s9;
	[dreg:$0x7] =	wrdreg s5;
	s10 =	smul.u32 $0x54000, s1  }
0xc: {  	[smem:$0x7F6] =	sst s7;
	s13 =	sshrl.u32 s0, $0x1;
	s19 =	smul.u32 $0x2800, s1  }
0xd: {  	p1 =	seq.s32 s1, $0xF;
	p3 =	sgt.u32 s1, $0xD;
	s0 =	ssub.s32 s0, s13  }
0xe: {  	s16 =	sor.u32 $0x1, s3;
	s6 =	sadd.s32 $0x2, s3;
	s14 =	sshrl.u32 s10, $0x2  }
0xf: {  	s18 =	sadd.s32 $0x12000, s10;
	s20 =	sadd.s32 $0x18000, s10;
	s25 =	sadd.s32 s19, s21  }
0x10: {  	s29 =	sadd.s32 $0x1E000, s10;
	s0 =	smax.u32 s0, $0x1;
	s12 =	smul.u32 $0x6000, s16  }
0x11: {  	[dreg:$0xa] =	wrdreg s6;
	s15 =	smul.u32 $0x6000, s6;
	s13 =	sadd.s32 s14, s30  }
0x12: {  	p0 =	slt.u32 s16, $0xD1;
	s23 =	sshrl.u32 s20, $0x2;
	[smem:$0x7FB] =	sst s0  }
0x13: {  	[dreg:$0x9] =	wrdreg s16;
	p2 =	sgt.u32 s16, $0xD0;
	s16 =	simm.s32 $0x7A80  }
0x14: {  	[dreg:$0xb] =	wrdreg s13;
	s6 =	simm.s32 @!p0 $0x0;
	s24 =	sadd.s32 s23, s30  }
0x15: {  	s12 =	sshrl.u32 s12, $0x2;
	s6 =	simm.s32 @p0 $0x1;
	[dreg:$0xf] =	wrdreg s24  }
0x16: {  	s15 =	sshrl.u32 s15, $0x2;
	[smem:$0x7ED] =	sst s6;
	s14 =	sadd.s32 s12, s30  }
0x17: {  	s24 =	sadd.s32 $0x30000, s10;
	s17 =	sadd.s32 s15, s30;
	[dreg:$0xc] =	wrdreg s14  }
0x18: {  	s12 =	sshrl.u32 s18, $0x2;
	s18 =	sshrl.u32 s29, $0x2;
	[dreg:$0xd] =	wrdreg s17  }
0x19: {  	s22 =	sadd.s32 s12, s30;
	s14 =	sadd.s32 $0x1800, s19;
	s12 =	sshrl.u32 s25, $0x3  }
0x1a: {  	s19 =	sadd.s32 $0x2A000, s10;
	s20 =	sadd.s32 s18, s30;
	[dreg:$0xe] =	wrdreg s22  }
0x1b: {  	s26 =	sadd.s32 s21, s14;
	s12 =	sadd.s32 s11, s12;
	[dreg:$0x12] =	wrdreg s20  }
0x1c: {  	s22 =	sshrl.u32 s19, $0x2;
	s14 =	sadd.s32 s14, s2;
	[dreg:$0x10] =	wrdreg s12  }
0x1d: {  	s25 =	sadd.s32 $0x36000, s10;
	s23 =	sadd.s32 s22, s30;
	[smem:$0x7FD] =	sst s14  }
0x1e: {  	s13 =	sshrl.u32 s26, $0x3;
	s22 =	sadd.s32 $0x3, s3;
	[dreg:$0x14] =	wrdreg s23  }
0x1f: {  	s12 =	sshrl.u32 s25, $0x2;
	s25 =	sadd.s32 $0x6, s3;
	[dreg:$0x1a] =	wrdreg s22  }
0x20: {  	s17 =	sadd.s32 $0x24000, s10;
	s13 =	sadd.s32 s11, s13;
	[dreg:$0x1d] =	wrdreg s25  }
0x21: {  	s11 =	sshrl.u32 s17, $0x2;
	s23 =	sadd.s32 $0x4, s3;
	[dreg:$0x11] =	wrdreg s13  }
0x22: {  	s15 =	sadd.s32 $0x42000, s10;
	s21 =	sadd.s32 s11, s30;
	[dreg:$0x1b] =	wrdreg s23  }
0x23: {  	s11 =	sshrl.u32 s24, $0x2;
	s24 =	sadd.s32 $0x5, s3;
	[dreg:$0x13] =	wrdreg s21  }
0x24: {  	s6 =	simm.s32 $0x0;
	s29 =	sadd.s32 s11, s30;
	[dreg:$0x1c] =	wrdreg s24  }
0x25: {  	s26 =	sadd.s32 $0x3C000, s10;
	s11 =	sadd.s32 s12, s30;
	[dreg:$0x15] =	wrdreg s29  }
0x26: {  	s12 =	sshrl.u32 s26, $0x2;
	s26 =	sadd.s32 $0x7, s3;
	[dreg:$0x16] =	wrdreg s11  }
0x27: {  	s18 =	sshll.u32 s1, $0x1;
	s13 =	sadd.s32 s12, s30;
	[dreg:$0x1e] =	wrdreg s26  }
0x28: {  	s17 =	sadd.s32 $0x48000, s10;
	s29 =	sadd.s32 $0x8, s3;
	[dreg:$0x17] =	wrdreg s13  }
0x29: {  	s11 =	sshrl.u32 s15, $0x2;
	s15 =	sadd.s32 $0xB, s3;
	[dreg:$0x1f] =	wrdreg s29  }
0x2a: {  	s12 =	sshrl.u32 s17, $0x2;
	s17 =	sadd.s32 $0xC, s3;
	[smem:$0x7F0] =	sst s15  }
0x2b: {  	s22 =	smul.u32 $0x15000, s1;
	s19 =	sadd.s32 s11, s30;
	[smem:$0x7F1] =	sst s17  }
0x2c: {  	s21 =	sor.u32 s9, s18;
	s20 =	sadd.s32 s12, s30;
	[dreg:$0x18] =	wrdreg s19  }
0x2d: {  	s18 =	smul.u32 $0xA000, s1;
	s12 =	sadd.s32 $0x9, s3;
	[dreg:$0x19] =	wrdreg s20  }
0x2e: {  	s11 =	smul.u32 $0x2760, s21;
	s13 =	sadd.s32 $0xA, s3;
	[smem:$0x7EE] =	sst s12  }
0x2f: {  	s3 =	sadd.s32 $0xD, s3;
	s21 =	sshrl.u32 s18, $0x2;
	[smem:$0x7EF] =	sst s13  }
0x30: {  	s15 =	simm.s32 $0x2;
	s17 =	simm.s32 $0x4;
	[smem:$0x7F2] =	sst s3  }
0x31: {  	s19 =	sadd.s32 $0x4E000, s10;
	s20 =	smul.u32 $0x139800, s9;
	s13 =	sadd.s32 s21, s2  }
0x32: {  	s10 =	simm.s32 $0x3;
	s3 =	sshrl.u32 s19, $0x2;
	[smem:$0x7FC] =	sst s13  }
0x33: {  	s23 =	sshrl.u32 s11, $0x3;
	s26 =	sadd.s32 $0x30, s11;
	[smem:$0x7F3] =	sst s20  }
0x34: {  	s29 =	sadd.s32 $0x60, s11;
	s11 =	simm.s32 $0x4A80;
	[smem:$0x7F8] =	sst s26  }
.Ltmp0:
0x35: {  	s3 =	sadd.s32 s3, s30;
	[smem:$0x7F9] =	sst s29;
	(pc) =	sbr.rel .LBB2_1-.Ltmp0, $4  }
0x36: {  	v0 =	vimm.f32 $0.0e+00;
	vm0 =	vcmask $0x3F3C;
	v1 =	vimm.s32 $0x0;
	s24 =	sadd.s32 s22, s20;
	s5 =	sadd.s32 s5, s23;
	[smem:$0x7F4] =	sst s3  }
0x37: {  	v2 =	vimm.s32 $0x1;
	v3 =	vimm.s32 $0x2;
	v4 =	vimm.s32 $0x3;
	[smem:$0x7F5] =	sst s5;
	s3 =	sadd.s32 s7, s23;
	s25 =	sshrl.u32 s24, $0x3  }
0x38: {  	v5 =	vimm.s32 $0x4;
	v6 =	vimm.s32 $0x5;
	vm1 =	vcmask $0x1F00;
	s24 =	simm.s32 $0x10;
	[smem:$0x7F7] =	sst s3;
	s3 =	sadd.s32 s8, s25  }
0x39: {  	v7 =	vimm.s32 $0x6;
	v8 =	vimm.s32 $0x7;
	v9 =	vsel vm1, $0x3F800000, v0;
	s25 =	simm.s32 $0x200;
	[smem:$0x7FA] =	sst s3;
	s3 =	simm.s32 $0x30  }
.LBB2_20:
0x3a: {  	s7 =	sld [smem:$0x7EB];
	_ =	sdelay $0x2  }
0x3b: {  	s0 =	smul.u32 @p4 $0x6000, s7;
	_ =	sdelay $0x1  }
0x3c: {  	s0 =	sshrl.u32 @p4 s0, $0x2  }
0x3d: {  	s1 =	simm.s32 @p4 $0x4A80;
	s0 =	sadd.s32 @p4 s0, s30  }
0x3e: {  	[tilespmem:s1], [sflag:$0x7] =	stream.linear.gather @p4 [spmem:s0], $0x1800, $0x38;
	[tilespmem:$0x1FC00] =	vst v63  }
0x3f: {  	s0 =	smul.u32 @p4 $0x1800, s7  }
0x40: {  	s7 =	simm.s32 @p4 $0x7  }
0x41: {  	_ =	swait.ge @p4 [sflag:s7], $0x1800;
	s0 =	sadd.s32 @p4 s9, s0  }
0x42: {  	[sflag:s7] =	ssyncset.done @p4 $0x0;
	s0 =	sshrl.u32 @p4 s0, $0x3  }
0x43: {  	s8 =	simm.s32 @p4 $0x0;
	[sflag:s7] =	ssyncadd.s32 @p4 $0xFFFFE800;
	s0 =	sadd.s32 @p4 s5, s0  }
0x44: {  	[hbm4b:s0+s8] =	stream.linear.scatter @p4 [tilespmem:s1], [sflag:$0x7], $0x1800, $0x38;
	[tilespmem:$0x1FC00] =	vst v63  }
0x45: {  	_ =	swait.ge @p4 [sflag:s7], $0x1800  }
0x46: {  	s13 =	sld [smem:$0x7FC]  }
0x47: {  	[sflag:s7] =	ssyncset.done @p4 $0x0  }
0x48: {  	s22 =	simm.s32 $0x6280;
	[sflag:s7] =	ssyncadd.s32 @p4 $0xFFFFE800  }
0x49: {  	[tilespmem:s22], [sflag:$0x7] =	stream.linear.gather [spmem:s13], $0x1800, $0x38;
	[tilespmem:$0x1FC00] =	vst v63  }
0x4a: {  	_ =	swait.ge [sflag:s31], $0x1800  }
0x4b: {  	[sflag:s31] =	ssyncset.done $0x0  }
0x4c: {  	s23 =	rddreg [dreg:$0x10];
	[sflag:s31] =	ssyncadd.s32 $0xFFFFE800  }
0x4d: {  	[hbm4b:s23+s4] =	stream.linear.scatter [tilespmem:s22], [sflag:$0x7], $0x1800, $0x38;
	[tilespmem:$0x1FC00] =	vst v63  }
0x4e: {  	_ =	swait.ge [sflag:s31], $0x1800  }
0x4f: {  	s14 =	sld [smem:$0x7FD]  }
0x50: {  	[sflag:s31] =	ssyncset.done $0x0  }
0x51: {  	[sflag:s31] =	ssyncadd.s32 $0xFFFFE800  }
0x52: {  	[tilespmem:s22], [sflag:$0x7] =	stream.linear.gather [spmem:s14], $0x1000, $0x38;
	[tilespmem:$0x1FC00] =	vst v63  }
0x53: {  	_ =	swait.ge [sflag:s31], $0x1000  }
0x54: {  	[sflag:s31] =	ssyncset.done $0x0  }
0x55: {  	s26 =	rddreg [dreg:$0x11];
	[sflag:s31] =	ssyncadd.s32 $0xFFFFF000  }
0x56: {  	[hbm4b:s26+s4] =	stream.linear.scatter [tilespmem:s22], [sflag:$0x7], $0x1000, $0x38;
	[tilespmem:$0x1FC00] =	vst v63  }
0x57: {  	_ =	swait.ge [sflag:s31], $0x1000  }
0x58: {  	s29 =	sld [smem:$0x7FB];
	_ =	sdelay $0x1  }
0x59: {  	s6 =	sadd.s32 $0x1, s6  }
0x5a: {  	p0 =	sne.s32 s6, s29  }
.Ltmp1:
0x5b: {  	_ = 	snop;
	(pc) =	sbr.rel @!p0 .LBB2_21-.Ltmp1, $3  }
0x5c: {  	_ =	sdelay $0x1  }
0x5d: {  	[sflag:s31] =	ssyncset.done $0x0  }
0x5e: {  	[sflag:s31] =	ssyncadd.s32 $0xFFFFF000  }
.LBB2_1:
0x5f: {  	s9 =	simm.s32 $0x0;
	s12 =	simm.s32 $0x200  }
.LBB2_2:
0x60: {  	p0 =	sne.s32 s12, $0x5E00;
	[tilespmem:s9+$0x7A80] =	vst v0  }
0x61: {  	[tilespmem:s9+$0x4A80] =	vst v0  }
0x62: {  	[tilespmem:s9+$0x4A90] =	vst v0  }
0x63: {  	[tilespmem:s9+$0x4AA0] =	vst v0  }
.Ltmp2:
0x64: {  	[tilespmem:s9+$0x4AB0] =	vst v0;
	(pc) =	sbr.rel @p0 .LBB2_2-.Ltmp2, $4  }
0x65: {  	[tilespmem:s9+$0x4AC0] =	vst v0  }
0x66: {  	[tilespmem:s9+$0x4AD0] =	vst v0  }
0x67: {  	[tilespmem:s9+$0x4AE0] =	vst v0  }
0x68: {  	[tilespmem:s9+$0x4AF0] =	vst v0;
	s9 =	sshra.s32 s12, $0x2;
	s12 =	sadd.s32 $0x200, s12  }
0x69: {  	[tilespmem:s9+$0x7A80] =	vst v0  }
0x6a: {  	[tilespmem:s9+$0x4A80] =	vst v0  }
0x6b: {  	[tilespmem:s9+$0x4A90] =	vst v0  }
0x6c: {  	[tilespmem:s9+$0x4AA0] =	vst v0  }
0x6d: {  	[tilespmem:s9+$0x4AB0] =	vst v0  }
0x6e: {  	[tilespmem:s9+$0x4AC0] =	vst v0  }
0x6f: {  	[tilespmem:s9+$0x4AD0] =	vst v0  }
0x70: {  	[tilespmem:s9+$0x4AE0] =	vst v0  }
0x71: {  	[tilespmem:s9+$0x4AF0] =	vst v0;
	s9 =	simm.s32 $0x0;
	s12 =	simm.s32 $0x200  }
.LBB2_4:
0x72: {  	p0 =	sne.s32 s12, $0x1E00;
	[tilespmem:s9+$0x92F0] =	vst v0  }
0x73: {  	[tilespmem:s9+$0x9280] =	vst v0  }
0x74: {  	[tilespmem:s9+$0x9290] =	vst v0  }
.Ltmp3:
0x75: {  	[tilespmem:s9+$0x92A0] =	vst v0;
	(pc) =	sbr.rel @p0 .LBB2_4-.Ltmp3, $4  }
0x76: {  	[tilespmem:s9+$0x92B0] =	vst v0  }
0x77: {  	[tilespmem:s9+$0x92C0] =	vst v0  }
0x78: {  	[tilespmem:s9+$0x92D0] =	vst v0  }
0x79: {  	[tilespmem:s9+$0x92E0] =	vst v0;
	s9 =	sshra.s32 s12, $0x2;
	s12 =	sadd.s32 $0x200, s12  }
0x7a: {  	[tilespmem:s9+$0x92F0] =	vst v0  }
0x7b: {  	[tilespmem:s9+$0x9280] =	vst v0  }
0x7c: {  	[tilespmem:s9+$0x9290] =	vst v0  }
.Ltmp4:
0x7d: {  	[tilespmem:s9+$0x92A0] =	vst v0;
	(pc) =	sbr.rel @!p1 .LBB2_7-.Ltmp4, $4  }
0x7e: {  	[tilespmem:s9+$0x92B0] =	vst v0  }
0x7f: {  	[tilespmem:s9+$0x92C0] =	vst v0  }
0x80: {  	[tilespmem:s9+$0x92D0] =	vst v0  }
0x81: {  	[tilespmem:s9+$0x92E0] =	vst v0;
	[smem:$0x7EC] =	sst s6  }
0x82: {  	s0 =	simm.s32 $0xDE  }
0x83: {  	s7 =	simm.s32 $0xDC;
	[smem:$0x7DF] =	sst s0  }
0x84: {  	s8 =	simm.s32 $0xDA;
	[smem:$0x7E0] =	sst s7  }
0x85: {  	s9 =	simm.s32 $0xD8;
	[smem:$0x7E1] =	sst s8  }
0x86: {  	s12 =	simm.s32 $0xD6;
	[smem:$0x7E2] =	sst s9  }
0x87: {  	s18 =	simm.s32 $0xD4;
	[smem:$0x7E3] =	sst s12  }
0x88: {  	s19 =	simm.s32 $0xD3;
	[smem:$0x7E4] =	sst s18  }
0x89: {  	s20 =	simm.s32 $0xD5;
	[smem:$0x7E5] =	sst s19  }
0x8a: {  	s21 =	simm.s32 $0xD7;
	[smem:$0x7E6] =	sst s20  }
.Ltmp5:
0x8b: {  	s22 =	simm.s32 $0xD9;
	[smem:$0x7E7] =	sst s21;
	(pc) =	sbr.rel .LBB2_8-.Ltmp5, $4  }
0x8c: {  	s23 =	simm.s32 $0xDB;
	[smem:$0x7E8] =	sst s22  }
0x8d: {  	s26 =	simm.s32 $0xDD;
	[smem:$0x7E9] =	sst s23  }
0x8e: {  	s29 =	simm.s32 $0xDF;
	[smem:$0x7EA] =	sst s26  }
0x8f: {  	p4 =	por $0x0, $0x0;
	p5 =	por $0x0, $0x0;
	[smem:$0x7EB] =	sst s29  }
.LBB2_7:
0x90: {  	s0 =	rddreg [dreg:$0xb]  }
0x91: {  	[spmem:s0] =	stream.linear.scatter [tilespmem:s11], [sflag:$0x7], $0x1800, $0x38;
	[tilespmem:$0x1FC00] =	vst v63  }
0x92: {  	_ =	swait.ge [sflag:s31], $0x1800  }
0x93: {  	[sflag:s31] =	ssyncset.done $0x0  }
0x94: {  	s9 =	simm.s32 @!p2 $0x4A80;
	s0 =	rddreg [dreg:$0xc];
	[sflag:s31] =	ssyncadd.s32 $0xFFFFE800  }
0x95: {  	[spmem:s0] =	stream.linear.scatter @!p2 [tilespmem:s9], [sflag:$0x7], $0x1800, $0x38;
	[tilespmem:$0x1FC00] =	vst v63  }
0x96: {  	s9 =	simm.s32 @!p2 $0x7  }
0x97: {  	_ =	swait.ge @!p2 [sflag:s9], $0x1800  }
0x98: {  	[sflag:s9] =	ssyncset.done @!p2 $0x0  }
0x99: {  	[sflag:s9] =	ssyncadd.s32 @!p2 $0xFFFFE800;
	s9 =	rddreg [dreg:$0xd]  }
0x9a: {  	[spmem:s9] =	stream.linear.scatter [tilespmem:s11], [sflag:$0x7], $0x1800, $0x38;
	[tilespmem:$0x1FC00] =	vst v63  }
0x9b: {  	_ =	swait.ge [sflag:s31], $0x1800  }
0x9c: {  	[sflag:s31] =	ssyncset.done $0x0  }
0x9d: {  	s12 =	rddreg [dreg:$0xe];
	[sflag:s31] =	ssyncadd.s32 $0xFFFFE800  }
0x9e: {  	[spmem:s12] =	stream.linear.scatter [tilespmem:s11], [sflag:$0x7], $0x1800, $0x38;
	[tilespmem:$0x1FC00] =	vst v63  }
0x9f: {  	_ =	swait.ge [sflag:s31], $0x1800  }
0xa0: {  	[sflag:s31] =	ssyncset.done $0x0  }
0xa1: {  	s18 =	rddreg [dreg:$0xf];
	[sflag:s31] =	ssyncadd.s32 $0xFFFFE800  }
0xa2: {  	[spmem:s18] =	stream.linear.scatter [tilespmem:s11], [sflag:$0x7], $0x1800, $0x38;
	[tilespmem:$0x1FC00] =	vst v63  }
0xa3: {  	_ =	swait.ge [sflag:s31], $0x1800  }
0xa4: {  	[sflag:s31] =	ssyncset.done $0x0  }
0xa5: {  	s19 =	rddreg [dreg:$0x12];
	[sflag:s31] =	ssyncadd.s32 $0xFFFFE800  }
0xa6: {  	[spmem:s19] =	stream.linear.scatter [tilespmem:s11], [sflag:$0x7], $0x1800, $0x38;
	[tilespmem:$0x1FC00] =	vst v63  }
0xa7: {  	_ =	swait.ge [sflag:s31], $0x1800  }
0xa8: {  	[sflag:s31] =	ssyncset.done $0x0  }
0xa9: {  	s20 =	rddreg [dreg:$0x13];
	[sflag:s31] =	ssyncadd.s32 $0xFFFFE800  }
0xaa: {  	[spmem:s20] =	stream.linear.scatter [tilespmem:s11], [sflag:$0x7], $0x1800, $0x38;
	[tilespmem:$0x1FC00] =	vst v63  }
0xab: {  	_ =	swait.ge [sflag:s31], $0x1800  }
0xac: {  	[sflag:s31] =	ssyncset.done $0x0  }
0xad: {  	s21 =	rddreg [dreg:$0x14];
	[sflag:s31] =	ssyncadd.s32 $0xFFFFE800  }
0xae: {  	[spmem:s21] =	stream.linear.scatter [tilespmem:s11], [sflag:$0x7], $0x1800, $0x38;
	[tilespmem:$0x1FC00] =	vst v63  }
0xaf: {  	_ =	swait.ge [sflag:s31], $0x1800  }
0xb0: {  	[sflag:s31] =	ssyncset.done $0x0  }
0xb1: {  	s22 =	rddreg [dreg:$0x15];
	[sflag:s31] =	ssyncadd.s32 $0xFFFFE800  }
0xb2: {  	[spmem:s22] =	stream.linear.scatter [tilespmem:s11], [sflag:$0x7], $0x1800, $0x38;
	[tilespmem:$0x1FC00] =	vst v63  }
0xb3: {  	_ =	swait.ge [sflag:s31], $0x1800  }
0xb4: {  	[sflag:s31] =	ssyncset.done $0x0  }
0xb5: {  	s23 =	rddreg [dreg:$0x16];
	[sflag:s31] =	ssyncadd.s32 $0xFFFFE800  }
0xb6: {  	[spmem:s23] =	stream.linear.scatter [tilespmem:s11], [sflag:$0x7], $0x1800, $0x38;
	[tilespmem:$0x1FC00] =	vst v63  }
0xb7: {  	_ =	swait.ge [sflag:s31], $0x1800  }
0xb8: {  	[sflag:s31] =	ssyncset.done $0x0  }
0xb9: {  	s26 =	rddreg [dreg:$0x17];
	[sflag:s31] =	ssyncadd.s32 $0xFFFFE800  }
0xba: {  	[spmem:s26] =	stream.linear.scatter [tilespmem:s11], [sflag:$0x7], $0x1800, $0x38;
	[tilespmem:$0x1FC00] =	vst v63  }
0xbb: {  	_ =	swait.ge [sflag:s31], $0x1800  }
0xbc: {  	[sflag:s31] =	ssyncset.done $0x0  }
0xbd: {  	s29 =	rddreg [dreg:$0x18];
	[sflag:s31] =	ssyncadd.s32 $0xFFFFE800  }
0xbe: {  	[spmem:s29] =	stream.linear.scatter [tilespmem:s11], [sflag:$0x7], $0x1800, $0x38;
	[tilespmem:$0x1FC00] =	vst v63  }
0xbf: {  	_ =	swait.ge [sflag:s31], $0x1800  }
0xc0: {  	[sflag:s31] =	ssyncset.done $0x0  }
0xc1: {  	s1 =	rddreg [dreg:$0x19];
	[sflag:s31] =	ssyncadd.s32 $0xFFFFE800  }
0xc2: {  	[spmem:s1] =	stream.linear.scatter [tilespmem:s11], [sflag:$0x7], $0x1800, $0x38;
	[tilespmem:$0x1FC00] =	vst v63  }
0xc3: {  	_ =	swait.ge [sflag:s31], $0x1800  }
0xc4: {  	s0 =	sld [smem:$0x7F4]  }
0xc5: {  	[sflag:s31] =	ssyncset.done $0x0  }
0xc6: {  	s9 =	simm.s32 @!p3 $0x4A80;
	[sflag:s31] =	ssyncadd.s32 $0xFFFFE800  }
0xc7: {  	[spmem:s0] =	stream.linear.scatter @!p3 [tilespmem:s9], [sflag:$0x7], $0x1800, $0x38;
	[tilespmem:$0x1FC00] =	vst v63  }
0xc8: {  	s9 =	simm.s32 @!p3 $0x7  }
0xc9: {  	_ =	swait.ge @!p3 [sflag:s9], $0x1800  }
0xca: {  	s5 =	sld [smem:$0x7ED]  }
0xcb: {  	s6 =	sld [smem:$0x7F2]  }
0xcc: {  	s7 =	sld [smem:$0x7F0]  }
0xcd: {  	s8 =	sld [smem:$0x7EE]  }
0xce: {  	s12 =	rddreg [dreg:$0x1c]  }
0xcf: {  	s18 =	rddreg [dreg:$0x1a]  }
0xd0: {  	s19 =	rddreg [dreg:$0x9]  }
0xd1: {  	s20 =	rddreg [dreg:$0xa]  }
0xd2: {  	s21 =	rddreg [dreg:$0x1b]  }
0xd3: {  	s22 =	rddreg [dreg:$0x1d]  }
0xd4: {  	s23 =	rddreg [dreg:$0x1f]  }
0xd5: {  	s26 =	sld [smem:$0x7EF]  }
0xd6: {  	[sflag:s9] =	ssyncset.done @!p3 $0x0;
	s29 =	sld [smem:$0x7F1]  }
0xd7: {  	[sflag:s9] =	ssyncadd.s32 @!p3 $0xFFFFE800;
	s9 =	rddreg [dreg:$0x1e]  }
0xd8: {  	[smem:$0x7E7] =	sst s12  }
0xd9: {  	[smem:$0x7E6] =	sst s18  }
0xda: {  	[smem:$0x7E5] =	sst s19  }
0xdb: {  	[smem:$0x7E4] =	sst s20  }
0xdc: {  	[smem:$0x7E3] =	sst s21  }
0xdd: {  	[smem:$0x7E2] =	sst s22  }
0xde: {  	[smem:$0x7E1] =	sst s23  }
0xdf: {  	[smem:$0x7E8] =	sst s9  }
0xe0: {  	[smem:$0x7EB] =	sst s6  }
0xe1: {  	[smem:$0x7EA] =	sst s7  }
0xe2: {  	p0 =	por @!p3 $0x1, $0x1;
	[smem:$0x7E9] =	sst s8  }
0xe3: {  	p4 =	por $0x0, $0x0;
	p5 =	seq.s32 s5, $0x1;
	[smem:$0x7E0] =	sst s26  }
0xe4: {  	p4 =	por @!p3 p0, p0;
	[smem:$0x7DF] =	sst s29;
	p5 =	por @!p3 p0, p0  }
.LBB2_8:
0xe5: {  	[spmem:s13] =	stream.linear.scatter [tilespmem:s11], [sflag:$0x7], $0x1800, $0x38;
	[tilespmem:$0x1FC00] =	vst v63  }
0xe6: {  	_ =	swait.ge [sflag:s31], $0x1800  }
0xe7: {  	[sflag:s31] =	ssyncset.done $0x0  }
0xe8: {  	[sflag:s31] =	ssyncadd.s32 $0xFFFFE800  }
0xe9: {  	[spmem:s14] =	stream.linear.scatter [tilespmem:s11], [sflag:$0x7], $0x1000, $0x38;
	[tilespmem:$0x1FC00] =	vst v63  }
0xea: {  	_ =	swait.ge [sflag:s31], $0x1000  }
0xeb: {  	[sflag:s31] =	ssyncset.done $0x0  }
0xec: {  	[sflag:s31] =	ssyncadd.s32 $0xFFFFF000  }
0xed: {  	[bflag:$0x0] =	sbarrier.arrive $0xFFFF  }
0xee: {  	s0 =	sld [smem:$0x7F5];
	_ =	sdelay $0x1  }
0xef: {  	s22 =	simm.s32 $0x0  }
0xf0: {  	[tilespmem:s22], [sflag:$0x7] =	stream.linear.gather [hbm4b:s0+s22], $0x30, $0x38;
	[tilespmem:$0x1FC00] =	vst v63  }
0xf1: {  	_ =	swait.ge [sflag:s31], $0x30  }
0xf2: {  	s21 =	sld [smem:$0x7F7]  }
0xf3: {  	[sflag:s31] =	ssyncset.done $0x0  }
0xf4: {  	s1 =	simm.s32 $0x100;
	[sflag:s31] =	ssyncadd.s32 $0xFFFFFFD0  }
0xf5: {  	[tilespmem:s1], [sflag:$0x7] =	stream.linear.gather [hbm4b:s21+s22], $0x30, $0x38;
	[tilespmem:$0x1FC00] =	vst v63  }
0xf6: {  	_ =	swait.ge [sflag:s31], $0x30  }
0xf7: {  	[sflag:s31] =	ssyncset.done $0x0  }
0xf8: {  	s5 =	simm.s32 $0x280;
	s23 =	rddreg [dreg:$0x5];
	[sflag:s31] =	ssyncadd.s32 $0xFFFFFFD0  }
0xf9: {  	[tilespmem:s5], [sflag:$0x1] =	stream.indirect.gather [hbm4b:s23+s3], $0x80, s1, s3, $0xb8;
	[tilespmem:$0x1FC00] =	vst v63  }
0xfa: {  	s6 =	simm.s32 $0x100;
	s29 =	simm.s32 $0x1A80;
	s26 =	rddreg [dreg:$0x6]  }
0xfb: {  	[tilespmem:s29], [sflag:$0x2] =	stream.indirect.gather [hbm4b:s26+s3], $0x80, s22, s3, $0xb8;
	[tilespmem:$0x1FC00] =	vst v63  }
.LBB2_9:
0xfc: {  	s9 =	simm.s32 $0x1  }
0xfd: {  	_ =	swait.ge [sflag:s9], $0x1800  }
0xfe: {  	[sflag:s9] =	ssyncset.done $0x0  }
0xff: {  	[sflag:s9] =	ssyncadd.s32 $0xFFFFE800  }
0x100: {  	_ =	swait.ge [sflag:s15], $0x1800  }
0x101: {  	s12 =	simm.s32 $0x300;
	[sflag:s15] =	ssyncset.done $0x0  }
0x102: {  	s23 =	simm.s32 $0x1B00;
	s20 =	simm.s32 $0x7B00;
	[sflag:s15] =	ssyncadd.s32 $0xFFFFE800  }
.LBB2_10:
0x103: {  	v10 =	vld [tilespmem:s12+$0xFFFFFF80]  }
0x104: {  	v11 =	vld [tilespmem:s12+$0xFFFFFF90]  }
0x105: {  	v12 =	vld [tilespmem:s12+$0xFFFFFFA0]  }
0x106: {  	v13 =	vld [tilespmem:s12+$0xFFFFFFB0]  }
0x107: {  	v15 =	vld [tilespmem:s23+$0xFFFFFF80]  }
0x108: {  	v16 =	vld [tilespmem:s23+$0xFFFFFF90]  }
0x109: {  	v17 =	vld [tilespmem:s23+$0xFFFFFFA0]  }
0x10a: {  	v18 =	vld [tilespmem:s23+$0xFFFFFFB0]  }
0x10b: {  	v14 =	vld [tilespmem:s12+$0xFFFFFFC0]  }
0x10c: {  	v19 =	vld [tilespmem:s12+$0xFFFFFFD0];
	v21 =	vshll.u32 v15, $0x10  }
0x10d: {  	v20 =	vld [tilespmem:s12+$0xFFFFFFE0];
	v23 =	vshll.u32 v16, $0x10;
	v10 =	vmul.f32 v21, v10  }
0x10e: {  	v22 =	vld [tilespmem:s12+$0xFFFFFFF0];
	v51 =	vshll.u32 v17, $0x10;
	v11 =	vmul.f32 v23, v11  }
0x10f: {  	v52 =	vld [tilespmem:s12+$0x0];
	v24 =	vshll.u32 v18, $0x10;
	(xrf2) =	vadd.scan.msk.f32 $0xffff, v10;
	v10 =	vmul.f32 v51, v12  }
0x110: {  	v53 =	vld [tilespmem:s12+$0x10];
	v15 =	vand.u32 $0xFFFF0000, v15;
	(xrf2) =	vadd.scan.msk.f32 $0xffff, v11;
	v11 =	vmul.f32 v24, v13  }
0x111: {  	v54 =	vld [tilespmem:s12+$0x20];
	v16 =	vand.u32 $0xFFFF0000, v16;
	(xrf2) =	vadd.scan.msk.f32 $0xffff, v10;
	v10 =	vmul.f32 v15, v14  }
0x112: {  	v55 =	vld [tilespmem:s12+$0x30];
	v56 =	vand.u32 $0xFFFF0000, v17;
	(xrf2) =	vadd.scan.msk.f32 $0xffff, v11;
	v11 =	vmul.f32 v16, v19  }
0x113: {  	v57 =	vld [tilespmem:s12+$0x40];
	s18 =	sshll.u32 s9, $0x7;
	v58 =	vand.u32 $0xFFFF0000, v18;
	(xrf2) =	vadd.scan.msk.f32 $0xffff, v10;
	v10 =	vmul.f32 v56, v20  }
0x114: {  	v59 =	vld [tilespmem:s12+$0x50];
	s14 =	sadd.s32 $0xFFFFFF80, s18;
	(xrf2) =	vadd.scan.msk.f32 $0xffff, v11;
	v11 =	vmul.f32 v58, v22  }
0x115: {  	v60 =	vld [tilespmem:s12+$0x60];
	v61 =	vmov s14;
	(xrf2) =	vadd.scan.msk.f32 $0xffff, v10  }
0x116: {  	v63 =	vld [tilespmem:s23+$0x10];
	v62 =	vor.u32 $0x1, v61;
	(xrf2) =	vadd.scan.msk.f32 $0xffff, v11  }
0x117: {  	v33 =	vld [tilespmem:s23+$0x20];
	v32 =	vor.u32 $0x2, v61  }
0x118: {  	v26 =	vld [tilespmem:s23+$0x30];
	v34 =	vor.u32 $0x3, v61  }
0x119: {  	v27 =	vor.u32 $0x4, v61;
	v10 =	vld [tilespmem:s12+$0x70];
	v25, _, _ =	vpop (xrf2)  }
0x11a: {  	v35 =	vor.u32 $0x5, v61;
	v11 =	vld [tilespmem:s23+$0x0];
	v28, _, _ =	vpop (xrf2);
	[tilespmem:v61+s16+$0x0] =	vst.idx.msk vm0, v25  }
0x11b: {  	v36 =	vor.u32 $0x6, v61;
	v29, _, _ =	vpop (xrf2);
	[tilespmem:v62+s16+$0x0] =	vst.idx.msk vm0, v28  }
0x11c: {  	v18 =	vor.u32 $0x7, v61;
	v37, _, _ =	vpop (xrf2);
	[tilespmem:v32+s16+$0x0] =	vst.idx.msk vm0, v29  }
0x11d: {  	v38, _, _ =	vpop (xrf2);
	[tilespmem:v34+s16+$0x0] =	vst.idx.msk vm0, v37  }
0x11e: {  	v39, _, _ =	vpop (xrf2);
	[tilespmem:v27+s16+$0x0] =	vst.idx.msk vm0, v38  }
0x11f: {  	v40, _, _ =	vpop (xrf2);
	[tilespmem:v35+s16+$0x0] =	vst.idx.msk vm0, v39  }
0x120: {  	v41, _, _ =	vpop (xrf2);
	[tilespmem:v36+s16+$0x0] =	vst.idx.msk vm0, v40  }
0x121: {  	[tilespmem:v18+s16+$0x0] =	vst.idx.msk vm0, v41  }
0x122: {  	v18 =	vld [tilespmem:s20+$0xFFFFFF80];
	_ =	sdelay $0x3  }
0x123: {  	v42 =	vshll.u32 v11, $0x10  }
0x124: {  	v43 =	vshll.u32 v63, $0x10;
	v19 =	vmul.f32 v42, v52;
	v18 =	vmul.f32 $1.442695020e+00, v18  }
0x125: {  	v44 =	vshll.u32 v33, $0x10;
	v12 =	vmul.f32 v43, v53  }
0x126: {  	v45 =	vshll.u32 v26, $0x10;
	v13 =	vmul.f32 v44, v54;
	(xrf2) =	vadd.scan.msk.f32 $0xffff, v19;
	(erf) = vpow2.f32 v18  }
0x127: {  	v46 =	vmul.f32 v45, v55;
	v11 =	vand.u32 $0xFFFF0000, v11;
	(xrf2) =	vadd.scan.msk.f32 $0xffff, v12  }
0x128: {  	v47 =	vand.u32 $0xFFFF0000, v63;
	v11 =	vmul.f32 v11, v57;
	(xrf2) =	vadd.scan.msk.f32 $0xffff, v13  }
0x129: {  	v48 =	vand.u32 $0xFFFF0000, v33;
	v49 =	vmul.f32 v47, v59;
	(xrf2) =	vadd.scan.msk.f32 $0xffff, v46  }
0x12a: {  	v50 =	vand.u32 $0xFFFF0000, v26;
	(xrf2) =	vadd.scan.msk.f32 $0xffff, v11;
	v11 =	vmul.f32 v48, v60  }
0x12b: {  	v10 =	vmul.f32 v50, v10;
	(xrf2) =	vadd.scan.msk.f32 $0xffff, v49  }
0x12c: {  	(xrf2) =	vadd.scan.msk.f32 $0xffff, v11;
	v11 =	vmov s18  }
0x12d: {  	(xrf2) =	vadd.scan.msk.f32 $0xffff, v10;
	v10 =	vor.u32 $0x1, v11  }
0x12e: {  	v51 =	vor.u32 $0x2, v11  }
0x12f: {  	v53 =	vor.u32 $0x3, v11;
	v52 =	vpop (erf)  }
0x130: {  	v55 =	vor.u32 $0x4, v11;
	v54, _, _ =	vpop (xrf2);
	[tilespmem:s20+$0xFFFFFF80] =	vst v52  }
0x131: {  	v57 =	vor.u32 $0x5, v11;
	v56, _, _ =	vpop (xrf2);
	[tilespmem:v11+s16+$0x0] =	vst.idx.msk vm0, v54  }
0x132: {  	v58, _, _ =	vpop (xrf2);
	[tilespmem:v10+s16+$0x0] =	vst.idx.msk vm0, v56;
	v10 =	vor.u32 $0x6, v11  }
0x133: {  	v59, _, _ =	vpop (xrf2);
	v11 =	vor.u32 $0x7, v11;
	[tilespmem:v51+s16+$0x0] =	vst.idx.msk vm0, v58  }
0x134: {  	v60, _, _ =	vpop (xrf2);
	[tilespmem:v53+s16+$0x0] =	vst.idx.msk vm0, v59  }
0x135: {  	v61, _, _ =	vpop (xrf2);
	[tilespmem:v55+s16+$0x0] =	vst.idx.msk vm0, v60  }
0x136: {  	v62, _, _ =	vpop (xrf2);
	[tilespmem:v57+s16+$0x0] =	vst.idx.msk vm0, v61  }
0x137: {  	v63, _, _ =	vpop (xrf2);
	[tilespmem:v10+s16+$0x0] =	vst.idx.msk vm0, v62  }
0x138: {  	[tilespmem:v11+s16+$0x0] =	vst.idx.msk vm0, v63  }
0x139: {  	v10 =	vld [tilespmem:s20+$0x0];
	_ =	sdelay $0x4  }
0x13a: {  	v10 =	vmul.f32 $1.442695020e+00, v10;
	_ =	sdelay $0x1  }
0x13b: {  	(erf) = vpow2.f32 v10;
	_ =	sdelay $0x4  }
0x13c: {  	p0 =	sne.s32 s9, $0x2F  }
.Ltmp6:
0x13d: {  	_ = 	snop;
	(pc) =	sbr.rel @p0 .LBB2_10-.Ltmp6, $3  }
0x13e: {  	_ =	sdelay $0x1  }
0x13f: {  	s9 =	sadd.s32 $0x2, s9;
	v10 =	vpop (erf)  }
0x140: {  	s12 =	sadd.s32 $0x100, s12;
	s23 =	sadd.s32 $0x100, s23;
	[tilespmem:s20+$0x0] =	vst v10;
	s20 =	sadd.s32 $0x100, s20  }
0x141: {  	s0 =	sld [smem:$0x7F8]  }
0x142: {  	s23 =	smul.u32 $0x60, s22;
	_ =	sdelay $0x1  }
0x143: {  	s19 =	rddreg [dreg:$0x7];
	s9 =	sadd.s32 s23, s0  }
0x144: {  	s20 =	sld [smem:$0x7F6];
	s9 =	sshrl.u32 s9, $0x3  }
0x145: {  	s5 =	simm.s32 $0x80;
	s12 =	sadd.s32 s19, s9  }
0x146: {  	[tilespmem:s5], [sflag:$0x3] =	stream.linear.gather [hbm4b:s12+s4], $0x30, $0x38;
	[tilespmem:$0x1FC00] =	vst v63  }
0x147: {  	s7 =	simm.s32 $0x180;
	s9 =	sadd.s32 s20, s9  }
0x148: {  	[tilespmem:s7], [sflag:$0x4] =	stream.linear.gather [hbm4b:s9+s4], $0x30, $0x38;
	[tilespmem:$0x1FC00] =	vst v63  }
0x149: {  	_ =	swait.ge [sflag:s10], $0x30  }
0x14a: {  	[sflag:s10] =	ssyncset.done $0x0  }
0x14b: {  	[sflag:s10] =	ssyncadd.s32 $0xFFFFFFD0  }
0x14c: {  	_ =	swait.ge [sflag:s17], $0x30  }
0x14d: {  	s1 =	simm.s32 $0x280;
	[sflag:s17] =	ssyncset.done $0x0  }
0x14e: {  	p6 =	seq.s32 s22, $0x0;
	s21 =	rddreg [dreg:$0x5];
	[sflag:s17] =	ssyncadd.s32 $0xFFFFFFD0  }
0x14f: {  	[tilespmem:s1], [sflag:$0x1] =	stream.indirect.gather [hbm4b:s21+s3], $0x80, s7, s3, $0xb8;
	[tilespmem:$0x1FC00] =	vst v63  }
0x150: {  	s29 =	simm.s32 $0x3280;
	s9 =	simm.s32 @!p6 $0x5;
	s26 =	rddreg [dreg:$0x6]  }
0x151: {  	[tilespmem:s29], [sflag:$0x2] =	stream.indirect.gather [hbm4b:s26+s3], $0x80, s5, s3, $0xb8;
	[tilespmem:$0x1FC00] =	vst v63  }
0x152: {  	_ =	swait.ge @!p6 [sflag:s9], $0x1800  }
0x153: {  	[sflag:s9] =	ssyncset.done @!p6 $0x0  }
0x154: {  	[sflag:s9] =	ssyncadd.s32 @!p6 $0xFFFFE800;
	s9 =	simm.s32 $0x0  }
0x155: {  	v10 =	vld [tilespmem:s9+$0x1B40]  }
0x156: {  	v16 =	vld [tilespmem:s9+$0x1AF0]  }
0x157: {  	v12 =	vld [tilespmem:s9+$0x7B00]  }
0x158: {  	v18 =	vld [tilespmem:s9+$0x7A80]  }
0x159: {  	v15 =	vld [tilespmem:s9+$0x1B60]  }
0x15a: {  	v11 =	vld [tilespmem:s9+$0x1B70]  }
0x15b: {  	v14 =	vld [tilespmem:s9+$0x1B50]  }
0x15c: {  	v23 =	vand.u32 $0xFFFF0000, v10;
	v13 =	vand.u32 $0xFFFF0000, v16;
	v27 =	vperm.xlane v12, v1  }
0x15d: {  	v19 =	vld [tilespmem:s9+$0x1AC0];
	v24 =	vshll.u32 v10, $0x10;
	v21 =	vperm.xlane v18, v8;
	v32 =	vperm.xlane v12, v2  }
0x15e: {  	v25 =	vshll.u32 v15, $0x10;
	v33 =	vperm.xlane v12, v3;
	v22 =	vperm.xlane v12, v4  }
0x15f: {  	v17 =	vld [tilespmem:s9+$0x1AD0];
	v31 =	vand.u32 $0xFFFF0000, v11;
	v35 =	vperm.xlane v12, v5;
	v28 =	vperm.xlane v12, v6  }
0x160: {  	s12 =	simm.s32 $0x100;
	v20 =	vld [tilespmem:s9+$0x1AE0];
	v36 =	vand.u32 $0xFFFF0000, v14;
	v37 =	vperm.xlane v12, v7;
	v38 =	vperm.xlane v12, v8  }
0x161: {  	v26 =	vld [tilespmem:s12+$0x1B50];
	v62 =	vshll.u32 v14, $0x10;
	v39 =	vperm.xlane v18, v7;
	v14 =	vperm.xlane v18, v1  }
0x162: {  	v30 =	vld [tilespmem:s12+$0x1B40];
	v34 =	vand.u32 $0xFFFF0000, v19;
	v40 =	vperm.xlane v18, v2;
	v43 =	vperm.xlane v18, v4  }
0x163: {  	v10 =	vld [tilespmem:s12+$0x1B60];
	v29 =	vshll.u32 v11, $0x10;
	v45 =	vperm.xlane v18, v5;
	v21 =	vmul.f32 v13, v21  }
0x164: {  	v11 =	vld [tilespmem:s12+$0x1AD0];
	v16 =	vshll.u32 v16, $0x10;
	v22 =	vmul.f32 v29, v22;
	v29 =	vperm.xlane v18, v6  }
0x165: {  	v41 =	vshll.u32 v17, $0x10;
	v13 =	vld [tilespmem:s12+$0x1AF0];
	v16 =	vmul.f32 v16, v43;
	[tilespmem:s9+$0x4AF0] =	vst v21;
	v21 =	vmul.f32 v36, v28  }
0x166: {  	v17 =	vand.u32 $0xFFFF0000, v17;
	v40 =	vmul.f32 v41, v40;
	v28 =	vperm.xlane v18, v3;
	v12 =	vld [tilespmem:s12+$0x1AE0];
	[tilespmem:s9+$0x4B30] =	vst v22  }
0x167: {  	v42 =	vshll.u32 v20, $0x10;
	v24 =	vmul.f32 v24, v27;
	v17 =	vmul.f32 v17, v29;
	v22 =	vld [tilespmem:s12+$0x1B70];
	[tilespmem:s9+$0x4B50] =	vst v21  }
0x168: {  	v19 =	vshll.u32 v19, $0x10;
	v27 =	vmul.f32 v62, v32;
	v42 =	vmul.f32 v42, v28;
	v44 =	vld [tilespmem:s12+$0x1AC0]  }
0x169: {  	v15 =	vand.u32 $0xFFFF0000, v15;
	v63 =	vmul.f32 v31, v38;
	v31 =	vmul.f32 v34, v45;
	v21 =	vld [tilespmem:s12+$0x7B00];
	[tilespmem:s9+$0x4AD0] =	vst v17  }
0x16a: {  	v20 =	vand.u32 $0xFFFF0000, v20;
	v34 =	vmul.f32 v23, v35;
	v33 =	vmul.f32 v25, v33;
	[tilespmem:s9+$0x4AA0] =	vst v42  }
0x16b: {  	v32 =	vand.u32 $0xFFFF0000, v26;
	v28 =	vmul.f32 v19, v14;
	v19 =	vmul.f32 v20, v39;
	v20 =	vld [tilespmem:s12+$0x7A80];
	[tilespmem:s9+$0x4AB0] =	vst v16  }
0x16c: {  	v26 =	vshll.u32 v26, $0x10;
	v14 =	vand.u32 $0xFFFF0000, v30;
	v29 =	vand.u32 $0xFFFF0000, v13;
	[tilespmem:s9+$0x4B00] =	vst v24  }
0x16d: {  	v17 =	vshll.u32 v30, $0x10;
	v30 =	vmul.f32 v15, v37;
	v15 =	vshll.u32 v10, $0x10;
	[tilespmem:s9+$0x4AE0] =	vst v19  }
0x16e: {  	[tilespmem:s9+$0x4B10] =	vst v27;
	v18 =	vand.u32 $0xFFFF0000, v22;
	v25 =	vperm.xlane v21, v1;
	v24 =	vperm.xlane v21, v2  }
0x16f: {  	[tilespmem:s9+$0x4B70] =	vst v63;
	v16 =	vand.u32 $0xFFFF0000, v44;
	v19 =	vperm.xlane v21, v3;
	v23 =	vperm.xlane v21, v5  }
0x170: {  	s18 =	simm.s32 $0x800;
	[tilespmem:s9+$0x4A90] =	vst v40;
	v27 =	vshll.u32 v44, $0x10;
	v35 =	vperm.xlane v21, v6;
	v36 =	vperm.xlane v20, v8  }
.LBB2_12:
0x171: {  	s14 =	sshra.s32 s18, $0x2;
	p0 =	sne.s32 s18, $0x5C00;
	s18 =	sadd.s32 $0x400, s18;
	v37 =	vperm.xlane v21, v7;
	v38 =	vperm.xlane v21, v8;
	[tilespmem:s9+$0x4B40] =	vst v34  }
0x172: {  	v39 =	vld [tilespmem:s14+$0x1B50];
	v29 =	vmul.f32 v29, v36;
	v32 =	vmul.f32 v32, v35;
	[tilespmem:s9+$0x4A80] =	vst v28  }
0x173: {  	v34 =	vperm.xlane v20, v7;
	v21 =	vperm.xlane v21, v4;
	v35 =	vand.u32 $0xFFFF0000, v10;
	v10 =	vld [tilespmem:s14+$0x1B60];
	[tilespmem:s9+$0x4B20] =	vst v33  }
0x174: {  	v22 =	vshll.u32 v22, $0x10;
	v28 =	vperm.xlane v20, v1;
	v36 =	vperm.xlane v20, v2;
	v33 =	vld [tilespmem:s14+$0x1B40];
	[tilespmem:s9+$0x4B60] =	vst v30  }
0x175: {  	v40 =	vshll.u32 v11, $0x10;
	v41 =	vand.u32 $0xFFFF0000, v12;
	v21 =	vmul.f32 v22, v21;
	v30 =	vld [tilespmem:s14+$0x1AF0];
	[tilespmem:s9+$0x4AC0] =	vst v31;
	s9 =	smov.u32 s12;
	s12 =	smov.u32 s14  }
0x176: {  	v42 =	vperm.xlane v20, v4;
	v43 =	vand.u32 $0xFFFF0000, v11;
	v31 =	vperm.xlane v20, v3;
	v11 =	vld [tilespmem:s12+$0x1AD0];
	[tilespmem:s9+$0x4AF0] =	vst v29  }
0x177: {  	v44 =	vperm.xlane v20, v5;
	v20 =	vperm.xlane v20, v6;
	v29 =	vshll.u32 v12, $0x10;
	v12 =	vld [tilespmem:s12+$0x1AE0];
	[tilespmem:s9+$0x4B30] =	vst v21  }
0x178: {  	v46 =	vshll.u32 v13, $0x10;
	v28 =	vmul.f32 v27, v28;
	v27 =	vmul.f32 v29, v31;
	v22 =	vld [tilespmem:s12+$0x1B70];
	[tilespmem:s9+$0x4B50] =	vst v32  }
0x179: {  	v31 =	vmul.f32 v46, v42;
	v20 =	vmul.f32 v43, v20;
	v45 =	vld [tilespmem:s12+$0x1AC0];
	v32 =	vand.u32 $0xFFFF0000, v33  }
0x17a: {  	v40 =	vmul.f32 v40, v36;
	v29 =	vand.u32 $0xFFFF0000, v30;
	v21 =	vld [tilespmem:s12+$0x7B00];
	[tilespmem:s9+$0x4AA0] =	vst v27;
	v27 =	vmul.f32 v41, v34;
	v13 =	vmovc v30  }
0x17b: {  	v25 =	vmul.f32 v17, v25;
	v17 =	vshll.u32 v33, $0x10;
	v30 =	vmul.f32 v35, v37;
	[tilespmem:s9+$0x4AD0] =	vst v20  }
0x17c: {  	v26 =	vmul.f32 v26, v24;
	v36 =	vmul.f32 v18, v38;
	v35 =	vshll.u32 v10, $0x10;
	v20 =	vld [tilespmem:s12+$0x7A80];
	[tilespmem:s9+$0x4AB0] =	vst v31  }
.Ltmp7:
0x17d: {  	v34 =	vmul.f32 v14, v23;
	v14 =	vmovc v32;
	v31 =	vmul.f32 v16, v44;
	v18 =	vand.u32 $0xFFFF0000, v22;
	[tilespmem:s9+$0x4B00] =	vst v25;
	(pc) =	sbr.rel @p0 .LBB2_12-.Ltmp7, $4  }
0x17e: {  	v33 =	vmul.f32 v15, v19;
	v32 =	vand.u32 $0xFFFF0000, v39;
	v15 =	vmovc v35;
	v16 =	vand.u32 $0xFFFF0000, v45;
	[tilespmem:s9+$0x4AE0] =	vst v27  }
0x17f: {  	v27 =	vshll.u32 v45, $0x10;
	v25 =	vperm.xlane v21, v1;
	v24 =	vperm.xlane v21, v2;
	[tilespmem:s9+$0x4B10] =	vst v26  }
0x180: {  	v19 =	vperm.xlane v21, v3;
	v23 =	vperm.xlane v21, v5;
	v26 =	vshll.u32 v39, $0x10;
	[tilespmem:s9+$0x4B70] =	vst v36  }
0x181: {  	v35 =	vperm.xlane v21, v6;
	v36 =	vperm.xlane v20, v8;
	[tilespmem:s9+$0x4A90] =	vst v40  }
0x182: {  	[tilespmem:s9+$0x4B40] =	vst v34  }
0x183: {  	[tilespmem:s9+$0x4A80] =	vst v28  }
0x184: {  	[tilespmem:s9+$0x4B20] =	vst v33  }
0x185: {  	[tilespmem:s9+$0x4B60] =	vst v30;
	v17 =	vmul.f32 v17, v25  }
0x186: {  	[tilespmem:s9+$0x4AC0] =	vst v31;
	v24 =	vmul.f32 v26, v24  }
0x187: {  	v31 =	vmul.f32 v14, v23;
	[tilespmem:s12+$0x4B00] =	vst v17  }
0x188: {  	v15 =	vmul.f32 v15, v19;
	[tilespmem:s12+$0x4B10] =	vst v24  }
0x189: {  	v52 =	vperm.xlane v21, v4;
	v29 =	vmul.f32 v29, v36;
	[tilespmem:s12+$0x4B40] =	vst v31  }
0x18a: {  	v22 =	vshll.u32 v22, $0x10;
	v53 =	vperm.xlane v20, v3;
	v54 =	vmul.f32 v32, v35;
	[tilespmem:s12+$0x4B20] =	vst v15  }
0x18b: {  	v55 =	vperm.xlane v20, v6;
	v56 =	vshll.u32 v12, $0x10;
	v22 =	vmul.f32 v22, v52;
	[tilespmem:s12+$0x4AF0] =	vst v29  }
0x18c: {  	v57 =	vperm.xlane v20, v4;
	v58 =	vand.u32 $0xFFFF0000, v11;
	v59 =	vmul.f32 v56, v53;
	[tilespmem:s12+$0x4B50] =	vst v54  }
0x18d: {  	v13 =	vshll.u32 v13, $0x10;
	v61 =	vperm.xlane v20, v7;
	v60 =	vmul.f32 v58, v55;
	[tilespmem:s12+$0x4B30] =	vst v22  }
0x18e: {  	v62 =	vand.u32 $0xFFFF0000, v12;
	v28 =	vperm.xlane v20, v2;
	v13 =	vmul.f32 v13, v57;
	[tilespmem:s12+$0x4AA0] =	vst v59  }
0x18f: {  	v63 =	vperm.xlane v21, v8;
	v11 =	vshll.u32 v11, $0x10;
	v12 =	vmul.f32 v62, v61;
	[tilespmem:s12+$0x4AD0] =	vst v60  }
0x190: {  	v32 =	vperm.xlane v21, v7;
	v11 =	vmul.f32 v11, v28;
	[tilespmem:s12+$0x4AB0] =	vst v13  }
0x191: {  	v30 =	vperm.xlane v20, v1;
	v10 =	vand.u32 $0xFFFF0000, v10;
	v29 =	vmul.f32 v18, v63;
	[tilespmem:s12+$0x4AE0] =	vst v12  }
0x192: {  	v10 =	vmul.f32 v10, v32;
	[tilespmem:s12+$0x4A90] =	vst v11;
	v11 =	vperm.xlane v20, v5  }
0x193: {  	v12 =	vmul.f32 v27, v30;
	[tilespmem:s12+$0x4B70] =	vst v29  }
0x194: {  	[tilespmem:s12+$0x4B60] =	vst v10;
	v11 =	vmul.f32 v16, v11  }
0x195: {  	[tilespmem:s12+$0x4A80] =	vst v12  }
0x196: {  	[tilespmem:s12+$0x4AC0] =	vst v11  }
0x197: {  	[spmem:s30] =	stream.indirect.scatter [tilespmem:s11], [sflag:$0x5], $0x80, s6, s3, $0xb8;
	[tilespmem:$0x1FC00] =	vst v63  }
0x198: {  	v10 =	vld [tilespmem:$0x100];
	_ =	sdelay $0x4  }
0x199: {  	v11 =	vshll.u32 v10, $0x4  }
0x19a: {  	v11 =	vand.u32 $0x70, v11  }
0x19b: {  	(v2sf) =	vpush v11, $0x0  }
0x19c: {  	v12 =	vld [tilespmem:$0x7A80];
	(v2sf) =	vpush v11, $0x1  }
0x19d: {  	v13 =	vld [tilespmem:$0x7B00];
	(v2sf) =	vpush v11, $0x2  }
0x19e: {  	v33 =	vld [tilespmem:$0x7B80];
	(v2sf) =	vpush v11, $0x3  }
0x19f: {  	v15 =	vld [tilespmem:$0x7C00];
	(v2sf) =	vpush v11, $0x4  }
0x1a0: {  	v34 =	vld [tilespmem:$0x7C80];
	(v2sf) =	vpush v11, $0x5  }
0x1a1: {  	v17 =	vld [tilespmem:$0x7D00];
	(v2sf) =	vpush v11, $0x6  }
0x1a2: {  	v35 =	vld [tilespmem:$0x7D80];
	(v2sf) =	vpush v11, $0x7  }
0x1a3: {  	v36 =	vld [tilespmem:$0x7E00];
	(v2sf) =	vpush v11, $0x8  }
0x1a4: {  	v37 =	vld [tilespmem:$0x7E80];
	(v2sf) =	vpush v11, $0x9  }
0x1a5: {  	v38 =	vld [tilespmem:$0x7F00];
	(v2sf) =	vpush v11, $0xA  }
0x1a6: {  	v39 =	vld [tilespmem:$0x7F80];
	(v2sf) =	vpush v11, $0xB  }
0x1a7: {  	v40 =	vld [tilespmem:$0x8000];
	(v2sf) =	vpush v11, $0xC  }
0x1a8: {  	v24 =	vld [tilespmem:$0x8080];
	(v2sf) =	vpush v11, $0xD  }
0x1a9: {  	v41 =	vld [tilespmem:$0x8100];
	v10 =	vshrl.u32 v10, $0x3;
	v12 =	vmul.f32 v9, v12;
	(v2sf) =	vpush v11, $0xE  }
0x1aa: {  	v42 =	vld [tilespmem:$0x8180];
	[tilespmem:$0x200] =	vst v10;
	v10 =	vmul.f32 v9, v13;
	s9 =	spop (v2sf);
	(v2sf) =	vpush v11, $0xF  }
0x1ab: {  	v43 =	vmul.f32 v9, v33;
	v11 =	vld [tilespmem:$0x8200];
	s12 =	spop (v2sf);
	[tilespmem:s9+$0x9280] =	vst v12  }
0x1ac: {  	v44 =	vmul.f32 v9, v15;
	s14 =	spop (v2sf);
	[tilespmem:s12+$0x9300] =	vst v10  }
0x1ad: {  	v10 =	vmul.f32 v9, v34;
	s18 =	spop (v2sf);
	[tilespmem:s14+$0x9380] =	vst v43  }
0x1ae: {  	v45 =	vmul.f32 v9, v17;
	s20 =	spop (v2sf);
	[tilespmem:s18+$0x9400] =	vst v44  }
0x1af: {  	v46 =	vmul.f32 v9, v35;
	s29 =	spop (v2sf);
	[tilespmem:s20+$0x9480] =	vst v10  }
0x1b0: {  	v10 =	vmul.f32 v9, v36;
	s11 =	spop (v2sf);
	[tilespmem:s29+$0x9500] =	vst v45  }
0x1b1: {  	v47 =	vmul.f32 v9, v37;
	s26 =	spop (v2sf);
	[tilespmem:s11+$0x9580] =	vst v46  }
0x1b2: {  	v48 =	vmul.f32 v9, v38;
	s21 =	spop (v2sf);
	[tilespmem:s26+$0x9600] =	vst v10  }
0x1b3: {  	v10 =	vmul.f32 v9, v39;
	s19 =	spop (v2sf);
	[tilespmem:s21+$0x9680] =	vst v47  }
0x1b4: {  	v49 =	vmul.f32 v9, v40;
	s13 =	spop (v2sf);
	[tilespmem:s19+$0x9700] =	vst v48  }
0x1b5: {  	v50 =	vmul.f32 v9, v24;
	s1 =	spop (v2sf);
	[tilespmem:s13+$0x9780] =	vst v10  }
0x1b6: {  	v10 =	vmul.f32 v9, v41;
	s6 =	spop (v2sf);
	[tilespmem:s1+$0x9800] =	vst v49  }
0x1b7: {  	v51 =	vmul.f32 v9, v42;
	s0 =	spop (v2sf);
	[tilespmem:s6+$0x9880] =	vst v50  }
0x1b8: {  	v11 =	vmul.f32 v9, v11;
	s7 =	spop (v2sf);
	[tilespmem:s0+$0x9900] =	vst v10  }
0x1b9: {  	s8 =	spop (v2sf);
	[tilespmem:s7+$0x9980] =	vst v51  }
0x1ba: {  	[tilespmem:s8+$0x9A00] =	vst v11  }
0x1bb: {  	[spmem:s2] =	stream.indirect.scatter.add.f32 [tilespmem:s28], [sflag:$0x7], $0x80, s25, s24, $0xb8;
	[tilespmem:$0x1FC00] =	vst v63  }
0x1bc: {  	_ =	swait.ge [sflag:s31], $0x800  }
0x1bd: {  	[sflag:s31] =	ssyncset.done $0x0  }
0x1be: {  	[sflag:s31] =	ssyncadd.s32 $0xFFFFF800  }
0x1bf: {  	[tilespmem:s9+$0x9280] =	vst v0  }
0x1c0: {  	[tilespmem:s12+$0x9300] =	vst v0  }
0x1c1: {  	[tilespmem:s14+$0x9380] =	vst v0  }
0x1c2: {  	[tilespmem:s18+$0x9400] =	vst v0  }
0x1c3: {  	[tilespmem:s20+$0x9480] =	vst v0  }
0x1c4: {  	[tilespmem:s29+$0x9500] =	vst v0  }
0x1c5: {  	[tilespmem:s11+$0x9580] =	vst v0  }
0x1c6: {  	[tilespmem:s26+$0x9600] =	vst v0  }
0x1c7: {  	[tilespmem:s21+$0x9680] =	vst v0  }
0x1c8: {  	[tilespmem:s19+$0x9700] =	vst v0  }
0x1c9: {  	[tilespmem:s13+$0x9780] =	vst v0  }
0x1ca: {  	[tilespmem:s1+$0x9800] =	vst v0  }
0x1cb: {  	[tilespmem:s6+$0x9880] =	vst v0  }
0x1cc: {  	[tilespmem:s0+$0x9900] =	vst v0  }
0x1cd: {  	[tilespmem:s7+$0x9980] =	vst v0  }
0x1ce: {  	[tilespmem:s8+$0x9A00] =	vst v0  }
0x1cf: {  	v10 =	vld [tilespmem:$0x110];
	_ =	sdelay $0x4  }
0x1d0: {  	v11 =	vshll.u32 v10, $0x4  }
0x1d1: {  	v11 =	vand.u32 $0x70, v11  }
0x1d2: {  	(v2sf) =	vpush v11, $0x0  }
0x1d3: {  	v52 =	vld [tilespmem:$0x8280];
	(v2sf) =	vpush v11, $0x1  }
0x1d4: {  	v53 =	vld [tilespmem:$0x8300];
	(v2sf) =	vpush v11, $0x2  }
0x1d5: {  	v54 =	vld [tilespmem:$0x8380];
	(v2sf) =	vpush v11, $0x3  }
0x1d6: {  	v55 =	vld [tilespmem:$0x8400];
	(v2sf) =	vpush v11, $0x4  }
0x1d7: {  	v56 =	vld [tilespmem:$0x8480];
	(v2sf) =	vpush v11, $0x5  }
0x1d8: {  	v57 =	vld [tilespmem:$0x8500];
	(v2sf) =	vpush v11, $0x6  }
0x1d9: {  	v58 =	vld [tilespmem:$0x8580];
	(v2sf) =	vpush v11, $0x7  }
0x1da: {  	v59 =	vld [tilespmem:$0x8600];
	(v2sf) =	vpush v11, $0x8  }
0x1db: {  	v60 =	vld [tilespmem:$0x8680];
	(v2sf) =	vpush v11, $0x9  }
0x1dc: {  	v61 =	vld [tilespmem:$0x8700];
	(v2sf) =	vpush v11, $0xA  }
0x1dd: {  	v62 =	vld [tilespmem:$0x8780];
	(v2sf) =	vpush v11, $0xB  }
0x1de: {  	v63 =	vld [tilespmem:$0x8800];
	(v2sf) =	vpush v11, $0xC  }
0x1df: {  	v28 =	vld [tilespmem:$0x8880];
	(v2sf) =	vpush v11, $0xD  }
0x1e0: {  	v29 =	vld [tilespmem:$0x8900];
	v10 =	vshrl.u32 v10, $0x3;
	v12 =	vmul.f32 v9, v52;
	(v2sf) =	vpush v11, $0xE  }
0x1e1: {  	v30 =	vld [tilespmem:$0x8980];
	[tilespmem:$0x200] =	vst v10;
	v10 =	vmul.f32 v9, v53;
	s0 =	spop (v2sf);
	(v2sf) =	vpush v11, $0xF  }
0x1e2: {  	v31 =	vmul.f32 v9, v54;
	v11 =	vld [tilespmem:$0x8A00];
	s1 =	spop (v2sf);
	[tilespmem:s0+$0x9280] =	vst v12  }
0x1e3: {  	v32 =	vmul.f32 v9, v55;
	s7 =	spop (v2sf);
	[tilespmem:s1+$0x9300] =	vst v10  }
0x1e4: {  	v10 =	vmul.f32 v9, v56;
	s8 =	spop (v2sf);
	[tilespmem:s7+$0x9380] =	vst v31  }
0x1e5: {  	v33 =	vmul.f32 v9, v57;
	s9 =	spop (v2sf);
	[tilespmem:s8+$0x9400] =	vst v32  }
0x1e6: {  	v34 =	vmul.f32 v9, v58;
	s11 =	spop (v2sf);
	[tilespmem:s9+$0x9480] =	vst v10  }
0x1e7: {  	v10 =	vmul.f32 v9, v59;
	s12 =	spop (v2sf);
	[tilespmem:s11+$0x9500] =	vst v33  }
0x1e8: {  	v35 =	vmul.f32 v9, v60;
	s13 =	spop (v2sf);
	[tilespmem:s12+$0x9580] =	vst v34  }
0x1e9: {  	v36 =	vmul.f32 v9, v61;
	s14 =	spop (v2sf);
	[tilespmem:s13+$0x9600] =	vst v10  }
0x1ea: {  	v10 =	vmul.f32 v9, v62;
	s18 =	spop (v2sf);
	[tilespmem:s14+$0x9680] =	vst v35  }
0x1eb: {  	v37 =	vmul.f32 v9, v63;
	s19 =	spop (v2sf);
	[tilespmem:s18+$0x9700] =	vst v36  }
0x1ec: {  	v38 =	vmul.f32 v9, v28;
	s20 =	spop (v2sf);
	[tilespmem:s19+$0x9780] =	vst v10  }
0x1ed: {  	v10 =	vmul.f32 v9, v29;
	s21 =	spop (v2sf);
	[tilespmem:s20+$0x9800] =	vst v37  }
0x1ee: {  	v39 =	vmul.f32 v9, v30;
	s26 =	spop (v2sf);
	[tilespmem:s21+$0x9880] =	vst v38  }
0x1ef: {  	v11 =	vmul.f32 v9, v11;
	s29 =	spop (v2sf);
	[tilespmem:s26+$0x9900] =	vst v10  }
0x1f0: {  	s6 =	spop (v2sf);
	[tilespmem:s29+$0x9980] =	vst v39  }
0x1f1: {  	[tilespmem:s6+$0x9A00] =	vst v11  }
0x1f2: {  	[spmem:s2] =	stream.indirect.scatter.add.f32 [tilespmem:s28], [sflag:$0x7], $0x80, s25, s24, $0xb8;
	[tilespmem:$0x1FC00] =	vst v63  }
0x1f3: {  	_ =	swait.ge [sflag:s31], $0x800  }
0x1f4: {  	[sflag:s31] =	ssyncset.done $0x0  }
0x1f5: {  	[sflag:s31] =	ssyncadd.s32 $0xFFFFF800  }
0x1f6: {  	[tilespmem:s0+$0x9280] =	vst v0  }
0x1f7: {  	[tilespmem:s1+$0x9300] =	vst v0  }
0x1f8: {  	[tilespmem:s7+$0x9380] =	vst v0  }
0x1f9: {  	[tilespmem:s8+$0x9400] =	vst v0  }
0x1fa: {  	[tilespmem:s9+$0x9480] =	vst v0  }
0x1fb: {  	[tilespmem:s11+$0x9500] =	vst v0  }
0x1fc: {  	[tilespmem:s12+$0x9580] =	vst v0  }
0x1fd: {  	[tilespmem:s13+$0x9600] =	vst v0  }
0x1fe: {  	[tilespmem:s14+$0x9680] =	vst v0  }
0x1ff: {  	[tilespmem:s18+$0x9700] =	vst v0  }
0x200: {  	[tilespmem:s19+$0x9780] =	vst v0  }
0x201: {  	[tilespmem:s20+$0x9800] =	vst v0  }
0x202: {  	[tilespmem:s21+$0x9880] =	vst v0  }
0x203: {  	[tilespmem:s26+$0x9900] =	vst v0  }
0x204: {  	[tilespmem:s29+$0x9980] =	vst v0  }
0x205: {  	[tilespmem:s6+$0x9A00] =	vst v0  }
0x206: {  	v10 =	vld [tilespmem:$0x120];
	_ =	sdelay $0x4  }
0x207: {  	v11 =	vshll.u32 v10, $0x4  }
0x208: {  	v11 =	vand.u32 $0x70, v11  }
0x209: {  	(v2sf) =	vpush v11, $0x0  }
0x20a: {  	v40 =	vld [tilespmem:$0x8A80];
	(v2sf) =	vpush v11, $0x1  }
0x20b: {  	v41 =	vld [tilespmem:$0x8B00];
	(v2sf) =	vpush v11, $0x2  }
0x20c: {  	v42 =	vld [tilespmem:$0x8B80];
	(v2sf) =	vpush v11, $0x3  }
0x20d: {  	v43 =	vld [tilespmem:$0x8C00];
	(v2sf) =	vpush v11, $0x4  }
0x20e: {  	v44 =	vld [tilespmem:$0x8C80];
	(v2sf) =	vpush v11, $0x5  }
0x20f: {  	v45 =	vld [tilespmem:$0x8D00];
	(v2sf) =	vpush v11, $0x6  }
0x210: {  	v46 =	vld [tilespmem:$0x8D80];
	(v2sf) =	vpush v11, $0x7  }
0x211: {  	v47 =	vld [tilespmem:$0x8E00];
	(v2sf) =	vpush v11, $0x8  }
0x212: {  	v48 =	vld [tilespmem:$0x8E80];
	(v2sf) =	vpush v11, $0x9  }
0x213: {  	v49 =	vld [tilespmem:$0x8F00];
	(v2sf) =	vpush v11, $0xA  }
0x214: {  	v50 =	vld [tilespmem:$0x8F80];
	(v2sf) =	vpush v11, $0xB  }
0x215: {  	v51 =	vld [tilespmem:$0x9000];
	(v2sf) =	vpush v11, $0xC  }
0x216: {  	v52 =	vld [tilespmem:$0x9080];
	(v2sf) =	vpush v11, $0xD  }
0x217: {  	v53 =	vld [tilespmem:$0x9100];
	v10 =	vshrl.u32 v10, $0x3;
	v12 =	vmul.f32 v9, v40;
	(v2sf) =	vpush v11, $0xE  }
0x218: {  	v54 =	vld [tilespmem:$0x9180];
	[tilespmem:$0x200] =	vst v10;
	v10 =	vmul.f32 v9, v41;
	s0 =	spop (v2sf);
	(v2sf) =	vpush v11, $0xF  }
0x219: {  	v55 =	vmul.f32 v9, v42;
	v11 =	vld [tilespmem:$0x9200];
	s1 =	spop (v2sf);
	[tilespmem:s0+$0x9280] =	vst v12  }
0x21a: {  	v56 =	vmul.f32 v9, v43;
	s7 =	spop (v2sf);
	[tilespmem:s1+$0x9300] =	vst v10  }
0x21b: {  	v10 =	vmul.f32 v9, v44;
	s8 =	spop (v2sf);
	[tilespmem:s7+$0x9380] =	vst v55  }
0x21c: {  	v57 =	vmul.f32 v9, v45;
	s9 =	spop (v2sf);
	[tilespmem:s8+$0x9400] =	vst v56  }
0x21d: {  	v58 =	vmul.f32 v9, v46;
	s11 =	spop (v2sf);
	[tilespmem:s9+$0x9480] =	vst v10  }
0x21e: {  	v10 =	vmul.f32 v9, v47;
	s12 =	spop (v2sf);
	[tilespmem:s11+$0x9500] =	vst v57  }
0x21f: {  	v59 =	vmul.f32 v9, v48;
	s13 =	spop (v2sf);
	[tilespmem:s12+$0x9580] =	vst v58  }
0x220: {  	v60 =	vmul.f32 v9, v49;
	s14 =	spop (v2sf);
	[tilespmem:s13+$0x9600] =	vst v10  }
0x221: {  	v10 =	vmul.f32 v9, v50;
	s18 =	spop (v2sf);
	[tilespmem:s14+$0x9680] =	vst v59  }
0x222: {  	v61 =	vmul.f32 v9, v51;
	s19 =	spop (v2sf);
	[tilespmem:s18+$0x9700] =	vst v60  }
0x223: {  	v62 =	vmul.f32 v9, v52;
	s20 =	spop (v2sf);
	[tilespmem:s19+$0x9780] =	vst v10  }
0x224: {  	v10 =	vmul.f32 v9, v53;
	s21 =	spop (v2sf);
	[tilespmem:s20+$0x9800] =	vst v61  }
0x225: {  	v63 =	vmul.f32 v9, v54;
	s26 =	spop (v2sf);
	[tilespmem:s21+$0x9880] =	vst v62  }
0x226: {  	v11 =	vmul.f32 v9, v11;
	s29 =	spop (v2sf);
	[tilespmem:s26+$0x9900] =	vst v10  }
0x227: {  	s6 =	spop (v2sf);
	[tilespmem:s29+$0x9980] =	vst v63  }
0x228: {  	[tilespmem:s6+$0x9A00] =	vst v11  }
0x229: {  	[spmem:s2] =	stream.indirect.scatter.add.f32 [tilespmem:s28], [sflag:$0x7], $0x80, s25, s24, $0xb8;
	[tilespmem:$0x1FC00] =	vst v63  }
0x22a: {  	_ =	swait.ge [sflag:s31], $0x800  }
0x22b: {  	[sflag:s31] =	ssyncset.done $0x0  }
0x22c: {  	[sflag:s31] =	ssyncadd.s32 $0xFFFFF800  }
0x22d: {  	[tilespmem:s0+$0x9280] =	vst v0  }
0x22e: {  	[tilespmem:s1+$0x9300] =	vst v0  }
0x22f: {  	[tilespmem:s7+$0x9380] =	vst v0  }
0x230: {  	[tilespmem:s8+$0x9400] =	vst v0  }
0x231: {  	[tilespmem:s9+$0x9480] =	vst v0  }
0x232: {  	[tilespmem:s11+$0x9500] =	vst v0  }
0x233: {  	[tilespmem:s12+$0x9580] =	vst v0  }
0x234: {  	[tilespmem:s13+$0x9600] =	vst v0  }
0x235: {  	[tilespmem:s14+$0x9680] =	vst v0  }
0x236: {  	[tilespmem:s18+$0x9700] =	vst v0  }
0x237: {  	[tilespmem:s19+$0x9780] =	vst v0  }
0x238: {  	[tilespmem:s20+$0x9800] =	vst v0  }
0x239: {  	[tilespmem:s21+$0x9880] =	vst v0  }
0x23a: {  	[tilespmem:s26+$0x9900] =	vst v0  }
0x23b: {  	[tilespmem:s29+$0x9980] =	vst v0  }
0x23c: {  	s9 =	simm.s32 $0x1;
	[tilespmem:s6+$0x9A00] =	vst v0  }
0x23d: {  	_ =	swait.ge [sflag:s9], $0x1800  }
0x23e: {  	[sflag:s9] =	ssyncset.done $0x0  }
0x23f: {  	[sflag:s9] =	ssyncadd.s32 $0xFFFFE800  }
0x240: {  	_ =	swait.ge [sflag:s15], $0x1800  }
0x241: {  	s5 =	smov.u32 s30;
	s12 =	simm.s32 $0x300;
	[sflag:s15] =	ssyncset.done $0x0  }
0x242: {  	s18 =	simm.s32 $0x7B00;
	s20 =	simm.s32 $0x3300;
	[sflag:s15] =	ssyncadd.s32 $0xFFFFE800  }
.LBB2_14:
0x243: {  	v10 =	vld [tilespmem:s12+$0xFFFFFF80]  }
0x244: {  	v11 =	vld [tilespmem:s12+$0xFFFFFF90]  }
0x245: {  	v12 =	vld [tilespmem:s12+$0xFFFFFFA0]  }
0x246: {  	v13 =	vld [tilespmem:s12+$0xFFFFFFB0]  }
0x247: {  	v15 =	vld [tilespmem:s20+$0xFFFFFF80]  }
0x248: {  	v16 =	vld [tilespmem:s20+$0xFFFFFF90]  }
0x249: {  	v17 =	vld [tilespmem:s20+$0xFFFFFFA0]  }
0x24a: {  	v18 =	vld [tilespmem:s20+$0xFFFFFFB0]  }
0x24b: {  	v14 =	vld [tilespmem:s12+$0xFFFFFFC0]  }
0x24c: {  	v19 =	vld [tilespmem:s12+$0xFFFFFFD0];
	v21 =	vshll.u32 v15, $0x10  }
0x24d: {  	v20 =	vld [tilespmem:s12+$0xFFFFFFE0];
	v23 =	vshll.u32 v16, $0x10;
	v10 =	vmul.f32 v21, v10  }
0x24e: {  	v22 =	vld [tilespmem:s12+$0xFFFFFFF0];
	v51 =	vshll.u32 v17, $0x10;
	v11 =	vmul.f32 v23, v11  }
0x24f: {  	v52 =	vld [tilespmem:s12+$0x0];
	v24 =	vshll.u32 v18, $0x10;
	(xrf2) =	vadd.scan.msk.f32 $0xffff, v10;
	v10 =	vmul.f32 v51, v12  }
0x250: {  	v53 =	vld [tilespmem:s12+$0x10];
	v15 =	vand.u32 $0xFFFF0000, v15;
	(xrf2) =	vadd.scan.msk.f32 $0xffff, v11;
	v11 =	vmul.f32 v24, v13  }
0x251: {  	v54 =	vld [tilespmem:s12+$0x20];
	v16 =	vand.u32 $0xFFFF0000, v16;
	(xrf2) =	vadd.scan.msk.f32 $0xffff, v10;
	v10 =	vmul.f32 v15, v14  }
0x252: {  	v55 =	vld [tilespmem:s12+$0x30];
	v56 =	vand.u32 $0xFFFF0000, v17;
	(xrf2) =	vadd.scan.msk.f32 $0xffff, v11;
	v11 =	vmul.f32 v16, v19  }
0x253: {  	v57 =	vld [tilespmem:s12+$0x40];
	s0 =	sshll.u32 s9, $0x7;
	v58 =	vand.u32 $0xFFFF0000, v18;
	(xrf2) =	vadd.scan.msk.f32 $0xffff, v10;
	v10 =	vmul.f32 v56, v20  }
0x254: {  	v59 =	vld [tilespmem:s12+$0x50];
	s1 =	sadd.s32 $0xFFFFFF80, s0;
	(xrf2) =	vadd.scan.msk.f32 $0xffff, v11;
	v11 =	vmul.f32 v58, v22  }
0x255: {  	v60 =	vld [tilespmem:s12+$0x60];
	v61 =	vmov s1;
	(xrf2) =	vadd.scan.msk.f32 $0xffff, v10  }
0x256: {  	v63 =	vld [tilespmem:s20+$0x10];
	v62 =	vor.u32 $0x1, v61;
	(xrf2) =	vadd.scan.msk.f32 $0xffff, v11  }
0x257: {  	v33 =	vld [tilespmem:s20+$0x20];
	v32 =	vor.u32 $0x2, v61  }
0x258: {  	v26 =	vld [tilespmem:s20+$0x30];
	v34 =	vor.u32 $0x3, v61  }
0x259: {  	v27 =	vor.u32 $0x4, v61;
	v10 =	vld [tilespmem:s12+$0x70];
	v25, _, _ =	vpop (xrf2)  }
0x25a: {  	v35 =	vor.u32 $0x5, v61;
	v11 =	vld [tilespmem:s20+$0x0];
	v28, _, _ =	vpop (xrf2);
	[tilespmem:v61+s16+$0x0] =	vst.idx.msk vm0, v25  }
0x25b: {  	v36 =	vor.u32 $0x6, v61;
	v29, _, _ =	vpop (xrf2);
	[tilespmem:v62+s16+$0x0] =	vst.idx.msk vm0, v28  }
0x25c: {  	v18 =	vor.u32 $0x7, v61;
	v37, _, _ =	vpop (xrf2);
	[tilespmem:v32+s16+$0x0] =	vst.idx.msk vm0, v29  }
0x25d: {  	v38, _, _ =	vpop (xrf2);
	[tilespmem:v34+s16+$0x0] =	vst.idx.msk vm0, v37  }
0x25e: {  	v39, _, _ =	vpop (xrf2);
	[tilespmem:v27+s16+$0x0] =	vst.idx.msk vm0, v38  }
0x25f: {  	v40, _, _ =	vpop (xrf2);
	[tilespmem:v35+s16+$0x0] =	vst.idx.msk vm0, v39  }
0x260: {  	v41, _, _ =	vpop (xrf2);
	[tilespmem:v36+s16+$0x0] =	vst.idx.msk vm0, v40  }
0x261: {  	[tilespmem:v18+s16+$0x0] =	vst.idx.msk vm0, v41  }
0x262: {  	v18 =	vld [tilespmem:s18+$0xFFFFFF80];
	_ =	sdelay $0x3  }
0x263: {  	v42 =	vshll.u32 v11, $0x10  }
0x264: {  	v43 =	vshll.u32 v63, $0x10;
	v19 =	vmul.f32 v42, v52;
	v18 =	vmul.f32 $1.442695020e+00, v18  }
0x265: {  	v44 =	vshll.u32 v33, $0x10;
	v12 =	vmul.f32 v43, v53  }
0x266: {  	v45 =	vshll.u32 v26, $0x10;
	v13 =	vmul.f32 v44, v54;
	(xrf2) =	vadd.scan.msk.f32 $0xffff, v19;
	(erf) = vpow2.f32 v18  }
0x267: {  	v46 =	vmul.f32 v45, v55;
	v11 =	vand.u32 $0xFFFF0000, v11;
	(xrf2) =	vadd.scan.msk.f32 $0xffff, v12  }
0x268: {  	v47 =	vand.u32 $0xFFFF0000, v63;
	v11 =	vmul.f32 v11, v57;
	(xrf2) =	vadd.scan.msk.f32 $0xffff, v13  }
0x269: {  	v48 =	vand.u32 $0xFFFF0000, v33;
	v49 =	vmul.f32 v47, v59;
	(xrf2) =	vadd.scan.msk.f32 $0xffff, v46  }
0x26a: {  	v50 =	vand.u32 $0xFFFF0000, v26;
	(xrf2) =	vadd.scan.msk.f32 $0xffff, v11;
	v11 =	vmul.f32 v48, v60  }
0x26b: {  	v10 =	vmul.f32 v50, v10;
	(xrf2) =	vadd.scan.msk.f32 $0xffff, v49  }
0x26c: {  	(xrf2) =	vadd.scan.msk.f32 $0xffff, v11;
	v11 =	vmov s0  }
0x26d: {  	(xrf2) =	vadd.scan.msk.f32 $0xffff, v10;
	v10 =	vor.u32 $0x1, v11  }
0x26e: {  	v51 =	vor.u32 $0x2, v11  }
0x26f: {  	v53 =	vor.u32 $0x3, v11;
	v52 =	vpop (erf)  }
0x270: {  	v55 =	vor.u32 $0x4, v11;
	v54, _, _ =	vpop (xrf2);
	[tilespmem:s18+$0xFFFFFF80] =	vst v52  }
0x271: {  	v57 =	vor.u32 $0x5, v11;
	v56, _, _ =	vpop (xrf2);
	[tilespmem:v11+s16+$0x0] =	vst.idx.msk vm0, v54  }
0x272: {  	v58, _, _ =	vpop (xrf2);
	[tilespmem:v10+s16+$0x0] =	vst.idx.msk vm0, v56;
	v10 =	vor.u32 $0x6, v11  }
0x273: {  	v59, _, _ =	vpop (xrf2);
	v11 =	vor.u32 $0x7, v11;
	[tilespmem:v51+s16+$0x0] =	vst.idx.msk vm0, v58  }
0x274: {  	v60, _, _ =	vpop (xrf2);
	[tilespmem:v53+s16+$0x0] =	vst.idx.msk vm0, v59  }
0x275: {  	v61, _, _ =	vpop (xrf2);
	[tilespmem:v55+s16+$0x0] =	vst.idx.msk vm0, v60  }
0x276: {  	v62, _, _ =	vpop (xrf2);
	[tilespmem:v57+s16+$0x0] =	vst.idx.msk vm0, v61  }
0x277: {  	v63, _, _ =	vpop (xrf2);
	[tilespmem:v10+s16+$0x0] =	vst.idx.msk vm0, v62  }
0x278: {  	[tilespmem:v11+s16+$0x0] =	vst.idx.msk vm0, v63  }
0x279: {  	v10 =	vld [tilespmem:s18+$0x0];
	_ =	sdelay $0x4  }
0x27a: {  	v10 =	vmul.f32 $1.442695020e+00, v10;
	_ =	sdelay $0x1  }
0x27b: {  	(erf) = vpow2.f32 v10;
	_ =	sdelay $0x4  }
0x27c: {  	p0 =	sne.s32 s9, $0x2F  }
.Ltmp8:
0x27d: {  	_ = 	snop;
	(pc) =	sbr.rel @p0 .LBB2_14-.Ltmp8, $3  }
0x27e: {  	_ =	sdelay $0x1  }
0x27f: {  	s9 =	sadd.s32 $0x2, s9;
	v10 =	vpop (erf)  }
0x280: {  	s12 =	sadd.s32 $0x100, s12;
	s20 =	sadd.s32 $0x100, s20;
	[tilespmem:s18+$0x0] =	vst v10;
	s18 =	sadd.s32 $0x100, s18  }
0x281: {  	s0 =	sld [smem:$0x7F9];
	_ =	sdelay $0x2  }
0x282: {  	s1 =	rddreg [dreg:$0x7];
	s0 =	sadd.s32 s23, s0  }
0x283: {  	s21 =	sld [smem:$0x7F6];
	s0 =	sshrl.u32 s0, $0x3  }
0x284: {  	s1 =	sadd.s32 s1, s0  }
0x285: {  	[tilespmem:s4], [sflag:$0x3] =	stream.linear.gather [hbm4b:s1+s4], $0x30, $0x38;
	[tilespmem:$0x1FC00] =	vst v63  }
0x286: {  	s23 =	simm.s32 $0x100;
	s0 =	sadd.s32 s21, s0  }
0x287: {  	[tilespmem:s23], [sflag:$0x4] =	stream.linear.gather [hbm4b:s0+s4], $0x30, $0x38;
	[tilespmem:$0x1FC00] =	vst v63  }
0x288: {  	_ =	swait.ge [sflag:s10], $0x30  }
0x289: {  	[sflag:s10] =	ssyncset.done $0x0  }
0x28a: {  	[sflag:s10] =	ssyncadd.s32 $0xFFFFFFD0  }
0x28b: {  	_ =	swait.ge [sflag:s17], $0x30  }
0x28c: {  	[sflag:s17] =	ssyncset.done $0x0  }
0x28d: {  	s7 =	simm.s32 $0x280;
	s26 =	rddreg [dreg:$0x5];
	[sflag:s17] =	ssyncadd.s32 $0xFFFFFFD0  }
0x28e: {  	[tilespmem:s7], [sflag:$0x1] =	stream.indirect.gather [hbm4b:s26+s3], $0x80, s23, s3, $0xb8;
	[tilespmem:$0x1FC00] =	vst v63  }
0x28f: {  	s30 =	simm.s32 $0x1A80;
	s0 =	simm.s32 @!p6 $0x6;
	s29 =	rddreg [dreg:$0x6]  }
0x290: {  	[tilespmem:s30], [sflag:$0x2] =	stream.indirect.gather [hbm4b:s29+s3], $0x80, s4, s3, $0xb8;
	[tilespmem:$0x1FC00] =	vst v63  }
0x291: {  	_ =	swait.ge @!p6 [sflag:s0], $0x1800  }
0x292: {  	[sflag:s0] =	ssyncset.done @!p6 $0x0  }
0x293: {  	s9 =	simm.s32 $0x0;
	[sflag:s0] =	ssyncadd.s32 @!p6 $0xFFFFE800  }
0x294: {  	v10 =	vld [tilespmem:s9+$0x3340]  }
0x295: {  	v16 =	vld [tilespmem:s9+$0x32F0]  }
0x296: {  	v12 =	vld [tilespmem:s9+$0x7B00]  }
0x297: {  	v18 =	vld [tilespmem:s9+$0x7A80]  }
0x298: {  	v15 =	vld [tilespmem:s9+$0x3360]  }
0x299: {  	v11 =	vld [tilespmem:s9+$0x3370]  }
0x29a: {  	v14 =	vld [tilespmem:s9+$0x3350]  }
0x29b: {  	v23 =	vand.u32 $0xFFFF0000, v10;
	v13 =	vand.u32 $0xFFFF0000, v16;
	v27 =	vperm.xlane v12, v1  }
0x29c: {  	v19 =	vld [tilespmem:s9+$0x32C0];
	v24 =	vshll.u32 v10, $0x10;
	v21 =	vperm.xlane v18, v8;
	v32 =	vperm.xlane v12, v2  }
0x29d: {  	v25 =	vshll.u32 v15, $0x10;
	v33 =	vperm.xlane v12, v3;
	v22 =	vperm.xlane v12, v4  }
0x29e: {  	v17 =	vld [tilespmem:s9+$0x32D0];
	v31 =	vand.u32 $0xFFFF0000, v11;
	v35 =	vperm.xlane v12, v5;
	v28 =	vperm.xlane v12, v6  }
0x29f: {  	s12 =	simm.s32 $0x100;
	v20 =	vld [tilespmem:s9+$0x32E0];
	v36 =	vand.u32 $0xFFFF0000, v14;
	v37 =	vperm.xlane v12, v7;
	v38 =	vperm.xlane v12, v8  }
0x2a0: {  	v26 =	vld [tilespmem:s12+$0x3350];
	v62 =	vshll.u32 v14, $0x10;
	v39 =	vperm.xlane v18, v7;
	v14 =	vperm.xlane v18, v1  }
0x2a1: {  	v30 =	vld [tilespmem:s12+$0x3340];
	v34 =	vand.u32 $0xFFFF0000, v19;
	v40 =	vperm.xlane v18, v2;
	v43 =	vperm.xlane v18, v4  }
0x2a2: {  	v10 =	vld [tilespmem:s12+$0x3360];
	v29 =	vshll.u32 v11, $0x10;
	v45 =	vperm.xlane v18, v5;
	v21 =	vmul.f32 v13, v21  }
0x2a3: {  	v11 =	vld [tilespmem:s12+$0x32D0];
	v16 =	vshll.u32 v16, $0x10;
	v22 =	vmul.f32 v29, v22;
	v29 =	vperm.xlane v18, v6  }
0x2a4: {  	v41 =	vshll.u32 v17, $0x10;
	v13 =	vld [tilespmem:s12+$0x32F0];
	v16 =	vmul.f32 v16, v43;
	[tilespmem:s9+$0x62F0] =	vst v21;
	v21 =	vmul.f32 v36, v28  }
0x2a5: {  	v17 =	vand.u32 $0xFFFF0000, v17;
	v40 =	vmul.f32 v41, v40;
	v28 =	vperm.xlane v18, v3;
	v12 =	vld [tilespmem:s12+$0x32E0];
	[tilespmem:s9+$0x6330] =	vst v22  }
0x2a6: {  	v42 =	vshll.u32 v20, $0x10;
	v24 =	vmul.f32 v24, v27;
	v17 =	vmul.f32 v17, v29;
	v22 =	vld [tilespmem:s12+$0x3370];
	[tilespmem:s9+$0x6350] =	vst v21  }
0x2a7: {  	v19 =	vshll.u32 v19, $0x10;
	v27 =	vmul.f32 v62, v32;
	v42 =	vmul.f32 v42, v28;
	v44 =	vld [tilespmem:s12+$0x32C0]  }
0x2a8: {  	v15 =	vand.u32 $0xFFFF0000, v15;
	v63 =	vmul.f32 v31, v38;
	v31 =	vmul.f32 v34, v45;
	v21 =	vld [tilespmem:s12+$0x7B00];
	[tilespmem:s9+$0x62D0] =	vst v17  }
0x2a9: {  	v20 =	vand.u32 $0xFFFF0000, v20;
	v34 =	vmul.f32 v23, v35;
	v33 =	vmul.f32 v25, v33;
	[tilespmem:s9+$0x62A0] =	vst v42  }
0x2aa: {  	v32 =	vand.u32 $0xFFFF0000, v26;
	v28 =	vmul.f32 v19, v14;
	v19 =	vmul.f32 v20, v39;
	v20 =	vld [tilespmem:s12+$0x7A80];
	[tilespmem:s9+$0x62B0] =	vst v16  }
0x2ab: {  	v26 =	vshll.u32 v26, $0x10;
	v14 =	vand.u32 $0xFFFF0000, v30;
	v29 =	vand.u32 $0xFFFF0000, v13;
	[tilespmem:s9+$0x6300] =	vst v24  }
0x2ac: {  	v17 =	vshll.u32 v30, $0x10;
	v30 =	vmul.f32 v15, v37;
	v15 =	vshll.u32 v10, $0x10;
	[tilespmem:s9+$0x62E0] =	vst v19  }
0x2ad: {  	[tilespmem:s9+$0x6310] =	vst v27;
	v18 =	vand.u32 $0xFFFF0000, v22;
	v25 =	vperm.xlane v21, v1;
	v24 =	vperm.xlane v21, v2  }
0x2ae: {  	[tilespmem:s9+$0x6370] =	vst v63;
	v16 =	vand.u32 $0xFFFF0000, v44;
	v19 =	vperm.xlane v21, v3;
	v23 =	vperm.xlane v21, v5  }
0x2af: {  	s6 =	simm.s32 $0x100;
	s18 =	simm.s32 $0x800;
	[tilespmem:s9+$0x6290] =	vst v40;
	v27 =	vshll.u32 v44, $0x10;
	v35 =	vperm.xlane v21, v6;
	v36 =	vperm.xlane v20, v8  }
.LBB2_16:
0x2b0: {  	s0 =	sshra.s32 s18, $0x2;
	p0 =	sne.s32 s18, $0x5C00;
	s18 =	sadd.s32 $0x400, s18;
	v37 =	vperm.xlane v21, v7;
	v38 =	vperm.xlane v21, v8;
	[tilespmem:s9+$0x6340] =	vst v34  }
0x2b1: {  	v39 =	vld [tilespmem:s0+$0x3350];
	v29 =	vmul.f32 v29, v36;
	v32 =	vmul.f32 v32, v35;
	[tilespmem:s9+$0x6280] =	vst v28  }
0x2b2: {  	v34 =	vperm.xlane v20, v7;
	v21 =	vperm.xlane v21, v4;
	v35 =	vand.u32 $0xFFFF0000, v10;
	v10 =	vld [tilespmem:s0+$0x3360];
	[tilespmem:s9+$0x6320] =	vst v33  }
0x2b3: {  	v22 =	vshll.u32 v22, $0x10;
	v28 =	vperm.xlane v20, v1;
	v36 =	vperm.xlane v20, v2;
	v33 =	vld [tilespmem:s0+$0x3340];
	[tilespmem:s9+$0x6360] =	vst v30  }
0x2b4: {  	v40 =	vshll.u32 v11, $0x10;
	v41 =	vand.u32 $0xFFFF0000, v12;
	v21 =	vmul.f32 v22, v21;
	v30 =	vld [tilespmem:s0+$0x32F0];
	[tilespmem:s9+$0x62C0] =	vst v31;
	s9 =	smov.u32 s12;
	s12 =	smov.u32 s0  }
0x2b5: {  	v42 =	vperm.xlane v20, v4;
	v43 =	vand.u32 $0xFFFF0000, v11;
	v31 =	vperm.xlane v20, v3;
	v11 =	vld [tilespmem:s12+$0x32D0];
	[tilespmem:s9+$0x62F0] =	vst v29  }
0x2b6: {  	v44 =	vperm.xlane v20, v5;
	v20 =	vperm.xlane v20, v6;
	v29 =	vshll.u32 v12, $0x10;
	v12 =	vld [tilespmem:s12+$0x32E0];
	[tilespmem:s9+$0x6330] =	vst v21  }
0x2b7: {  	v46 =	vshll.u32 v13, $0x10;
	v28 =	vmul.f32 v27, v28;
	v27 =	vmul.f32 v29, v31;
	v22 =	vld [tilespmem:s12+$0x3370];
	[tilespmem:s9+$0x6350] =	vst v32  }
0x2b8: {  	v31 =	vmul.f32 v46, v42;
	v20 =	vmul.f32 v43, v20;
	v45 =	vld [tilespmem:s12+$0x32C0];
	v32 =	vand.u32 $0xFFFF0000, v33  }
0x2b9: {  	v40 =	vmul.f32 v40, v36;
	v29 =	vand.u32 $0xFFFF0000, v30;
	v21 =	vld [tilespmem:s12+$0x7B00];
	[tilespmem:s9+$0x62A0] =	vst v27;
	v27 =	vmul.f32 v41, v34;
	v13 =	vmovc v30  }
0x2ba: {  	v25 =	vmul.f32 v17, v25;
	v17 =	vshll.u32 v33, $0x10;
	v30 =	vmul.f32 v35, v37;
	[tilespmem:s9+$0x62D0] =	vst v20  }
0x2bb: {  	v26 =	vmul.f32 v26, v24;
	v36 =	vmul.f32 v18, v38;
	v35 =	vshll.u32 v10, $0x10;
	v20 =	vld [tilespmem:s12+$0x7A80];
	[tilespmem:s9+$0x62B0] =	vst v31  }
.Ltmp9:
0x2bc: {  	v34 =	vmul.f32 v14, v23;
	v14 =	vmovc v32;
	v31 =	vmul.f32 v16, v44;
	v18 =	vand.u32 $0xFFFF0000, v22;
	[tilespmem:s9+$0x6300] =	vst v25;
	(pc) =	sbr.rel @p0 .LBB2_16-.Ltmp9, $4  }
0x2bd: {  	v33 =	vmul.f32 v15, v19;
	v32 =	vand.u32 $0xFFFF0000, v39;
	v15 =	vmovc v35;
	v16 =	vand.u32 $0xFFFF0000, v45;
	[tilespmem:s9+$0x62E0] =	vst v27  }
0x2be: {  	v27 =	vshll.u32 v45, $0x10;
	v25 =	vperm.xlane v21, v1;
	v24 =	vperm.xlane v21, v2;
	[tilespmem:s9+$0x6310] =	vst v26  }
0x2bf: {  	v19 =	vperm.xlane v21, v3;
	v23 =	vperm.xlane v21, v5;
	v26 =	vshll.u32 v39, $0x10;
	[tilespmem:s9+$0x6370] =	vst v36  }
0x2c0: {  	v35 =	vperm.xlane v21, v6;
	v36 =	vperm.xlane v20, v8;
	[tilespmem:s9+$0x6290] =	vst v40  }
0x2c1: {  	[tilespmem:s9+$0x6340] =	vst v34  }
0x2c2: {  	[tilespmem:s9+$0x6280] =	vst v28  }
0x2c3: {  	[tilespmem:s9+$0x6320] =	vst v33  }
0x2c4: {  	[tilespmem:s9+$0x6360] =	vst v30;
	v17 =	vmul.f32 v17, v25  }
0x2c5: {  	[tilespmem:s9+$0x62C0] =	vst v31;
	v24 =	vmul.f32 v26, v24  }
0x2c6: {  	v31 =	vmul.f32 v14, v23;
	[tilespmem:s12+$0x6300] =	vst v17  }
0x2c7: {  	v15 =	vmul.f32 v15, v19;
	[tilespmem:s12+$0x6310] =	vst v24  }
0x2c8: {  	v52 =	vperm.xlane v21, v4;
	v29 =	vmul.f32 v29, v36;
	[tilespmem:s12+$0x6340] =	vst v31  }
0x2c9: {  	v22 =	vshll.u32 v22, $0x10;
	v53 =	vperm.xlane v20, v3;
	v54 =	vmul.f32 v32, v35;
	[tilespmem:s12+$0x6320] =	vst v15  }
0x2ca: {  	v55 =	vperm.xlane v20, v6;
	v56 =	vshll.u32 v12, $0x10;
	v22 =	vmul.f32 v22, v52;
	[tilespmem:s12+$0x62F0] =	vst v29  }
0x2cb: {  	v57 =	vperm.xlane v20, v4;
	v58 =	vand.u32 $0xFFFF0000, v11;
	v59 =	vmul.f32 v56, v53;
	[tilespmem:s12+$0x6350] =	vst v54  }
0x2cc: {  	v13 =	vshll.u32 v13, $0x10;
	v61 =	vperm.xlane v20, v7;
	v60 =	vmul.f32 v58, v55;
	[tilespmem:s12+$0x6330] =	vst v22  }
0x2cd: {  	v62 =	vand.u32 $0xFFFF0000, v12;
	v28 =	vperm.xlane v20, v2;
	v13 =	vmul.f32 v13, v57;
	[tilespmem:s12+$0x62A0] =	vst v59  }
0x2ce: {  	v63 =	vperm.xlane v21, v8;
	v11 =	vshll.u32 v11, $0x10;
	v12 =	vmul.f32 v62, v61;
	[tilespmem:s12+$0x62D0] =	vst v60  }
0x2cf: {  	v32 =	vperm.xlane v21, v7;
	v11 =	vmul.f32 v11, v28;
	[tilespmem:s12+$0x62B0] =	vst v13  }
0x2d0: {  	v30 =	vperm.xlane v20, v1;
	v10 =	vand.u32 $0xFFFF0000, v10;
	v29 =	vmul.f32 v18, v63;
	[tilespmem:s12+$0x62E0] =	vst v12  }
0x2d1: {  	v10 =	vmul.f32 v10, v32;
	[tilespmem:s12+$0x6290] =	vst v11;
	v11 =	vperm.xlane v20, v5  }
0x2d2: {  	v12 =	vmul.f32 v27, v30;
	[tilespmem:s12+$0x6370] =	vst v29  }
0x2d3: {  	[tilespmem:s12+$0x6360] =	vst v10;
	v11 =	vmul.f32 v16, v11  }
0x2d4: {  	[tilespmem:s12+$0x6280] =	vst v12  }
0x2d5: {  	s0 =	simm.s32 $0x180;
	s1 =	simm.s32 $0x6280;
	[tilespmem:s12+$0x62C0] =	vst v11  }
0x2d6: {  	[spmem:s5] =	stream.indirect.scatter [tilespmem:s1], [sflag:$0x6], $0x80, s0, s3, $0xb8;
	[tilespmem:$0x1FC00] =	vst v63  }
0x2d7: {  	v10 =	vld [tilespmem:$0x180];
	_ =	sdelay $0x4  }
0x2d8: {  	v11 =	vshll.u32 v10, $0x4  }
0x2d9: {  	v11 =	vand.u32 $0x70, v11  }
0x2da: {  	(v2sf) =	vpush v11, $0x0  }
0x2db: {  	v12 =	vld [tilespmem:$0x7A80];
	(v2sf) =	vpush v11, $0x1  }
0x2dc: {  	v13 =	vld [tilespmem:$0x7B00];
	(v2sf) =	vpush v11, $0x2  }
0x2dd: {  	v33 =	vld [tilespmem:$0x7B80];
	(v2sf) =	vpush v11, $0x3  }
0x2de: {  	v15 =	vld [tilespmem:$0x7C00];
	(v2sf) =	vpush v11, $0x4  }
0x2df: {  	v34 =	vld [tilespmem:$0x7C80];
	(v2sf) =	vpush v11, $0x5  }
0x2e0: {  	v17 =	vld [tilespmem:$0x7D00];
	(v2sf) =	vpush v11, $0x6  }
0x2e1: {  	v35 =	vld [tilespmem:$0x7D80];
	(v2sf) =	vpush v11, $0x7  }
0x2e2: {  	v36 =	vld [tilespmem:$0x7E00];
	(v2sf) =	vpush v11, $0x8  }
0x2e3: {  	v37 =	vld [tilespmem:$0x7E80];
	(v2sf) =	vpush v11, $0x9  }
0x2e4: {  	v38 =	vld [tilespmem:$0x7F00];
	(v2sf) =	vpush v11, $0xA  }
0x2e5: {  	v39 =	vld [tilespmem:$0x7F80];
	(v2sf) =	vpush v11, $0xB  }
0x2e6: {  	v40 =	vld [tilespmem:$0x8000];
	(v2sf) =	vpush v11, $0xC  }
0x2e7: {  	v24 =	vld [tilespmem:$0x8080];
	(v2sf) =	vpush v11, $0xD  }
0x2e8: {  	v41 =	vld [tilespmem:$0x8100];
	v10 =	vshrl.u32 v10, $0x3;
	v12 =	vmul.f32 v9, v12;
	(v2sf) =	vpush v11, $0xE  }
0x2e9: {  	v42 =	vld [tilespmem:$0x8180];
	[tilespmem:$0x200] =	vst v10;
	v10 =	vmul.f32 v9, v13;
	s1 =	spop (v2sf);
	(v2sf) =	vpush v11, $0xF  }
0x2ea: {  	v43 =	vmul.f32 v9, v33;
	v11 =	vld [tilespmem:$0x8200];
	s9 =	spop (v2sf);
	[tilespmem:s1+$0x9280] =	vst v12  }
0x2eb: {  	v44 =	vmul.f32 v9, v15;
	s7 =	spop (v2sf);
	[tilespmem:s9+$0x9300] =	vst v10  }
0x2ec: {  	v10 =	vmul.f32 v9, v34;
	s8 =	spop (v2sf);
	[tilespmem:s7+$0x9380] =	vst v43  }
0x2ed: {  	v45 =	vmul.f32 v9, v17;
	s12 =	spop (v2sf);
	[tilespmem:s8+$0x9400] =	vst v44  }
0x2ee: {  	v46 =	vmul.f32 v9, v35;
	s11 =	spop (v2sf);
	[tilespmem:s12+$0x9480] =	vst v10  }
0x2ef: {  	s30 =	smov.u32 s5;
	v10 =	vmul.f32 v9, v36;
	s5 =	spop (v2sf);
	[tilespmem:s11+$0x9500] =	vst v45  }
0x2f0: {  	v47 =	vmul.f32 v9, v37;
	s13 =	spop (v2sf);
	[tilespmem:s5+$0x9580] =	vst v46  }
0x2f1: {  	v48 =	vmul.f32 v9, v38;
	s14 =	spop (v2sf);
	[tilespmem:s13+$0x9600] =	vst v10  }
0x2f2: {  	v10 =	vmul.f32 v9, v39;
	s18 =	spop (v2sf);
	[tilespmem:s14+$0x9680] =	vst v47  }
0x2f3: {  	v49 =	vmul.f32 v9, v40;
	s19 =	spop (v2sf);
	[tilespmem:s18+$0x9700] =	vst v48  }
0x2f4: {  	v50 =	vmul.f32 v9, v24;
	s20 =	spop (v2sf);
	[tilespmem:s19+$0x9780] =	vst v10  }
0x2f5: {  	v10 =	vmul.f32 v9, v41;
	s21 =	spop (v2sf);
	[tilespmem:s20+$0x9800] =	vst v49  }
0x2f6: {  	v51 =	vmul.f32 v9, v42;
	s23 =	spop (v2sf);
	[tilespmem:s21+$0x9880] =	vst v50  }
0x2f7: {  	v11 =	vmul.f32 v9, v11;
	s26 =	spop (v2sf);
	[tilespmem:s23+$0x9900] =	vst v10  }
0x2f8: {  	s29 =	spop (v2sf);
	[tilespmem:s26+$0x9980] =	vst v51  }
0x2f9: {  	[tilespmem:s29+$0x9A00] =	vst v11  }
0x2fa: {  	[spmem:s2] =	stream.indirect.scatter.add.f32 [tilespmem:s28], [sflag:$0x7], $0x80, s25, s24, $0xb8;
	[tilespmem:$0x1FC00] =	vst v63  }
0x2fb: {  	_ =	swait.ge [sflag:s31], $0x800  }
0x2fc: {  	[sflag:s31] =	ssyncset.done $0x0  }
0x2fd: {  	[sflag:s31] =	ssyncadd.s32 $0xFFFFF800  }
0x2fe: {  	[tilespmem:s1+$0x9280] =	vst v0  }
0x2ff: {  	[tilespmem:s9+$0x9300] =	vst v0  }
0x300: {  	[tilespmem:s7+$0x9380] =	vst v0  }
0x301: {  	[tilespmem:s8+$0x9400] =	vst v0  }
0x302: {  	[tilespmem:s12+$0x9480] =	vst v0  }
0x303: {  	[tilespmem:s11+$0x9500] =	vst v0  }
0x304: {  	[tilespmem:s5+$0x9580] =	vst v0  }
0x305: {  	[tilespmem:s13+$0x9600] =	vst v0  }
0x306: {  	[tilespmem:s14+$0x9680] =	vst v0  }
0x307: {  	[tilespmem:s18+$0x9700] =	vst v0  }
0x308: {  	[tilespmem:s19+$0x9780] =	vst v0  }
0x309: {  	[tilespmem:s20+$0x9800] =	vst v0  }
0x30a: {  	[tilespmem:s21+$0x9880] =	vst v0  }
0x30b: {  	[tilespmem:s23+$0x9900] =	vst v0  }
0x30c: {  	[tilespmem:s26+$0x9980] =	vst v0  }
0x30d: {  	[tilespmem:s29+$0x9A00] =	vst v0  }
0x30e: {  	v10 =	vld [tilespmem:$0x190];
	_ =	sdelay $0x4  }
0x30f: {  	v11 =	vshll.u32 v10, $0x4  }
0x310: {  	v11 =	vand.u32 $0x70, v11  }
0x311: {  	(v2sf) =	vpush v11, $0x0  }
0x312: {  	v52 =	vld [tilespmem:$0x8280];
	(v2sf) =	vpush v11, $0x1  }
0x313: {  	v53 =	vld [tilespmem:$0x8300];
	(v2sf) =	vpush v11, $0x2  }
0x314: {  	v54 =	vld [tilespmem:$0x8380];
	(v2sf) =	vpush v11, $0x3  }
0x315: {  	v55 =	vld [tilespmem:$0x8400];
	(v2sf) =	vpush v11, $0x4  }
0x316: {  	v56 =	vld [tilespmem:$0x8480];
	(v2sf) =	vpush v11, $0x5  }
0x317: {  	v57 =	vld [tilespmem:$0x8500];
	(v2sf) =	vpush v11, $0x6  }
0x318: {  	v58 =	vld [tilespmem:$0x8580];
	(v2sf) =	vpush v11, $0x7  }
0x319: {  	v59 =	vld [tilespmem:$0x8600];
	(v2sf) =	vpush v11, $0x8  }
0x31a: {  	v60 =	vld [tilespmem:$0x8680];
	(v2sf) =	vpush v11, $0x9  }
0x31b: {  	v61 =	vld [tilespmem:$0x8700];
	(v2sf) =	vpush v11, $0xA  }
0x31c: {  	v62 =	vld [tilespmem:$0x8780];
	(v2sf) =	vpush v11, $0xB  }
0x31d: {  	v63 =	vld [tilespmem:$0x8800];
	(v2sf) =	vpush v11, $0xC  }
0x31e: {  	v28 =	vld [tilespmem:$0x8880];
	(v2sf) =	vpush v11, $0xD  }
0x31f: {  	v29 =	vld [tilespmem:$0x8900];
	v10 =	vshrl.u32 v10, $0x3;
	v12 =	vmul.f32 v9, v52;
	(v2sf) =	vpush v11, $0xE  }
0x320: {  	v30 =	vld [tilespmem:$0x8980];
	[tilespmem:$0x200] =	vst v10;
	v10 =	vmul.f32 v9, v53;
	s0 =	spop (v2sf);
	(v2sf) =	vpush v11, $0xF  }
0x321: {  	v31 =	vmul.f32 v9, v54;
	v11 =	vld [tilespmem:$0x8A00];
	s1 =	spop (v2sf);
	[tilespmem:s0+$0x9280] =	vst v12  }
0x322: {  	v32 =	vmul.f32 v9, v55;
	s7 =	spop (v2sf);
	[tilespmem:s1+$0x9300] =	vst v10  }
0x323: {  	v10 =	vmul.f32 v9, v56;
	s8 =	spop (v2sf);
	[tilespmem:s7+$0x9380] =	vst v31  }
0x324: {  	v33 =	vmul.f32 v9, v57;
	s9 =	spop (v2sf);
	[tilespmem:s8+$0x9400] =	vst v32  }
0x325: {  	v34 =	vmul.f32 v9, v58;
	s11 =	spop (v2sf);
	[tilespmem:s9+$0x9480] =	vst v10  }
0x326: {  	v10 =	vmul.f32 v9, v59;
	s12 =	spop (v2sf);
	[tilespmem:s11+$0x9500] =	vst v33  }
0x327: {  	v35 =	vmul.f32 v9, v60;
	s13 =	spop (v2sf);
	[tilespmem:s12+$0x9580] =	vst v34  }
0x328: {  	v36 =	vmul.f32 v9, v61;
	s14 =	spop (v2sf);
	[tilespmem:s13+$0x9600] =	vst v10  }
0x329: {  	v10 =	vmul.f32 v9, v62;
	s18 =	spop (v2sf);
	[tilespmem:s14+$0x9680] =	vst v35  }
0x32a: {  	v37 =	vmul.f32 v9, v63;
	s19 =	spop (v2sf);
	[tilespmem:s18+$0x9700] =	vst v36  }
0x32b: {  	v38 =	vmul.f32 v9, v28;
	s20 =	spop (v2sf);
	[tilespmem:s19+$0x9780] =	vst v10  }
0x32c: {  	v10 =	vmul.f32 v9, v29;
	s21 =	spop (v2sf);
	[tilespmem:s20+$0x9800] =	vst v37  }
0x32d: {  	v39 =	vmul.f32 v9, v30;
	s23 =	spop (v2sf);
	[tilespmem:s21+$0x9880] =	vst v38  }
0x32e: {  	v11 =	vmul.f32 v9, v11;
	s26 =	spop (v2sf);
	[tilespmem:s23+$0x9900] =	vst v10  }
0x32f: {  	s5 =	spop (v2sf);
	[tilespmem:s26+$0x9980] =	vst v39  }
0x330: {  	[tilespmem:s5+$0x9A00] =	vst v11  }
0x331: {  	[spmem:s2] =	stream.indirect.scatter.add.f32 [tilespmem:s28], [sflag:$0x7], $0x80, s25, s24, $0xb8;
	[tilespmem:$0x1FC00] =	vst v63  }
0x332: {  	_ =	swait.ge [sflag:s31], $0x800  }
0x333: {  	[sflag:s31] =	ssyncset.done $0x0  }
0x334: {  	[sflag:s31] =	ssyncadd.s32 $0xFFFFF800  }
0x335: {  	[tilespmem:s0+$0x9280] =	vst v0  }
0x336: {  	[tilespmem:s1+$0x9300] =	vst v0  }
0x337: {  	[tilespmem:s7+$0x9380] =	vst v0  }
0x338: {  	[tilespmem:s8+$0x9400] =	vst v0  }
0x339: {  	[tilespmem:s9+$0x9480] =	vst v0  }
0x33a: {  	[tilespmem:s11+$0x9500] =	vst v0  }
0x33b: {  	[tilespmem:s12+$0x9580] =	vst v0  }
0x33c: {  	[tilespmem:s13+$0x9600] =	vst v0  }
0x33d: {  	[tilespmem:s14+$0x9680] =	vst v0  }
0x33e: {  	[tilespmem:s18+$0x9700] =	vst v0  }
0x33f: {  	[tilespmem:s19+$0x9780] =	vst v0  }
0x340: {  	[tilespmem:s20+$0x9800] =	vst v0  }
0x341: {  	[tilespmem:s21+$0x9880] =	vst v0  }
0x342: {  	[tilespmem:s23+$0x9900] =	vst v0  }
0x343: {  	[tilespmem:s26+$0x9980] =	vst v0  }
0x344: {  	[tilespmem:s5+$0x9A00] =	vst v0  }
0x345: {  	v10 =	vld [tilespmem:$0x1A0];
	_ =	sdelay $0x4  }
0x346: {  	v11 =	vshll.u32 v10, $0x4  }
0x347: {  	v11 =	vand.u32 $0x70, v11  }
0x348: {  	(v2sf) =	vpush v11, $0x0  }
0x349: {  	v40 =	vld [tilespmem:$0x8A80];
	(v2sf) =	vpush v11, $0x1  }
0x34a: {  	v41 =	vld [tilespmem:$0x8B00];
	(v2sf) =	vpush v11, $0x2  }
0x34b: {  	v42 =	vld [tilespmem:$0x8B80];
	(v2sf) =	vpush v11, $0x3  }
0x34c: {  	v43 =	vld [tilespmem:$0x8C00];
	(v2sf) =	vpush v11, $0x4  }
0x34d: {  	v44 =	vld [tilespmem:$0x8C80];
	(v2sf) =	vpush v11, $0x5  }
0x34e: {  	v45 =	vld [tilespmem:$0x8D00];
	(v2sf) =	vpush v11, $0x6  }
0x34f: {  	v46 =	vld [tilespmem:$0x8D80];
	(v2sf) =	vpush v11, $0x7  }
0x350: {  	v47 =	vld [tilespmem:$0x8E00];
	(v2sf) =	vpush v11, $0x8  }
0x351: {  	v48 =	vld [tilespmem:$0x8E80];
	(v2sf) =	vpush v11, $0x9  }
0x352: {  	v49 =	vld [tilespmem:$0x8F00];
	(v2sf) =	vpush v11, $0xA  }
0x353: {  	v50 =	vld [tilespmem:$0x8F80];
	(v2sf) =	vpush v11, $0xB  }
0x354: {  	v51 =	vld [tilespmem:$0x9000];
	(v2sf) =	vpush v11, $0xC  }
0x355: {  	v52 =	vld [tilespmem:$0x9080];
	(v2sf) =	vpush v11, $0xD  }
0x356: {  	v53 =	vld [tilespmem:$0x9100];
	v10 =	vshrl.u32 v10, $0x3;
	v12 =	vmul.f32 v9, v40;
	(v2sf) =	vpush v11, $0xE  }
0x357: {  	v54 =	vld [tilespmem:$0x9180];
	[tilespmem:$0x200] =	vst v10;
	v10 =	vmul.f32 v9, v41;
	s0 =	spop (v2sf);
	(v2sf) =	vpush v11, $0xF  }
0x358: {  	v55 =	vmul.f32 v9, v42;
	v11 =	vld [tilespmem:$0x9200];
	s1 =	spop (v2sf);
	[tilespmem:s0+$0x9280] =	vst v12  }
0x359: {  	v56 =	vmul.f32 v9, v43;
	s7 =	spop (v2sf);
	[tilespmem:s1+$0x9300] =	vst v10  }
0x35a: {  	v10 =	vmul.f32 v9, v44;
	s8 =	spop (v2sf);
	[tilespmem:s7+$0x9380] =	vst v55  }
0x35b: {  	v57 =	vmul.f32 v9, v45;
	s9 =	spop (v2sf);
	[tilespmem:s8+$0x9400] =	vst v56  }
0x35c: {  	v58 =	vmul.f32 v9, v46;
	s11 =	spop (v2sf);
	[tilespmem:s9+$0x9480] =	vst v10  }
0x35d: {  	v10 =	vmul.f32 v9, v47;
	s12 =	spop (v2sf);
	[tilespmem:s11+$0x9500] =	vst v57  }
0x35e: {  	v59 =	vmul.f32 v9, v48;
	s13 =	spop (v2sf);
	[tilespmem:s12+$0x9580] =	vst v58  }
0x35f: {  	v60 =	vmul.f32 v9, v49;
	s14 =	spop (v2sf);
	[tilespmem:s13+$0x9600] =	vst v10  }
0x360: {  	v10 =	vmul.f32 v9, v50;
	s18 =	spop (v2sf);
	[tilespmem:s14+$0x9680] =	vst v59  }
0x361: {  	v61 =	vmul.f32 v9, v51;
	s19 =	spop (v2sf);
	[tilespmem:s18+$0x9700] =	vst v60  }
0x362: {  	v62 =	vmul.f32 v9, v52;
	s20 =	spop (v2sf);
	[tilespmem:s19+$0x9780] =	vst v10  }
0x363: {  	v10 =	vmul.f32 v9, v53;
	s21 =	spop (v2sf);
	[tilespmem:s20+$0x9800] =	vst v61  }
0x364: {  	v63 =	vmul.f32 v9, v54;
	s23 =	spop (v2sf);
	[tilespmem:s21+$0x9880] =	vst v62  }
0x365: {  	v11 =	vmul.f32 v9, v11;
	s26 =	spop (v2sf);
	[tilespmem:s23+$0x9900] =	vst v10  }
0x366: {  	s5 =	spop (v2sf);
	[tilespmem:s26+$0x9980] =	vst v63  }
0x367: {  	[tilespmem:s5+$0x9A00] =	vst v11  }
0x368: {  	[spmem:s2] =	stream.indirect.scatter.add.f32 [tilespmem:s28], [sflag:$0x7], $0x80, s25, s24, $0xb8;
	[tilespmem:$0x1FC00] =	vst v63  }
0x369: {  	_ =	swait.ge [sflag:s31], $0x800  }
0x36a: {  	[sflag:s31] =	ssyncset.done $0x0  }
0x36b: {  	[sflag:s31] =	ssyncadd.s32 $0xFFFFF800  }
0x36c: {  	[tilespmem:s0+$0x9280] =	vst v0  }
0x36d: {  	[tilespmem:s1+$0x9300] =	vst v0  }
0x36e: {  	[tilespmem:s7+$0x9380] =	vst v0  }
0x36f: {  	[tilespmem:s8+$0x9400] =	vst v0  }
0x370: {  	[tilespmem:s9+$0x9480] =	vst v0  }
0x371: {  	[tilespmem:s11+$0x9500] =	vst v0  }
0x372: {  	[tilespmem:s12+$0x9580] =	vst v0  }
0x373: {  	[tilespmem:s13+$0x9600] =	vst v0  }
0x374: {  	[tilespmem:s14+$0x9680] =	vst v0  }
0x375: {  	s22 =	sadd.s32 $0x1, s22;
	[tilespmem:s18+$0x9700] =	vst v0  }
0x376: {  	p0 =	sne.s32 s22, $0x69;
	[tilespmem:s19+$0x9780] =	vst v0  }
.Ltmp10:
0x377: {  	[tilespmem:s20+$0x9800] =	vst v0;
	(pc) =	sbr.rel @p0 .LBB2_9-.Ltmp10, $4  }
0x378: {  	[tilespmem:s21+$0x9880] =	vst v0  }
0x379: {  	[tilespmem:s23+$0x9900] =	vst v0  }
0x37a: {  	[tilespmem:s26+$0x9980] =	vst v0  }
0x37b: {  	s11 =	simm.s32 $0x4A80;
	[tilespmem:s5+$0x9A00] =	vst v0  }
0x37c: {  	s0 =	simm.s32 $0x5  }
0x37d: {  	_ =	swait.ge [sflag:s0], $0x1800  }
0x37e: {  	[sflag:s0] =	ssyncset.done $0x0  }
0x37f: {  	s26 =	simm.s32 $0x6;
	[sflag:s0] =	ssyncadd.s32 $0xFFFFE800  }
0x380: {  	_ =	swait.ge [sflag:s26], $0x1800  }
0x381: {  	[sflag:s26] =	ssyncset.done $0x0  }
0x382: {  	s29 =	simm.s32 $0x1;
	[sflag:s26] =	ssyncadd.s32 $0xFFFFE800  }
0x383: {  	_ =	swait.ge [sflag:s29], $0x1800  }
0x384: {  	[sflag:s29] =	ssyncset.done $0x0  }
0x385: {  	[sflag:s29] =	ssyncadd.s32 $0xFFFFE800  }
0x386: {  	_ =	swait.ge [sflag:s15], $0x1800  }
0x387: {  	[sflag:s15] =	ssyncset.done $0x0  }
0x388: {  	[sflag:s15] =	ssyncadd.s32 $0xFFFFE800  }
0x389: {  	[bflag:$0x0] =	sbarrier.arrive $0xFFFF  }
0x38a: {  	s0 =	simm.s32 @!p1 $0x4A80;
	s1 =	rddreg [dreg:$0xb]  }
0x38b: {  	[tilespmem:s0], [sflag:$0x7] =	stream.linear.gather @!p1 [spmem:s1], $0x1800, $0x38;
	[tilespmem:$0x1FC00] =	vst v63  }
0x38c: {  	s1 =	simm.s32 @!p1 $0x7  }
0x38d: {  	_ =	swait.ge @!p1 [sflag:s1], $0x1800  }
0x38e: {  	s5 =	sld [smem:$0x7FA]  }
0x38f: {  	[sflag:s1] =	ssyncset.done @!p1 $0x0  }
0x390: {  	s7 =	simm.s32 @!p1 $0x0;
	[sflag:s1] =	ssyncadd.s32 @!p1 $0xFFFFE800  }
0x391: {  	[hbm4b:s5+s7] =	stream.linear.scatter @!p1 [tilespmem:s0], [sflag:$0x7], $0x1800, $0x38;
	[tilespmem:$0x1FC00] =	vst v63  }
0x392: {  	s5 =	sld [smem:$0x7E5];
	_ =	sdelay $0x2  }
0x393: {  	s0 =	smul.u32 @p5 $0x6000, s5  }
0x394: {  	_ =	swait.ge @!p1 [sflag:s1], $0x1800  }
0x395: {  	s7 =	simm.s32 @p5 $0x7;
	[sflag:s1] =	ssyncset.done @!p1 $0x0;
	s0 =	sshrl.u32 @p5 s0, $0x2  }
0x396: {  	[sflag:s1] =	ssyncadd.s32 @!p1 $0xFFFFE800;
	s1 =	simm.s32 @p5 $0x4A80;
	s0 =	sadd.s32 @p5 s0, s30  }
0x397: {  	[tilespmem:s1], [sflag:$0x7] =	stream.linear.gather @p5 [spmem:s0], $0x1800, $0x38;
	[tilespmem:$0x1FC00] =	vst v63  }
0x398: {  	_ =	swait.ge @p5 [sflag:s7], $0x1800  }
0x399: {  	s9 =	sld [smem:$0x7F3]  }
0x39a: {  	s0 =	smul.u32 @p5 $0x1800, s5;
	_ =	sdelay $0x1  }
0x39b: {  	s8 =	simm.s32 @p5 $0x0;
	s0 =	sadd.s32 @p5 s9, s0  }
0x39c: {  	[sflag:s7] =	ssyncset.done @p5 $0x0;
	s5 =	rddreg [dreg:$0x8];
	s0 =	sshrl.u32 @p5 s0, $0x3  }
.Ltmp11:
0x39d: {  	[sflag:s7] =	ssyncadd.s32 @p5 $0xFFFFE800;
	s0 =	sadd.s32 @p5 s5, s0;
	(pc) =	sbr.rel @p1 .LBB2_20-.Ltmp11, $4  }
0x39e: {  	[hbm4b:s0+s8] =	stream.linear.scatter @p5 [tilespmem:s1], [sflag:$0x7], $0x1800, $0x38;
	[tilespmem:$0x1FC00] =	vst v63  }
0x39f: {  	_ =	swait.ge @p5 [sflag:s7], $0x1800  }
0x3a0: {  	[sflag:s7] =	ssyncset.done @p5 $0x0  }
0x3a1: {  	s6 =	sld [smem:$0x7EC];
	[sflag:s7] =	ssyncadd.s32 @p5 $0xFFFFE800  }
0x3a2: {  	s1 =	sld [smem:$0x7E4];
	_ =	sdelay $0x2  }
0x3a3: {  	s0 =	smul.u32 $0x6000, s1;
	_ =	sdelay $0x1  }
0x3a4: {  	s0 =	sshrl.u32 s0, $0x2  }
0x3a5: {  	s1 =	smul.u32 $0x1800, s1;
	s0 =	sadd.s32 s0, s30  }
0x3a6: {  	[tilespmem:s11], [sflag:$0x7] =	stream.linear.gather [spmem:s0], $0x1800, $0x38;
	[tilespmem:$0x1FC00] =	vst v63  }
0x3a7: {  	s21 =	sadd.s32 s9, s1;
	_ =	swait.ge [sflag:s31], $0x1800  }
0x3a8: {  	s0 =	sshrl.u32 s21, $0x3;
	[sflag:s31] =	ssyncset.done $0x0;
	s22 =	sld [smem:$0x7E6]  }
0x3a9: {  	s0 =	sadd.s32 s5, s0;
	[sflag:s31] =	ssyncadd.s32 $0xFFFFE800  }
0x3aa: {  	[hbm4b:s0+s4] =	stream.linear.scatter [tilespmem:s11], [sflag:$0x7], $0x1800, $0x38;
	[tilespmem:$0x1FC00] =	vst v63  }
0x3ab: {  	s23 =	smul.u32 $0x6000, s22  }
0x3ac: {  	_ =	swait.ge [sflag:s31], $0x1800  }
0x3ad: {  	[sflag:s31] =	ssyncset.done $0x0;
	s0 =	sshrl.u32 s23, $0x2  }
0x3ae: {  	s1 =	smul.u32 $0x1800, s22;
	[sflag:s31] =	ssyncadd.s32 $0xFFFFE800;
	s0 =	sadd.s32 s0, s30  }
0x3af: {  	[tilespmem:s11], [sflag:$0x7] =	stream.linear.gather [spmem:s0], $0x1800, $0x38;
	[tilespmem:$0x1FC00] =	vst v63  }
0x3b0: {  	s26 =	sadd.s32 s9, s1;
	_ =	swait.ge [sflag:s31], $0x1800  }
0x3b1: {  	s0 =	sshrl.u32 s26, $0x3;
	[sflag:s31] =	ssyncset.done $0x0;
	s29 =	sld [smem:$0x7E3]  }
0x3b2: {  	s0 =	sadd.s32 s5, s0;
	[sflag:s31] =	ssyncadd.s32 $0xFFFFE800  }
0x3b3: {  	[hbm4b:s0+s4] =	stream.linear.scatter [tilespmem:s11], [sflag:$0x7], $0x1800, $0x38;
	[tilespmem:$0x1FC00] =	vst v63  }
0x3b4: {  	s7 =	smul.u32 $0x6000, s29  }
0x3b5: {  	_ =	swait.ge [sflag:s31], $0x1800  }
0x3b6: {  	[sflag:s31] =	ssyncset.done $0x0;
	s0 =	sshrl.u32 s7, $0x2  }
0x3b7: {  	s1 =	smul.u32 $0x1800, s29;
	[sflag:s31] =	ssyncadd.s32 $0xFFFFE800;
	s0 =	sadd.s32 s0, s30  }
0x3b8: {  	[tilespmem:s11], [sflag:$0x7] =	stream.linear.gather [spmem:s0], $0x1800, $0x38;
	[tilespmem:$0x1FC00] =	vst v63  }
0x3b9: {  	s8 =	sadd.s32 s9, s1;
	_ =	swait.ge [sflag:s31], $0x1800  }
0x3ba: {  	s0 =	sshrl.u32 s8, $0x3;
	[sflag:s31] =	ssyncset.done $0x0;
	s12 =	sld [smem:$0x7E7]  }
0x3bb: {  	s0 =	sadd.s32 s5, s0;
	[sflag:s31] =	ssyncadd.s32 $0xFFFFE800  }
0x3bc: {  	[hbm4b:s0+s4] =	stream.linear.scatter [tilespmem:s11], [sflag:$0x7], $0x1800, $0x38;
	[tilespmem:$0x1FC00] =	vst v63  }
0x3bd: {  	s13 =	smul.u32 $0x6000, s12  }
0x3be: {  	_ =	swait.ge [sflag:s31], $0x1800  }
0x3bf: {  	[sflag:s31] =	ssyncset.done $0x0;
	s0 =	sshrl.u32 s13, $0x2  }
0x3c0: {  	s1 =	smul.u32 $0x1800, s12;
	[sflag:s31] =	ssyncadd.s32 $0xFFFFE800;
	s0 =	sadd.s32 s0, s30  }
0x3c1: {  	[tilespmem:s11], [sflag:$0x7] =	stream.linear.gather [spmem:s0], $0x1800, $0x38;
	[tilespmem:$0x1FC00] =	vst v63  }
0x3c2: {  	s14 =	sadd.s32 s9, s1;
	_ =	swait.ge [sflag:s31], $0x1800  }
0x3c3: {  	s0 =	sshrl.u32 s14, $0x3;
	[sflag:s31] =	ssyncset.done $0x0;
	s18 =	sld [smem:$0x7E2]  }
0x3c4: {  	s0 =	sadd.s32 s5, s0;
	[sflag:s31] =	ssyncadd.s32 $0xFFFFE800  }
0x3c5: {  	[hbm4b:s0+s4] =	stream.linear.scatter [tilespmem:s11], [sflag:$0x7], $0x1800, $0x38;
	[tilespmem:$0x1FC00] =	vst v63  }
0x3c6: {  	s19 =	smul.u32 $0x6000, s18  }
0x3c7: {  	_ =	swait.ge [sflag:s31], $0x1800  }
0x3c8: {  	[sflag:s31] =	ssyncset.done $0x0;
	s0 =	sshrl.u32 s19, $0x2  }
0x3c9: {  	s1 =	smul.u32 $0x1800, s18;
	[sflag:s31] =	ssyncadd.s32 $0xFFFFE800;
	s0 =	sadd.s32 s0, s30  }
0x3ca: {  	[tilespmem:s11], [sflag:$0x7] =	stream.linear.gather [spmem:s0], $0x1800, $0x38;
	[tilespmem:$0x1FC00] =	vst v63  }
0x3cb: {  	s20 =	sadd.s32 s9, s1;
	_ =	swait.ge [sflag:s31], $0x1800  }
0x3cc: {  	s0 =	sshrl.u32 s20, $0x3;
	[sflag:s31] =	ssyncset.done $0x0;
	s21 =	sld [smem:$0x7E8]  }
0x3cd: {  	s0 =	sadd.s32 s5, s0;
	[sflag:s31] =	ssyncadd.s32 $0xFFFFE800  }
0x3ce: {  	[hbm4b:s0+s4] =	stream.linear.scatter [tilespmem:s11], [sflag:$0x7], $0x1800, $0x38;
	[tilespmem:$0x1FC00] =	vst v63  }
0x3cf: {  	s22 =	smul.u32 $0x6000, s21  }
0x3d0: {  	_ =	swait.ge [sflag:s31], $0x1800  }
0x3d1: {  	[sflag:s31] =	ssyncset.done $0x0;
	s0 =	sshrl.u32 s22, $0x2  }
0x3d2: {  	s1 =	smul.u32 $0x1800, s21;
	[sflag:s31] =	ssyncadd.s32 $0xFFFFE800;
	s0 =	sadd.s32 s0, s30  }
0x3d3: {  	[tilespmem:s11], [sflag:$0x7] =	stream.linear.gather [spmem:s0], $0x1800, $0x38;
	[tilespmem:$0x1FC00] =	vst v63  }
0x3d4: {  	s23 =	sadd.s32 s9, s1;
	_ =	swait.ge [sflag:s31], $0x1800  }
0x3d5: {  	s0 =	sshrl.u32 s23, $0x3;
	[sflag:s31] =	ssyncset.done $0x0;
	s26 =	sld [smem:$0x7E1]  }
0x3d6: {  	s0 =	sadd.s32 s5, s0;
	[sflag:s31] =	ssyncadd.s32 $0xFFFFE800  }
0x3d7: {  	[hbm4b:s0+s4] =	stream.linear.scatter [tilespmem:s11], [sflag:$0x7], $0x1800, $0x38;
	[tilespmem:$0x1FC00] =	vst v63  }
0x3d8: {  	s29 =	smul.u32 $0x6000, s26  }
0x3d9: {  	_ =	swait.ge [sflag:s31], $0x1800  }
0x3da: {  	[sflag:s31] =	ssyncset.done $0x0;
	s0 =	sshrl.u32 s29, $0x2  }
0x3db: {  	s1 =	smul.u32 $0x1800, s26;
	[sflag:s31] =	ssyncadd.s32 $0xFFFFE800;
	s0 =	sadd.s32 s0, s30  }
0x3dc: {  	[tilespmem:s11], [sflag:$0x7] =	stream.linear.gather [spmem:s0], $0x1800, $0x38;
	[tilespmem:$0x1FC00] =	vst v63  }
0x3dd: {  	s7 =	sadd.s32 s9, s1;
	_ =	swait.ge [sflag:s31], $0x1800  }
0x3de: {  	s0 =	sshrl.u32 s7, $0x3;
	[sflag:s31] =	ssyncset.done $0x0;
	s8 =	sld [smem:$0x7E9]  }
0x3df: {  	s0 =	sadd.s32 s5, s0;
	[sflag:s31] =	ssyncadd.s32 $0xFFFFE800  }
0x3e0: {  	[hbm4b:s0+s4] =	stream.linear.scatter [tilespmem:s11], [sflag:$0x7], $0x1800, $0x38;
	[tilespmem:$0x1FC00] =	vst v63  }
0x3e1: {  	s12 =	smul.u32 $0x6000, s8  }
0x3e2: {  	_ =	swait.ge [sflag:s31], $0x1800  }
0x3e3: {  	[sflag:s31] =	ssyncset.done $0x0;
	s0 =	sshrl.u32 s12, $0x2  }
0x3e4: {  	s1 =	smul.u32 $0x1800, s8;
	[sflag:s31] =	ssyncadd.s32 $0xFFFFE800;
	s0 =	sadd.s32 s0, s30  }
0x3e5: {  	[tilespmem:s11], [sflag:$0x7] =	stream.linear.gather [spmem:s0], $0x1800, $0x38;
	[tilespmem:$0x1FC00] =	vst v63  }
0x3e6: {  	s13 =	sadd.s32 s9, s1;
	_ =	swait.ge [sflag:s31], $0x1800  }
0x3e7: {  	s0 =	sshrl.u32 s13, $0x3;
	[sflag:s31] =	ssyncset.done $0x0;
	s14 =	sld [smem:$0x7E0]  }
0x3e8: {  	s0 =	sadd.s32 s5, s0;
	[sflag:s31] =	ssyncadd.s32 $0xFFFFE800  }
0x3e9: {  	[hbm4b:s0+s4] =	stream.linear.scatter [tilespmem:s11], [sflag:$0x7], $0x1800, $0x38;
	[tilespmem:$0x1FC00] =	vst v63  }
0x3ea: {  	s18 =	smul.u32 $0x6000, s14  }
0x3eb: {  	_ =	swait.ge [sflag:s31], $0x1800  }
0x3ec: {  	[sflag:s31] =	ssyncset.done $0x0;
	s0 =	sshrl.u32 s18, $0x2  }
0x3ed: {  	s1 =	smul.u32 $0x1800, s14;
	[sflag:s31] =	ssyncadd.s32 $0xFFFFE800;
	s0 =	sadd.s32 s0, s30  }
0x3ee: {  	[tilespmem:s11], [sflag:$0x7] =	stream.linear.gather [spmem:s0], $0x1800, $0x38;
	[tilespmem:$0x1FC00] =	vst v63  }
0x3ef: {  	s19 =	sadd.s32 s9, s1;
	_ =	swait.ge [sflag:s31], $0x1800  }
0x3f0: {  	s0 =	sshrl.u32 s19, $0x3;
	[sflag:s31] =	ssyncset.done $0x0;
	s20 =	sld [smem:$0x7EA]  }
0x3f1: {  	s0 =	sadd.s32 s5, s0;
	[sflag:s31] =	ssyncadd.s32 $0xFFFFE800  }
0x3f2: {  	[hbm4b:s0+s4] =	stream.linear.scatter [tilespmem:s11], [sflag:$0x7], $0x1800, $0x38;
	[tilespmem:$0x1FC00] =	vst v63  }
0x3f3: {  	s21 =	smul.u32 $0x6000, s20  }
0x3f4: {  	_ =	swait.ge [sflag:s31], $0x1800  }
0x3f5: {  	[sflag:s31] =	ssyncset.done $0x0;
	s0 =	sshrl.u32 s21, $0x2  }
0x3f6: {  	s1 =	smul.u32 $0x1800, s20;
	[sflag:s31] =	ssyncadd.s32 $0xFFFFE800;
	s0 =	sadd.s32 s0, s30  }
0x3f7: {  	[tilespmem:s11], [sflag:$0x7] =	stream.linear.gather [spmem:s0], $0x1800, $0x38;
	[tilespmem:$0x1FC00] =	vst v63  }
0x3f8: {  	s22 =	sadd.s32 s9, s1;
	_ =	swait.ge [sflag:s31], $0x1800  }
0x3f9: {  	s0 =	sshrl.u32 s22, $0x3;
	[sflag:s31] =	ssyncset.done $0x0;
	s23 =	sld [smem:$0x7DF]  }
0x3fa: {  	s0 =	sadd.s32 s5, s0;
	[sflag:s31] =	ssyncadd.s32 $0xFFFFE800  }
0x3fb: {  	[hbm4b:s0+s4] =	stream.linear.scatter [tilespmem:s11], [sflag:$0x7], $0x1800, $0x38;
	[tilespmem:$0x1FC00] =	vst v63  }
0x3fc: {  	s26 =	smul.u32 $0x6000, s23  }
0x3fd: {  	_ =	swait.ge [sflag:s31], $0x1800  }
0x3fe: {  	[sflag:s31] =	ssyncset.done $0x0;
	s0 =	sshrl.u32 s26, $0x2  }
0x3ff: {  	s1 =	smul.u32 $0x1800, s23;
	[sflag:s31] =	ssyncadd.s32 $0xFFFFE800;
	s0 =	sadd.s32 s0, s30  }
0x400: {  	[tilespmem:s11], [sflag:$0x7] =	stream.linear.gather [spmem:s0], $0x1800, $0x38;
	[tilespmem:$0x1FC00] =	vst v63  }
0x401: {  	s29 =	sadd.s32 s9, s1;
	_ =	swait.ge [sflag:s31], $0x1800  }
0x402: {  	s0 =	sshrl.u32 s29, $0x3;
	[sflag:s31] =	ssyncset.done $0x0  }
.Ltmp12:
0x403: {  	s0 =	sadd.s32 s5, s0;
	[sflag:s31] =	ssyncadd.s32 $0xFFFFE800;
	(pc) =	sbr.rel .LBB2_20-.Ltmp12, $4  }
0x404: {  	[hbm4b:s0+s4] =	stream.linear.scatter [tilespmem:s11], [sflag:$0x7], $0x1800, $0x38;
	[tilespmem:$0x1FC00] =	vst v63  }
0x405: {  	_ =	swait.ge [sflag:s31], $0x1800  }
0x406: {  	[sflag:s31] =	ssyncset.done $0x0  }
0x407: {  	[sflag:s31] =	ssyncadd.s32 $0xFFFFE800  }
.LBB2_21:
0x408: {  	_ =	sfence.sel $0x180000  }
0x409: {  	[bflag:$0x0] =	sbarrier.arrive $0xFFFF  }
0x40a: {  	_ =	strace $0x90000047  }
0x40b: {  	s0 =	stileid.u32;
	[bflag:$0x2] =	sbarrier.arrive $0xFFFF  }
0x40c: {  	p0 =	sne.s32 s0, $0x0;
	s0 =	rddreg [dreg:$0x4]  }
0x40d: {  	s0 =	sadd.s32 @!p0 $0x100000, s0  }
0x40e: {  	[sflag:s0] =	ssyncadd.tile.s32 @!p0 $0x1;
	_ =	shalt  }
.Lfunc_end2:
_tile_overlayer_lowered:
.L_overlay_start_2:
0x40f: {  	(tag) =	ssettag $0x2  }
0x410: {  	s0 =	rddreg [dreg:$0x0];
	s2 =	stileid.u32  }
0x411: {  	s1 =	rddreg [dreg:$0x1];
	p0 =	sne.s32 s2, $0x0  }
0x412: {  	s3 =	rddreg [dreg:$0x2];
	[bflag:$0x3] =	sbarrier.arrive $0xFFFF;
	s2 =	simm.s32 @!p0 $0x1C07  }
0x413: {  	[timem:s3], [sflag:s2] =	dma.local @!p0 [hbm:s0], s1  }
0x414: {  	s0 =	simm.s32 @!p0 $0x7  }
0x415: {  	_ =	swait.ge @!p0 [sflag:s0], s1  }
0x416: {  	s1 =	ssub.s32 @!p0 $0x0, s1;
	[sflag:s0] =	ssyncset.done @!p0 $0x0  }
0x417: {  	[sflag:s0] =	ssyncadd.s32 @!p0 s1  }
0x418: {  	[bflag:$0x3] =	sbarrier.arrive $0xFFFF  }
0x419: {  	_ =	shalt  }

</sc_bundles>
